<compile_context>
chip_gen: v7x
topology: tpu7x:2x2x1
jax: 0.10.2.dev20260603
libtpu: 0.0.44.dev20260713+nightly
codegen_flags: <defaults>
</compile_context>

<pallas_src>
import functools

import jax
import jax.numpy as jnp
from jax import lax
from jax.experimental import pallas as pl
from jax.experimental.pallas import tpu as pltpu
from jax.experimental.pallas import tpu_sc as plsc

_NC = 2
_NS = 16
_NW = _NC * _NS
_LANES = 16
_CHUNK = 128


@functools.cache
def _build(batch: int):
    P = batch // _NW
    NCH = P // _CHUNK
    CPR = _CHUNK // _LANES

    mesh = plsc.VectorSubcoreMesh(
        core_axis_name="c", subcore_axis_name="s",
        num_cores=_NC, num_subcores=_NS)

    @functools.partial(
        pl.kernel,
        out_type=jax.ShapeDtypeStruct((batch,), jnp.float32),
        mesh=mesh,
        scratch_types=[
            pltpu.VMEM((3 * P,), jnp.float32),
            pltpu.VMEM((2 * NCH, _CHUNK), jnp.int32),
            pltpu.VMEM((2 * NCH, _CHUNK), jnp.float32),
            pltpu.VMEM((P,), jnp.float32),
            pltpu.SemaphoreType.DMA,
            pltpu.SemaphoreType.DMA((NCH,)),
        ],
    )
    def body(packed_hbm, zetas_hbm, out_hbm, xin, g, z, lv, isem, gsem):
        wid = lax.axis_index("s") * _NC + lax.axis_index("c")
        base = wid * P
        pltpu.async_copy(
            packed_hbm.at[pl.ds(3 * base, 3 * P)], xin, isem).wait()

        gathers = []
        for r in range(NCH):
            for k in range(CPR):
                off = (r * CPR + k) * _LANES
                csl = pl.ds(k * _LANES, _LANES)
                fa = jnp.maximum(xin[pl.ds(off, _LANES)] - 1.0, 0.0)
                fb = jnp.maximum(xin[pl.ds(P + off, _LANES)] - 1.0, 0.0)
                g[r, csl] = fa.astype(jnp.int32)
                g[NCH + r, csl] = fb.astype(jnp.int32)
            gathers.append((
                pltpu.async_copy(zetas_hbm.at[g.at[r]], z.at[r], gsem.at[r]),
                pltpu.async_copy(zetas_hbm.at[g.at[NCH + r]], z.at[NCH + r],
                                 gsem.at[r]),
            ))

        out_copies = []
        for r in range(NCH):
            cpa, cpb = gathers[r]
            cpa.wait()
            cpb.wait()
            for k in range(CPR):
                off = (r * CPR + k) * _LANES
                sl = pl.ds(off, _LANES)
                csl = pl.ds(k * _LANES, _LANES)
                zia = jnp.where(xin[sl] == 0.0, 0.0, z[r, csl])
                zib = jnp.where(xin[pl.ds(P + off, _LANES)] == 0.0, 0.0,
                                z[NCH + r, csl])
                logit = zia - zib
                m = jnp.maximum(logit, 0.0)
                t = jnp.exp(-jnp.abs(logit))
                s = t / (t + 2.0)
                s2 = s * s
                log1p_t = 2.0 * s * (1.0 + s2 * ((1.0 / 3.0) + s2 * 0.2))
                lv[sl] = m + log1p_t - xin[pl.ds(2 * P + off, _LANES)] * logit
            out_copies.append(pltpu.async_copy(
                lv.at[pl.ds(r * _CHUNK, _CHUNK)],
                out_hbm.at[pl.ds(base + r * _CHUNK, _CHUNK)], isem))
        for cp in out_copies:
            cp.wait()

    return body


def kernel(x, y, zetas):
    batch = x.shape[0]
    P = batch // _NW
    xf = x.astype(jnp.float32)
    packed = jnp.concatenate(
        [xf[:, 0].reshape(_NW, P), xf[:, 1].reshape(_NW, P),
         y.astype(jnp.float32).reshape(_NW, P)], axis=1).reshape(-1)
    return _build(batch)(packed, zetas.astype(jnp.float32))

# --- scband reference (transcript-rebuilt; emitter-appended) ---
"""Pipeline reference for scband-btmodel-63977832841467 (READ-ONLY COPY).

The authoritative reference and input builder live on the scoring server;
editing this copy changes nothing except your own understanding.
"""

import jax, jax.numpy as jnp
import numpy as np

N_CLASSES = 1000000
BATCH = 16384


def setup_inputs(seed: int = 0) -> dict:
    key = jax.random.key(seed)
    k1, k2, k3 = jax.random.split(key, 3)
    # index pairs (items being compared); values in [0, n_classes)
    x = jax.random.randint(k1, (BATCH, 2), 0, N_CLASSES)
    # binary outcomes
    y = jax.random.randint(k2, (BATCH,), 0, 2).astype(jnp.float32)
    # learned parameter: zetas has n_classes - 1 entries (class 0 pinned to 0).
    # Original init is zeros; use small random values so outputs/grads are nontrivial.
    zetas = 0.01 * jax.random.normal(k3, (N_CLASSES - 1,), dtype=jnp.float32)
    return {"x": x, "y": y, "zetas": zetas}


def reference(x, y, zetas):
    idx_a = x[..., 0].astype(jnp.int32)
    idx_b = x[..., 1].astype(jnp.int32)
    z = jnp.concatenate([jnp.zeros((1,), dtype=zetas.dtype), zetas])
    zeta_i = z[idx_a]
    zeta_j = z[idx_b]
    logits = zeta_i - zeta_j
    # Bernoulli(logits).log_prob(y) = y * logits - softplus(logits)
    log_prob = y * logits - jax.nn.softplus(logits)
    loss = -log_prob
    return loss

if __name__ == "__main__":
    import jax
    _d = setup_inputs()
    print(jax.jit(kernel)(*tuple(_d.values())))

</pallas_src>

<mosaic_0001>
#map = affine_map<(d0, d1) -> (0)>
module attributes {stable_mosaic.version = 14 : i64} {
  func.func @body(%arg0: i32, %arg1: i32, %arg2: memref<49152xf32, #tpu.memory_space<hbm>>, %arg3: memref<999999xf32, #tpu.memory_space<hbm>>, %arg4: memref<16384xf32, #tpu.memory_space<hbm>>, %arg5: memref<1536xf32, #tpu.memory_space<vmem>>, %arg6: memref<8x128xi32, #tpu.memory_space<vmem>>, %arg7: memref<8x128xf32, #tpu.memory_space<vmem>>, %arg8: memref<512xf32, #tpu.memory_space<vmem>>, %arg9: memref<!tpu.dma_semaphore, #tpu.memory_space<semaphore_mem>>, %arg10: memref<4x!tpu.dma_semaphore, #tpu.memory_space<semaphore_mem>>) attributes {dimension_semantics = [#tpu.dimension_semantics<core_parallel>, #tpu.dimension_semantics<subcore_parallel>], iteration_bounds = array<i64: 2, 16>, scalar_prefetch = 0 : i64, scratch_operands = 6 : i64, tpu.core_type = #tpu.core_type<sc_vector_subcore>, window_params = [{transform_indices = #map}, {transform_indices = #map}, {transform_indices = #map}]} {
    %mul3A = arith.constant 2 : i32
    %mul3A_0 = arith.muli %arg1, %mul3A : i32
    %add3A = arith.addi %mul3A_0, %arg0 : i32
    %mul3A_1 = arith.constant 512 : i32
    %mul3A_2 = arith.muli %add3A, %mul3A_1 : i32
    %mul3A_3 = arith.constant 3 : i32
    %mul3A_4 = arith.muli %mul3A_3, %mul3A_2 : i32
    %dma_start3A = tpu.memref_slice %arg2[%mul3A_4] : memref<49152xf32, #tpu.memory_space<hbm>> -> memref<1536xf32, #tpu.memory_space<hbm>>
    %dma_start3A_5 = tpu.memref_slice %arg2[%mul3A_4] : memref<49152xf32, #tpu.memory_space<hbm>> -> memref<1536xf32, #tpu.memory_space<hbm>>
    tpu.enqueue_dma source(%dma_start3A_5 : memref<1536xf32, #tpu.memory_space<hbm>>) target(%arg5 : memref<1536xf32, #tpu.memory_space<vmem>>) target_semaphore(%arg9 : memref<!tpu.dma_semaphore, #tpu.memory_space<semaphore_mem>>)
    %dma_wait3A = tpu.memref_slice %arg2[%mul3A_4] : memref<49152xf32, #tpu.memory_space<hbm>> -> memref<1536xf32, #tpu.memory_space<hbm>>
    %dma_wait3A_6 = tpu.memref_slice %arg2[%mul3A_4] : memref<49152xf32, #tpu.memory_space<hbm>> -> memref<1536xf32, #tpu.memory_space<hbm>>
    tpu.wait_dma2 semaphore(%arg9 : memref<!tpu.dma_semaphore, #tpu.memory_space<semaphore_mem>>) src(%dma_wait3A_6 : memref<1536xf32, #tpu.memory_space<hbm>>) dst(%arg5 : memref<1536xf32, #tpu.memory_space<vmem>>)
    %get3A = arith.constant 0 : index
    %get3A_7 = tpu.vector_load %arg5[%get3A] {strides = array<i32>} : memref<1536xf32, #tpu.memory_space<vmem>>, vector<16xf32>,
    %get3A_8 = vector.shape_cast %get3A_7 : vector<16xf32> to vector<16xf32>
    %sub3A = arith.constant 1.000000e+00 : f32
    %sub3A_9 = vector.broadcast %sub3A : f32 to vector<16xf32>
    %sub3A_10 = arith.subf %get3A_8, %sub3A_9 : vector<16xf32>
    %max3A = arith.constant 0.000000e+00 : f32
    %max3A_11 = vector.broadcast %max3A : f32 to vector<16xf32>
    %max3A_12 = arith.maximumf %sub3A_10, %max3A_11 : vector<16xf32>
    %get3A_13 = arith.constant 512 : index
    %get3A_14 = tpu.vector_load %arg5[%get3A_13] {strides = array<i32>} : memref<1536xf32, #tpu.memory_space<vmem>>, vector<16xf32>,
    %get3A_15 = vector.shape_cast %get3A_14 : vector<16xf32> to vector<16xf32>
    %sub3A_16 = arith.constant 1.000000e+00 : f32
    %sub3A_17 = vector.broadcast %sub3A_16 : f32 to vector<16xf32>
    %sub3A_18 = arith.subf %get3A_15, %sub3A_17 : vector<16xf32>
    %max3A_19 = arith.constant 0.000000e+00 : f32
    %max3A_20 = vector.broadcast %max3A_19 : f32 to vector<16xf32>
    %max3A_21 = arith.maximumf %sub3A_18, %max3A_20 : vector<16xf32>
    %convert_element_type3A = arith.fptosi %max3A_12 : vector<16xf32> to vector<16xi32>
    %swap3A = arith.constant 0 : i32
    %swap3A_22 = arith.index_cast %swap3A : i32 to index
    %swap3A_23 = arith.constant 0 : index
    %swap3A_24 = tpu.vector_load %arg6[%swap3A_22, %swap3A_23] {strides = array<i32>} : memref<8x128xi32, #tpu.memory_space<vmem>>, vector<1x16xi32>,
    %swap3A_25 = vector.shape_cast %swap3A_24 : vector<1x16xi32> to vector<16xi32>
    %swap3A_26 = vector.shape_cast %convert_element_type3A : vector<16xi32> to vector<1x16xi32>
    tpu.vector_store %arg6[%swap3A_22, %swap3A_23], %swap3A_26 {strides = array<i32>} : memref<8x128xi32, #tpu.memory_space<vmem>>, vector<1x16xi32>,
    %convert_element_type3A_27 = arith.fptosi %max3A_21 : vector<16xf32> to vector<16xi32>
    %swap3A_28 = arith.constant 4 : i32
    %swap3A_29 = arith.index_cast %swap3A_28 : i32 to index
    %swap3A_30 = arith.constant 0 : index
    %swap3A_31 = tpu.vector_load %arg6[%swap3A_29, %swap3A_30] {strides = array<i32>} : memref<8x128xi32, #tpu.memory_space<vmem>>, vector<1x16xi32>,
    %swap3A_32 = vector.shape_cast %swap3A_31 : vector<1x16xi32> to vector<16xi32>
    %swap3A_33 = vector.shape_cast %convert_element_type3A_27 : vector<16xi32> to vector<1x16xi32>
    tpu.vector_store %arg6[%swap3A_29, %swap3A_30], %swap3A_33 {strides = array<i32>} : memref<8x128xi32, #tpu.memory_space<vmem>>, vector<1x16xi32>,
    %get3A_34 = arith.constant 16 : index
    %get3A_35 = tpu.vector_load %arg5[%get3A_34] {strides = array<i32>} : memref<1536xf32, #tpu.memory_space<vmem>>, vector<16xf32>,
    %get3A_36 = vector.shape_cast %get3A_35 : vector<16xf32> to vector<16xf32>
    %sub3A_37 = arith.constant 1.000000e+00 : f32
    %sub3A_38 = vector.broadcast %sub3A_37 : f32 to vector<16xf32>
    %sub3A_39 = arith.subf %get3A_36, %sub3A_38 : vector<16xf32>
    %max3A_40 = arith.constant 0.000000e+00 : f32
    %max3A_41 = vector.broadcast %max3A_40 : f32 to vector<16xf32>
    %max3A_42 = arith.maximumf %sub3A_39, %max3A_41 : vector<16xf32>
    %get3A_43 = arith.constant 528 : index
    %get3A_44 = tpu.vector_load %arg5[%get3A_43] {strides = array<i32>} : memref<1536xf32, #tpu.memory_space<vmem>>, vector<16xf32>,
    %get3A_45 = vector.shape_cast %get3A_44 : vector<16xf32> to vector<16xf32>
    %sub3A_46 = arith.constant 1.000000e+00 : f32
    %sub3A_47 = vector.broadcast %sub3A_46 : f32 to vector<16xf32>
    %sub3A_48 = arith.subf %get3A_45, %sub3A_47 : vector<16xf32>
    %max3A_49 = arith.constant 0.000000e+00 : f32
    %max3A_50 = vector.broadcast %max3A_49 : f32 to vector<16xf32>
    %max3A_51 = arith.maximumf %sub3A_48, %max3A_50 : vector<16xf32>
    %convert_element_type3A_52 = arith.fptosi %max3A_42 : vector<16xf32> to vector<16xi32>
    %swap3A_53 = arith.constant 0 : i32
    %swap3A_54 = arith.index_cast %swap3A_53 : i32 to index
    %swap3A_55 = arith.constant 16 : index
    %swap3A_56 = tpu.vector_load %arg6[%swap3A_54, %swap3A_55] {strides = array<i32>} : memref<8x128xi32, #tpu.memory_space<vmem>>, vector<1x16xi32>,
    %swap3A_57 = vector.shape_cast %swap3A_56 : vector<1x16xi32> to vector<16xi32>
    %swap3A_58 = vector.shape_cast %convert_element_type3A_52 : vector<16xi32> to vector<1x16xi32>
    tpu.vector_store %arg6[%swap3A_54, %swap3A_55], %swap3A_58 {strides = array<i32>} : memref<8x128xi32, #tpu.memory_space<vmem>>, vector<1x16xi32>,
    %convert_element_type3A_59 = arith.fptosi %max3A_51 : vector<16xf32> to vector<16xi32>
    %swap3A_60 = arith.constant 4 : i32
    %swap3A_61 = arith.index_cast %swap3A_60 : i32 to index
    %swap3A_62 = arith.constant 16 : index
    %swap3A_63 = tpu.vector_load %arg6[%swap3A_61, %swap3A_62] {strides = array<i32>} : memref<8x128xi32, #tpu.memory_space<vmem>>, vector<1x16xi32>,
    %swap3A_64 = vector.shape_cast %swap3A_63 : vector<1x16xi32> to vector<16xi32>
    %swap3A_65 = vector.shape_cast %convert_element_type3A_59 : vector<16xi32> to vector<1x16xi32>
    tpu.vector_store %arg6[%swap3A_61, %swap3A_62], %swap3A_65 {strides = array<i32>} : memref<8x128xi32, #tpu.memory_space<vmem>>, vector<1x16xi32>,
    %get3A_66 = arith.constant 32 : index
    %get3A_67 = tpu.vector_load %arg5[%get3A_66] {strides = array<i32>} : memref<1536xf32, #tpu.memory_space<vmem>>, vector<16xf32>,
    %get3A_68 = vector.shape_cast %get3A_67 : vector<16xf32> to vector<16xf32>
    %sub3A_69 = arith.constant 1.000000e+00 : f32
    %sub3A_70 = vector.broadcast %sub3A_69 : f32 to vector<16xf32>
    %sub3A_71 = arith.subf %get3A_68, %sub3A_70 : vector<16xf32>
    %max3A_72 = arith.constant 0.000000e+00 : f32
    %max3A_73 = vector.broadcast %max3A_72 : f32 to vector<16xf32>
    %max3A_74 = arith.maximumf %sub3A_71, %max3A_73 : vector<16xf32>
    %get3A_75 = arith.constant 544 : index
    %get3A_76 = tpu.vector_load %arg5[%get3A_75] {strides = array<i32>} : memref<1536xf32, #tpu.memory_space<vmem>>, vector<16xf32>,
    %get3A_77 = vector.shape_cast %get3A_76 : vector<16xf32> to vector<16xf32>
    %sub3A_78 = arith.constant 1.000000e+00 : f32
    %sub3A_79 = vector.broadcast %sub3A_78 : f32 to vector<16xf32>
    %sub3A_80 = arith.subf %get3A_77, %sub3A_79 : vector<16xf32>
    %max3A_81 = arith.constant 0.000000e+00 : f32
    %max3A_82 = vector.broadcast %max3A_81 : f32 to vector<16xf32>
    %max3A_83 = arith.maximumf %sub3A_80, %max3A_82 : vector<16xf32>
    %convert_element_type3A_84 = arith.fptosi %max3A_74 : vector<16xf32> to vector<16xi32>
    %swap3A_85 = arith.constant 0 : i32
    %swap3A_86 = arith.index_cast %swap3A_85 : i32 to index
    %swap3A_87 = arith.constant 32 : index
    %swap3A_88 = tpu.vector_load %arg6[%swap3A_86, %swap3A_87] {strides = array<i32>} : memref<8x128xi32, #tpu.memory_space<vmem>>, vector<1x16xi32>,
    %swap3A_89 = vector.shape_cast %swap3A_88 : vector<1x16xi32> to vector<16xi32>
    %swap3A_90 = vector.shape_cast %convert_element_type3A_84 : vector<16xi32> to vector<1x16xi32>
    tpu.vector_store %arg6[%swap3A_86, %swap3A_87], %swap3A_90 {strides = array<i32>} : memref<8x128xi32, #tpu.memory_space<vmem>>, vector<1x16xi32>,
    %convert_element_type3A_91 = arith.fptosi %max3A_83 : vector<16xf32> to vector<16xi32>
    %swap3A_92 = arith.constant 4 : i32
    %swap3A_93 = arith.index_cast %swap3A_92 : i32 to index
    %swap3A_94 = arith.constant 32 : index
    %swap3A_95 = tpu.vector_load %arg6[%swap3A_93, %swap3A_94] {strides = array<i32>} : memref<8x128xi32, #tpu.memory_space<vmem>>, vector<1x16xi32>,
    %swap3A_96 = vector.shape_cast %swap3A_95 : vector<1x16xi32> to vector<16xi32>
    %swap3A_97 = vector.shape_cast %convert_element_type3A_91 : vector<16xi32> to vector<1x16xi32>
    tpu.vector_store %arg6[%swap3A_93, %swap3A_94], %swap3A_97 {strides = array<i32>} : memref<8x128xi32, #tpu.memory_space<vmem>>, vector<1x16xi32>,
    %get3A_98 = arith.constant 48 : index
    %get3A_99 = tpu.vector_load %arg5[%get3A_98] {strides = array<i32>} : memref<1536xf32, #tpu.memory_space<vmem>>, vector<16xf32>,
    %get3A_100 = vector.shape_cast %get3A_99 : vector<16xf32> to vector<16xf32>
    %sub3A_101 = arith.constant 1.000000e+00 : f32
    %sub3A_102 = vector.broadcast %sub3A_101 : f32 to vector<16xf32>
    %sub3A_103 = arith.subf %get3A_100, %sub3A_102 : vector<16xf32>
    %max3A_104 = arith.constant 0.000000e+00 : f32
    %max3A_105 = vector.broadcast %max3A_104 : f32 to vector<16xf32>
    %max3A_106 = arith.maximumf %sub3A_103, %max3A_105 : vector<16xf32>
    %get3A_107 = arith.constant 560 : index
    %get3A_108 = tpu.vector_load %arg5[%get3A_107] {strides = array<i32>} : memref<1536xf32, #tpu.memory_space<vmem>>, vector<16xf32>,
    %get3A_109 = vector.shape_cast %get3A_108 : vector<16xf32> to vector<16xf32>
    %sub3A_110 = arith.constant 1.000000e+00 : f32
    %sub3A_111 = vector.broadcast %sub3A_110 : f32 to vector<16xf32>
    %sub3A_112 = arith.subf %get3A_109, %sub3A_111 : vector<16xf32>
    %max3A_113 = arith.constant 0.000000e+00 : f32
    %max3A_114 = vector.broadcast %max3A_113 : f32 to vector<16xf32>
    %max3A_115 = arith.maximumf %sub3A_112, %max3A_114 : vector<16xf32>
    %convert_element_type3A_116 = arith.fptosi %max3A_106 : vector<16xf32> to vector<16xi32>
    %swap3A_117 = arith.constant 0 : i32
    %swap3A_118 = arith.index_cast %swap3A_117 : i32 to index
    %swap3A_119 = arith.constant 48 : index
    %swap3A_120 = tpu.vector_load %arg6[%swap3A_118, %swap3A_119] {strides = array<i32>} : memref<8x128xi32, #tpu.memory_space<vmem>>, vector<1x16xi32>,
    %swap3A_121 = vector.shape_cast %swap3A_120 : vector<1x16xi32> to vector<16xi32>
    %swap3A_122 = vector.shape_cast %convert_element_type3A_116 : vector<16xi32> to vector<1x16xi32>
    tpu.vector_store %arg6[%swap3A_118, %swap3A_119], %swap3A_122 {strides = array<i32>} : memref<8x128xi32, #tpu.memory_space<vmem>>, vector<1x16xi32>,
    %convert_element_type3A_123 = arith.fptosi %max3A_115 : vector<16xf32> to vector<16xi32>
    %swap3A_124 = arith.constant 4 : i32
    %swap3A_125 = arith.index_cast %swap3A_124 : i32 to index
    %swap3A_126 = arith.constant 48 : index
    %swap3A_127 = tpu.vector_load %arg6[%swap3A_125, %swap3A_126] {strides = array<i32>} : memref<8x128xi32, #tpu.memory_space<vmem>>, vector<1x16xi32>,
    %swap3A_128 = vector.shape_cast %swap3A_127 : vector<1x16xi32> to vector<16xi32>
    %swap3A_129 = vector.shape_cast %convert_element_type3A_123 : vector<16xi32> to vector<1x16xi32>
    tpu.vector_store %arg6[%swap3A_125, %swap3A_126], %swap3A_129 {strides = array<i32>} : memref<8x128xi32, #tpu.memory_space<vmem>>, vector<1x16xi32>,
    %get3A_130 = arith.constant 64 : index
    %get3A_131 = tpu.vector_load %arg5[%get3A_130] {strides = array<i32>} : memref<1536xf32, #tpu.memory_space<vmem>>, vector<16xf32>,
    %get3A_132 = vector.shape_cast %get3A_131 : vector<16xf32> to vector<16xf32>
    %sub3A_133 = arith.constant 1.000000e+00 : f32
    %sub3A_134 = vector.broadcast %sub3A_133 : f32 to vector<16xf32>
    %sub3A_135 = arith.subf %get3A_132, %sub3A_134 : vector<16xf32>
    %max3A_136 = arith.constant 0.000000e+00 : f32
    %max3A_137 = vector.broadcast %max3A_136 : f32 to vector<16xf32>
    %max3A_138 = arith.maximumf %sub3A_135, %max3A_137 : vector<16xf32>
    %get3A_139 = arith.constant 576 : index
    %get3A_140 = tpu.vector_load %arg5[%get3A_139] {strides = array<i32>} : memref<1536xf32, #tpu.memory_space<vmem>>, vector<16xf32>,
    %get3A_141 = vector.shape_cast %get3A_140 : vector<16xf32> to vector<16xf32>
    %sub3A_142 = arith.constant 1.000000e+00 : f32
    %sub3A_143 = vector.broadcast %sub3A_142 : f32 to vector<16xf32>
    %sub3A_144 = arith.subf %get3A_141, %sub3A_143 : vector<16xf32>
    %max3A_145 = arith.constant 0.000000e+00 : f32
    %max3A_146 = vector.broadcast %max3A_145 : f32 to vector<16xf32>
    %max3A_147 = arith.maximumf %sub3A_144, %max3A_146 : vector<16xf32>
    %convert_element_type3A_148 = arith.fptosi %max3A_138 : vector<16xf32> to vector<16xi32>
    %swap3A_149 = arith.constant 0 : i32
    %swap3A_150 = arith.index_cast %swap3A_149 : i32 to index
    %swap3A_151 = arith.constant 64 : index
    %swap3A_152 = tpu.vector_load %arg6[%swap3A_150, %swap3A_151] {strides = array<i32>} : memref<8x128xi32, #tpu.memory_space<vmem>>, vector<1x16xi32>,
    %swap3A_153 = vector.shape_cast %swap3A_152 : vector<1x16xi32> to vector<16xi32>
    %swap3A_154 = vector.shape_cast %convert_element_type3A_148 : vector<16xi32> to vector<1x16xi32>
    tpu.vector_store %arg6[%swap3A_150, %swap3A_151], %swap3A_154 {strides = array<i32>} : memref<8x128xi32, #tpu.memory_space<vmem>>, vector<1x16xi32>,
    %convert_element_type3A_155 = arith.fptosi %max3A_147 : vector<16xf32> to vector<16xi32>
    %swap3A_156 = arith.constant 4 : i32
    %swap3A_157 = arith.index_cast %swap3A_156 : i32 to index
    %swap3A_158 = arith.constant 64 : index
    %swap3A_159 = tpu.vector_load %arg6[%swap3A_157, %swap3A_158] {strides = array<i32>} : memref<8x128xi32, #tpu.memory_space<vmem>>, vector<1x16xi32>,
    %swap3A_160 = vector.shape_cast %swap3A_159 : vector<1x16xi32> to vector<16xi32>
    %swap3A_161 = vector.shape_cast %convert_element_type3A_155 : vector<16xi32> to vector<1x16xi32>
    tpu.vector_store %arg6[%swap3A_157, %swap3A_158], %swap3A_161 {strides = array<i32>} : memref<8x128xi32, #tpu.memory_space<vmem>>, vector<1x16xi32>,
    %get3A_162 = arith.constant 80 : index
    %get3A_163 = tpu.vector_load %arg5[%get3A_162] {strides = array<i32>} : memref<1536xf32, #tpu.memory_space<vmem>>, vector<16xf32>,
    %get3A_164 = vector.shape_cast %get3A_163 : vector<16xf32> to vector<16xf32>
    %sub3A_165 = arith.constant 1.000000e+00 : f32
    %sub3A_166 = vector.broadcast %sub3A_165 : f32 to vector<16xf32>
    %sub3A_167 = arith.subf %get3A_164, %sub3A_166 : vector<16xf32>
    %max3A_168 = arith.constant 0.000000e+00 : f32
    %max3A_169 = vector.broadcast %max3A_168 : f32 to vector<16xf32>
    %max3A_170 = arith.maximumf %sub3A_167, %max3A_169 : vector<16xf32>
    %get3A_171 = arith.constant 592 : index
    %get3A_172 = tpu.vector_load %arg5[%get3A_171] {strides = array<i32>} : memref<1536xf32, #tpu.memory_space<vmem>>, vector<16xf32>,
    %get3A_173 = vector.shape_cast %get3A_172 : vector<16xf32> to vector<16xf32>
    %sub3A_174 = arith.constant 1.000000e+00 : f32
    %sub3A_175 = vector.broadcast %sub3A_174 : f32 to vector<16xf32>
    %sub3A_176 = arith.subf %get3A_173, %sub3A_175 : vector<16xf32>
    %max3A_177 = arith.constant 0.000000e+00 : f32
    %max3A_178 = vector.broadcast %max3A_177 : f32 to vector<16xf32>
    %max3A_179 = arith.maximumf %sub3A_176, %max3A_178 : vector<16xf32>
    %convert_element_type3A_180 = arith.fptosi %max3A_170 : vector<16xf32> to vector<16xi32>
    %swap3A_181 = arith.constant 0 : i32
    %swap3A_182 = arith.index_cast %swap3A_181 : i32 to index
    %swap3A_183 = arith.constant 80 : index
    %swap3A_184 = tpu.vector_load %arg6[%swap3A_182, %swap3A_183] {strides = array<i32>} : memref<8x128xi32, #tpu.memory_space<vmem>>, vector<1x16xi32>,
    %swap3A_185 = vector.shape_cast %swap3A_184 : vector<1x16xi32> to vector<16xi32>
    %swap3A_186 = vector.shape_cast %convert_element_type3A_180 : vector<16xi32> to vector<1x16xi32>
    tpu.vector_store %arg6[%swap3A_182, %swap3A_183], %swap3A_186 {strides = array<i32>} : memref<8x128xi32, #tpu.memory_space<vmem>>, vector<1x16xi32>,
    %convert_element_type3A_187 = arith.fptosi %max3A_179 : vector<16xf32> to vector<16xi32>
    %swap3A_188 = arith.constant 4 : i32
    %swap3A_189 = arith.index_cast %swap3A_188 : i32 to index
    %swap3A_190 = arith.constant 80 : index
    %swap3A_191 = tpu.vector_load %arg6[%swap3A_189, %swap3A_190] {strides = array<i32>} : memref<8x128xi32, #tpu.memory_space<vmem>>, vector<1x16xi32>,
    %swap3A_192 = vector.shape_cast %swap3A_191 : vector<1x16xi32> to vector<16xi32>
    %swap3A_193 = vector.shape_cast %convert_element_type3A_187 : vector<16xi32> to vector<1x16xi32>
    tpu.vector_store %arg6[%swap3A_189, %swap3A_190], %swap3A_193 {strides = array<i32>} : memref<8x128xi32, #tpu.memory_space<vmem>>, vector<1x16xi32>,
    %get3A_194 = arith.constant 96 : index
    %get3A_195 = tpu.vector_load %arg5[%get3A_194] {strides = array<i32>} : memref<1536xf32, #tpu.memory_space<vmem>>, vector<16xf32>,
    %get3A_196 = vector.shape_cast %get3A_195 : vector<16xf32> to vector<16xf32>
    %sub3A_197 = arith.constant 1.000000e+00 : f32
    %sub3A_198 = vector.broadcast %sub3A_197 : f32 to vector<16xf32>
    %sub3A_199 = arith.subf %get3A_196, %sub3A_198 : vector<16xf32>
    %max3A_200 = arith.constant 0.000000e+00 : f32
    %max3A_201 = vector.broadcast %max3A_200 : f32 to vector<16xf32>
    %max3A_202 = arith.maximumf %sub3A_199, %max3A_201 : vector<16xf32>
    %get3A_203 = arith.constant 608 : index
    %get3A_204 = tpu.vector_load %arg5[%get3A_203] {strides = array<i32>} : memref<1536xf32, #tpu.memory_space<vmem>>, vector<16xf32>,
    %get3A_205 = vector.shape_cast %get3A_204 : vector<16xf32> to vector<16xf32>
    %sub3A_206 = arith.constant 1.000000e+00 : f32
    %sub3A_207 = vector.broadcast %sub3A_206 : f32 to vector<16xf32>
    %sub3A_208 = arith.subf %get3A_205, %sub3A_207 : vector<16xf32>
    %max3A_209 = arith.constant 0.000000e+00 : f32
    %max3A_210 = vector.broadcast %max3A_209 : f32 to vector<16xf32>
    %max3A_211 = arith.maximumf %sub3A_208, %max3A_210 : vector<16xf32>
    %convert_element_type3A_212 = arith.fptosi %max3A_202 : vector<16xf32> to vector<16xi32>
    %swap3A_213 = arith.constant 0 : i32
    %swap3A_214 = arith.index_cast %swap3A_213 : i32 to index
    %swap3A_215 = arith.constant 96 : index
    %swap3A_216 = tpu.vector_load %arg6[%swap3A_214, %swap3A_215] {strides = array<i32>} : memref<8x128xi32, #tpu.memory_space<vmem>>, vector<1x16xi32>,
    %swap3A_217 = vector.shape_cast %swap3A_216 : vector<1x16xi32> to vector<16xi32>
    %swap3A_218 = vector.shape_cast %convert_element_type3A_212 : vector<16xi32> to vector<1x16xi32>
    tpu.vector_store %arg6[%swap3A_214, %swap3A_215], %swap3A_218 {strides = array<i32>} : memref<8x128xi32, #tpu.memory_space<vmem>>, vector<1x16xi32>,
    %convert_element_type3A_219 = arith.fptosi %max3A_211 : vector<16xf32> to vector<16xi32>
    %swap3A_220 = arith.constant 4 : i32
    %swap3A_221 = arith.index_cast %swap3A_220 : i32 to index
    %swap3A_222 = arith.constant 96 : index
    %swap3A_223 = tpu.vector_load %arg6[%swap3A_221, %swap3A_222] {strides = array<i32>} : memref<8x128xi32, #tpu.memory_space<vmem>>, vector<1x16xi32>,
    %swap3A_224 = vector.shape_cast %swap3A_223 : vector<1x16xi32> to vector<16xi32>
    %swap3A_225 = vector.shape_cast %convert_element_type3A_219 : vector<16xi32> to vector<1x16xi32>
    tpu.vector_store %arg6[%swap3A_221, %swap3A_222], %swap3A_225 {strides = array<i32>} : memref<8x128xi32, #tpu.memory_space<vmem>>, vector<1x16xi32>,
    %get3A_226 = arith.constant 112 : index
    %get3A_227 = tpu.vector_load %arg5[%get3A_226] {strides = array<i32>} : memref<1536xf32, #tpu.memory_space<vmem>>, vector<16xf32>,
    %get3A_228 = vector.shape_cast %get3A_227 : vector<16xf32> to vector<16xf32>
    %sub3A_229 = arith.constant 1.000000e+00 : f32
    %sub3A_230 = vector.broadcast %sub3A_229 : f32 to vector<16xf32>
    %sub3A_231 = arith.subf %get3A_228, %sub3A_230 : vector<16xf32>
    %max3A_232 = arith.constant 0.000000e+00 : f32
    %max3A_233 = vector.broadcast %max3A_232 : f32 to vector<16xf32>
    %max3A_234 = arith.maximumf %sub3A_231, %max3A_233 : vector<16xf32>
    %get3A_235 = arith.constant 624 : index
    %get3A_236 = tpu.vector_load %arg5[%get3A_235] {strides = array<i32>} : memref<1536xf32, #tpu.memory_space<vmem>>, vector<16xf32>,
    %get3A_237 = vector.shape_cast %get3A_236 : vector<16xf32> to vector<16xf32>
    %sub3A_238 = arith.constant 1.000000e+00 : f32
    %sub3A_239 = vector.broadcast %sub3A_238 : f32 to vector<16xf32>
    %sub3A_240 = arith.subf %get3A_237, %sub3A_239 : vector<16xf32>
    %max3A_241 = arith.constant 0.000000e+00 : f32
    %max3A_242 = vector.broadcast %max3A_241 : f32 to vector<16xf32>
    %max3A_243 = arith.maximumf %sub3A_240, %max3A_242 : vector<16xf32>
    %convert_element_type3A_244 = arith.fptosi %max3A_234 : vector<16xf32> to vector<16xi32>
    %swap3A_245 = arith.constant 0 : i32
    %swap3A_246 = arith.index_cast %swap3A_245 : i32 to index
    %swap3A_247 = arith.constant 112 : index
    %swap3A_248 = tpu.vector_load %arg6[%swap3A_246, %swap3A_247] {strides = array<i32>} : memref<8x128xi32, #tpu.memory_space<vmem>>, vector<1x16xi32>,
    %swap3A_249 = vector.shape_cast %swap3A_248 : vector<1x16xi32> to vector<16xi32>
    %swap3A_250 = vector.shape_cast %convert_element_type3A_244 : vector<16xi32> to vector<1x16xi32>
    tpu.vector_store %arg6[%swap3A_246, %swap3A_247], %swap3A_250 {strides = array<i32>} : memref<8x128xi32, #tpu.memory_space<vmem>>, vector<1x16xi32>,
    %convert_element_type3A_251 = arith.fptosi %max3A_243 : vector<16xf32> to vector<16xi32>
    %swap3A_252 = arith.constant 4 : i32
    %swap3A_253 = arith.index_cast %swap3A_252 : i32 to index
    %swap3A_254 = arith.constant 112 : index
    %swap3A_255 = tpu.vector_load %arg6[%swap3A_253, %swap3A_254] {strides = array<i32>} : memref<8x128xi32, #tpu.memory_space<vmem>>, vector<1x16xi32>,
    %swap3A_256 = vector.shape_cast %swap3A_255 : vector<1x16xi32> to vector<16xi32>
    %swap3A_257 = vector.shape_cast %convert_element_type3A_251 : vector<16xi32> to vector<1x16xi32>
    tpu.vector_store %arg6[%swap3A_253, %swap3A_254], %swap3A_257 {strides = array<i32>} : memref<8x128xi32, #tpu.memory_space<vmem>>, vector<1x16xi32>,
    %dma_start3A_258 = arith.constant 0 : i32
    %dma_start3A_259 = arith.constant 0 : i32
    %dma_start3A_260 = arith.constant 0 : i32
    %dma_start3A_261 = arith.constant 0 : i32
    %dma_start3A_262 = tpu.memref_slice %arg7[%dma_start3A_259, %dma_start3A_261] : memref<8x128xf32, #tpu.memory_space<vmem>> -> memref<1x128xf32, #tpu.memory_space<vmem>>
    %dma_start3A_263 = tpu.memref_squeeze %dma_start3A_262 : memref<1x128xf32, #tpu.memory_space<vmem>> -> memref<128xf32, #tpu.memory_space<vmem>>
    %dma_start3A_264 = arith.constant 0 : i32
    %dma_start3A_265 = tpu.memref_slice %arg6[%dma_start3A_258, %dma_start3A_264] : memref<8x128xi32, #tpu.memory_space<vmem>> -> memref<1x128xi32, #tpu.memory_space<vmem>>
    %dma_start3A_266 = tpu.memref_squeeze %dma_start3A_265 : memref<1x128xi32, #tpu.memory_space<vmem>> -> memref<128xi32, #tpu.memory_space<vmem>>
    %dma_start3A_267 = arith.constant 0 : i32
    %dma_start3A_268 = tpu.memref_slice %arg3[%dma_start3A_267] : memref<999999xf32, #tpu.memory_space<hbm>> -> memref<999999xf32, #tpu.memory_space<hbm>>
    %dma_start3A_269 = tpu.memref_slice %arg10[%dma_start3A_260] : memref<4x!tpu.dma_semaphore, #tpu.memory_space<semaphore_mem>> -> memref<1x!tpu.dma_semaphore, #tpu.memory_space<semaphore_mem>>
    %dma_start3A_270 = tpu.memref_squeeze %dma_start3A_269 : memref<1x!tpu.dma_semaphore, #tpu.memory_space<semaphore_mem>> -> memref<!tpu.dma_semaphore, #tpu.memory_space<semaphore_mem>>
    tpu.enqueue_indirect_dma source(%dma_start3A_268 : memref<999999xf32, #tpu.memory_space<hbm>>) target(%dma_start3A_263 : memref<128xf32, #tpu.memory_space<vmem>>) offsets(%dma_start3A_266 : memref<128xi32, #tpu.memory_space<vmem>>) semaphore(%dma_start3A_270 : memref<!tpu.dma_semaphore, #tpu.memory_space<semaphore_mem>>)
    %dma_start3A_271 = arith.constant 4 : i32
    %dma_start3A_272 = arith.constant 4 : i32
    %dma_start3A_273 = arith.constant 0 : i32
    %dma_start3A_274 = arith.constant 0 : i32
    %dma_start3A_275 = tpu.memref_slice %arg7[%dma_start3A_272, %dma_start3A_274] : memref<8x128xf32, #tpu.memory_space<vmem>> -> memref<1x128xf32, #tpu.memory_space<vmem>>
    %dma_start3A_276 = tpu.memref_squeeze %dma_start3A_275 : memref<1x128xf32, #tpu.memory_space<vmem>> -> memref<128xf32, #tpu.memory_space<vmem>>
    %dma_start3A_277 = arith.constant 0 : i32
    %dma_start3A_278 = tpu.memref_slice %arg6[%dma_start3A_271, %dma_start3A_277] : memref<8x128xi32, #tpu.memory_space<vmem>> -> memref<1x128xi32, #tpu.memory_space<vmem>>
    %dma_start3A_279 = tpu.memref_squeeze %dma_start3A_278 : memref<1x128xi32, #tpu.memory_space<vmem>> -> memref<128xi32, #tpu.memory_space<vmem>>
    %dma_start3A_280 = arith.constant 0 : i32
    %dma_start3A_281 = tpu.memref_slice %arg3[%dma_start3A_280] : memref<999999xf32, #tpu.memory_space<hbm>> -> memref<999999xf32, #tpu.memory_space<hbm>>
    %dma_start3A_282 = tpu.memref_slice %arg10[%dma_start3A_273] : memref<4x!tpu.dma_semaphore, #tpu.memory_space<semaphore_mem>> -> memref<1x!tpu.dma_semaphore, #tpu.memory_space<semaphore_mem>>
    %dma_start3A_283 = tpu.memref_squeeze %dma_start3A_282 : memref<1x!tpu.dma_semaphore, #tpu.memory_space<semaphore_mem>> -> memref<!tpu.dma_semaphore, #tpu.memory_space<semaphore_mem>>
    tpu.enqueue_indirect_dma source(%dma_start3A_281 : memref<999999xf32, #tpu.memory_space<hbm>>) target(%dma_start3A_276 : memref<128xf32, #tpu.memory_space<vmem>>) offsets(%dma_start3A_279 : memref<128xi32, #tpu.memory_space<vmem>>) semaphore(%dma_start3A_283 : memref<!tpu.dma_semaphore, #tpu.memory_space<semaphore_mem>>)
    %get3A_284 = arith.constant 128 : index
    %get3A_285 = tpu.vector_load %arg5[%get3A_284] {strides = array<i32>} : memref<1536xf32, #tpu.memory_space<vmem>>, vector<16xf32>,
    %get3A_286 = vector.shape_cast %get3A_285 : vector<16xf32> to vector<16xf32>
    %sub3A_287 = arith.constant 1.000000e+00 : f32
    %sub3A_288 = vector.broadcast %sub3A_287 : f32 to vector<16xf32>
    %sub3A_289 = arith.subf %get3A_286, %sub3A_288 : vector<16xf32>
    %max3A_290 = arith.constant 0.000000e+00 : f32
    %max3A_291 = vector.broadcast %max3A_290 : f32 to vector<16xf32>
    %max3A_292 = arith.maximumf %sub3A_289, %max3A_291 : vector<16xf32>
    %get3A_293 = arith.constant 640 : index
    %get3A_294 = tpu.vector_load %arg5[%get3A_293] {strides = array<i32>} : memref<1536xf32, #tpu.memory_space<vmem>>, vector<16xf32>,
    %get3A_295 = vector.shape_cast %get3A_294 : vector<16xf32> to vector<16xf32>
    %sub3A_296 = arith.constant 1.000000e+00 : f32
    %sub3A_297 = vector.broadcast %sub3A_296 : f32 to vector<16xf32>
    %sub3A_298 = arith.subf %get3A_295, %sub3A_297 : vector<16xf32>
    %max3A_299 = arith.constant 0.000000e+00 : f32
    %max3A_300 = vector.broadcast %max3A_299 : f32 to vector<16xf32>
    %max3A_301 = arith.maximumf %sub3A_298, %max3A_300 : vector<16xf32>
    %convert_element_type3A_302 = arith.fptosi %max3A_292 : vector<16xf32> to vector<16xi32>
    %swap3A_303 = arith.constant 1 : i32
    %swap3A_304 = arith.index_cast %swap3A_303 : i32 to index
    %swap3A_305 = arith.constant 0 : index
    %swap3A_306 = tpu.vector_load %arg6[%swap3A_304, %swap3A_305] {strides = array<i32>} : memref<8x128xi32, #tpu.memory_space<vmem>>, vector<1x16xi32>,
    %swap3A_307 = vector.shape_cast %swap3A_306 : vector<1x16xi32> to vector<16xi32>
    %swap3A_308 = vector.shape_cast %convert_element_type3A_302 : vector<16xi32> to vector<1x16xi32>
    tpu.vector_store %arg6[%swap3A_304, %swap3A_305], %swap3A_308 {strides = array<i32>} : memref<8x128xi32, #tpu.memory_space<vmem>>, vector<1x16xi32>,
    %convert_element_type3A_309 = arith.fptosi %max3A_301 : vector<16xf32> to vector<16xi32>
    %swap3A_310 = arith.constant 5 : i32
    %swap3A_311 = arith.index_cast %swap3A_310 : i32 to index
    %swap3A_312 = arith.constant 0 : index
    %swap3A_313 = tpu.vector_load %arg6[%swap3A_311, %swap3A_312] {strides = array<i32>} : memref<8x128xi32, #tpu.memory_space<vmem>>, vector<1x16xi32>,
    %swap3A_314 = vector.shape_cast %swap3A_313 : vector<1x16xi32> to vector<16xi32>
    %swap3A_315 = vector.shape_cast %convert_element_type3A_309 : vector<16xi32> to vector<1x16xi32>
    tpu.vector_store %arg6[%swap3A_311, %swap3A_312], %swap3A_315 {strides = array<i32>} : memref<8x128xi32, #tpu.memory_space<vmem>>, vector<1x16xi32>,
    %get3A_316 = arith.constant 144 : index
    %get3A_317 = tpu.vector_load %arg5[%get3A_316] {strides = array<i32>} : memref<1536xf32, #tpu.memory_space<vmem>>, vector<16xf32>,
    %get3A_318 = vector.shape_cast %get3A_317 : vector<16xf32> to vector<16xf32>
    %sub3A_319 = arith.constant 1.000000e+00 : f32
    %sub3A_320 = vector.broadcast %sub3A_319 : f32 to vector<16xf32>
    %sub3A_321 = arith.subf %get3A_318, %sub3A_320 : vector<16xf32>
    %max3A_322 = arith.constant 0.000000e+00 : f32
    %max3A_323 = vector.broadcast %max3A_322 : f32 to vector<16xf32>
    %max3A_324 = arith.maximumf %sub3A_321, %max3A_323 : vector<16xf32>
    %get3A_325 = arith.constant 656 : index
    %get3A_326 = tpu.vector_load %arg5[%get3A_325] {strides = array<i32>} : memref<1536xf32, #tpu.memory_space<vmem>>, vector<16xf32>,
    %get3A_327 = vector.shape_cast %get3A_326 : vector<16xf32> to vector<16xf32>
    %sub3A_328 = arith.constant 1.000000e+00 : f32
    %sub3A_329 = vector.broadcast %sub3A_328 : f32 to vector<16xf32>
    %sub3A_330 = arith.subf %get3A_327, %sub3A_329 : vector<16xf32>
    %max3A_331 = arith.constant 0.000000e+00 : f32
    %max3A_332 = vector.broadcast %max3A_331 : f32 to vector<16xf32>
    %max3A_333 = arith.maximumf %sub3A_330, %max3A_332 : vector<16xf32>
    %convert_element_type3A_334 = arith.fptosi %max3A_324 : vector<16xf32> to vector<16xi32>
    %swap3A_335 = arith.constant 1 : i32
    %swap3A_336 = arith.index_cast %swap3A_335 : i32 to index
    %swap3A_337 = arith.constant 16 : index
    %swap3A_338 = tpu.vector_load %arg6[%swap3A_336, %swap3A_337] {strides = array<i32>} : memref<8x128xi32, #tpu.memory_space<vmem>>, vector<1x16xi32>,
    %swap3A_339 = vector.shape_cast %swap3A_338 : vector<1x16xi32> to vector<16xi32>
    %swap3A_340 = vector.shape_cast %convert_element_type3A_334 : vector<16xi32> to vector<1x16xi32>
    tpu.vector_store %arg6[%swap3A_336, %swap3A_337], %swap3A_340 {strides = array<i32>} : memref<8x128xi32, #tpu.memory_space<vmem>>, vector<1x16xi32>,
    %convert_element_type3A_341 = arith.fptosi %max3A_333 : vector<16xf32> to vector<16xi32>
    %swap3A_342 = arith.constant 5 : i32
    %swap3A_343 = arith.index_cast %swap3A_342 : i32 to index
    %swap3A_344 = arith.constant 16 : index
    %swap3A_345 = tpu.vector_load %arg6[%swap3A_343, %swap3A_344] {strides = array<i32>} : memref<8x128xi32, #tpu.memory_space<vmem>>, vector<1x16xi32>,
    %swap3A_346 = vector.shape_cast %swap3A_345 : vector<1x16xi32> to vector<16xi32>
    %swap3A_347 = vector.shape_cast %convert_element_type3A_341 : vector<16xi32> to vector<1x16xi32>
    tpu.vector_store %arg6[%swap3A_343, %swap3A_344], %swap3A_347 {strides = array<i32>} : memref<8x128xi32, #tpu.memory_space<vmem>>, vector<1x16xi32>,
    %get3A_348 = arith.constant 160 : index
    %get3A_349 = tpu.vector_load %arg5[%get3A_348] {strides = array<i32>} : memref<1536xf32, #tpu.memory_space<vmem>>, vector<16xf32>,
    %get3A_350 = vector.shape_cast %get3A_349 : vector<16xf32> to vector<16xf32>
    %sub3A_351 = arith.constant 1.000000e+00 : f32
    %sub3A_352 = vector.broadcast %sub3A_351 : f32 to vector<16xf32>
    %sub3A_353 = arith.subf %get3A_350, %sub3A_352 : vector<16xf32>
    %max3A_354 = arith.constant 0.000000e+00 : f32
    %max3A_355 = vector.broadcast %max3A_354 : f32 to vector<16xf32>
    %max3A_356 = arith.maximumf %sub3A_353, %max3A_355 : vector<16xf32>
    %get3A_357 = arith.constant 672 : index
    %get3A_358 = tpu.vector_load %arg5[%get3A_357] {strides = array<i32>} : memref<1536xf32, #tpu.memory_space<vmem>>, vector<16xf32>,
    %get3A_359 = vector.shape_cast %get3A_358 : vector<16xf32> to vector<16xf32>
    %sub3A_360 = arith.constant 1.000000e+00 : f32
    %sub3A_361 = vector.broadcast %sub3A_360 : f32 to vector<16xf32>
    %sub3A_362 = arith.subf %get3A_359, %sub3A_361 : vector<16xf32>
    %max3A_363 = arith.constant 0.000000e+00 : f32
    %max3A_364 = vector.broadcast %max3A_363 : f32 to vector<16xf32>
    %max3A_365 = arith.maximumf %sub3A_362, %max3A_364 : vector<16xf32>
    %convert_element_type3A_366 = arith.fptosi %max3A_356 : vector<16xf32> to vector<16xi32>
    %swap3A_367 = arith.constant 1 : i32
    %swap3A_368 = arith.index_cast %swap3A_367 : i32 to index
    %swap3A_369 = arith.constant 32 : index
    %swap3A_370 = tpu.vector_load %arg6[%swap3A_368, %swap3A_369] {strides = array<i32>} : memref<8x128xi32, #tpu.memory_space<vmem>>, vector<1x16xi32>,
    %swap3A_371 = vector.shape_cast %swap3A_370 : vector<1x16xi32> to vector<16xi32>
    %swap3A_372 = vector.shape_cast %convert_element_type3A_366 : vector<16xi32> to vector<1x16xi32>
    tpu.vector_store %arg6[%swap3A_368, %swap3A_369], %swap3A_372 {strides = array<i32>} : memref<8x128xi32, #tpu.memory_space<vmem>>, vector<1x16xi32>,
    %convert_element_type3A_373 = arith.fptosi %max3A_365 : vector<16xf32> to vector<16xi32>
    %swap3A_374 = arith.constant 5 : i32
    %swap3A_375 = arith.index_cast %swap3A_374 : i32 to index
    %swap3A_376 = arith.constant 32 : index
    %swap3A_377 = tpu.vector_load %arg6[%swap3A_375, %swap3A_376] {strides = array<i32>} : memref<8x128xi32, #tpu.memory_space<vmem>>, vector<1x16xi32>,
    %swap3A_378 = vector.shape_cast %swap3A_377 : vector<1x16xi32> to vector<16xi32>
    %swap3A_379 = vector.shape_cast %convert_element_type3A_373 : vector<16xi32> to vector<1x16xi32>
    tpu.vector_store %arg6[%swap3A_375, %swap3A_376], %swap3A_379 {strides = array<i32>} : memref<8x128xi32, #tpu.memory_space<vmem>>, vector<1x16xi32>,
    %get3A_380 = arith.constant 176 : index
    %get3A_381 = tpu.vector_load %arg5[%get3A_380] {strides = array<i32>} : memref<1536xf32, #tpu.memory_space<vmem>>, vector<16xf32>,
    %get3A_382 = vector.shape_cast %get3A_381 : vector<16xf32> to vector<16xf32>
    %sub3A_383 = arith.constant 1.000000e+00 : f32
    %sub3A_384 = vector.broadcast %sub3A_383 : f32 to vector<16xf32>
    %sub3A_385 = arith.subf %get3A_382, %sub3A_384 : vector<16xf32>
    %max3A_386 = arith.constant 0.000000e+00 : f32
    %max3A_387 = vector.broadcast %max3A_386 : f32 to vector<16xf32>
    %max3A_388 = arith.maximumf %sub3A_385, %max3A_387 : vector<16xf32>
    %get3A_389 = arith.constant 688 : index
    %get3A_390 = tpu.vector_load %arg5[%get3A_389] {strides = array<i32>} : memref<1536xf32, #tpu.memory_space<vmem>>, vector<16xf32>,
    %get3A_391 = vector.shape_cast %get3A_390 : vector<16xf32> to vector<16xf32>
    %sub3A_392 = arith.constant 1.000000e+00 : f32
    %sub3A_393 = vector.broadcast %sub3A_392 : f32 to vector<16xf32>
    %sub3A_394 = arith.subf %get3A_391, %sub3A_393 : vector<16xf32>
    %max3A_395 = arith.constant 0.000000e+00 : f32
    %max3A_396 = vector.broadcast %max3A_395 : f32 to vector<16xf32>
    %max3A_397 = arith.maximumf %sub3A_394, %max3A_396 : vector<16xf32>
    %convert_element_type3A_398 = arith.fptosi %max3A_388 : vector<16xf32> to vector<16xi32>
    %swap3A_399 = arith.constant 1 : i32
    %swap3A_400 = arith.index_cast %swap3A_399 : i32 to index
    %swap3A_401 = arith.constant 48 : index
    %swap3A_402 = tpu.vector_load %arg6[%swap3A_400, %swap3A_401] {strides = array<i32>} : memref<8x128xi32, #tpu.memory_space<vmem>>, vector<1x16xi32>,
    %swap3A_403 = vector.shape_cast %swap3A_402 : vector<1x16xi32> to vector<16xi32>
    %swap3A_404 = vector.shape_cast %convert_element_type3A_398 : vector<16xi32> to vector<1x16xi32>
    tpu.vector_store %arg6[%swap3A_400, %swap3A_401], %swap3A_404 {strides = array<i32>} : memref<8x128xi32, #tpu.memory_space<vmem>>, vector<1x16xi32>,
    %convert_element_type3A_405 = arith.fptosi %max3A_397 : vector<16xf32> to vector<16xi32>
    %swap3A_406 = arith.constant 5 : i32
    %swap3A_407 = arith.index_cast %swap3A_406 : i32 to index
    %swap3A_408 = arith.constant 48 : index
    %swap3A_409 = tpu.vector_load %arg6[%swap3A_407, %swap3A_408] {strides = array<i32>} : memref<8x128xi32, #tpu.memory_space<vmem>>, vector<1x16xi32>,
    %swap3A_410 = vector.shape_cast %swap3A_409 : vector<1x16xi32> to vector<16xi32>
    %swap3A_411 = vector.shape_cast %convert_element_type3A_405 : vector<16xi32> to vector<1x16xi32>
    tpu.vector_store %arg6[%swap3A_407, %swap3A_408], %swap3A_411 {strides = array<i32>} : memref<8x128xi32, #tpu.memory_space<vmem>>, vector<1x16xi32>,
    %get3A_412 = arith.constant 192 : index
    %get3A_413 = tpu.vector_load %arg5[%get3A_412] {strides = array<i32>} : memref<1536xf32, #tpu.memory_space<vmem>>, vector<16xf32>,
    %get3A_414 = vector.shape_cast %get3A_413 : vector<16xf32> to vector<16xf32>
    %sub3A_415 = arith.constant 1.000000e+00 : f32
    %sub3A_416 = vector.broadcast %sub3A_415 : f32 to vector<16xf32>
    %sub3A_417 = arith.subf %get3A_414, %sub3A_416 : vector<16xf32>
    %max3A_418 = arith.constant 0.000000e+00 : f32
    %max3A_419 = vector.broadcast %max3A_418 : f32 to vector<16xf32>
    %max3A_420 = arith.maximumf %sub3A_417, %max3A_419 : vector<16xf32>
    %get3A_421 = arith.constant 704 : index
    %get3A_422 = tpu.vector_load %arg5[%get3A_421] {strides = array<i32>} : memref<1536xf32, #tpu.memory_space<vmem>>, vector<16xf32>,
    %get3A_423 = vector.shape_cast %get3A_422 : vector<16xf32> to vector<16xf32>
    %sub3A_424 = arith.constant 1.000000e+00 : f32
    %sub3A_425 = vector.broadcast %sub3A_424 : f32 to vector<16xf32>
    %sub3A_426 = arith.subf %get3A_423, %sub3A_425 : vector<16xf32>
    %max3A_427 = arith.constant 0.000000e+00 : f32
    %max3A_428 = vector.broadcast %max3A_427 : f32 to vector<16xf32>
    %max3A_429 = arith.maximumf %sub3A_426, %max3A_428 : vector<16xf32>
    %convert_element_type3A_430 = arith.fptosi %max3A_420 : vector<16xf32> to vector<16xi32>
    %swap3A_431 = arith.constant 1 : i32
    %swap3A_432 = arith.index_cast %swap3A_431 : i32 to index
    %swap3A_433 = arith.constant 64 : index
    %swap3A_434 = tpu.vector_load %arg6[%swap3A_432, %swap3A_433] {strides = array<i32>} : memref<8x128xi32, #tpu.memory_space<vmem>>, vector<1x16xi32>,
    %swap3A_435 = vector.shape_cast %swap3A_434 : vector<1x16xi32> to vector<16xi32>
    %swap3A_436 = vector.shape_cast %convert_element_type3A_430 : vector<16xi32> to vector<1x16xi32>
    tpu.vector_store %arg6[%swap3A_432, %swap3A_433], %swap3A_436 {strides = array<i32>} : memref<8x128xi32, #tpu.memory_space<vmem>>, vector<1x16xi32>,
    %convert_element_type3A_437 = arith.fptosi %max3A_429 : vector<16xf32> to vector<16xi32>
    %swap3A_438 = arith.constant 5 : i32
    %swap3A_439 = arith.index_cast %swap3A_438 : i32 to index
    %swap3A_440 = arith.constant 64 : index
    %swap3A_441 = tpu.vector_load %arg6[%swap3A_439, %swap3A_440] {strides = array<i32>} : memref<8x128xi32, #tpu.memory_space<vmem>>, vector<1x16xi32>,
    %swap3A_442 = vector.shape_cast %swap3A_441 : vector<1x16xi32> to vector<16xi32>
    %swap3A_443 = vector.shape_cast %convert_element_type3A_437 : vector<16xi32> to vector<1x16xi32>
    tpu.vector_store %arg6[%swap3A_439, %swap3A_440], %swap3A_443 {strides = array<i32>} : memref<8x128xi32, #tpu.memory_space<vmem>>, vector<1x16xi32>,
    %get3A_444 = arith.constant 208 : index
    %get3A_445 = tpu.vector_load %arg5[%get3A_444] {strides = array<i32>} : memref<1536xf32, #tpu.memory_space<vmem>>, vector<16xf32>,
    %get3A_446 = vector.shape_cast %get3A_445 : vector<16xf32> to vector<16xf32>
    %sub3A_447 = arith.constant 1.000000e+00 : f32
    %sub3A_448 = vector.broadcast %sub3A_447 : f32 to vector<16xf32>
    %sub3A_449 = arith.subf %get3A_446, %sub3A_448 : vector<16xf32>
    %max3A_450 = arith.constant 0.000000e+00 : f32
    %max3A_451 = vector.broadcast %max3A_450 : f32 to vector<16xf32>
    %max3A_452 = arith.maximumf %sub3A_449, %max3A_451 : vector<16xf32>
    %get3A_453 = arith.constant 720 : index
    %get3A_454 = tpu.vector_load %arg5[%get3A_453] {strides = array<i32>} : memref<1536xf32, #tpu.memory_space<vmem>>, vector<16xf32>,
    %get3A_455 = vector.shape_cast %get3A_454 : vector<16xf32> to vector<16xf32>
    %sub3A_456 = arith.constant 1.000000e+00 : f32
    %sub3A_457 = vector.broadcast %sub3A_456 : f32 to vector<16xf32>
    %sub3A_458 = arith.subf %get3A_455, %sub3A_457 : vector<16xf32>
    %max3A_459 = arith.constant 0.000000e+00 : f32
    %max3A_460 = vector.broadcast %max3A_459 : f32 to vector<16xf32>
    %max3A_461 = arith.maximumf %sub3A_458, %max3A_460 : vector<16xf32>
    %convert_element_type3A_462 = arith.fptosi %max3A_452 : vector<16xf32> to vector<16xi32>
    %swap3A_463 = arith.constant 1 : i32
    %swap3A_464 = arith.index_cast %swap3A_463 : i32 to index
    %swap3A_465 = arith.constant 80 : index
    %swap3A_466 = tpu.vector_load %arg6[%swap3A_464, %swap3A_465] {strides = array<i32>} : memref<8x128xi32, #tpu.memory_space<vmem>>, vector<1x16xi32>,
    %swap3A_467 = vector.shape_cast %swap3A_466 : vector<1x16xi32> to vector<16xi32>
    %swap3A_468 = vector.shape_cast %convert_element_type3A_462 : vector<16xi32> to vector<1x16xi32>
    tpu.vector_store %arg6[%swap3A_464, %swap3A_465], %swap3A_468 {strides = array<i32>} : memref<8x128xi32, #tpu.memory_space<vmem>>, vector<1x16xi32>,
    %convert_element_type3A_469 = arith.fptosi %max3A_461 : vector<16xf32> to vector<16xi32>
    %swap3A_470 = arith.constant 5 : i32
    %swap3A_471 = arith.index_cast %swap3A_470 : i32 to index
    %swap3A_472 = arith.constant 80 : index
    %swap3A_473 = tpu.vector_load %arg6[%swap3A_471, %swap3A_472] {strides = array<i32>} : memref<8x128xi32, #tpu.memory_space<vmem>>, vector<1x16xi32>,
    %swap3A_474 = vector.shape_cast %swap3A_473 : vector<1x16xi32> to vector<16xi32>
    %swap3A_475 = vector.shape_cast %convert_element_type3A_469 : vector<16xi32> to vector<1x16xi32>
    tpu.vector_store %arg6[%swap3A_471, %swap3A_472], %swap3A_475 {strides = array<i32>} : memref<8x128xi32, #tpu.memory_space<vmem>>, vector<1x16xi32>,
    %get3A_476 = arith.constant 224 : index
    %get3A_477 = tpu.vector_load %arg5[%get3A_476] {strides = array<i32>} : memref<1536xf32, #tpu.memory_space<vmem>>, vector<16xf32>,
    %get3A_478 = vector.shape_cast %get3A_477 : vector<16xf32> to vector<16xf32>
    %sub3A_479 = arith.constant 1.000000e+00 : f32
    %sub3A_480 = vector.broadcast %sub3A_479 : f32 to vector<16xf32>
    %sub3A_481 = arith.subf %get3A_478, %sub3A_480 : vector<16xf32>
    %max3A_482 = arith.constant 0.000000e+00 : f32
    %max3A_483 = vector.broadcast %max3A_482 : f32 to vector<16xf32>
    %max3A_484 = arith.maximumf %sub3A_481, %max3A_483 : vector<16xf32>
    %get3A_485 = arith.constant 736 : index
    %get3A_486 = tpu.vector_load %arg5[%get3A_485] {strides = array<i32>} : memref<1536xf32, #tpu.memory_space<vmem>>, vector<16xf32>,
    %get3A_487 = vector.shape_cast %get3A_486 : vector<16xf32> to vector<16xf32>
    %sub3A_488 = arith.constant 1.000000e+00 : f32
    %sub3A_489 = vector.broadcast %sub3A_488 : f32 to vector<16xf32>
    %sub3A_490 = arith.subf %get3A_487, %sub3A_489 : vector<16xf32>
    %max3A_491 = arith.constant 0.000000e+00 : f32
    %max3A_492 = vector.broadcast %max3A_491 : f32 to vector<16xf32>
    %max3A_493 = arith.maximumf %sub3A_490, %max3A_492 : vector<16xf32>
    %convert_element_type3A_494 = arith.fptosi %max3A_484 : vector<16xf32> to vector<16xi32>
    %swap3A_495 = arith.constant 1 : i32
    %swap3A_496 = arith.index_cast %swap3A_495 : i32 to index
    %swap3A_497 = arith.constant 96 : index
    %swap3A_498 = tpu.vector_load %arg6[%swap3A_496, %swap3A_497] {strides = array<i32>} : memref<8x128xi32, #tpu.memory_space<vmem>>, vector<1x16xi32>,
    %swap3A_499 = vector.shape_cast %swap3A_498 : vector<1x16xi32> to vector<16xi32>
    %swap3A_500 = vector.shape_cast %convert_element_type3A_494 : vector<16xi32> to vector<1x16xi32>
    tpu.vector_store %arg6[%swap3A_496, %swap3A_497], %swap3A_500 {strides = array<i32>} : memref<8x128xi32, #tpu.memory_space<vmem>>, vector<1x16xi32>,
    %convert_element_type3A_501 = arith.fptosi %max3A_493 : vector<16xf32> to vector<16xi32>
    %swap3A_502 = arith.constant 5 : i32
    %swap3A_503 = arith.index_cast %swap3A_502 : i32 to index
    %swap3A_504 = arith.constant 96 : index
    %swap3A_505 = tpu.vector_load %arg6[%swap3A_503, %swap3A_504] {strides = array<i32>} : memref<8x128xi32, #tpu.memory_space<vmem>>, vector<1x16xi32>,
    %swap3A_506 = vector.shape_cast %swap3A_505 : vector<1x16xi32> to vector<16xi32>
    %swap3A_507 = vector.shape_cast %convert_element_type3A_501 : vector<16xi32> to vector<1x16xi32>
    tpu.vector_store %arg6[%swap3A_503, %swap3A_504], %swap3A_507 {strides = array<i32>} : memref<8x128xi32, #tpu.memory_space<vmem>>, vector<1x16xi32>,
    %get3A_508 = arith.constant 240 : index
    %get3A_509 = tpu.vector_load %arg5[%get3A_508] {strides = array<i32>} : memref<1536xf32, #tpu.memory_space<vmem>>, vector<16xf32>,
    %get3A_510 = vector.shape_cast %get3A_509 : vector<16xf32> to vector<16xf32>
    %sub3A_511 = arith.constant 1.000000e+00 : f32
    %sub3A_512 = vector.broadcast %sub3A_511 : f32 to vector<16xf32>
    %sub3A_513 = arith.subf %get3A_510, %sub3A_512 : vector<16xf32>
    %max3A_514 = arith.constant 0.000000e+00 : f32
    %max3A_515 = vector.broadcast %max3A_514 : f32 to vector<16xf32>
    %max3A_516 = arith.maximumf %sub3A_513, %max3A_515 : vector<16xf32>
    %get3A_517 = arith.constant 752 : index
    %get3A_518 = tpu.vector_load %arg5[%get3A_517] {strides = array<i32>} : memref<1536xf32, #tpu.memory_space<vmem>>, vector<16xf32>,
    %get3A_519 = vector.shape_cast %get3A_518 : vector<16xf32> to vector<16xf32>
    %sub3A_520 = arith.constant 1.000000e+00 : f32
    %sub3A_521 = vector.broadcast %sub3A_520 : f32 to vector<16xf32>
    %sub3A_522 = arith.subf %get3A_519, %sub3A_521 : vector<16xf32>
    %max3A_523 = arith.constant 0.000000e+00 : f32
    %max3A_524 = vector.broadcast %max3A_523 : f32 to vector<16xf32>
    %max3A_525 = arith.maximumf %sub3A_522, %max3A_524 : vector<16xf32>
    %convert_element_type3A_526 = arith.fptosi %max3A_516 : vector<16xf32> to vector<16xi32>
    %swap3A_527 = arith.constant 1 : i32
    %swap3A_528 = arith.index_cast %swap3A_527 : i32 to index
    %swap3A_529 = arith.constant 112 : index
    %swap3A_530 = tpu.vector_load %arg6[%swap3A_528, %swap3A_529] {strides = array<i32>} : memref<8x128xi32, #tpu.memory_space<vmem>>, vector<1x16xi32>,
    %swap3A_531 = vector.shape_cast %swap3A_530 : vector<1x16xi32> to vector<16xi32>
    %swap3A_532 = vector.shape_cast %convert_element_type3A_526 : vector<16xi32> to vector<1x16xi32>
    tpu.vector_store %arg6[%swap3A_528, %swap3A_529], %swap3A_532 {strides = array<i32>} : memref<8x128xi32, #tpu.memory_space<vmem>>, vector<1x16xi32>,
    %convert_element_type3A_533 = arith.fptosi %max3A_525 : vector<16xf32> to vector<16xi32>
    %swap3A_534 = arith.constant 5 : i32
    %swap3A_535 = arith.index_cast %swap3A_534 : i32 to index
    %swap3A_536 = arith.constant 112 : index
    %swap3A_537 = tpu.vector_load %arg6[%swap3A_535, %swap3A_536] {strides = array<i32>} : memref<8x128xi32, #tpu.memory_space<vmem>>, vector<1x16xi32>,
    %swap3A_538 = vector.shape_cast %swap3A_537 : vector<1x16xi32> to vector<16xi32>
    %swap3A_539 = vector.shape_cast %convert_element_type3A_533 : vector<16xi32> to vector<1x16xi32>
    tpu.vector_store %arg6[%swap3A_535, %swap3A_536], %swap3A_539 {strides = array<i32>} : memref<8x128xi32, #tpu.memory_space<vmem>>, vector<1x16xi32>,
    %dma_start3A_540 = arith.constant 1 : i32
    %dma_start3A_541 = arith.constant 1 : i32
    %dma_start3A_542 = arith.constant 1 : i32
    %dma_start3A_543 = arith.constant 0 : i32
    %dma_start3A_544 = tpu.memref_slice %arg7[%dma_start3A_541, %dma_start3A_543] : memref<8x128xf32, #tpu.memory_space<vmem>> -> memref<1x128xf32, #tpu.memory_space<vmem>>
    %dma_start3A_545 = tpu.memref_squeeze %dma_start3A_544 : memref<1x128xf32, #tpu.memory_space<vmem>> -> memref<128xf32, #tpu.memory_space<vmem>>
    %dma_start3A_546 = arith.constant 0 : i32
    %dma_start3A_547 = tpu.memref_slice %arg6[%dma_start3A_540, %dma_start3A_546] : memref<8x128xi32, #tpu.memory_space<vmem>> -> memref<1x128xi32, #tpu.memory_space<vmem>>
    %dma_start3A_548 = tpu.memref_squeeze %dma_start3A_547 : memref<1x128xi32, #tpu.memory_space<vmem>> -> memref<128xi32, #tpu.memory_space<vmem>>
    %dma_start3A_549 = arith.constant 0 : i32
    %dma_start3A_550 = tpu.memref_slice %arg3[%dma_start3A_549] : memref<999999xf32, #tpu.memory_space<hbm>> -> memref<999999xf32, #tpu.memory_space<hbm>>
    %dma_start3A_551 = tpu.memref_slice %arg10[%dma_start3A_542] : memref<4x!tpu.dma_semaphore, #tpu.memory_space<semaphore_mem>> -> memref<1x!tpu.dma_semaphore, #tpu.memory_space<semaphore_mem>>
    %dma_start3A_552 = tpu.memref_squeeze %dma_start3A_551 : memref<1x!tpu.dma_semaphore, #tpu.memory_space<semaphore_mem>> -> memref<!tpu.dma_semaphore, #tpu.memory_space<semaphore_mem>>
    tpu.enqueue_indirect_dma source(%dma_start3A_550 : memref<999999xf32, #tpu.memory_space<hbm>>) target(%dma_start3A_545 : memref<128xf32, #tpu.memory_space<vmem>>) offsets(%dma_start3A_548 : memref<128xi32, #tpu.memory_space<vmem>>) semaphore(%dma_start3A_552 : memref<!tpu.dma_semaphore, #tpu.memory_space<semaphore_mem>>)
    %dma_start3A_553 = arith.constant 5 : i32
    %dma_start3A_554 = arith.constant 5 : i32
    %dma_start3A_555 = arith.constant 1 : i32
    %dma_start3A_556 = arith.constant 0 : i32
    %dma_start3A_557 = tpu.memref_slice %arg7[%dma_start3A_554, %dma_start3A_556] : memref<8x128xf32, #tpu.memory_space<vmem>> -> memref<1x128xf32, #tpu.memory_space<vmem>>
    %dma_start3A_558 = tpu.memref_squeeze %dma_start3A_557 : memref<1x128xf32, #tpu.memory_space<vmem>> -> memref<128xf32, #tpu.memory_space<vmem>>
    %dma_start3A_559 = arith.constant 0 : i32
    %dma_start3A_560 = tpu.memref_slice %arg6[%dma_start3A_553, %dma_start3A_559] : memref<8x128xi32, #tpu.memory_space<vmem>> -> memref<1x128xi32, #tpu.memory_space<vmem>>
    %dma_start3A_561 = tpu.memref_squeeze %dma_start3A_560 : memref<1x128xi32, #tpu.memory_space<vmem>> -> memref<128xi32, #tpu.memory_space<vmem>>
    %dma_start3A_562 = arith.constant 0 : i32
    %dma_start3A_563 = tpu.memref_slice %arg3[%dma_start3A_562] : memref<999999xf32, #tpu.memory_space<hbm>> -> memref<999999xf32, #tpu.memory_space<hbm>>
    %dma_start3A_564 = tpu.memref_slice %arg10[%dma_start3A_555] : memref<4x!tpu.dma_semaphore, #tpu.memory_space<semaphore_mem>> -> memref<1x!tpu.dma_semaphore, #tpu.memory_space<semaphore_mem>>
    %dma_start3A_565 = tpu.memref_squeeze %dma_start3A_564 : memref<1x!tpu.dma_semaphore, #tpu.memory_space<semaphore_mem>> -> memref<!tpu.dma_semaphore, #tpu.memory_space<semaphore_mem>>
    tpu.enqueue_indirect_dma source(%dma_start3A_563 : memref<999999xf32, #tpu.memory_space<hbm>>) target(%dma_start3A_558 : memref<128xf32, #tpu.memory_space<vmem>>) offsets(%dma_start3A_561 : memref<128xi32, #tpu.memory_space<vmem>>) semaphore(%dma_start3A_565 : memref<!tpu.dma_semaphore, #tpu.memory_space<semaphore_mem>>)
    %get3A_566 = arith.constant 256 : index
    %get3A_567 = tpu.vector_load %arg5[%get3A_566] {strides = array<i32>} : memref<1536xf32, #tpu.memory_space<vmem>>, vector<16xf32>,
    %get3A_568 = vector.shape_cast %get3A_567 : vector<16xf32> to vector<16xf32>
    %sub3A_569 = arith.constant 1.000000e+00 : f32
    %sub3A_570 = vector.broadcast %sub3A_569 : f32 to vector<16xf32>
    %sub3A_571 = arith.subf %get3A_568, %sub3A_570 : vector<16xf32>
    %max3A_572 = arith.constant 0.000000e+00 : f32
    %max3A_573 = vector.broadcast %max3A_572 : f32 to vector<16xf32>
    %max3A_574 = arith.maximumf %sub3A_571, %max3A_573 : vector<16xf32>
    %get3A_575 = arith.constant 768 : index
    %get3A_576 = tpu.vector_load %arg5[%get3A_575] {strides = array<i32>} : memref<1536xf32, #tpu.memory_space<vmem>>, vector<16xf32>,
    %get3A_577 = vector.shape_cast %get3A_576 : vector<16xf32> to vector<16xf32>
    %sub3A_578 = arith.constant 1.000000e+00 : f32
    %sub3A_579 = vector.broadcast %sub3A_578 : f32 to vector<16xf32>
    %sub3A_580 = arith.subf %get3A_577, %sub3A_579 : vector<16xf32>
    %max3A_581 = arith.constant 0.000000e+00 : f32
    %max3A_582 = vector.broadcast %max3A_581 : f32 to vector<16xf32>
    %max3A_583 = arith.maximumf %sub3A_580, %max3A_582 : vector<16xf32>
    %convert_element_type3A_584 = arith.fptosi %max3A_574 : vector<16xf32> to vector<16xi32>
    %swap3A_585 = arith.constant 2 : i32
    %swap3A_586 = arith.index_cast %swap3A_585 : i32 to index
    %swap3A_587 = arith.constant 0 : index
    %swap3A_588 = tpu.vector_load %arg6[%swap3A_586, %swap3A_587] {strides = array<i32>} : memref<8x128xi32, #tpu.memory_space<vmem>>, vector<1x16xi32>,
    %swap3A_589 = vector.shape_cast %swap3A_588 : vector<1x16xi32> to vector<16xi32>
    %swap3A_590 = vector.shape_cast %convert_element_type3A_584 : vector<16xi32> to vector<1x16xi32>
    tpu.vector_store %arg6[%swap3A_586, %swap3A_587], %swap3A_590 {strides = array<i32>} : memref<8x128xi32, #tpu.memory_space<vmem>>, vector<1x16xi32>,
    %convert_element_type3A_591 = arith.fptosi %max3A_583 : vector<16xf32> to vector<16xi32>
    %swap3A_592 = arith.constant 6 : i32
    %swap3A_593 = arith.index_cast %swap3A_592 : i32 to index
    %swap3A_594 = arith.constant 0 : index
    %swap3A_595 = tpu.vector_load %arg6[%swap3A_593, %swap3A_594] {strides = array<i32>} : memref<8x128xi32, #tpu.memory_space<vmem>>, vector<1x16xi32>,
    %swap3A_596 = vector.shape_cast %swap3A_595 : vector<1x16xi32> to vector<16xi32>
    %swap3A_597 = vector.shape_cast %convert_element_type3A_591 : vector<16xi32> to vector<1x16xi32>
    tpu.vector_store %arg6[%swap3A_593, %swap3A_594], %swap3A_597 {strides = array<i32>} : memref<8x128xi32, #tpu.memory_space<vmem>>, vector<1x16xi32>,
    %get3A_598 = arith.constant 272 : index
    %get3A_599 = tpu.vector_load %arg5[%get3A_598] {strides = array<i32>} : memref<1536xf32, #tpu.memory_space<vmem>>, vector<16xf32>,
    %get3A_600 = vector.shape_cast %get3A_599 : vector<16xf32> to vector<16xf32>
    %sub3A_601 = arith.constant 1.000000e+00 : f32
    %sub3A_602 = vector.broadcast %sub3A_601 : f32 to vector<16xf32>
    %sub3A_603 = arith.subf %get3A_600, %sub3A_602 : vector<16xf32>
    %max3A_604 = arith.constant 0.000000e+00 : f32
    %max3A_605 = vector.broadcast %max3A_604 : f32 to vector<16xf32>
    %max3A_606 = arith.maximumf %sub3A_603, %max3A_605 : vector<16xf32>
    %get3A_607 = arith.constant 784 : index
    %get3A_608 = tpu.vector_load %arg5[%get3A_607] {strides = array<i32>} : memref<1536xf32, #tpu.memory_space<vmem>>, vector<16xf32>,
    %get3A_609 = vector.shape_cast %get3A_608 : vector<16xf32> to vector<16xf32>
    %sub3A_610 = arith.constant 1.000000e+00 : f32
    %sub3A_611 = vector.broadcast %sub3A_610 : f32 to vector<16xf32>
    %sub3A_612 = arith.subf %get3A_609, %sub3A_611 : vector<16xf32>
    %max3A_613 = arith.constant 0.000000e+00 : f32
    %max3A_614 = vector.broadcast %max3A_613 : f32 to vector<16xf32>
    %max3A_615 = arith.maximumf %sub3A_612, %max3A_614 : vector<16xf32>
    %convert_element_type3A_616 = arith.fptosi %max3A_606 : vector<16xf32> to vector<16xi32>
    %swap3A_617 = arith.constant 2 : i32
    %swap3A_618 = arith.index_cast %swap3A_617 : i32 to index
    %swap3A_619 = arith.constant 16 : index
    %swap3A_620 = tpu.vector_load %arg6[%swap3A_618, %swap3A_619] {strides = array<i32>} : memref<8x128xi32, #tpu.memory_space<vmem>>, vector<1x16xi32>,
    %swap3A_621 = vector.shape_cast %swap3A_620 : vector<1x16xi32> to vector<16xi32>
    %swap3A_622 = vector.shape_cast %convert_element_type3A_616 : vector<16xi32> to vector<1x16xi32>
    tpu.vector_store %arg6[%swap3A_618, %swap3A_619], %swap3A_622 {strides = array<i32>} : memref<8x128xi32, #tpu.memory_space<vmem>>, vector<1x16xi32>,
    %convert_element_type3A_623 = arith.fptosi %max3A_615 : vector<16xf32> to vector<16xi32>
    %swap3A_624 = arith.constant 6 : i32
    %swap3A_625 = arith.index_cast %swap3A_624 : i32 to index
    %swap3A_626 = arith.constant 16 : index
    %swap3A_627 = tpu.vector_load %arg6[%swap3A_625, %swap3A_626] {strides = array<i32>} : memref<8x128xi32, #tpu.memory_space<vmem>>, vector<1x16xi32>,
    %swap3A_628 = vector.shape_cast %swap3A_627 : vector<1x16xi32> to vector<16xi32>
    %swap3A_629 = vector.shape_cast %convert_element_type3A_623 : vector<16xi32> to vector<1x16xi32>
    tpu.vector_store %arg6[%swap3A_625, %swap3A_626], %swap3A_629 {strides = array<i32>} : memref<8x128xi32, #tpu.memory_space<vmem>>, vector<1x16xi32>,
    %get3A_630 = arith.constant 288 : index
    %get3A_631 = tpu.vector_load %arg5[%get3A_630] {strides = array<i32>} : memref<1536xf32, #tpu.memory_space<vmem>>, vector<16xf32>,
    %get3A_632 = vector.shape_cast %get3A_631 : vector<16xf32> to vector<16xf32>
    %sub3A_633 = arith.constant 1.000000e+00 : f32
    %sub3A_634 = vector.broadcast %sub3A_633 : f32 to vector<16xf32>
    %sub3A_635 = arith.subf %get3A_632, %sub3A_634 : vector<16xf32>
    %max3A_636 = arith.constant 0.000000e+00 : f32
    %max3A_637 = vector.broadcast %max3A_636 : f32 to vector<16xf32>
    %max3A_638 = arith.maximumf %sub3A_635, %max3A_637 : vector<16xf32>
    %get3A_639 = arith.constant 800 : index
    %get3A_640 = tpu.vector_load %arg5[%get3A_639] {strides = array<i32>} : memref<1536xf32, #tpu.memory_space<vmem>>, vector<16xf32>,
    %get3A_641 = vector.shape_cast %get3A_640 : vector<16xf32> to vector<16xf32>
    %sub3A_642 = arith.constant 1.000000e+00 : f32
    %sub3A_643 = vector.broadcast %sub3A_642 : f32 to vector<16xf32>
    %sub3A_644 = arith.subf %get3A_641, %sub3A_643 : vector<16xf32>
    %max3A_645 = arith.constant 0.000000e+00 : f32
    %max3A_646 = vector.broadcast %max3A_645 : f32 to vector<16xf32>
    %max3A_647 = arith.maximumf %sub3A_644, %max3A_646 : vector<16xf32>
    %convert_element_type3A_648 = arith.fptosi %max3A_638 : vector<16xf32> to vector<16xi32>
    %swap3A_649 = arith.constant 2 : i32
    %swap3A_650 = arith.index_cast %swap3A_649 : i32 to index
    %swap3A_651 = arith.constant 32 : index
    %swap3A_652 = tpu.vector_load %arg6[%swap3A_650, %swap3A_651] {strides = array<i32>} : memref<8x128xi32, #tpu.memory_space<vmem>>, vector<1x16xi32>,
    %swap3A_653 = vector.shape_cast %swap3A_652 : vector<1x16xi32> to vector<16xi32>
    %swap3A_654 = vector.shape_cast %convert_element_type3A_648 : vector<16xi32> to vector<1x16xi32>
    tpu.vector_store %arg6[%swap3A_650, %swap3A_651], %swap3A_654 {strides = array<i32>} : memref<8x128xi32, #tpu.memory_space<vmem>>, vector<1x16xi32>,
    %convert_element_type3A_655 = arith.fptosi %max3A_647 : vector<16xf32> to vector<16xi32>
    %swap3A_656 = arith.constant 6 : i32
    %swap3A_657 = arith.index_cast %swap3A_656 : i32 to index
    %swap3A_658 = arith.constant 32 : index
    %swap3A_659 = tpu.vector_load %arg6[%swap3A_657, %swap3A_658] {strides = array<i32>} : memref<8x128xi32, #tpu.memory_space<vmem>>, vector<1x16xi32>,
    %swap3A_660 = vector.shape_cast %swap3A_659 : vector<1x16xi32> to vector<16xi32>
    %swap3A_661 = vector.shape_cast %convert_element_type3A_655 : vector<16xi32> to vector<1x16xi32>
    tpu.vector_store %arg6[%swap3A_657, %swap3A_658], %swap3A_661 {strides = array<i32>} : memref<8x128xi32, #tpu.memory_space<vmem>>, vector<1x16xi32>,
    %get3A_662 = arith.constant 304 : index
    %get3A_663 = tpu.vector_load %arg5[%get3A_662] {strides = array<i32>} : memref<1536xf32, #tpu.memory_space<vmem>>, vector<16xf32>,
    %get3A_664 = vector.shape_cast %get3A_663 : vector<16xf32> to vector<16xf32>
    %sub3A_665 = arith.constant 1.000000e+00 : f32
    %sub3A_666 = vector.broadcast %sub3A_665 : f32 to vector<16xf32>
    %sub3A_667 = arith.subf %get3A_664, %sub3A_666 : vector<16xf32>
    %max3A_668 = arith.constant 0.000000e+00 : f32
    %max3A_669 = vector.broadcast %max3A_668 : f32 to vector<16xf32>
    %max3A_670 = arith.maximumf %sub3A_667, %max3A_669 : vector<16xf32>
    %get3A_671 = arith.constant 816 : index
    %get3A_672 = tpu.vector_load %arg5[%get3A_671] {strides = array<i32>} : memref<1536xf32, #tpu.memory_space<vmem>>, vector<16xf32>,
    %get3A_673 = vector.shape_cast %get3A_672 : vector<16xf32> to vector<16xf32>
    %sub3A_674 = arith.constant 1.000000e+00 : f32
    %sub3A_675 = vector.broadcast %sub3A_674 : f32 to vector<16xf32>
    %sub3A_676 = arith.subf %get3A_673, %sub3A_675 : vector<16xf32>
    %max3A_677 = arith.constant 0.000000e+00 : f32
    %max3A_678 = vector.broadcast %max3A_677 : f32 to vector<16xf32>
    %max3A_679 = arith.maximumf %sub3A_676, %max3A_678 : vector<16xf32>
    %convert_element_type3A_680 = arith.fptosi %max3A_670 : vector<16xf32> to vector<16xi32>
    %swap3A_681 = arith.constant 2 : i32
    %swap3A_682 = arith.index_cast %swap3A_681 : i32 to index
    %swap3A_683 = arith.constant 48 : index
    %swap3A_684 = tpu.vector_load %arg6[%swap3A_682, %swap3A_683] {strides = array<i32>} : memref<8x128xi32, #tpu.memory_space<vmem>>, vector<1x16xi32>,
    %swap3A_685 = vector.shape_cast %swap3A_684 : vector<1x16xi32> to vector<16xi32>
    %swap3A_686 = vector.shape_cast %convert_element_type3A_680 : vector<16xi32> to vector<1x16xi32>
    tpu.vector_store %arg6[%swap3A_682, %swap3A_683], %swap3A_686 {strides = array<i32>} : memref<8x128xi32, #tpu.memory_space<vmem>>, vector<1x16xi32>,
    %convert_element_type3A_687 = arith.fptosi %max3A_679 : vector<16xf32> to vector<16xi32>
    %swap3A_688 = arith.constant 6 : i32
    %swap3A_689 = arith.index_cast %swap3A_688 : i32 to index
    %swap3A_690 = arith.constant 48 : index
    %swap3A_691 = tpu.vector_load %arg6[%swap3A_689, %swap3A_690] {strides = array<i32>} : memref<8x128xi32, #tpu.memory_space<vmem>>, vector<1x16xi32>,
    %swap3A_692 = vector.shape_cast %swap3A_691 : vector<1x16xi32> to vector<16xi32>
    %swap3A_693 = vector.shape_cast %convert_element_type3A_687 : vector<16xi32> to vector<1x16xi32>
    tpu.vector_store %arg6[%swap3A_689, %swap3A_690], %swap3A_693 {strides = array<i32>} : memref<8x128xi32, #tpu.memory_space<vmem>>, vector<1x16xi32>,
    %get3A_694 = arith.constant 320 : index
    %get3A_695 = tpu.vector_load %arg5[%get3A_694] {strides = array<i32>} : memref<1536xf32, #tpu.memory_space<vmem>>, vector<16xf32>,
    %get3A_696 = vector.shape_cast %get3A_695 : vector<16xf32> to vector<16xf32>
    %sub3A_697 = arith.constant 1.000000e+00 : f32
    %sub3A_698 = vector.broadcast %sub3A_697 : f32 to vector<16xf32>
    %sub3A_699 = arith.subf %get3A_696, %sub3A_698 : vector<16xf32>
    %max3A_700 = arith.constant 0.000000e+00 : f32
    %max3A_701 = vector.broadcast %max3A_700 : f32 to vector<16xf32>
    %max3A_702 = arith.maximumf %sub3A_699, %max3A_701 : vector<16xf32>
    %get3A_703 = arith.constant 832 : index
    %get3A_704 = tpu.vector_load %arg5[%get3A_703] {strides = array<i32>} : memref<1536xf32, #tpu.memory_space<vmem>>, vector<16xf32>,
    %get3A_705 = vector.shape_cast %get3A_704 : vector<16xf32> to vector<16xf32>
    %sub3A_706 = arith.constant 1.000000e+00 : f32
    %sub3A_707 = vector.broadcast %sub3A_706 : f32 to vector<16xf32>
    %sub3A_708 = arith.subf %get3A_705, %sub3A_707 : vector<16xf32>
    %max3A_709 = arith.constant 0.000000e+00 : f32
    %max3A_710 = vector.broadcast %max3A_709 : f32 to vector<16xf32>
    %max3A_711 = arith.maximumf %sub3A_708, %max3A_710 : vector<16xf32>
    %convert_element_type3A_712 = arith.fptosi %max3A_702 : vector<16xf32> to vector<16xi32>
    %swap3A_713 = arith.constant 2 : i32
    %swap3A_714 = arith.index_cast %swap3A_713 : i32 to index
    %swap3A_715 = arith.constant 64 : index
    %swap3A_716 = tpu.vector_load %arg6[%swap3A_714, %swap3A_715] {strides = array<i32>} : memref<8x128xi32, #tpu.memory_space<vmem>>, vector<1x16xi32>,
    %swap3A_717 = vector.shape_cast %swap3A_716 : vector<1x16xi32> to vector<16xi32>
    %swap3A_718 = vector.shape_cast %convert_element_type3A_712 : vector<16xi32> to vector<1x16xi32>
    tpu.vector_store %arg6[%swap3A_714, %swap3A_715], %swap3A_718 {strides = array<i32>} : memref<8x128xi32, #tpu.memory_space<vmem>>, vector<1x16xi32>,
    %convert_element_type3A_719 = arith.fptosi %max3A_711 : vector<16xf32> to vector<16xi32>
    %swap3A_720 = arith.constant 6 : i32
    %swap3A_721 = arith.index_cast %swap3A_720 : i32 to index
    %swap3A_722 = arith.constant 64 : index
    %swap3A_723 = tpu.vector_load %arg6[%swap3A_721, %swap3A_722] {strides = array<i32>} : memref<8x128xi32, #tpu.memory_space<vmem>>, vector<1x16xi32>,
    %swap3A_724 = vector.shape_cast %swap3A_723 : vector<1x16xi32> to vector<16xi32>
    %swap3A_725 = vector.shape_cast %convert_element_type3A_719 : vector<16xi32> to vector<1x16xi32>
    tpu.vector_store %arg6[%swap3A_721, %swap3A_722], %swap3A_725 {strides = array<i32>} : memref<8x128xi32, #tpu.memory_space<vmem>>, vector<1x16xi32>,
    %get3A_726 = arith.constant 336 : index
    %get3A_727 = tpu.vector_load %arg5[%get3A_726] {strides = array<i32>} : memref<1536xf32, #tpu.memory_space<vmem>>, vector<16xf32>,
    %get3A_728 = vector.shape_cast %get3A_727 : vector<16xf32> to vector<16xf32>
    %sub3A_729 = arith.constant 1.000000e+00 : f32
    %sub3A_730 = vector.broadcast %sub3A_729 : f32 to vector<16xf32>
    %sub3A_731 = arith.subf %get3A_728, %sub3A_730 : vector<16xf32>
    %max3A_732 = arith.constant 0.000000e+00 : f32
    %max3A_733 = vector.broadcast %max3A_732 : f32 to vector<16xf32>
    %max3A_734 = arith.maximumf %sub3A_731, %max3A_733 : vector<16xf32>
    %get3A_735 = arith.constant 848 : index
    %get3A_736 = tpu.vector_load %arg5[%get3A_735] {strides = array<i32>} : memref<1536xf32, #tpu.memory_space<vmem>>, vector<16xf32>,
    %get3A_737 = vector.shape_cast %get3A_736 : vector<16xf32> to vector<16xf32>
    %sub3A_738 = arith.constant 1.000000e+00 : f32
    %sub3A_739 = vector.broadcast %sub3A_738 : f32 to vector<16xf32>
    %sub3A_740 = arith.subf %get3A_737, %sub3A_739 : vector<16xf32>
    %max3A_741 = arith.constant 0.000000e+00 : f32
    %max3A_742 = vector.broadcast %max3A_741 : f32 to vector<16xf32>
    %max3A_743 = arith.maximumf %sub3A_740, %max3A_742 : vector<16xf32>
    %convert_element_type3A_744 = arith.fptosi %max3A_734 : vector<16xf32> to vector<16xi32>
    %swap3A_745 = arith.constant 2 : i32
    %swap3A_746 = arith.index_cast %swap3A_745 : i32 to index
    %swap3A_747 = arith.constant 80 : index
    %swap3A_748 = tpu.vector_load %arg6[%swap3A_746, %swap3A_747] {strides = array<i32>} : memref<8x128xi32, #tpu.memory_space<vmem>>, vector<1x16xi32>,
    %swap3A_749 = vector.shape_cast %swap3A_748 : vector<1x16xi32> to vector<16xi32>
    %swap3A_750 = vector.shape_cast %convert_element_type3A_744 : vector<16xi32> to vector<1x16xi32>
    tpu.vector_store %arg6[%swap3A_746, %swap3A_747], %swap3A_750 {strides = array<i32>} : memref<8x128xi32, #tpu.memory_space<vmem>>, vector<1x16xi32>,
    %convert_element_type3A_751 = arith.fptosi %max3A_743 : vector<16xf32> to vector<16xi32>
    %swap3A_752 = arith.constant 6 : i32
    %swap3A_753 = arith.index_cast %swap3A_752 : i32 to index
    %swap3A_754 = arith.constant 80 : index
    %swap3A_755 = tpu.vector_load %arg6[%swap3A_753, %swap3A_754] {strides = array<i32>} : memref<8x128xi32, #tpu.memory_space<vmem>>, vector<1x16xi32>,
    %swap3A_756 = vector.shape_cast %swap3A_755 : vector<1x16xi32> to vector<16xi32>
    %swap3A_757 = vector.shape_cast %convert_element_type3A_751 : vector<16xi32> to vector<1x16xi32>
    tpu.vector_store %arg6[%swap3A_753, %swap3A_754], %swap3A_757 {strides = array<i32>} : memref<8x128xi32, #tpu.memory_space<vmem>>, vector<1x16xi32>,
    %get3A_758 = arith.constant 352 : index
    %get3A_759 = tpu.vector_load %arg5[%get3A_758] {strides = array<i32>} : memref<1536xf32, #tpu.memory_space<vmem>>, vector<16xf32>,
    %get3A_760 = vector.shape_cast %get3A_759 : vector<16xf32> to vector<16xf32>
    %sub3A_761 = arith.constant 1.000000e+00 : f32
    %sub3A_762 = vector.broadcast %sub3A_761 : f32 to vector<16xf32>
    %sub3A_763 = arith.subf %get3A_760, %sub3A_762 : vector<16xf32>
    %max3A_764 = arith.constant 0.000000e+00 : f32
    %max3A_765 = vector.broadcast %max3A_764 : f32 to vector<16xf32>
    %max3A_766 = arith.maximumf %sub3A_763, %max3A_765 : vector<16xf32>
    %get3A_767 = arith.constant 864 : index
    %get3A_768 = tpu.vector_load %arg5[%get3A_767] {strides = array<i32>} : memref<1536xf32, #tpu.memory_space<vmem>>, vector<16xf32>,
    %get3A_769 = vector.shape_cast %get3A_768 : vector<16xf32> to vector<16xf32>
    %sub3A_770 = arith.constant 1.000000e+00 : f32
    %sub3A_771 = vector.broadcast %sub3A_770 : f32 to vector<16xf32>
    %sub3A_772 = arith.subf %get3A_769, %sub3A_771 : vector<16xf32>
    %max3A_773 = arith.constant 0.000000e+00 : f32
    %max3A_774 = vector.broadcast %max3A_773 : f32 to vector<16xf32>
    %max3A_775 = arith.maximumf %sub3A_772, %max3A_774 : vector<16xf32>
    %convert_element_type3A_776 = arith.fptosi %max3A_766 : vector<16xf32> to vector<16xi32>
    %swap3A_777 = arith.constant 2 : i32
    %swap3A_778 = arith.index_cast %swap3A_777 : i32 to index
    %swap3A_779 = arith.constant 96 : index
    %swap3A_780 = tpu.vector_load %arg6[%swap3A_778, %swap3A_779] {strides = array<i32>} : memref<8x128xi32, #tpu.memory_space<vmem>>, vector<1x16xi32>,
    %swap3A_781 = vector.shape_cast %swap3A_780 : vector<1x16xi32> to vector<16xi32>
    %swap3A_782 = vector.shape_cast %convert_element_type3A_776 : vector<16xi32> to vector<1x16xi32>
    tpu.vector_store %arg6[%swap3A_778, %swap3A_779], %swap3A_782 {strides = array<i32>} : memref<8x128xi32, #tpu.memory_space<vmem>>, vector<1x16xi32>,
    %convert_element_type3A_783 = arith.fptosi %max3A_775 : vector<16xf32> to vector<16xi32>
    %swap3A_784 = arith.constant 6 : i32
    %swap3A_785 = arith.index_cast %swap3A_784 : i32 to index
    %swap3A_786 = arith.constant 96 : index
    %swap3A_787 = tpu.vector_load %arg6[%swap3A_785, %swap3A_786] {strides = array<i32>} : memref<8x128xi32, #tpu.memory_space<vmem>>, vector<1x16xi32>,
    %swap3A_788 = vector.shape_cast %swap3A_787 : vector<1x16xi32> to vector<16xi32>
    %swap3A_789 = vector.shape_cast %convert_element_type3A_783 : vector<16xi32> to vector<1x16xi32>
    tpu.vector_store %arg6[%swap3A_785, %swap3A_786], %swap3A_789 {strides = array<i32>} : memref<8x128xi32, #tpu.memory_space<vmem>>, vector<1x16xi32>,
    %get3A_790 = arith.constant 368 : index
    %get3A_791 = tpu.vector_load %arg5[%get3A_790] {strides = array<i32>} : memref<1536xf32, #tpu.memory_space<vmem>>, vector<16xf32>,
    %get3A_792 = vector.shape_cast %get3A_791 : vector<16xf32> to vector<16xf32>
    %sub3A_793 = arith.constant 1.000000e+00 : f32
    %sub3A_794 = vector.broadcast %sub3A_793 : f32 to vector<16xf32>
    %sub3A_795 = arith.subf %get3A_792, %sub3A_794 : vector<16xf32>
    %max3A_796 = arith.constant 0.000000e+00 : f32
    %max3A_797 = vector.broadcast %max3A_796 : f32 to vector<16xf32>
    %max3A_798 = arith.maximumf %sub3A_795, %max3A_797 : vector<16xf32>
    %get3A_799 = arith.constant 880 : index
    %get3A_800 = tpu.vector_load %arg5[%get3A_799] {strides = array<i32>} : memref<1536xf32, #tpu.memory_space<vmem>>, vector<16xf32>,
    %get3A_801 = vector.shape_cast %get3A_800 : vector<16xf32> to vector<16xf32>
    %sub3A_802 = arith.constant 1.000000e+00 : f32
    %sub3A_803 = vector.broadcast %sub3A_802 : f32 to vector<16xf32>
    %sub3A_804 = arith.subf %get3A_801, %sub3A_803 : vector<16xf32>
    %max3A_805 = arith.constant 0.000000e+00 : f32
    %max3A_806 = vector.broadcast %max3A_805 : f32 to vector<16xf32>
    %max3A_807 = arith.maximumf %sub3A_804, %max3A_806 : vector<16xf32>
    %convert_element_type3A_808 = arith.fptosi %max3A_798 : vector<16xf32> to vector<16xi32>
    %swap3A_809 = arith.constant 2 : i32
    %swap3A_810 = arith.index_cast %swap3A_809 : i32 to index
    %swap3A_811 = arith.constant 112 : index
    %swap3A_812 = tpu.vector_load %arg6[%swap3A_810, %swap3A_811] {strides = array<i32>} : memref<8x128xi32, #tpu.memory_space<vmem>>, vector<1x16xi32>,
    %swap3A_813 = vector.shape_cast %swap3A_812 : vector<1x16xi32> to vector<16xi32>
    %swap3A_814 = vector.shape_cast %convert_element_type3A_808 : vector<16xi32> to vector<1x16xi32>
    tpu.vector_store %arg6[%swap3A_810, %swap3A_811], %swap3A_814 {strides = array<i32>} : memref<8x128xi32, #tpu.memory_space<vmem>>, vector<1x16xi32>,
    %convert_element_type3A_815 = arith.fptosi %max3A_807 : vector<16xf32> to vector<16xi32>
    %swap3A_816 = arith.constant 6 : i32
    %swap3A_817 = arith.index_cast %swap3A_816 : i32 to index
    %swap3A_818 = arith.constant 112 : index
    %swap3A_819 = tpu.vector_load %arg6[%swap3A_817, %swap3A_818] {strides = array<i32>} : memref<8x128xi32, #tpu.memory_space<vmem>>, vector<1x16xi32>,
    %swap3A_820 = vector.shape_cast %swap3A_819 : vector<1x16xi32> to vector<16xi32>
    %swap3A_821 = vector.shape_cast %convert_element_type3A_815 : vector<16xi32> to vector<1x16xi32>
    tpu.vector_store %arg6[%swap3A_817, %swap3A_818], %swap3A_821 {strides = array<i32>} : memref<8x128xi32, #tpu.memory_space<vmem>>, vector<1x16xi32>,
    %dma_start3A_822 = arith.constant 2 : i32
    %dma_start3A_823 = arith.constant 2 : i32
    %dma_start3A_824 = arith.constant 2 : i32
    %dma_start3A_825 = arith.constant 0 : i32
    %dma_start3A_826 = tpu.memref_slice %arg7[%dma_start3A_823, %dma_start3A_825] : memref<8x128xf32, #tpu.memory_space<vmem>> -> memref<1x128xf32, #tpu.memory_space<vmem>>
    %dma_start3A_827 = tpu.memref_squeeze %dma_start3A_826 : memref<1x128xf32, #tpu.memory_space<vmem>> -> memref<128xf32, #tpu.memory_space<vmem>>
    %dma_start3A_828 = arith.constant 0 : i32
    %dma_start3A_829 = tpu.memref_slice %arg6[%dma_start3A_822, %dma_start3A_828] : memref<8x128xi32, #tpu.memory_space<vmem>> -> memref<1x128xi32, #tpu.memory_space<vmem>>
    %dma_start3A_830 = tpu.memref_squeeze %dma_start3A_829 : memref<1x128xi32, #tpu.memory_space<vmem>> -> memref<128xi32, #tpu.memory_space<vmem>>
    %dma_start3A_831 = arith.constant 0 : i32
    %dma_start3A_832 = tpu.memref_slice %arg3[%dma_start3A_831] : memref<999999xf32, #tpu.memory_space<hbm>> -> memref<999999xf32, #tpu.memory_space<hbm>>
    %dma_start3A_833 = tpu.memref_slice %arg10[%dma_start3A_824] : memref<4x!tpu.dma_semaphore, #tpu.memory_space<semaphore_mem>> -> memref<1x!tpu.dma_semaphore, #tpu.memory_space<semaphore_mem>>
    %dma_start3A_834 = tpu.memref_squeeze %dma_start3A_833 : memref<1x!tpu.dma_semaphore, #tpu.memory_space<semaphore_mem>> -> memref<!tpu.dma_semaphore, #tpu.memory_space<semaphore_mem>>
    tpu.enqueue_indirect_dma source(%dma_start3A_832 : memref<999999xf32, #tpu.memory_space<hbm>>) target(%dma_start3A_827 : memref<128xf32, #tpu.memory_space<vmem>>) offsets(%dma_start3A_830 : memref<128xi32, #tpu.memory_space<vmem>>) semaphore(%dma_start3A_834 : memref<!tpu.dma_semaphore, #tpu.memory_space<semaphore_mem>>)
    %dma_start3A_835 = arith.constant 6 : i32
    %dma_start3A_836 = arith.constant 6 : i32
    %dma_start3A_837 = arith.constant 2 : i32
    %dma_start3A_838 = arith.constant 0 : i32
    %dma_start3A_839 = tpu.memref_slice %arg7[%dma_start3A_836, %dma_start3A_838] : memref<8x128xf32, #tpu.memory_space<vmem>> -> memref<1x128xf32, #tpu.memory_space<vmem>>
    %dma_start3A_840 = tpu.memref_squeeze %dma_start3A_839 : memref<1x128xf32, #tpu.memory_space<vmem>> -> memref<128xf32, #tpu.memory_space<vmem>>
    %dma_start3A_841 = arith.constant 0 : i32
    %dma_start3A_842 = tpu.memref_slice %arg6[%dma_start3A_835, %dma_start3A_841] : memref<8x128xi32, #tpu.memory_space<vmem>> -> memref<1x128xi32, #tpu.memory_space<vmem>>
    %dma_start3A_843 = tpu.memref_squeeze %dma_start3A_842 : memref<1x128xi32, #tpu.memory_space<vmem>> -> memref<128xi32, #tpu.memory_space<vmem>>
    %dma_start3A_844 = arith.constant 0 : i32
    %dma_start3A_845 = tpu.memref_slice %arg3[%dma_start3A_844] : memref<999999xf32, #tpu.memory_space<hbm>> -> memref<999999xf32, #tpu.memory_space<hbm>>
    %dma_start3A_846 = tpu.memref_slice %arg10[%dma_start3A_837] : memref<4x!tpu.dma_semaphore, #tpu.memory_space<semaphore_mem>> -> memref<1x!tpu.dma_semaphore, #tpu.memory_space<semaphore_mem>>
    %dma_start3A_847 = tpu.memref_squeeze %dma_start3A_846 : memref<1x!tpu.dma_semaphore, #tpu.memory_space<semaphore_mem>> -> memref<!tpu.dma_semaphore, #tpu.memory_space<semaphore_mem>>
    tpu.enqueue_indirect_dma source(%dma_start3A_845 : memref<999999xf32, #tpu.memory_space<hbm>>) target(%dma_start3A_840 : memref<128xf32, #tpu.memory_space<vmem>>) offsets(%dma_start3A_843 : memref<128xi32, #tpu.memory_space<vmem>>) semaphore(%dma_start3A_847 : memref<!tpu.dma_semaphore, #tpu.memory_space<semaphore_mem>>)
    %get3A_848 = arith.constant 384 : index
    %get3A_849 = tpu.vector_load %arg5[%get3A_848] {strides = array<i32>} : memref<1536xf32, #tpu.memory_space<vmem>>, vector<16xf32>,
    %get3A_850 = vector.shape_cast %get3A_849 : vector<16xf32> to vector<16xf32>
    %sub3A_851 = arith.constant 1.000000e+00 : f32
    %sub3A_852 = vector.broadcast %sub3A_851 : f32 to vector<16xf32>
    %sub3A_853 = arith.subf %get3A_850, %sub3A_852 : vector<16xf32>
    %max3A_854 = arith.constant 0.000000e+00 : f32
    %max3A_855 = vector.broadcast %max3A_854 : f32 to vector<16xf32>
    %max3A_856 = arith.maximumf %sub3A_853, %max3A_855 : vector<16xf32>
    %get3A_857 = arith.constant 896 : index
    %get3A_858 = tpu.vector_load %arg5[%get3A_857] {strides = array<i32>} : memref<1536xf32, #tpu.memory_space<vmem>>, vector<16xf32>,
    %get3A_859 = vector.shape_cast %get3A_858 : vector<16xf32> to vector<16xf32>
    %sub3A_860 = arith.constant 1.000000e+00 : f32
    %sub3A_861 = vector.broadcast %sub3A_860 : f32 to vector<16xf32>
    %sub3A_862 = arith.subf %get3A_859, %sub3A_861 : vector<16xf32>
    %max3A_863 = arith.constant 0.000000e+00 : f32
    %max3A_864 = vector.broadcast %max3A_863 : f32 to vector<16xf32>
    %max3A_865 = arith.maximumf %sub3A_862, %max3A_864 : vector<16xf32>
    %convert_element_type3A_866 = arith.fptosi %max3A_856 : vector<16xf32> to vector<16xi32>
    %swap3A_867 = arith.constant 3 : i32
    %swap3A_868 = arith.index_cast %swap3A_867 : i32 to index
    %swap3A_869 = arith.constant 0 : index
    %swap3A_870 = tpu.vector_load %arg6[%swap3A_868, %swap3A_869] {strides = array<i32>} : memref<8x128xi32, #tpu.memory_space<vmem>>, vector<1x16xi32>,
    %swap3A_871 = vector.shape_cast %swap3A_870 : vector<1x16xi32> to vector<16xi32>
    %swap3A_872 = vector.shape_cast %convert_element_type3A_866 : vector<16xi32> to vector<1x16xi32>
    tpu.vector_store %arg6[%swap3A_868, %swap3A_869], %swap3A_872 {strides = array<i32>} : memref<8x128xi32, #tpu.memory_space<vmem>>, vector<1x16xi32>,
    %convert_element_type3A_873 = arith.fptosi %max3A_865 : vector<16xf32> to vector<16xi32>
    %swap3A_874 = arith.constant 7 : i32
    %swap3A_875 = arith.index_cast %swap3A_874 : i32 to index
    %swap3A_876 = arith.constant 0 : index
    %swap3A_877 = tpu.vector_load %arg6[%swap3A_875, %swap3A_876] {strides = array<i32>} : memref<8x128xi32, #tpu.memory_space<vmem>>, vector<1x16xi32>,
    %swap3A_878 = vector.shape_cast %swap3A_877 : vector<1x16xi32> to vector<16xi32>
    %swap3A_879 = vector.shape_cast %convert_element_type3A_873 : vector<16xi32> to vector<1x16xi32>
    tpu.vector_store %arg6[%swap3A_875, %swap3A_876], %swap3A_879 {strides = array<i32>} : memref<8x128xi32, #tpu.memory_space<vmem>>, vector<1x16xi32>,
    %get3A_880 = arith.constant 400 : index
    %get3A_881 = tpu.vector_load %arg5[%get3A_880] {strides = array<i32>} : memref<1536xf32, #tpu.memory_space<vmem>>, vector<16xf32>,
    %get3A_882 = vector.shape_cast %get3A_881 : vector<16xf32> to vector<16xf32>
    %sub3A_883 = arith.constant 1.000000e+00 : f32
    %sub3A_884 = vector.broadcast %sub3A_883 : f32 to vector<16xf32>
    %sub3A_885 = arith.subf %get3A_882, %sub3A_884 : vector<16xf32>
    %max3A_886 = arith.constant 0.000000e+00 : f32
    %max3A_887 = vector.broadcast %max3A_886 : f32 to vector<16xf32>
    %max3A_888 = arith.maximumf %sub3A_885, %max3A_887 : vector<16xf32>
    %get3A_889 = arith.constant 912 : index
    %get3A_890 = tpu.vector_load %arg5[%get3A_889] {strides = array<i32>} : memref<1536xf32, #tpu.memory_space<vmem>>, vector<16xf32>,
    %get3A_891 = vector.shape_cast %get3A_890 : vector<16xf32> to vector<16xf32>
    %sub3A_892 = arith.constant 1.000000e+00 : f32
    %sub3A_893 = vector.broadcast %sub3A_892 : f32 to vector<16xf32>
    %sub3A_894 = arith.subf %get3A_891, %sub3A_893 : vector<16xf32>
    %max3A_895 = arith.constant 0.000000e+00 : f32
    %max3A_896 = vector.broadcast %max3A_895 : f32 to vector<16xf32>
    %max3A_897 = arith.maximumf %sub3A_894, %max3A_896 : vector<16xf32>
    %convert_element_type3A_898 = arith.fptosi %max3A_888 : vector<16xf32> to vector<16xi32>
    %swap3A_899 = arith.constant 3 : i32
    %swap3A_900 = arith.index_cast %swap3A_899 : i32 to index
    %swap3A_901 = arith.constant 16 : index
    %swap3A_902 = tpu.vector_load %arg6[%swap3A_900, %swap3A_901] {strides = array<i32>} : memref<8x128xi32, #tpu.memory_space<vmem>>, vector<1x16xi32>,
    %swap3A_903 = vector.shape_cast %swap3A_902 : vector<1x16xi32> to vector<16xi32>
    %swap3A_904 = vector.shape_cast %convert_element_type3A_898 : vector<16xi32> to vector<1x16xi32>
    tpu.vector_store %arg6[%swap3A_900, %swap3A_901], %swap3A_904 {strides = array<i32>} : memref<8x128xi32, #tpu.memory_space<vmem>>, vector<1x16xi32>,
    %convert_element_type3A_905 = arith.fptosi %max3A_897 : vector<16xf32> to vector<16xi32>
    %swap3A_906 = arith.constant 7 : i32
    %swap3A_907 = arith.index_cast %swap3A_906 : i32 to index
    %swap3A_908 = arith.constant 16 : index
    %swap3A_909 = tpu.vector_load %arg6[%swap3A_907, %swap3A_908] {strides = array<i32>} : memref<8x128xi32, #tpu.memory_space<vmem>>, vector<1x16xi32>,
    %swap3A_910 = vector.shape_cast %swap3A_909 : vector<1x16xi32> to vector<16xi32>
    %swap3A_911 = vector.shape_cast %convert_element_type3A_905 : vector<16xi32> to vector<1x16xi32>
    tpu.vector_store %arg6[%swap3A_907, %swap3A_908], %swap3A_911 {strides = array<i32>} : memref<8x128xi32, #tpu.memory_space<vmem>>, vector<1x16xi32>,
    %get3A_912 = arith.constant 416 : index
    %get3A_913 = tpu.vector_load %arg5[%get3A_912] {strides = array<i32>} : memref<1536xf32, #tpu.memory_space<vmem>>, vector<16xf32>,
    %get3A_914 = vector.shape_cast %get3A_913 : vector<16xf32> to vector<16xf32>
    %sub3A_915 = arith.constant 1.000000e+00 : f32
    %sub3A_916 = vector.broadcast %sub3A_915 : f32 to vector<16xf32>
    %sub3A_917 = arith.subf %get3A_914, %sub3A_916 : vector<16xf32>
    %max3A_918 = arith.constant 0.000000e+00 : f32
    %max3A_919 = vector.broadcast %max3A_918 : f32 to vector<16xf32>
    %max3A_920 = arith.maximumf %sub3A_917, %max3A_919 : vector<16xf32>
    %get3A_921 = arith.constant 928 : index
    %get3A_922 = tpu.vector_load %arg5[%get3A_921] {strides = array<i32>} : memref<1536xf32, #tpu.memory_space<vmem>>, vector<16xf32>,
    %get3A_923 = vector.shape_cast %get3A_922 : vector<16xf32> to vector<16xf32>
    %sub3A_924 = arith.constant 1.000000e+00 : f32
    %sub3A_925 = vector.broadcast %sub3A_924 : f32 to vector<16xf32>
    %sub3A_926 = arith.subf %get3A_923, %sub3A_925 : vector<16xf32>
    %max3A_927 = arith.constant 0.000000e+00 : f32
    %max3A_928 = vector.broadcast %max3A_927 : f32 to vector<16xf32>
    %max3A_929 = arith.maximumf %sub3A_926, %max3A_928 : vector<16xf32>
    %convert_element_type3A_930 = arith.fptosi %max3A_920 : vector<16xf32> to vector<16xi32>
    %swap3A_931 = arith.constant 3 : i32
    %swap3A_932 = arith.index_cast %swap3A_931 : i32 to index
    %swap3A_933 = arith.constant 32 : index
    %swap3A_934 = tpu.vector_load %arg6[%swap3A_932, %swap3A_933] {strides = array<i32>} : memref<8x128xi32, #tpu.memory_space<vmem>>, vector<1x16xi32>,
    %swap3A_935 = vector.shape_cast %swap3A_934 : vector<1x16xi32> to vector<16xi32>
    %swap3A_936 = vector.shape_cast %convert_element_type3A_930 : vector<16xi32> to vector<1x16xi32>
    tpu.vector_store %arg6[%swap3A_932, %swap3A_933], %swap3A_936 {strides = array<i32>} : memref<8x128xi32, #tpu.memory_space<vmem>>, vector<1x16xi32>,
    %convert_element_type3A_937 = arith.fptosi %max3A_929 : vector<16xf32> to vector<16xi32>
    %swap3A_938 = arith.constant 7 : i32
    %swap3A_939 = arith.index_cast %swap3A_938 : i32 to index
    %swap3A_940 = arith.constant 32 : index
    %swap3A_941 = tpu.vector_load %arg6[%swap3A_939, %swap3A_940] {strides = array<i32>} : memref<8x128xi32, #tpu.memory_space<vmem>>, vector<1x16xi32>,
    %swap3A_942 = vector.shape_cast %swap3A_941 : vector<1x16xi32> to vector<16xi32>
    %swap3A_943 = vector.shape_cast %convert_element_type3A_937 : vector<16xi32> to vector<1x16xi32>
    tpu.vector_store %arg6[%swap3A_939, %swap3A_940], %swap3A_943 {strides = array<i32>} : memref<8x128xi32, #tpu.memory_space<vmem>>, vector<1x16xi32>,
    %get3A_944 = arith.constant 432 : index
    %get3A_945 = tpu.vector_load %arg5[%get3A_944] {strides = array<i32>} : memref<1536xf32, #tpu.memory_space<vmem>>, vector<16xf32>,
    %get3A_946 = vector.shape_cast %get3A_945 : vector<16xf32> to vector<16xf32>
    %sub3A_947 = arith.constant 1.000000e+00 : f32
    %sub3A_948 = vector.broadcast %sub3A_947 : f32 to vector<16xf32>
    %sub3A_949 = arith.subf %get3A_946, %sub3A_948 : vector<16xf32>
    %max3A_950 = arith.constant 0.000000e+00 : f32
    %max3A_951 = vector.broadcast %max3A_950 : f32 to vector<16xf32>
    %max3A_952 = arith.maximumf %sub3A_949, %max3A_951 : vector<16xf32>
    %get3A_953 = arith.constant 944 : index
    %get3A_954 = tpu.vector_load %arg5[%get3A_953] {strides = array<i32>} : memref<1536xf32, #tpu.memory_space<vmem>>, vector<16xf32>,
    %get3A_955 = vector.shape_cast %get3A_954 : vector<16xf32> to vector<16xf32>
    %sub3A_956 = arith.constant 1.000000e+00 : f32
    %sub3A_957 = vector.broadcast %sub3A_956 : f32 to vector<16xf32>
    %sub3A_958 = arith.subf %get3A_955, %sub3A_957 : vector<16xf32>
    %max3A_959 = arith.constant 0.000000e+00 : f32
    %max3A_960 = vector.broadcast %max3A_959 : f32 to vector<16xf32>
    %max3A_961 = arith.maximumf %sub3A_958, %max3A_960 : vector<16xf32>
    %convert_element_type3A_962 = arith.fptosi %max3A_952 : vector<16xf32> to vector<16xi32>
    %swap3A_963 = arith.constant 3 : i32
    %swap3A_964 = arith.index_cast %swap3A_963 : i32 to index
    %swap3A_965 = arith.constant 48 : index
    %swap3A_966 = tpu.vector_load %arg6[%swap3A_964, %swap3A_965] {strides = array<i32>} : memref<8x128xi32, #tpu.memory_space<vmem>>, vector<1x16xi32>,
    %swap3A_967 = vector.shape_cast %swap3A_966 : vector<1x16xi32> to vector<16xi32>
    %swap3A_968 = vector.shape_cast %convert_element_type3A_962 : vector<16xi32> to vector<1x16xi32>
    tpu.vector_store %arg6[%swap3A_964, %swap3A_965], %swap3A_968 {strides = array<i32>} : memref<8x128xi32, #tpu.memory_space<vmem>>, vector<1x16xi32>,
    %convert_element_type3A_969 = arith.fptosi %max3A_961 : vector<16xf32> to vector<16xi32>
    %swap3A_970 = arith.constant 7 : i32
    %swap3A_971 = arith.index_cast %swap3A_970 : i32 to index
    %swap3A_972 = arith.constant 48 : index
    %swap3A_973 = tpu.vector_load %arg6[%swap3A_971, %swap3A_972] {strides = array<i32>} : memref<8x128xi32, #tpu.memory_space<vmem>>, vector<1x16xi32>,
    %swap3A_974 = vector.shape_cast %swap3A_973 : vector<1x16xi32> to vector<16xi32>
    %swap3A_975 = vector.shape_cast %convert_element_type3A_969 : vector<16xi32> to vector<1x16xi32>
    tpu.vector_store %arg6[%swap3A_971, %swap3A_972], %swap3A_975 {strides = array<i32>} : memref<8x128xi32, #tpu.memory_space<vmem>>, vector<1x16xi32>,
    %get3A_976 = arith.constant 448 : index
    %get3A_977 = tpu.vector_load %arg5[%get3A_976] {strides = array<i32>} : memref<1536xf32, #tpu.memory_space<vmem>>, vector<16xf32>,
    %get3A_978 = vector.shape_cast %get3A_977 : vector<16xf32> to vector<16xf32>
    %sub3A_979 = arith.constant 1.000000e+00 : f32
    %sub3A_980 = vector.broadcast %sub3A_979 : f32 to vector<16xf32>
    %sub3A_981 = arith.subf %get3A_978, %sub3A_980 : vector<16xf32>
    %max3A_982 = arith.constant 0.000000e+00 : f32
    %max3A_983 = vector.broadcast %max3A_982 : f32 to vector<16xf32>
    %max3A_984 = arith.maximumf %sub3A_981, %max3A_983 : vector<16xf32>
    %get3A_985 = arith.constant 960 : index
    %get3A_986 = tpu.vector_load %arg5[%get3A_985] {strides = array<i32>} : memref<1536xf32, #tpu.memory_space<vmem>>, vector<16xf32>,
    %get3A_987 = vector.shape_cast %get3A_986 : vector<16xf32> to vector<16xf32>
    %sub3A_988 = arith.constant 1.000000e+00 : f32
    %sub3A_989 = vector.broadcast %sub3A_988 : f32 to vector<16xf32>
    %sub3A_990 = arith.subf %get3A_987, %sub3A_989 : vector<16xf32>
    %max3A_991 = arith.constant 0.000000e+00 : f32
    %max3A_992 = vector.broadcast %max3A_991 : f32 to vector<16xf32>
    %max3A_993 = arith.maximumf %sub3A_990, %max3A_992 : vector<16xf32>
    %convert_element_type3A_994 = arith.fptosi %max3A_984 : vector<16xf32> to vector<16xi32>
    %swap3A_995 = arith.constant 3 : i32
    %swap3A_996 = arith.index_cast %swap3A_995 : i32 to index
    %swap3A_997 = arith.constant 64 : index
    %swap3A_998 = tpu.vector_load %arg6[%swap3A_996, %swap3A_997] {strides = array<i32>} : memref<8x128xi32, #tpu.memory_space<vmem>>, vector<1x16xi32>,
    %swap3A_999 = vector.shape_cast %swap3A_998 : vector<1x16xi32> to vector<16xi32>
    %swap3A_1000 = vector.shape_cast %convert_element_type3A_994 : vector<16xi32> to vector<1x16xi32>
    tpu.vector_store %arg6[%swap3A_996, %swap3A_997], %swap3A_1000 {strides = array<i32>} : memref<8x128xi32, #tpu.memory_space<vmem>>, vector<1x16xi32>,
    %convert_element_type3A_1001 = arith.fptosi %max3A_993 : vector<16xf32> to vector<16xi32>
    %swap3A_1002 = arith.constant 7 : i32
    %swap3A_1003 = arith.index_cast %swap3A_1002 : i32 to index
    %swap3A_1004 = arith.constant 64 : index
    %swap3A_1005 = tpu.vector_load %arg6[%swap3A_1003, %swap3A_1004] {strides = array<i32>} : memref<8x128xi32, #tpu.memory_space<vmem>>, vector<1x16xi32>,
    %swap3A_1006 = vector.shape_cast %swap3A_1005 : vector<1x16xi32> to vector<16xi32>
    %swap3A_1007 = vector.shape_cast %convert_element_type3A_1001 : vector<16xi32> to vector<1x16xi32>
    tpu.vector_store %arg6[%swap3A_1003, %swap3A_1004], %swap3A_1007 {strides = array<i32>} : memref<8x128xi32, #tpu.memory_space<vmem>>, vector<1x16xi32>,
    %get3A_1008 = arith.constant 464 : index
    %get3A_1009 = tpu.vector_load %arg5[%get3A_1008] {strides = array<i32>} : memref<1536xf32, #tpu.memory_space<vmem>>, vector<16xf32>,
    %get3A_1010 = vector.shape_cast %get3A_1009 : vector<16xf32> to vector<16xf32>
    %sub3A_1011 = arith.constant 1.000000e+00 : f32
    %sub3A_1012 = vector.broadcast %sub3A_1011 : f32 to vector<16xf32>
    %sub3A_1013 = arith.subf %get3A_1010, %sub3A_1012 : vector<16xf32>
    %max3A_1014 = arith.constant 0.000000e+00 : f32
    %max3A_1015 = vector.broadcast %max3A_1014 : f32 to vector<16xf32>
    %max3A_1016 = arith.maximumf %sub3A_1013, %max3A_1015 : vector<16xf32>
    %get3A_1017 = arith.constant 976 : index
    %get3A_1018 = tpu.vector_load %arg5[%get3A_1017] {strides = array<i32>} : memref<1536xf32, #tpu.memory_space<vmem>>, vector<16xf32>,
    %get3A_1019 = vector.shape_cast %get3A_1018 : vector<16xf32> to vector<16xf32>
    %sub3A_1020 = arith.constant 1.000000e+00 : f32
    %sub3A_1021 = vector.broadcast %sub3A_1020 : f32 to vector<16xf32>
    %sub3A_1022 = arith.subf %get3A_1019, %sub3A_1021 : vector<16xf32>
    %max3A_1023 = arith.constant 0.000000e+00 : f32
    %max3A_1024 = vector.broadcast %max3A_1023 : f32 to vector<16xf32>
    %max3A_1025 = arith.maximumf %sub3A_1022, %max3A_1024 : vector<16xf32>
    %convert_element_type3A_1026 = arith.fptosi %max3A_1016 : vector<16xf32> to vector<16xi32>
    %swap3A_1027 = arith.constant 3 : i32
    %swap3A_1028 = arith.index_cast %swap3A_1027 : i32 to index
    %swap3A_1029 = arith.constant 80 : index
    %swap3A_1030 = tpu.vector_load %arg6[%swap3A_1028, %swap3A_1029] {strides = array<i32>} : memref<8x128xi32, #tpu.memory_space<vmem>>, vector<1x16xi32>,
    %swap3A_1031 = vector.shape_cast %swap3A_1030 : vector<1x16xi32> to vector<16xi32>
    %swap3A_1032 = vector.shape_cast %convert_element_type3A_1026 : vector<16xi32> to vector<1x16xi32>
    tpu.vector_store %arg6[%swap3A_1028, %swap3A_1029], %swap3A_1032 {strides = array<i32>} : memref<8x128xi32, #tpu.memory_space<vmem>>, vector<1x16xi32>,
    %convert_element_type3A_1033 = arith.fptosi %max3A_1025 : vector<16xf32> to vector<16xi32>
    %swap3A_1034 = arith.constant 7 : i32
    %swap3A_1035 = arith.index_cast %swap3A_1034 : i32 to index
    %swap3A_1036 = arith.constant 80 : index
    %swap3A_1037 = tpu.vector_load %arg6[%swap3A_1035, %swap3A_1036] {strides = array<i32>} : memref<8x128xi32, #tpu.memory_space<vmem>>, vector<1x16xi32>,
    %swap3A_1038 = vector.shape_cast %swap3A_1037 : vector<1x16xi32> to vector<16xi32>
    %swap3A_1039 = vector.shape_cast %convert_element_type3A_1033 : vector<16xi32> to vector<1x16xi32>
    tpu.vector_store %arg6[%swap3A_1035, %swap3A_1036], %swap3A_1039 {strides = array<i32>} : memref<8x128xi32, #tpu.memory_space<vmem>>, vector<1x16xi32>,
    %get3A_1040 = arith.constant 480 : index
    %get3A_1041 = tpu.vector_load %arg5[%get3A_1040] {strides = array<i32>} : memref<1536xf32, #tpu.memory_space<vmem>>, vector<16xf32>,
    %get3A_1042 = vector.shape_cast %get3A_1041 : vector<16xf32> to vector<16xf32>
    %sub3A_1043 = arith.constant 1.000000e+00 : f32
    %sub3A_1044 = vector.broadcast %sub3A_1043 : f32 to vector<16xf32>
    %sub3A_1045 = arith.subf %get3A_1042, %sub3A_1044 : vector<16xf32>
    %max3A_1046 = arith.constant 0.000000e+00 : f32
    %max3A_1047 = vector.broadcast %max3A_1046 : f32 to vector<16xf32>
    %max3A_1048 = arith.maximumf %sub3A_1045, %max3A_1047 : vector<16xf32>
    %get3A_1049 = arith.constant 992 : index
    %get3A_1050 = tpu.vector_load %arg5[%get3A_1049] {strides = array<i32>} : memref<1536xf32, #tpu.memory_space<vmem>>, vector<16xf32>,
    %get3A_1051 = vector.shape_cast %get3A_1050 : vector<16xf32> to vector<16xf32>
    %sub3A_1052 = arith.constant 1.000000e+00 : f32
    %sub3A_1053 = vector.broadcast %sub3A_1052 : f32 to vector<16xf32>
    %sub3A_1054 = arith.subf %get3A_1051, %sub3A_1053 : vector<16xf32>
    %max3A_1055 = arith.constant 0.000000e+00 : f32
    %max3A_1056 = vector.broadcast %max3A_1055 : f32 to vector<16xf32>
    %max3A_1057 = arith.maximumf %sub3A_1054, %max3A_1056 : vector<16xf32>
    %convert_element_type3A_1058 = arith.fptosi %max3A_1048 : vector<16xf32> to vector<16xi32>
    %swap3A_1059 = arith.constant 3 : i32
    %swap3A_1060 = arith.index_cast %swap3A_1059 : i32 to index
    %swap3A_1061 = arith.constant 96 : index
    %swap3A_1062 = tpu.vector_load %arg6[%swap3A_1060, %swap3A_1061] {strides = array<i32>} : memref<8x128xi32, #tpu.memory_space<vmem>>, vector<1x16xi32>,
    %swap3A_1063 = vector.shape_cast %swap3A_1062 : vector<1x16xi32> to vector<16xi32>
    %swap3A_1064 = vector.shape_cast %convert_element_type3A_1058 : vector<16xi32> to vector<1x16xi32>
    tpu.vector_store %arg6[%swap3A_1060, %swap3A_1061], %swap3A_1064 {strides = array<i32>} : memref<8x128xi32, #tpu.memory_space<vmem>>, vector<1x16xi32>,
    %convert_element_type3A_1065 = arith.fptosi %max3A_1057 : vector<16xf32> to vector<16xi32>
    %swap3A_1066 = arith.constant 7 : i32
    %swap3A_1067 = arith.index_cast %swap3A_1066 : i32 to index
    %swap3A_1068 = arith.constant 96 : index
    %swap3A_1069 = tpu.vector_load %arg6[%swap3A_1067, %swap3A_1068] {strides = array<i32>} : memref<8x128xi32, #tpu.memory_space<vmem>>, vector<1x16xi32>,
    %swap3A_1070 = vector.shape_cast %swap3A_1069 : vector<1x16xi32> to vector<16xi32>
    %swap3A_1071 = vector.shape_cast %convert_element_type3A_1065 : vector<16xi32> to vector<1x16xi32>
    tpu.vector_store %arg6[%swap3A_1067, %swap3A_1068], %swap3A_1071 {strides = array<i32>} : memref<8x128xi32, #tpu.memory_space<vmem>>, vector<1x16xi32>,
    %get3A_1072 = arith.constant 496 : index
    %get3A_1073 = tpu.vector_load %arg5[%get3A_1072] {strides = array<i32>} : memref<1536xf32, #tpu.memory_space<vmem>>, vector<16xf32>,
    %get3A_1074 = vector.shape_cast %get3A_1073 : vector<16xf32> to vector<16xf32>
    %sub3A_1075 = arith.constant 1.000000e+00 : f32
    %sub3A_1076 = vector.broadcast %sub3A_1075 : f32 to vector<16xf32>
    %sub3A_1077 = arith.subf %get3A_1074, %sub3A_1076 : vector<16xf32>
    %max3A_1078 = arith.constant 0.000000e+00 : f32
    %max3A_1079 = vector.broadcast %max3A_1078 : f32 to vector<16xf32>
    %max3A_1080 = arith.maximumf %sub3A_1077, %max3A_1079 : vector<16xf32>
    %get3A_1081 = arith.constant 1008 : index
    %get3A_1082 = tpu.vector_load %arg5[%get3A_1081] {strides = array<i32>} : memref<1536xf32, #tpu.memory_space<vmem>>, vector<16xf32>,
    %get3A_1083 = vector.shape_cast %get3A_1082 : vector<16xf32> to vector<16xf32>
    %sub3A_1084 = arith.constant 1.000000e+00 : f32
    %sub3A_1085 = vector.broadcast %sub3A_1084 : f32 to vector<16xf32>
    %sub3A_1086 = arith.subf %get3A_1083, %sub3A_1085 : vector<16xf32>
    %max3A_1087 = arith.constant 0.000000e+00 : f32
    %max3A_1088 = vector.broadcast %max3A_1087 : f32 to vector<16xf32>
    %max3A_1089 = arith.maximumf %sub3A_1086, %max3A_1088 : vector<16xf32>
    %convert_element_type3A_1090 = arith.fptosi %max3A_1080 : vector<16xf32> to vector<16xi32>
    %swap3A_1091 = arith.constant 3 : i32
    %swap3A_1092 = arith.index_cast %swap3A_1091 : i32 to index
    %swap3A_1093 = arith.constant 112 : index
    %swap3A_1094 = tpu.vector_load %arg6[%swap3A_1092, %swap3A_1093] {strides = array<i32>} : memref<8x128xi32, #tpu.memory_space<vmem>>, vector<1x16xi32>,
    %swap3A_1095 = vector.shape_cast %swap3A_1094 : vector<1x16xi32> to vector<16xi32>
    %swap3A_1096 = vector.shape_cast %convert_element_type3A_1090 : vector<16xi32> to vector<1x16xi32>
    tpu.vector_store %arg6[%swap3A_1092, %swap3A_1093], %swap3A_1096 {strides = array<i32>} : memref<8x128xi32, #tpu.memory_space<vmem>>, vector<1x16xi32>,
    %convert_element_type3A_1097 = arith.fptosi %max3A_1089 : vector<16xf32> to vector<16xi32>
    %swap3A_1098 = arith.constant 7 : i32
    %swap3A_1099 = arith.index_cast %swap3A_1098 : i32 to index
    %swap3A_1100 = arith.constant 112 : index
    %swap3A_1101 = tpu.vector_load %arg6[%swap3A_1099, %swap3A_1100] {strides = array<i32>} : memref<8x128xi32, #tpu.memory_space<vmem>>, vector<1x16xi32>,
    %swap3A_1102 = vector.shape_cast %swap3A_1101 : vector<1x16xi32> to vector<16xi32>
    %swap3A_1103 = vector.shape_cast %convert_element_type3A_1097 : vector<16xi32> to vector<1x16xi32>
    tpu.vector_store %arg6[%swap3A_1099, %swap3A_1100], %swap3A_1103 {strides = array<i32>} : memref<8x128xi32, #tpu.memory_space<vmem>>, vector<1x16xi32>,
    %dma_start3A_1104 = arith.constant 3 : i32
    %dma_start3A_1105 = arith.constant 3 : i32
    %dma_start3A_1106 = arith.constant 3 : i32
    %dma_start3A_1107 = arith.constant 0 : i32
    %dma_start3A_1108 = tpu.memref_slice %arg7[%dma_start3A_1105, %dma_start3A_1107] : memref<8x128xf32, #tpu.memory_space<vmem>> -> memref<1x128xf32, #tpu.memory_space<vmem>>
    %dma_start3A_1109 = tpu.memref_squeeze %dma_start3A_1108 : memref<1x128xf32, #tpu.memory_space<vmem>> -> memref<128xf32, #tpu.memory_space<vmem>>
    %dma_start3A_1110 = arith.constant 0 : i32
    %dma_start3A_1111 = tpu.memref_slice %arg6[%dma_start3A_1104, %dma_start3A_1110] : memref<8x128xi32, #tpu.memory_space<vmem>> -> memref<1x128xi32, #tpu.memory_space<vmem>>
    %dma_start3A_1112 = tpu.memref_squeeze %dma_start3A_1111 : memref<1x128xi32, #tpu.memory_space<vmem>> -> memref<128xi32, #tpu.memory_space<vmem>>
    %dma_start3A_1113 = arith.constant 0 : i32
    %dma_start3A_1114 = tpu.memref_slice %arg3[%dma_start3A_1113] : memref<999999xf32, #tpu.memory_space<hbm>> -> memref<999999xf32, #tpu.memory_space<hbm>>
    %dma_start3A_1115 = tpu.memref_slice %arg10[%dma_start3A_1106] : memref<4x!tpu.dma_semaphore, #tpu.memory_space<semaphore_mem>> -> memref<1x!tpu.dma_semaphore, #tpu.memory_space<semaphore_mem>>
    %dma_start3A_1116 = tpu.memref_squeeze %dma_start3A_1115 : memref<1x!tpu.dma_semaphore, #tpu.memory_space<semaphore_mem>> -> memref<!tpu.dma_semaphore, #tpu.memory_space<semaphore_mem>>
    tpu.enqueue_indirect_dma source(%dma_start3A_1114 : memref<999999xf32, #tpu.memory_space<hbm>>) target(%dma_start3A_1109 : memref<128xf32, #tpu.memory_space<vmem>>) offsets(%dma_start3A_1112 : memref<128xi32, #tpu.memory_space<vmem>>) semaphore(%dma_start3A_1116 : memref<!tpu.dma_semaphore, #tpu.memory_space<semaphore_mem>>)
    %dma_start3A_1117 = arith.constant 7 : i32
    %dma_start3A_1118 = arith.constant 7 : i32
    %dma_start3A_1119 = arith.constant 3 : i32
    %dma_start3A_1120 = arith.constant 0 : i32
    %dma_start3A_1121 = tpu.memref_slice %arg7[%dma_start3A_1118, %dma_start3A_1120] : memref<8x128xf32, #tpu.memory_space<vmem>> -> memref<1x128xf32, #tpu.memory_space<vmem>>
    %dma_start3A_1122 = tpu.memref_squeeze %dma_start3A_1121 : memref<1x128xf32, #tpu.memory_space<vmem>> -> memref<128xf32, #tpu.memory_space<vmem>>
    %dma_start3A_1123 = arith.constant 0 : i32
    %dma_start3A_1124 = tpu.memref_slice %arg6[%dma_start3A_1117, %dma_start3A_1123] : memref<8x128xi32, #tpu.memory_space<vmem>> -> memref<1x128xi32, #tpu.memory_space<vmem>>
    %dma_start3A_1125 = tpu.memref_squeeze %dma_start3A_1124 : memref<1x128xi32, #tpu.memory_space<vmem>> -> memref<128xi32, #tpu.memory_space<vmem>>
    %dma_start3A_1126 = arith.constant 0 : i32
    %dma_start3A_1127 = tpu.memref_slice %arg3[%dma_start3A_1126] : memref<999999xf32, #tpu.memory_space<hbm>> -> memref<999999xf32, #tpu.memory_space<hbm>>
    %dma_start3A_1128 = tpu.memref_slice %arg10[%dma_start3A_1119] : memref<4x!tpu.dma_semaphore, #tpu.memory_space<semaphore_mem>> -> memref<1x!tpu.dma_semaphore, #tpu.memory_space<semaphore_mem>>
    %dma_start3A_1129 = tpu.memref_squeeze %dma_start3A_1128 : memref<1x!tpu.dma_semaphore, #tpu.memory_space<semaphore_mem>> -> memref<!tpu.dma_semaphore, #tpu.memory_space<semaphore_mem>>
    tpu.enqueue_indirect_dma source(%dma_start3A_1127 : memref<999999xf32, #tpu.memory_space<hbm>>) target(%dma_start3A_1122 : memref<128xf32, #tpu.memory_space<vmem>>) offsets(%dma_start3A_1125 : memref<128xi32, #tpu.memory_space<vmem>>) semaphore(%dma_start3A_1129 : memref<!tpu.dma_semaphore, #tpu.memory_space<semaphore_mem>>)
    %dma_wait3A_1130 = arith.constant 0 : i32
    %dma_wait3A_1131 = arith.constant 0 : i32
    %dma_wait3A_1132 = arith.constant 0 : i32
    %dma_wait3A_1133 = arith.constant 0 : i32
    %dma_wait3A_1134 = tpu.memref_slice %arg7[%dma_wait3A_1131, %dma_wait3A_1133] : memref<8x128xf32, #tpu.memory_space<vmem>> -> memref<1x128xf32, #tpu.memory_space<vmem>>
    %dma_wait3A_1135 = tpu.memref_squeeze %dma_wait3A_1134 : memref<1x128xf32, #tpu.memory_space<vmem>> -> memref<128xf32, #tpu.memory_space<vmem>>
    %dma_wait3A_1136 = arith.constant 0 : i32
    %dma_wait3A_1137 = tpu.memref_slice %arg6[%dma_wait3A_1130, %dma_wait3A_1136] : memref<8x128xi32, #tpu.memory_space<vmem>> -> memref<1x128xi32, #tpu.memory_space<vmem>>
    %dma_wait3A_1138 = tpu.memref_squeeze %dma_wait3A_1137 : memref<1x128xi32, #tpu.memory_space<vmem>> -> memref<128xi32, #tpu.memory_space<vmem>>
    %dma_wait3A_1139 = arith.constant 0 : i32
    %dma_wait3A_1140 = tpu.memref_slice %arg3[%dma_wait3A_1139] : memref<999999xf32, #tpu.memory_space<hbm>> -> memref<999999xf32, #tpu.memory_space<hbm>>
    %dma_wait3A_1141 = tpu.memref_slice %arg10[%dma_wait3A_1132] : memref<4x!tpu.dma_semaphore, #tpu.memory_space<semaphore_mem>> -> memref<1x!tpu.dma_semaphore, #tpu.memory_space<semaphore_mem>>
    %dma_wait3A_1142 = tpu.memref_squeeze %dma_wait3A_1141 : memref<1x!tpu.dma_semaphore, #tpu.memory_space<semaphore_mem>> -> memref<!tpu.dma_semaphore, #tpu.memory_space<semaphore_mem>>
    tpu.wait_indirect_dma semaphore(%dma_wait3A_1142 : memref<!tpu.dma_semaphore, #tpu.memory_space<semaphore_mem>>) src(%dma_wait3A_1140 : memref<999999xf32, #tpu.memory_space<hbm>>) dst(%dma_wait3A_1135 : memref<128xf32, #tpu.memory_space<vmem>>)
    %dma_wait3A_1143 = arith.constant 4 : i32
    %dma_wait3A_1144 = arith.constant 4 : i32
    %dma_wait3A_1145 = arith.constant 0 : i32
    %dma_wait3A_1146 = arith.constant 0 : i32
    %dma_wait3A_1147 = tpu.memref_slice %arg7[%dma_wait3A_1144, %dma_wait3A_1146] : memref<8x128xf32, #tpu.memory_space<vmem>> -> memref<1x128xf32, #tpu.memory_space<vmem>>
    %dma_wait3A_1148 = tpu.memref_squeeze %dma_wait3A_1147 : memref<1x128xf32, #tpu.memory_space<vmem>> -> memref<128xf32, #tpu.memory_space<vmem>>
    %dma_wait3A_1149 = arith.constant 0 : i32
    %dma_wait3A_1150 = tpu.memref_slice %arg6[%dma_wait3A_1143, %dma_wait3A_1149] : memref<8x128xi32, #tpu.memory_space<vmem>> -> memref<1x128xi32, #tpu.memory_space<vmem>>
    %dma_wait3A_1151 = tpu.memref_squeeze %dma_wait3A_1150 : memref<1x128xi32, #tpu.memory_space<vmem>> -> memref<128xi32, #tpu.memory_space<vmem>>
    %dma_wait3A_1152 = arith.constant 0 : i32
    %dma_wait3A_1153 = tpu.memref_slice %arg3[%dma_wait3A_1152] : memref<999999xf32, #tpu.memory_space<hbm>> -> memref<999999xf32, #tpu.memory_space<hbm>>
    %dma_wait3A_1154 = tpu.memref_slice %arg10[%dma_wait3A_1145] : memref<4x!tpu.dma_semaphore, #tpu.memory_space<semaphore_mem>> -> memref<1x!tpu.dma_semaphore, #tpu.memory_space<semaphore_mem>>
    %dma_wait3A_1155 = tpu.memref_squeeze %dma_wait3A_1154 : memref<1x!tpu.dma_semaphore, #tpu.memory_space<semaphore_mem>> -> memref<!tpu.dma_semaphore, #tpu.memory_space<semaphore_mem>>
    tpu.wait_indirect_dma semaphore(%dma_wait3A_1155 : memref<!tpu.dma_semaphore, #tpu.memory_space<semaphore_mem>>) src(%dma_wait3A_1153 : memref<999999xf32, #tpu.memory_space<hbm>>) dst(%dma_wait3A_1148 : memref<128xf32, #tpu.memory_space<vmem>>)
    %get3A_1156 = arith.constant 0 : index
    %get3A_1157 = tpu.vector_load %arg5[%get3A_1156] {strides = array<i32>} : memref<1536xf32, #tpu.memory_space<vmem>>, vector<16xf32>,
    %get3A_1158 = vector.shape_cast %get3A_1157 : vector<16xf32> to vector<16xf32>
    %eq3A = arith.constant 0.000000e+00 : f32
    %eq3A_1159 = vector.broadcast %eq3A : f32 to vector<16xf32>
    %eq3A_1160 = arith.cmpf oeq, %get3A_1158, %eq3A_1159 : vector<16xf32>
    %get3A_1161 = arith.constant 0 : i32
    %get3A_1162 = arith.index_cast %get3A_1161 : i32 to index
    %get3A_1163 = arith.constant 0 : index
    %get3A_1164 = tpu.vector_load %arg7[%get3A_1162, %get3A_1163] {strides = array<i32>} : memref<8x128xf32, #tpu.memory_space<vmem>>, vector<1x16xf32>,
    %get3A_1165 = vector.shape_cast %get3A_1164 : vector<1x16xf32> to vector<16xf32>
    %jit3A = arith.constant 0.000000e+00 : f32
    %broadcast_in_dim3A = vector.broadcast %jit3A : f32 to vector<16xf32>
    %select_n3A = arith.select %eq3A_1160, %broadcast_in_dim3A, %get3A_1165 : vector<16xi1>, vector<16xf32>
    %get3A_1166 = arith.constant 512 : index
    %get3A_1167 = tpu.vector_load %arg5[%get3A_1166] {strides = array<i32>} : memref<1536xf32, #tpu.memory_space<vmem>>, vector<16xf32>,
    %get3A_1168 = vector.shape_cast %get3A_1167 : vector<16xf32> to vector<16xf32>
    %eq3A_1169 = arith.constant 0.000000e+00 : f32
    %eq3A_1170 = vector.broadcast %eq3A_1169 : f32 to vector<16xf32>
    %eq3A_1171 = arith.cmpf oeq, %get3A_1168, %eq3A_1170 : vector<16xf32>
    %get3A_1172 = arith.constant 4 : i32
    %get3A_1173 = arith.index_cast %get3A_1172 : i32 to index
    %get3A_1174 = arith.constant 0 : index
    %get3A_1175 = tpu.vector_load %arg7[%get3A_1173, %get3A_1174] {strides = array<i32>} : memref<8x128xf32, #tpu.memory_space<vmem>>, vector<1x16xf32>,
    %get3A_1176 = vector.shape_cast %get3A_1175 : vector<1x16xf32> to vector<16xf32>
    %jit3A_1177 = arith.constant 0.000000e+00 : f32
    %broadcast_in_dim3A_1178 = vector.broadcast %jit3A_1177 : f32 to vector<16xf32>
    %select_n3A_1179 = arith.select %eq3A_1171, %broadcast_in_dim3A_1178, %get3A_1176 : vector<16xi1>, vector<16xf32>
    %sub3A_1180 = arith.subf %select_n3A, %select_n3A_1179 : vector<16xf32>
    %max3A_1181 = arith.constant 0.000000e+00 : f32
    %max3A_1182 = vector.broadcast %max3A_1181 : f32 to vector<16xf32>
    %max3A_1183 = arith.maximumf %sub3A_1180, %max3A_1182 : vector<16xf32>
    %abs3A = math.absf %sub3A_1180 : vector<16xf32>
    %neg3A = arith.constant 0.000000e+00 : f32
    %neg3A_1184 = vector.broadcast %neg3A : f32 to vector<16xf32>
    %neg3A_1185 = arith.subf %neg3A_1184, %abs3A : vector<16xf32>
    %exp3A = math.exp %neg3A_1185 : vector<16xf32>
    %add3A_1186 = arith.constant 2.000000e+00 : f32
    %add3A_1187 = vector.broadcast %add3A_1186 : f32 to vector<16xf32>
    %add3A_1188 = arith.addf %exp3A, %add3A_1187 : vector<16xf32>
    %div3A = arith.divf %exp3A, %add3A_1188 : vector<16xf32>
    %mul3A_1189 = arith.mulf %div3A, %div3A : vector<16xf32>
    %mul3A_1190 = arith.constant 2.000000e+00 : f32
    %mul3A_1191 = vector.broadcast %mul3A_1190 : f32 to vector<16xf32>
    %mul3A_1192 = arith.mulf %mul3A_1191, %div3A : vector<16xf32>
    %mul3A_1193 = arith.constant 2.000000e-01 : f32
    %mul3A_1194 = vector.broadcast %mul3A_1193 : f32 to vector<16xf32>
    %mul3A_1195 = arith.mulf %mul3A_1189, %mul3A_1194 : vector<16xf32>
    %add3A_1196 = arith.constant 0.333333343 : f32
    %add3A_1197 = vector.broadcast %add3A_1196 : f32 to vector<16xf32>
    %add3A_1198 = arith.addf %add3A_1197, %mul3A_1195 : vector<16xf32>
    %mul3A_1199 = arith.mulf %mul3A_1189, %add3A_1198 : vector<16xf32>
    %add3A_1200 = arith.constant 1.000000e+00 : f32
    %add3A_1201 = vector.broadcast %add3A_1200 : f32 to vector<16xf32>
    %add3A_1202 = arith.addf %add3A_1201, %mul3A_1199 : vector<16xf32>
    %mul3A_1203 = arith.mulf %mul3A_1192, %add3A_1202 : vector<16xf32>
    %add3A_1204 = arith.addf %max3A_1183, %mul3A_1203 : vector<16xf32>
    %get3A_1205 = arith.constant 1024 : index
    %get3A_1206 = tpu.vector_load %arg5[%get3A_1205] {strides = array<i32>} : memref<1536xf32, #tpu.memory_space<vmem>>, vector<16xf32>,
    %get3A_1207 = vector.shape_cast %get3A_1206 : vector<16xf32> to vector<16xf32>
    %mul3A_1208 = arith.mulf %get3A_1207, %sub3A_1180 : vector<16xf32>
    %sub3A_1209 = arith.subf %add3A_1204, %mul3A_1208 : vector<16xf32>
    %swap3A_1210 = arith.constant 0 : index
    %swap3A_1211 = tpu.vector_load %arg8[%swap3A_1210] {strides = array<i32>} : memref<512xf32, #tpu.memory_space<vmem>>, vector<16xf32>,
    %swap3A_1212 = vector.shape_cast %swap3A_1211 : vector<16xf32> to vector<16xf32>
    %swap3A_1213 = vector.shape_cast %sub3A_1209 : vector<16xf32> to vector<16xf32>
    tpu.vector_store %arg8[%swap3A_1210], %swap3A_1213 {strides = array<i32>} : memref<512xf32, #tpu.memory_space<vmem>>, vector<16xf32>,
    %get3A_1214 = arith.constant 16 : index
    %get3A_1215 = tpu.vector_load %arg5[%get3A_1214] {strides = array<i32>} : memref<1536xf32, #tpu.memory_space<vmem>>, vector<16xf32>,
    %get3A_1216 = vector.shape_cast %get3A_1215 : vector<16xf32> to vector<16xf32>
    %eq3A_1217 = arith.constant 0.000000e+00 : f32
    %eq3A_1218 = vector.broadcast %eq3A_1217 : f32 to vector<16xf32>
    %eq3A_1219 = arith.cmpf oeq, %get3A_1216, %eq3A_1218 : vector<16xf32>
    %get3A_1220 = arith.constant 0 : i32
    %get3A_1221 = arith.index_cast %get3A_1220 : i32 to index
    %get3A_1222 = arith.constant 16 : index
    %get3A_1223 = tpu.vector_load %arg7[%get3A_1221, %get3A_1222] {strides = array<i32>} : memref<8x128xf32, #tpu.memory_space<vmem>>, vector<1x16xf32>,
    %get3A_1224 = vector.shape_cast %get3A_1223 : vector<1x16xf32> to vector<16xf32>
    %jit3A_1225 = arith.constant 0.000000e+00 : f32
    %broadcast_in_dim3A_1226 = vector.broadcast %jit3A_1225 : f32 to vector<16xf32>
    %select_n3A_1227 = arith.select %eq3A_1219, %broadcast_in_dim3A_1226, %get3A_1224 : vector<16xi1>, vector<16xf32>
    %get3A_1228 = arith.constant 528 : index
    %get3A_1229 = tpu.vector_load %arg5[%get3A_1228] {strides = array<i32>} : memref<1536xf32, #tpu.memory_space<vmem>>, vector<16xf32>,
    %get3A_1230 = vector.shape_cast %get3A_1229 : vector<16xf32> to vector<16xf32>
    %eq3A_1231 = arith.constant 0.000000e+00 : f32
    %eq3A_1232 = vector.broadcast %eq3A_1231 : f32 to vector<16xf32>
    %eq3A_1233 = arith.cmpf oeq, %get3A_1230, %eq3A_1232 : vector<16xf32>
    %get3A_1234 = arith.constant 4 : i32
    %get3A_1235 = arith.index_cast %get3A_1234 : i32 to index
    %get3A_1236 = arith.constant 16 : index
    %get3A_1237 = tpu.vector_load %arg7[%get3A_1235, %get3A_1236] {strides = array<i32>} : memref<8x128xf32, #tpu.memory_space<vmem>>, vector<1x16xf32>,
    %get3A_1238 = vector.shape_cast %get3A_1237 : vector<1x16xf32> to vector<16xf32>
    %jit3A_1239 = arith.constant 0.000000e+00 : f32
    %broadcast_in_dim3A_1240 = vector.broadcast %jit3A_1239 : f32 to vector<16xf32>
    %select_n3A_1241 = arith.select %eq3A_1233, %broadcast_in_dim3A_1240, %get3A_1238 : vector<16xi1>, vector<16xf32>
    %sub3A_1242 = arith.subf %select_n3A_1227, %select_n3A_1241 : vector<16xf32>
    %max3A_1243 = arith.constant 0.000000e+00 : f32
    %max3A_1244 = vector.broadcast %max3A_1243 : f32 to vector<16xf32>
    %max3A_1245 = arith.maximumf %sub3A_1242, %max3A_1244 : vector<16xf32>
    %abs3A_1246 = math.absf %sub3A_1242 : vector<16xf32>
    %neg3A_1247 = arith.constant 0.000000e+00 : f32
    %neg3A_1248 = vector.broadcast %neg3A_1247 : f32 to vector<16xf32>
    %neg3A_1249 = arith.subf %neg3A_1248, %abs3A_1246 : vector<16xf32>
    %exp3A_1250 = math.exp %neg3A_1249 : vector<16xf32>
    %add3A_1251 = arith.constant 2.000000e+00 : f32
    %add3A_1252 = vector.broadcast %add3A_1251 : f32 to vector<16xf32>
    %add3A_1253 = arith.addf %exp3A_1250, %add3A_1252 : vector<16xf32>
    %div3A_1254 = arith.divf %exp3A_1250, %add3A_1253 : vector<16xf32>
    %mul3A_1255 = arith.mulf %div3A_1254, %div3A_1254 : vector<16xf32>
    %mul3A_1256 = arith.constant 2.000000e+00 : f32
    %mul3A_1257 = vector.broadcast %mul3A_1256 : f32 to vector<16xf32>
    %mul3A_1258 = arith.mulf %mul3A_1257, %div3A_1254 : vector<16xf32>
    %mul3A_1259 = arith.constant 2.000000e-01 : f32
    %mul3A_1260 = vector.broadcast %mul3A_1259 : f32 to vector<16xf32>
    %mul3A_1261 = arith.mulf %mul3A_1255, %mul3A_1260 : vector<16xf32>
    %add3A_1262 = arith.constant 0.333333343 : f32
    %add3A_1263 = vector.broadcast %add3A_1262 : f32 to vector<16xf32>
    %add3A_1264 = arith.addf %add3A_1263, %mul3A_1261 : vector<16xf32>
    %mul3A_1265 = arith.mulf %mul3A_1255, %add3A_1264 : vector<16xf32>
    %add3A_1266 = arith.constant 1.000000e+00 : f32
    %add3A_1267 = vector.broadcast %add3A_1266 : f32 to vector<16xf32>
    %add3A_1268 = arith.addf %add3A_1267, %mul3A_1265 : vector<16xf32>
    %mul3A_1269 = arith.mulf %mul3A_1258, %add3A_1268 : vector<16xf32>
    %add3A_1270 = arith.addf %max3A_1245, %mul3A_1269 : vector<16xf32>
    %get3A_1271 = arith.constant 1040 : index
    %get3A_1272 = tpu.vector_load %arg5[%get3A_1271] {strides = array<i32>} : memref<1536xf32, #tpu.memory_space<vmem>>, vector<16xf32>,
    %get3A_1273 = vector.shape_cast %get3A_1272 : vector<16xf32> to vector<16xf32>
    %mul3A_1274 = arith.mulf %get3A_1273, %sub3A_1242 : vector<16xf32>
    %sub3A_1275 = arith.subf %add3A_1270, %mul3A_1274 : vector<16xf32>
    %swap3A_1276 = arith.constant 16 : index
    %swap3A_1277 = tpu.vector_load %arg8[%swap3A_1276] {strides = array<i32>} : memref<512xf32, #tpu.memory_space<vmem>>, vector<16xf32>,
    %swap3A_1278 = vector.shape_cast %swap3A_1277 : vector<16xf32> to vector<16xf32>
    %swap3A_1279 = vector.shape_cast %sub3A_1275 : vector<16xf32> to vector<16xf32>
    tpu.vector_store %arg8[%swap3A_1276], %swap3A_1279 {strides = array<i32>} : memref<512xf32, #tpu.memory_space<vmem>>, vector<16xf32>,
    %get3A_1280 = arith.constant 32 : index
    %get3A_1281 = tpu.vector_load %arg5[%get3A_1280] {strides = array<i32>} : memref<1536xf32, #tpu.memory_space<vmem>>, vector<16xf32>,
    %get3A_1282 = vector.shape_cast %get3A_1281 : vector<16xf32> to vector<16xf32>
    %eq3A_1283 = arith.constant 0.000000e+00 : f32
    %eq3A_1284 = vector.broadcast %eq3A_1283 : f32 to vector<16xf32>
    %eq3A_1285 = arith.cmpf oeq, %get3A_1282, %eq3A_1284 : vector<16xf32>
    %get3A_1286 = arith.constant 0 : i32
    %get3A_1287 = arith.index_cast %get3A_1286 : i32 to index
    %get3A_1288 = arith.constant 32 : index
    %get3A_1289 = tpu.vector_load %arg7[%get3A_1287, %get3A_1288] {strides = array<i32>} : memref<8x128xf32, #tpu.memory_space<vmem>>, vector<1x16xf32>,
    %get3A_1290 = vector.shape_cast %get3A_1289 : vector<1x16xf32> to vector<16xf32>
    %jit3A_1291 = arith.constant 0.000000e+00 : f32
    %broadcast_in_dim3A_1292 = vector.broadcast %jit3A_1291 : f32 to vector<16xf32>
    %select_n3A_1293 = arith.select %eq3A_1285, %broadcast_in_dim3A_1292, %get3A_1290 : vector<16xi1>, vector<16xf32>
    %get3A_1294 = arith.constant 544 : index
    %get3A_1295 = tpu.vector_load %arg5[%get3A_1294] {strides = array<i32>} : memref<1536xf32, #tpu.memory_space<vmem>>, vector<16xf32>,
    %get3A_1296 = vector.shape_cast %get3A_1295 : vector<16xf32> to vector<16xf32>
    %eq3A_1297 = arith.constant 0.000000e+00 : f32
    %eq3A_1298 = vector.broadcast %eq3A_1297 : f32 to vector<16xf32>
    %eq3A_1299 = arith.cmpf oeq, %get3A_1296, %eq3A_1298 : vector<16xf32>
    %get3A_1300 = arith.constant 4 : i32
    %get3A_1301 = arith.index_cast %get3A_1300 : i32 to index
    %get3A_1302 = arith.constant 32 : index
    %get3A_1303 = tpu.vector_load %arg7[%get3A_1301, %get3A_1302] {strides = array<i32>} : memref<8x128xf32, #tpu.memory_space<vmem>>, vector<1x16xf32>,
    %get3A_1304 = vector.shape_cast %get3A_1303 : vector<1x16xf32> to vector<16xf32>
    %jit3A_1305 = arith.constant 0.000000e+00 : f32
    %broadcast_in_dim3A_1306 = vector.broadcast %jit3A_1305 : f32 to vector<16xf32>
    %select_n3A_1307 = arith.select %eq3A_1299, %broadcast_in_dim3A_1306, %get3A_1304 : vector<16xi1>, vector<16xf32>
    %sub3A_1308 = arith.subf %select_n3A_1293, %select_n3A_1307 : vector<16xf32>
    %max3A_1309 = arith.constant 0.000000e+00 : f32
    %max3A_1310 = vector.broadcast %max3A_1309 : f32 to vector<16xf32>
    %max3A_1311 = arith.maximumf %sub3A_1308, %max3A_1310 : vector<16xf32>
    %abs3A_1312 = math.absf %sub3A_1308 : vector<16xf32>
    %neg3A_1313 = arith.constant 0.000000e+00 : f32
    %neg3A_1314 = vector.broadcast %neg3A_1313 : f32 to vector<16xf32>
    %neg3A_1315 = arith.subf %neg3A_1314, %abs3A_1312 : vector<16xf32>
    %exp3A_1316 = math.exp %neg3A_1315 : vector<16xf32>
    %add3A_1317 = arith.constant 2.000000e+00 : f32
    %add3A_1318 = vector.broadcast %add3A_1317 : f32 to vector<16xf32>
    %add3A_1319 = arith.addf %exp3A_1316, %add3A_1318 : vector<16xf32>
    %div3A_1320 = arith.divf %exp3A_1316, %add3A_1319 : vector<16xf32>
    %mul3A_1321 = arith.mulf %div3A_1320, %div3A_1320 : vector<16xf32>
    %mul3A_1322 = arith.constant 2.000000e+00 : f32
    %mul3A_1323 = vector.broadcast %mul3A_1322 : f32 to vector<16xf32>
    %mul3A_1324 = arith.mulf %mul3A_1323, %div3A_1320 : vector<16xf32>
    %mul3A_1325 = arith.constant 2.000000e-01 : f32
    %mul3A_1326 = vector.broadcast %mul3A_1325 : f32 to vector<16xf32>
    %mul3A_1327 = arith.mulf %mul3A_1321, %mul3A_1326 : vector<16xf32>
    %add3A_1328 = arith.constant 0.333333343 : f32
    %add3A_1329 = vector.broadcast %add3A_1328 : f32 to vector<16xf32>
    %add3A_1330 = arith.addf %add3A_1329, %mul3A_1327 : vector<16xf32>
    %mul3A_1331 = arith.mulf %mul3A_1321, %add3A_1330 : vector<16xf32>
    %add3A_1332 = arith.constant 1.000000e+00 : f32
    %add3A_1333 = vector.broadcast %add3A_1332 : f32 to vector<16xf32>
    %add3A_1334 = arith.addf %add3A_1333, %mul3A_1331 : vector<16xf32>
    %mul3A_1335 = arith.mulf %mul3A_1324, %add3A_1334 : vector<16xf32>
    %add3A_1336 = arith.addf %max3A_1311, %mul3A_1335 : vector<16xf32>
    %get3A_1337 = arith.constant 1056 : index
    %get3A_1338 = tpu.vector_load %arg5[%get3A_1337] {strides = array<i32>} : memref<1536xf32, #tpu.memory_space<vmem>>, vector<16xf32>,
    %get3A_1339 = vector.shape_cast %get3A_1338 : vector<16xf32> to vector<16xf32>
    %mul3A_1340 = arith.mulf %get3A_1339, %sub3A_1308 : vector<16xf32>
    %sub3A_1341 = arith.subf %add3A_1336, %mul3A_1340 : vector<16xf32>
    %swap3A_1342 = arith.constant 32 : index
    %swap3A_1343 = tpu.vector_load %arg8[%swap3A_1342] {strides = array<i32>} : memref<512xf32, #tpu.memory_space<vmem>>, vector<16xf32>,
    %swap3A_1344 = vector.shape_cast %swap3A_1343 : vector<16xf32> to vector<16xf32>
    %swap3A_1345 = vector.shape_cast %sub3A_1341 : vector<16xf32> to vector<16xf32>
    tpu.vector_store %arg8[%swap3A_1342], %swap3A_1345 {strides = array<i32>} : memref<512xf32, #tpu.memory_space<vmem>>, vector<16xf32>,
    %get3A_1346 = arith.constant 48 : index
    %get3A_1347 = tpu.vector_load %arg5[%get3A_1346] {strides = array<i32>} : memref<1536xf32, #tpu.memory_space<vmem>>, vector<16xf32>,
    %get3A_1348 = vector.shape_cast %get3A_1347 : vector<16xf32> to vector<16xf32>
    %eq3A_1349 = arith.constant 0.000000e+00 : f32
    %eq3A_1350 = vector.broadcast %eq3A_1349 : f32 to vector<16xf32>
    %eq3A_1351 = arith.cmpf oeq, %get3A_1348, %eq3A_1350 : vector<16xf32>
    %get3A_1352 = arith.constant 0 : i32
    %get3A_1353 = arith.index_cast %get3A_1352 : i32 to index
    %get3A_1354 = arith.constant 48 : index
    %get3A_1355 = tpu.vector_load %arg7[%get3A_1353, %get3A_1354] {strides = array<i32>} : memref<8x128xf32, #tpu.memory_space<vmem>>, vector<1x16xf32>,
    %get3A_1356 = vector.shape_cast %get3A_1355 : vector<1x16xf32> to vector<16xf32>
    %jit3A_1357 = arith.constant 0.000000e+00 : f32
    %broadcast_in_dim3A_1358 = vector.broadcast %jit3A_1357 : f32 to vector<16xf32>
    %select_n3A_1359 = arith.select %eq3A_1351, %broadcast_in_dim3A_1358, %get3A_1356 : vector<16xi1>, vector<16xf32>
    %get3A_1360 = arith.constant 560 : index
    %get3A_1361 = tpu.vector_load %arg5[%get3A_1360] {strides = array<i32>} : memref<1536xf32, #tpu.memory_space<vmem>>, vector<16xf32>,
    %get3A_1362 = vector.shape_cast %get3A_1361 : vector<16xf32> to vector<16xf32>
    %eq3A_1363 = arith.constant 0.000000e+00 : f32
    %eq3A_1364 = vector.broadcast %eq3A_1363 : f32 to vector<16xf32>
    %eq3A_1365 = arith.cmpf oeq, %get3A_1362, %eq3A_1364 : vector<16xf32>
    %get3A_1366 = arith.constant 4 : i32
    %get3A_1367 = arith.index_cast %get3A_1366 : i32 to index
    %get3A_1368 = arith.constant 48 : index
    %get3A_1369 = tpu.vector_load %arg7[%get3A_1367, %get3A_1368] {strides = array<i32>} : memref<8x128xf32, #tpu.memory_space<vmem>>, vector<1x16xf32>,
    %get3A_1370 = vector.shape_cast %get3A_1369 : vector<1x16xf32> to vector<16xf32>
    %jit3A_1371 = arith.constant 0.000000e+00 : f32
    %broadcast_in_dim3A_1372 = vector.broadcast %jit3A_1371 : f32 to vector<16xf32>
    %select_n3A_1373 = arith.select %eq3A_1365, %broadcast_in_dim3A_1372, %get3A_1370 : vector<16xi1>, vector<16xf32>
    %sub3A_1374 = arith.subf %select_n3A_1359, %select_n3A_1373 : vector<16xf32>
    %max3A_1375 = arith.constant 0.000000e+00 : f32
    %max3A_1376 = vector.broadcast %max3A_1375 : f32 to vector<16xf32>
    %max3A_1377 = arith.maximumf %sub3A_1374, %max3A_1376 : vector<16xf32>
    %abs3A_1378 = math.absf %sub3A_1374 : vector<16xf32>
    %neg3A_1379 = arith.constant 0.000000e+00 : f32
    %neg3A_1380 = vector.broadcast %neg3A_1379 : f32 to vector<16xf32>
    %neg3A_1381 = arith.subf %neg3A_1380, %abs3A_1378 : vector<16xf32>
    %exp3A_1382 = math.exp %neg3A_1381 : vector<16xf32>
    %add3A_1383 = arith.constant 2.000000e+00 : f32
    %add3A_1384 = vector.broadcast %add3A_1383 : f32 to vector<16xf32>
    %add3A_1385 = arith.addf %exp3A_1382, %add3A_1384 : vector<16xf32>
    %div3A_1386 = arith.divf %exp3A_1382, %add3A_1385 : vector<16xf32>
    %mul3A_1387 = arith.mulf %div3A_1386, %div3A_1386 : vector<16xf32>
    %mul3A_1388 = arith.constant 2.000000e+00 : f32
    %mul3A_1389 = vector.broadcast %mul3A_1388 : f32 to vector<16xf32>
    %mul3A_1390 = arith.mulf %mul3A_1389, %div3A_1386 : vector<16xf32>
    %mul3A_1391 = arith.constant 2.000000e-01 : f32
    %mul3A_1392 = vector.broadcast %mul3A_1391 : f32 to vector<16xf32>
    %mul3A_1393 = arith.mulf %mul3A_1387, %mul3A_1392 : vector<16xf32>
    %add3A_1394 = arith.constant 0.333333343 : f32
    %add3A_1395 = vector.broadcast %add3A_1394 : f32 to vector<16xf32>
    %add3A_1396 = arith.addf %add3A_1395, %mul3A_1393 : vector<16xf32>
    %mul3A_1397 = arith.mulf %mul3A_1387, %add3A_1396 : vector<16xf32>
    %add3A_1398 = arith.constant 1.000000e+00 : f32
    %add3A_1399 = vector.broadcast %add3A_1398 : f32 to vector<16xf32>
    %add3A_1400 = arith.addf %add3A_1399, %mul3A_1397 : vector<16xf32>
    %mul3A_1401 = arith.mulf %mul3A_1390, %add3A_1400 : vector<16xf32>
    %add3A_1402 = arith.addf %max3A_1377, %mul3A_1401 : vector<16xf32>
    %get3A_1403 = arith.constant 1072 : index
    %get3A_1404 = tpu.vector_load %arg5[%get3A_1403] {strides = array<i32>} : memref<1536xf32, #tpu.memory_space<vmem>>, vector<16xf32>,
    %get3A_1405 = vector.shape_cast %get3A_1404 : vector<16xf32> to vector<16xf32>
    %mul3A_1406 = arith.mulf %get3A_1405, %sub3A_1374 : vector<16xf32>
    %sub3A_1407 = arith.subf %add3A_1402, %mul3A_1406 : vector<16xf32>
    %swap3A_1408 = arith.constant 48 : index
    %swap3A_1409 = tpu.vector_load %arg8[%swap3A_1408] {strides = array<i32>} : memref<512xf32, #tpu.memory_space<vmem>>, vector<16xf32>,
    %swap3A_1410 = vector.shape_cast %swap3A_1409 : vector<16xf32> to vector<16xf32>
    %swap3A_1411 = vector.shape_cast %sub3A_1407 : vector<16xf32> to vector<16xf32>
    tpu.vector_store %arg8[%swap3A_1408], %swap3A_1411 {strides = array<i32>} : memref<512xf32, #tpu.memory_space<vmem>>, vector<16xf32>,
    %get3A_1412 = arith.constant 64 : index
    %get3A_1413 = tpu.vector_load %arg5[%get3A_1412] {strides = array<i32>} : memref<1536xf32, #tpu.memory_space<vmem>>, vector<16xf32>,
    %get3A_1414 = vector.shape_cast %get3A_1413 : vector<16xf32> to vector<16xf32>
    %eq3A_1415 = arith.constant 0.000000e+00 : f32
    %eq3A_1416 = vector.broadcast %eq3A_1415 : f32 to vector<16xf32>
    %eq3A_1417 = arith.cmpf oeq, %get3A_1414, %eq3A_1416 : vector<16xf32>
    %get3A_1418 = arith.constant 0 : i32
    %get3A_1419 = arith.index_cast %get3A_1418 : i32 to index
    %get3A_1420 = arith.constant 64 : index
    %get3A_1421 = tpu.vector_load %arg7[%get3A_1419, %get3A_1420] {strides = array<i32>} : memref<8x128xf32, #tpu.memory_space<vmem>>, vector<1x16xf32>,
    %get3A_1422 = vector.shape_cast %get3A_1421 : vector<1x16xf32> to vector<16xf32>
    %jit3A_1423 = arith.constant 0.000000e+00 : f32
    %broadcast_in_dim3A_1424 = vector.broadcast %jit3A_1423 : f32 to vector<16xf32>
    %select_n3A_1425 = arith.select %eq3A_1417, %broadcast_in_dim3A_1424, %get3A_1422 : vector<16xi1>, vector<16xf32>
    %get3A_1426 = arith.constant 576 : index
    %get3A_1427 = tpu.vector_load %arg5[%get3A_1426] {strides = array<i32>} : memref<1536xf32, #tpu.memory_space<vmem>>, vector<16xf32>,
    %get3A_1428 = vector.shape_cast %get3A_1427 : vector<16xf32> to vector<16xf32>
    %eq3A_1429 = arith.constant 0.000000e+00 : f32
    %eq3A_1430 = vector.broadcast %eq3A_1429 : f32 to vector<16xf32>
    %eq3A_1431 = arith.cmpf oeq, %get3A_1428, %eq3A_1430 : vector<16xf32>
    %get3A_1432 = arith.constant 4 : i32
    %get3A_1433 = arith.index_cast %get3A_1432 : i32 to index
    %get3A_1434 = arith.constant 64 : index
    %get3A_1435 = tpu.vector_load %arg7[%get3A_1433, %get3A_1434] {strides = array<i32>} : memref<8x128xf32, #tpu.memory_space<vmem>>, vector<1x16xf32>,
    %get3A_1436 = vector.shape_cast %get3A_1435 : vector<1x16xf32> to vector<16xf32>
    %jit3A_1437 = arith.constant 0.000000e+00 : f32
    %broadcast_in_dim3A_1438 = vector.broadcast %jit3A_1437 : f32 to vector<16xf32>
    %select_n3A_1439 = arith.select %eq3A_1431, %broadcast_in_dim3A_1438, %get3A_1436 : vector<16xi1>, vector<16xf32>
    %sub3A_1440 = arith.subf %select_n3A_1425, %select_n3A_1439 : vector<16xf32>
    %max3A_1441 = arith.constant 0.000000e+00 : f32
    %max3A_1442 = vector.broadcast %max3A_1441 : f32 to vector<16xf32>
    %max3A_1443 = arith.maximumf %sub3A_1440, %max3A_1442 : vector<16xf32>
    %abs3A_1444 = math.absf %sub3A_1440 : vector<16xf32>
    %neg3A_1445 = arith.constant 0.000000e+00 : f32
    %neg3A_1446 = vector.broadcast %neg3A_1445 : f32 to vector<16xf32>
    %neg3A_1447 = arith.subf %neg3A_1446, %abs3A_1444 : vector<16xf32>
    %exp3A_1448 = math.exp %neg3A_1447 : vector<16xf32>
    %add3A_1449 = arith.constant 2.000000e+00 : f32
    %add3A_1450 = vector.broadcast %add3A_1449 : f32 to vector<16xf32>
    %add3A_1451 = arith.addf %exp3A_1448, %add3A_1450 : vector<16xf32>
    %div3A_1452 = arith.divf %exp3A_1448, %add3A_1451 : vector<16xf32>
    %mul3A_1453 = arith.mulf %div3A_1452, %div3A_1452 : vector<16xf32>
    %mul3A_1454 = arith.constant 2.000000e+00 : f32
    %mul3A_1455 = vector.broadcast %mul3A_1454 : f32 to vector<16xf32>
    %mul3A_1456 = arith.mulf %mul3A_1455, %div3A_1452 : vector<16xf32>
    %mul3A_1457 = arith.constant 2.000000e-01 : f32
    %mul3A_1458 = vector.broadcast %mul3A_1457 : f32 to vector<16xf32>
    %mul3A_1459 = arith.mulf %mul3A_1453, %mul3A_1458 : vector<16xf32>
    %add3A_1460 = arith.constant 0.333333343 : f32
    %add3A_1461 = vector.broadcast %add3A_1460 : f32 to vector<16xf32>
    %add3A_1462 = arith.addf %add3A_1461, %mul3A_1459 : vector<16xf32>
    %mul3A_1463 = arith.mulf %mul3A_1453, %add3A_1462 : vector<16xf32>
    %add3A_1464 = arith.constant 1.000000e+00 : f32
    %add3A_1465 = vector.broadcast %add3A_1464 : f32 to vector<16xf32>
    %add3A_1466 = arith.addf %add3A_1465, %mul3A_1463 : vector<16xf32>
    %mul3A_1467 = arith.mulf %mul3A_1456, %add3A_1466 : vector<16xf32>
    %add3A_1468 = arith.addf %max3A_1443, %mul3A_1467 : vector<16xf32>
    %get3A_1469 = arith.constant 1088 : index
    %get3A_1470 = tpu.vector_load %arg5[%get3A_1469] {strides = array<i32>} : memref<1536xf32, #tpu.memory_space<vmem>>, vector<16xf32>,
    %get3A_1471 = vector.shape_cast %get3A_1470 : vector<16xf32> to vector<16xf32>
    %mul3A_1472 = arith.mulf %get3A_1471, %sub3A_1440 : vector<16xf32>
    %sub3A_1473 = arith.subf %add3A_1468, %mul3A_1472 : vector<16xf32>
    %swap3A_1474 = arith.constant 64 : index
    %swap3A_1475 = tpu.vector_load %arg8[%swap3A_1474] {strides = array<i32>} : memref<512xf32, #tpu.memory_space<vmem>>, vector<16xf32>,
    %swap3A_1476 = vector.shape_cast %swap3A_1475 : vector<16xf32> to vector<16xf32>
    %swap3A_1477 = vector.shape_cast %sub3A_1473 : vector<16xf32> to vector<16xf32>
    tpu.vector_store %arg8[%swap3A_1474], %swap3A_1477 {strides = array<i32>} : memref<512xf32, #tpu.memory_space<vmem>>, vector<16xf32>,
    %get3A_1478 = arith.constant 80 : index
    %get3A_1479 = tpu.vector_load %arg5[%get3A_1478] {strides = array<i32>} : memref<1536xf32, #tpu.memory_space<vmem>>, vector<16xf32>,
    %get3A_1480 = vector.shape_cast %get3A_1479 : vector<16xf32> to vector<16xf32>
    %eq3A_1481 = arith.constant 0.000000e+00 : f32
    %eq3A_1482 = vector.broadcast %eq3A_1481 : f32 to vector<16xf32>
    %eq3A_1483 = arith.cmpf oeq, %get3A_1480, %eq3A_1482 : vector<16xf32>
    %get3A_1484 = arith.constant 0 : i32
    %get3A_1485 = arith.index_cast %get3A_1484 : i32 to index
    %get3A_1486 = arith.constant 80 : index
    %get3A_1487 = tpu.vector_load %arg7[%get3A_1485, %get3A_1486] {strides = array<i32>} : memref<8x128xf32, #tpu.memory_space<vmem>>, vector<1x16xf32>,
    %get3A_1488 = vector.shape_cast %get3A_1487 : vector<1x16xf32> to vector<16xf32>
    %jit3A_1489 = arith.constant 0.000000e+00 : f32
    %broadcast_in_dim3A_1490 = vector.broadcast %jit3A_1489 : f32 to vector<16xf32>
    %select_n3A_1491 = arith.select %eq3A_1483, %broadcast_in_dim3A_1490, %get3A_1488 : vector<16xi1>, vector<16xf32>
    %get3A_1492 = arith.constant 592 : index
    %get3A_1493 = tpu.vector_load %arg5[%get3A_1492] {strides = array<i32>} : memref<1536xf32, #tpu.memory_space<vmem>>, vector<16xf32>,
    %get3A_1494 = vector.shape_cast %get3A_1493 : vector<16xf32> to vector<16xf32>
    %eq3A_1495 = arith.constant 0.000000e+00 : f32
    %eq3A_1496 = vector.broadcast %eq3A_1495 : f32 to vector<16xf32>
    %eq3A_1497 = arith.cmpf oeq, %get3A_1494, %eq3A_1496 : vector<16xf32>
    %get3A_1498 = arith.constant 4 : i32
    %get3A_1499 = arith.index_cast %get3A_1498 : i32 to index
    %get3A_1500 = arith.constant 80 : index
    %get3A_1501 = tpu.vector_load %arg7[%get3A_1499, %get3A_1500] {strides = array<i32>} : memref<8x128xf32, #tpu.memory_space<vmem>>, vector<1x16xf32>,
    %get3A_1502 = vector.shape_cast %get3A_1501 : vector<1x16xf32> to vector<16xf32>
    %jit3A_1503 = arith.constant 0.000000e+00 : f32
    %broadcast_in_dim3A_1504 = vector.broadcast %jit3A_1503 : f32 to vector<16xf32>
    %select_n3A_1505 = arith.select %eq3A_1497, %broadcast_in_dim3A_1504, %get3A_1502 : vector<16xi1>, vector<16xf32>
    %sub3A_1506 = arith.subf %select_n3A_1491, %select_n3A_1505 : vector<16xf32>
    %max3A_1507 = arith.constant 0.000000e+00 : f32
    %max3A_1508 = vector.broadcast %max3A_1507 : f32 to vector<16xf32>
    %max3A_1509 = arith.maximumf %sub3A_1506, %max3A_1508 : vector<16xf32>
    %abs3A_1510 = math.absf %sub3A_1506 : vector<16xf32>
    %neg3A_1511 = arith.constant 0.000000e+00 : f32
    %neg3A_1512 = vector.broadcast %neg3A_1511 : f32 to vector<16xf32>
    %neg3A_1513 = arith.subf %neg3A_1512, %abs3A_1510 : vector<16xf32>
    %exp3A_1514 = math.exp %neg3A_1513 : vector<16xf32>
    %add3A_1515 = arith.constant 2.000000e+00 : f32
    %add3A_1516 = vector.broadcast %add3A_1515 : f32 to vector<16xf32>
    %add3A_1517 = arith.addf %exp3A_1514, %add3A_1516 : vector<16xf32>
    %div3A_1518 = arith.divf %exp3A_1514, %add3A_1517 : vector<16xf32>
    %mul3A_1519 = arith.mulf %div3A_1518, %div3A_1518 : vector<16xf32>
    %mul3A_1520 = arith.constant 2.000000e+00 : f32
    %mul3A_1521 = vector.broadcast %mul3A_1520 : f32 to vector<16xf32>
    %mul3A_1522 = arith.mulf %mul3A_1521, %div3A_1518 : vector<16xf32>
    %mul3A_1523 = arith.constant 2.000000e-01 : f32
    %mul3A_1524 = vector.broadcast %mul3A_1523 : f32 to vector<16xf32>
    %mul3A_1525 = arith.mulf %mul3A_1519, %mul3A_1524 : vector<16xf32>
    %add3A_1526 = arith.constant 0.333333343 : f32
    %add3A_1527 = vector.broadcast %add3A_1526 : f32 to vector<16xf32>
    %add3A_1528 = arith.addf %add3A_1527, %mul3A_1525 : vector<16xf32>
    %mul3A_1529 = arith.mulf %mul3A_1519, %add3A_1528 : vector<16xf32>
    %add3A_1530 = arith.constant 1.000000e+00 : f32
    %add3A_1531 = vector.broadcast %add3A_1530 : f32 to vector<16xf32>
    %add3A_1532 = arith.addf %add3A_1531, %mul3A_1529 : vector<16xf32>
    %mul3A_1533 = arith.mulf %mul3A_1522, %add3A_1532 : vector<16xf32>
    %add3A_1534 = arith.addf %max3A_1509, %mul3A_1533 : vector<16xf32>
    %get3A_1535 = arith.constant 1104 : index
    %get3A_1536 = tpu.vector_load %arg5[%get3A_1535] {strides = array<i32>} : memref<1536xf32, #tpu.memory_space<vmem>>, vector<16xf32>,
    %get3A_1537 = vector.shape_cast %get3A_1536 : vector<16xf32> to vector<16xf32>
    %mul3A_1538 = arith.mulf %get3A_1537, %sub3A_1506 : vector<16xf32>
    %sub3A_1539 = arith.subf %add3A_1534, %mul3A_1538 : vector<16xf32>
    %swap3A_1540 = arith.constant 80 : index
    %swap3A_1541 = tpu.vector_load %arg8[%swap3A_1540] {strides = array<i32>} : memref<512xf32, #tpu.memory_space<vmem>>, vector<16xf32>,
    %swap3A_1542 = vector.shape_cast %swap3A_1541 : vector<16xf32> to vector<16xf32>
    %swap3A_1543 = vector.shape_cast %sub3A_1539 : vector<16xf32> to vector<16xf32>
    tpu.vector_store %arg8[%swap3A_1540], %swap3A_1543 {strides = array<i32>} : memref<512xf32, #tpu.memory_space<vmem>>, vector<16xf32>,
    %get3A_1544 = arith.constant 96 : index
    %get3A_1545 = tpu.vector_load %arg5[%get3A_1544] {strides = array<i32>} : memref<1536xf32, #tpu.memory_space<vmem>>, vector<16xf32>,
    %get3A_1546 = vector.shape_cast %get3A_1545 : vector<16xf32> to vector<16xf32>
    %eq3A_1547 = arith.constant 0.000000e+00 : f32
    %eq3A_1548 = vector.broadcast %eq3A_1547 : f32 to vector<16xf32>
    %eq3A_1549 = arith.cmpf oeq, %get3A_1546, %eq3A_1548 : vector<16xf32>
    %get3A_1550 = arith.constant 0 : i32
    %get3A_1551 = arith.index_cast %get3A_1550 : i32 to index
    %get3A_1552 = arith.constant 96 : index
    %get3A_1553 = tpu.vector_load %arg7[%get3A_1551, %get3A_1552] {strides = array<i32>} : memref<8x128xf32, #tpu.memory_space<vmem>>, vector<1x16xf32>,
    %get3A_1554 = vector.shape_cast %get3A_1553 : vector<1x16xf32> to vector<16xf32>
    %jit3A_1555 = arith.constant 0.000000e+00 : f32
    %broadcast_in_dim3A_1556 = vector.broadcast %jit3A_1555 : f32 to vector<16xf32>
    %select_n3A_1557 = arith.select %eq3A_1549, %broadcast_in_dim3A_1556, %get3A_1554 : vector<16xi1>, vector<16xf32>
    %get3A_1558 = arith.constant 608 : index
    %get3A_1559 = tpu.vector_load %arg5[%get3A_1558] {strides = array<i32>} : memref<1536xf32, #tpu.memory_space<vmem>>, vector<16xf32>,
    %get3A_1560 = vector.shape_cast %get3A_1559 : vector<16xf32> to vector<16xf32>
    %eq3A_1561 = arith.constant 0.000000e+00 : f32
    %eq3A_1562 = vector.broadcast %eq3A_1561 : f32 to vector<16xf32>
    %eq3A_1563 = arith.cmpf oeq, %get3A_1560, %eq3A_1562 : vector<16xf32>
    %get3A_1564 = arith.constant 4 : i32
    %get3A_1565 = arith.index_cast %get3A_1564 : i32 to index
    %get3A_1566 = arith.constant 96 : index
    %get3A_1567 = tpu.vector_load %arg7[%get3A_1565, %get3A_1566] {strides = array<i32>} : memref<8x128xf32, #tpu.memory_space<vmem>>, vector<1x16xf32>,
    %get3A_1568 = vector.shape_cast %get3A_1567 : vector<1x16xf32> to vector<16xf32>
    %jit3A_1569 = arith.constant 0.000000e+00 : f32
    %broadcast_in_dim3A_1570 = vector.broadcast %jit3A_1569 : f32 to vector<16xf32>
    %select_n3A_1571 = arith.select %eq3A_1563, %broadcast_in_dim3A_1570, %get3A_1568 : vector<16xi1>, vector<16xf32>
    %sub3A_1572 = arith.subf %select_n3A_1557, %select_n3A_1571 : vector<16xf32>
    %max3A_1573 = arith.constant 0.000000e+00 : f32
    %max3A_1574 = vector.broadcast %max3A_1573 : f32 to vector<16xf32>
    %max3A_1575 = arith.maximumf %sub3A_1572, %max3A_1574 : vector<16xf32>
    %abs3A_1576 = math.absf %sub3A_1572 : vector<16xf32>
    %neg3A_1577 = arith.constant 0.000000e+00 : f32
    %neg3A_1578 = vector.broadcast %neg3A_1577 : f32 to vector<16xf32>
    %neg3A_1579 = arith.subf %neg3A_1578, %abs3A_1576 : vector<16xf32>
    %exp3A_1580 = math.exp %neg3A_1579 : vector<16xf32>
    %add3A_1581 = arith.constant 2.000000e+00 : f32
    %add3A_1582 = vector.broadcast %add3A_1581 : f32 to vector<16xf32>
    %add3A_1583 = arith.addf %exp3A_1580, %add3A_1582 : vector<16xf32>
    %div3A_1584 = arith.divf %exp3A_1580, %add3A_1583 : vector<16xf32>
    %mul3A_1585 = arith.mulf %div3A_1584, %div3A_1584 : vector<16xf32>
    %mul3A_1586 = arith.constant 2.000000e+00 : f32
    %mul3A_1587 = vector.broadcast %mul3A_1586 : f32 to vector<16xf32>
    %mul3A_1588 = arith.mulf %mul3A_1587, %div3A_1584 : vector<16xf32>
    %mul3A_1589 = arith.constant 2.000000e-01 : f32
    %mul3A_1590 = vector.broadcast %mul3A_1589 : f32 to vector<16xf32>
    %mul3A_1591 = arith.mulf %mul3A_1585, %mul3A_1590 : vector<16xf32>
    %add3A_1592 = arith.constant 0.333333343 : f32
    %add3A_1593 = vector.broadcast %add3A_1592 : f32 to vector<16xf32>
    %add3A_1594 = arith.addf %add3A_1593, %mul3A_1591 : vector<16xf32>
    %mul3A_1595 = arith.mulf %mul3A_1585, %add3A_1594 : vector<16xf32>
    %add3A_1596 = arith.constant 1.000000e+00 : f32
    %add3A_1597 = vector.broadcast %add3A_1596 : f32 to vector<16xf32>
    %add3A_1598 = arith.addf %add3A_1597, %mul3A_1595 : vector<16xf32>
    %mul3A_1599 = arith.mulf %mul3A_1588, %add3A_1598 : vector<16xf32>
    %add3A_1600 = arith.addf %max3A_1575, %mul3A_1599 : vector<16xf32>
    %get3A_1601 = arith.constant 1120 : index
    %get3A_1602 = tpu.vector_load %arg5[%get3A_1601] {strides = array<i32>} : memref<1536xf32, #tpu.memory_space<vmem>>, vector<16xf32>,
    %get3A_1603 = vector.shape_cast %get3A_1602 : vector<16xf32> to vector<16xf32>
    %mul3A_1604 = arith.mulf %get3A_1603, %sub3A_1572 : vector<16xf32>
    %sub3A_1605 = arith.subf %add3A_1600, %mul3A_1604 : vector<16xf32>
    %swap3A_1606 = arith.constant 96 : index
    %swap3A_1607 = tpu.vector_load %arg8[%swap3A_1606] {strides = array<i32>} : memref<512xf32, #tpu.memory_space<vmem>>, vector<16xf32>,
    %swap3A_1608 = vector.shape_cast %swap3A_1607 : vector<16xf32> to vector<16xf32>
    %swap3A_1609 = vector.shape_cast %sub3A_1605 : vector<16xf32> to vector<16xf32>
    tpu.vector_store %arg8[%swap3A_1606], %swap3A_1609 {strides = array<i32>} : memref<512xf32, #tpu.memory_space<vmem>>, vector<16xf32>,
    %get3A_1610 = arith.constant 112 : index
    %get3A_1611 = tpu.vector_load %arg5[%get3A_1610] {strides = array<i32>} : memref<1536xf32, #tpu.memory_space<vmem>>, vector<16xf32>,
    %get3A_1612 = vector.shape_cast %get3A_1611 : vector<16xf32> to vector<16xf32>
    %eq3A_1613 = arith.constant 0.000000e+00 : f32
    %eq3A_1614 = vector.broadcast %eq3A_1613 : f32 to vector<16xf32>
    %eq3A_1615 = arith.cmpf oeq, %get3A_1612, %eq3A_1614 : vector<16xf32>
    %get3A_1616 = arith.constant 0 : i32
    %get3A_1617 = arith.index_cast %get3A_1616 : i32 to index
    %get3A_1618 = arith.constant 112 : index
    %get3A_1619 = tpu.vector_load %arg7[%get3A_1617, %get3A_1618] {strides = array<i32>} : memref<8x128xf32, #tpu.memory_space<vmem>>, vector<1x16xf32>,
    %get3A_1620 = vector.shape_cast %get3A_1619 : vector<1x16xf32> to vector<16xf32>
    %jit3A_1621 = arith.constant 0.000000e+00 : f32
    %broadcast_in_dim3A_1622 = vector.broadcast %jit3A_1621 : f32 to vector<16xf32>
    %select_n3A_1623 = arith.select %eq3A_1615, %broadcast_in_dim3A_1622, %get3A_1620 : vector<16xi1>, vector<16xf32>
    %get3A_1624 = arith.constant 624 : index
    %get3A_1625 = tpu.vector_load %arg5[%get3A_1624] {strides = array<i32>} : memref<1536xf32, #tpu.memory_space<vmem>>, vector<16xf32>,
    %get3A_1626 = vector.shape_cast %get3A_1625 : vector<16xf32> to vector<16xf32>
    %eq3A_1627 = arith.constant 0.000000e+00 : f32
    %eq3A_1628 = vector.broadcast %eq3A_1627 : f32 to vector<16xf32>
    %eq3A_1629 = arith.cmpf oeq, %get3A_1626, %eq3A_1628 : vector<16xf32>
    %get3A_1630 = arith.constant 4 : i32
    %get3A_1631 = arith.index_cast %get3A_1630 : i32 to index
    %get3A_1632 = arith.constant 112 : index
    %get3A_1633 = tpu.vector_load %arg7[%get3A_1631, %get3A_1632] {strides = array<i32>} : memref<8x128xf32, #tpu.memory_space<vmem>>, vector<1x16xf32>,
    %get3A_1634 = vector.shape_cast %get3A_1633 : vector<1x16xf32> to vector<16xf32>
    %jit3A_1635 = arith.constant 0.000000e+00 : f32
    %broadcast_in_dim3A_1636 = vector.broadcast %jit3A_1635 : f32 to vector<16xf32>
    %select_n3A_1637 = arith.select %eq3A_1629, %broadcast_in_dim3A_1636, %get3A_1634 : vector<16xi1>, vector<16xf32>
    %sub3A_1638 = arith.subf %select_n3A_1623, %select_n3A_1637 : vector<16xf32>
    %max3A_1639 = arith.constant 0.000000e+00 : f32
    %max3A_1640 = vector.broadcast %max3A_1639 : f32 to vector<16xf32>
    %max3A_1641 = arith.maximumf %sub3A_1638, %max3A_1640 : vector<16xf32>
    %abs3A_1642 = math.absf %sub3A_1638 : vector<16xf32>
    %neg3A_1643 = arith.constant 0.000000e+00 : f32
    %neg3A_1644 = vector.broadcast %neg3A_1643 : f32 to vector<16xf32>
    %neg3A_1645 = arith.subf %neg3A_1644, %abs3A_1642 : vector<16xf32>
    %exp3A_1646 = math.exp %neg3A_1645 : vector<16xf32>
    %add3A_1647 = arith.constant 2.000000e+00 : f32
    %add3A_1648 = vector.broadcast %add3A_1647 : f32 to vector<16xf32>
    %add3A_1649 = arith.addf %exp3A_1646, %add3A_1648 : vector<16xf32>
    %div3A_1650 = arith.divf %exp3A_1646, %add3A_1649 : vector<16xf32>
    %mul3A_1651 = arith.mulf %div3A_1650, %div3A_1650 : vector<16xf32>
    %mul3A_1652 = arith.constant 2.000000e+00 : f32
    %mul3A_1653 = vector.broadcast %mul3A_1652 : f32 to vector<16xf32>
    %mul3A_1654 = arith.mulf %mul3A_1653, %div3A_1650 : vector<16xf32>
    %mul3A_1655 = arith.constant 2.000000e-01 : f32
    %mul3A_1656 = vector.broadcast %mul3A_1655 : f32 to vector<16xf32>
    %mul3A_1657 = arith.mulf %mul3A_1651, %mul3A_1656 : vector<16xf32>
    %add3A_1658 = arith.constant 0.333333343 : f32
    %add3A_1659 = vector.broadcast %add3A_1658 : f32 to vector<16xf32>
    %add3A_1660 = arith.addf %add3A_1659, %mul3A_1657 : vector<16xf32>
    %mul3A_1661 = arith.mulf %mul3A_1651, %add3A_1660 : vector<16xf32>
    %add3A_1662 = arith.constant 1.000000e+00 : f32
    %add3A_1663 = vector.broadcast %add3A_1662 : f32 to vector<16xf32>
    %add3A_1664 = arith.addf %add3A_1663, %mul3A_1661 : vector<16xf32>
    %mul3A_1665 = arith.mulf %mul3A_1654, %add3A_1664 : vector<16xf32>
    %add3A_1666 = arith.addf %max3A_1641, %mul3A_1665 : vector<16xf32>
    %get3A_1667 = arith.constant 1136 : index
    %get3A_1668 = tpu.vector_load %arg5[%get3A_1667] {strides = array<i32>} : memref<1536xf32, #tpu.memory_space<vmem>>, vector<16xf32>,
    %get3A_1669 = vector.shape_cast %get3A_1668 : vector<16xf32> to vector<16xf32>
    %mul3A_1670 = arith.mulf %get3A_1669, %sub3A_1638 : vector<16xf32>
    %sub3A_1671 = arith.subf %add3A_1666, %mul3A_1670 : vector<16xf32>
    %swap3A_1672 = arith.constant 112 : index
    %swap3A_1673 = tpu.vector_load %arg8[%swap3A_1672] {strides = array<i32>} : memref<512xf32, #tpu.memory_space<vmem>>, vector<16xf32>,
    %swap3A_1674 = vector.shape_cast %swap3A_1673 : vector<16xf32> to vector<16xf32>
    %swap3A_1675 = vector.shape_cast %sub3A_1671 : vector<16xf32> to vector<16xf32>
    tpu.vector_store %arg8[%swap3A_1672], %swap3A_1675 {strides = array<i32>} : memref<512xf32, #tpu.memory_space<vmem>>, vector<16xf32>,
    %add3A_1676 = arith.constant 0 : i32
    %add3A_1677 = arith.addi %mul3A_2, %add3A_1676 : i32
    %dma_start3A_1678 = arith.constant 0 : i32
    %dma_start3A_1679 = tpu.memref_slice %arg8[%dma_start3A_1678] : memref<512xf32, #tpu.memory_space<vmem>> -> memref<128xf32, #tpu.memory_space<vmem>>
    %dma_start3A_1680 = tpu.memref_slice %arg4[%add3A_1677] : memref<16384xf32, #tpu.memory_space<hbm>> -> memref<128xf32, #tpu.memory_space<hbm>>
    %dma_start3A_1681 = tpu.memref_slice %arg4[%add3A_1677] : memref<16384xf32, #tpu.memory_space<hbm>> -> memref<128xf32, #tpu.memory_space<hbm>>
    %dma_start3A_1682 = arith.constant 0 : i32
    %dma_start3A_1683 = tpu.memref_slice %arg8[%dma_start3A_1682] : memref<512xf32, #tpu.memory_space<vmem>> -> memref<128xf32, #tpu.memory_space<vmem>>
    tpu.enqueue_dma source(%dma_start3A_1683 : memref<128xf32, #tpu.memory_space<vmem>>) target(%dma_start3A_1681 : memref<128xf32, #tpu.memory_space<hbm>>) target_semaphore(%arg9 : memref<!tpu.dma_semaphore, #tpu.memory_space<semaphore_mem>>)
    %dma_wait3A_1684 = arith.constant 1 : i32
    %dma_wait3A_1685 = arith.constant 1 : i32
    %dma_wait3A_1686 = arith.constant 1 : i32
    %dma_wait3A_1687 = arith.constant 0 : i32
    %dma_wait3A_1688 = tpu.memref_slice %arg7[%dma_wait3A_1685, %dma_wait3A_1687] : memref<8x128xf32, #tpu.memory_space<vmem>> -> memref<1x128xf32, #tpu.memory_space<vmem>>
    %dma_wait3A_1689 = tpu.memref_squeeze %dma_wait3A_1688 : memref<1x128xf32, #tpu.memory_space<vmem>> -> memref<128xf32, #tpu.memory_space<vmem>>
    %dma_wait3A_1690 = arith.constant 0 : i32
    %dma_wait3A_1691 = tpu.memref_slice %arg6[%dma_wait3A_1684, %dma_wait3A_1690] : memref<8x128xi32, #tpu.memory_space<vmem>> -> memref<1x128xi32, #tpu.memory_space<vmem>>
    %dma_wait3A_1692 = tpu.memref_squeeze %dma_wait3A_1691 : memref<1x128xi32, #tpu.memory_space<vmem>> -> memref<128xi32, #tpu.memory_space<vmem>>
    %dma_wait3A_1693 = arith.constant 0 : i32
    %dma_wait3A_1694 = tpu.memref_slice %arg3[%dma_wait3A_1693] : memref<999999xf32, #tpu.memory_space<hbm>> -> memref<999999xf32, #tpu.memory_space<hbm>>
    %dma_wait3A_1695 = tpu.memref_slice %arg10[%dma_wait3A_1686] : memref<4x!tpu.dma_semaphore, #tpu.memory_space<semaphore_mem>> -> memref<1x!tpu.dma_semaphore, #tpu.memory_space<semaphore_mem>>
    %dma_wait3A_1696 = tpu.memref_squeeze %dma_wait3A_1695 : memref<1x!tpu.dma_semaphore, #tpu.memory_space<semaphore_mem>> -> memref<!tpu.dma_semaphore, #tpu.memory_space<semaphore_mem>>
    tpu.wait_indirect_dma semaphore(%dma_wait3A_1696 : memref<!tpu.dma_semaphore, #tpu.memory_space<semaphore_mem>>) src(%dma_wait3A_1694 : memref<999999xf32, #tpu.memory_space<hbm>>) dst(%dma_wait3A_1689 : memref<128xf32, #tpu.memory_space<vmem>>)
    %dma_wait3A_1697 = arith.constant 5 : i32
    %dma_wait3A_1698 = arith.constant 5 : i32
    %dma_wait3A_1699 = arith.constant 1 : i32
    %dma_wait3A_1700 = arith.constant 0 : i32
    %dma_wait3A_1701 = tpu.memref_slice %arg7[%dma_wait3A_1698, %dma_wait3A_1700] : memref<8x128xf32, #tpu.memory_space<vmem>> -> memref<1x128xf32, #tpu.memory_space<vmem>>
    %dma_wait3A_1702 = tpu.memref_squeeze %dma_wait3A_1701 : memref<1x128xf32, #tpu.memory_space<vmem>> -> memref<128xf32, #tpu.memory_space<vmem>>
    %dma_wait3A_1703 = arith.constant 0 : i32
    %dma_wait3A_1704 = tpu.memref_slice %arg6[%dma_wait3A_1697, %dma_wait3A_1703] : memref<8x128xi32, #tpu.memory_space<vmem>> -> memref<1x128xi32, #tpu.memory_space<vmem>>
    %dma_wait3A_1705 = tpu.memref_squeeze %dma_wait3A_1704 : memref<1x128xi32, #tpu.memory_space<vmem>> -> memref<128xi32, #tpu.memory_space<vmem>>
    %dma_wait3A_1706 = arith.constant 0 : i32
    %dma_wait3A_1707 = tpu.memref_slice %arg3[%dma_wait3A_1706] : memref<999999xf32, #tpu.memory_space<hbm>> -> memref<999999xf32, #tpu.memory_space<hbm>>
    %dma_wait3A_1708 = tpu.memref_slice %arg10[%dma_wait3A_1699] : memref<4x!tpu.dma_semaphore, #tpu.memory_space<semaphore_mem>> -> memref<1x!tpu.dma_semaphore, #tpu.memory_space<semaphore_mem>>
    %dma_wait3A_1709 = tpu.memref_squeeze %dma_wait3A_1708 : memref<1x!tpu.dma_semaphore, #tpu.memory_space<semaphore_mem>> -> memref<!tpu.dma_semaphore, #tpu.memory_space<semaphore_mem>>
    tpu.wait_indirect_dma semaphore(%dma_wait3A_1709 : memref<!tpu.dma_semaphore, #tpu.memory_space<semaphore_mem>>) src(%dma_wait3A_1707 : memref<999999xf32, #tpu.memory_space<hbm>>) dst(%dma_wait3A_1702 : memref<128xf32, #tpu.memory_space<vmem>>)
    %get3A_1710 = arith.constant 128 : index
    %get3A_1711 = tpu.vector_load %arg5[%get3A_1710] {strides = array<i32>} : memref<1536xf32, #tpu.memory_space<vmem>>, vector<16xf32>,
    %get3A_1712 = vector.shape_cast %get3A_1711 : vector<16xf32> to vector<16xf32>
    %eq3A_1713 = arith.constant 0.000000e+00 : f32
    %eq3A_1714 = vector.broadcast %eq3A_1713 : f32 to vector<16xf32>
    %eq3A_1715 = arith.cmpf oeq, %get3A_1712, %eq3A_1714 : vector<16xf32>
    %get3A_1716 = arith.constant 1 : i32
    %get3A_1717 = arith.index_cast %get3A_1716 : i32 to index
    %get3A_1718 = arith.constant 0 : index
    %get3A_1719 = tpu.vector_load %arg7[%get3A_1717, %get3A_1718] {strides = array<i32>} : memref<8x128xf32, #tpu.memory_space<vmem>>, vector<1x16xf32>,
    %get3A_1720 = vector.shape_cast %get3A_1719 : vector<1x16xf32> to vector<16xf32>
    %jit3A_1721 = arith.constant 0.000000e+00 : f32
    %broadcast_in_dim3A_1722 = vector.broadcast %jit3A_1721 : f32 to vector<16xf32>
    %select_n3A_1723 = arith.select %eq3A_1715, %broadcast_in_dim3A_1722, %get3A_1720 : vector<16xi1>, vector<16xf32>
    %get3A_1724 = arith.constant 640 : index
    %get3A_1725 = tpu.vector_load %arg5[%get3A_1724] {strides = array<i32>} : memref<1536xf32, #tpu.memory_space<vmem>>, vector<16xf32>,
    %get3A_1726 = vector.shape_cast %get3A_1725 : vector<16xf32> to vector<16xf32>
    %eq3A_1727 = arith.constant 0.000000e+00 : f32
    %eq3A_1728 = vector.broadcast %eq3A_1727 : f32 to vector<16xf32>
    %eq3A_1729 = arith.cmpf oeq, %get3A_1726, %eq3A_1728 : vector<16xf32>
    %get3A_1730 = arith.constant 5 : i32
    %get3A_1731 = arith.index_cast %get3A_1730 : i32 to index
    %get3A_1732 = arith.constant 0 : index
    %get3A_1733 = tpu.vector_load %arg7[%get3A_1731, %get3A_1732] {strides = array<i32>} : memref<8x128xf32, #tpu.memory_space<vmem>>, vector<1x16xf32>,
    %get3A_1734 = vector.shape_cast %get3A_1733 : vector<1x16xf32> to vector<16xf32>
    %jit3A_1735 = arith.constant 0.000000e+00 : f32
    %broadcast_in_dim3A_1736 = vector.broadcast %jit3A_1735 : f32 to vector<16xf32>
    %select_n3A_1737 = arith.select %eq3A_1729, %broadcast_in_dim3A_1736, %get3A_1734 : vector<16xi1>, vector<16xf32>
    %sub3A_1738 = arith.subf %select_n3A_1723, %select_n3A_1737 : vector<16xf32>
    %max3A_1739 = arith.constant 0.000000e+00 : f32
    %max3A_1740 = vector.broadcast %max3A_1739 : f32 to vector<16xf32>
    %max3A_1741 = arith.maximumf %sub3A_1738, %max3A_1740 : vector<16xf32>
    %abs3A_1742 = math.absf %sub3A_1738 : vector<16xf32>
    %neg3A_1743 = arith.constant 0.000000e+00 : f32
    %neg3A_1744 = vector.broadcast %neg3A_1743 : f32 to vector<16xf32>
    %neg3A_1745 = arith.subf %neg3A_1744, %abs3A_1742 : vector<16xf32>
    %exp3A_1746 = math.exp %neg3A_1745 : vector<16xf32>
    %add3A_1747 = arith.constant 2.000000e+00 : f32
    %add3A_1748 = vector.broadcast %add3A_1747 : f32 to vector<16xf32>
    %add3A_1749 = arith.addf %exp3A_1746, %add3A_1748 : vector<16xf32>
    %div3A_1750 = arith.divf %exp3A_1746, %add3A_1749 : vector<16xf32>
    %mul3A_1751 = arith.mulf %div3A_1750, %div3A_1750 : vector<16xf32>
    %mul3A_1752 = arith.constant 2.000000e+00 : f32
    %mul3A_1753 = vector.broadcast %mul3A_1752 : f32 to vector<16xf32>
    %mul3A_1754 = arith.mulf %mul3A_1753, %div3A_1750 : vector<16xf32>
    %mul3A_1755 = arith.constant 2.000000e-01 : f32
    %mul3A_1756 = vector.broadcast %mul3A_1755 : f32 to vector<16xf32>
    %mul3A_1757 = arith.mulf %mul3A_1751, %mul3A_1756 : vector<16xf32>
    %add3A_1758 = arith.constant 0.333333343 : f32
    %add3A_1759 = vector.broadcast %add3A_1758 : f32 to vector<16xf32>
    %add3A_1760 = arith.addf %add3A_1759, %mul3A_1757 : vector<16xf32>
    %mul3A_1761 = arith.mulf %mul3A_1751, %add3A_1760 : vector<16xf32>
    %add3A_1762 = arith.constant 1.000000e+00 : f32
    %add3A_1763 = vector.broadcast %add3A_1762 : f32 to vector<16xf32>
    %add3A_1764 = arith.addf %add3A_1763, %mul3A_1761 : vector<16xf32>
    %mul3A_1765 = arith.mulf %mul3A_1754, %add3A_1764 : vector<16xf32>
    %add3A_1766 = arith.addf %max3A_1741, %mul3A_1765 : vector<16xf32>
    %get3A_1767 = arith.constant 1152 : index
    %get3A_1768 = tpu.vector_load %arg5[%get3A_1767] {strides = array<i32>} : memref<1536xf32, #tpu.memory_space<vmem>>, vector<16xf32>,
    %get3A_1769 = vector.shape_cast %get3A_1768 : vector<16xf32> to vector<16xf32>
    %mul3A_1770 = arith.mulf %get3A_1769, %sub3A_1738 : vector<16xf32>
    %sub3A_1771 = arith.subf %add3A_1766, %mul3A_1770 : vector<16xf32>
    %swap3A_1772 = arith.constant 128 : index
    %swap3A_1773 = tpu.vector_load %arg8[%swap3A_1772] {strides = array<i32>} : memref<512xf32, #tpu.memory_space<vmem>>, vector<16xf32>,
    %swap3A_1774 = vector.shape_cast %swap3A_1773 : vector<16xf32> to vector<16xf32>
    %swap3A_1775 = vector.shape_cast %sub3A_1771 : vector<16xf32> to vector<16xf32>
    tpu.vector_store %arg8[%swap3A_1772], %swap3A_1775 {strides = array<i32>} : memref<512xf32, #tpu.memory_space<vmem>>, vector<16xf32>,
    %get3A_1776 = arith.constant 144 : index
    %get3A_1777 = tpu.vector_load %arg5[%get3A_1776] {strides = array<i32>} : memref<1536xf32, #tpu.memory_space<vmem>>, vector<16xf32>,
    %get3A_1778 = vector.shape_cast %get3A_1777 : vector<16xf32> to vector<16xf32>
    %eq3A_1779 = arith.constant 0.000000e+00 : f32
    %eq3A_1780 = vector.broadcast %eq3A_1779 : f32 to vector<16xf32>
    %eq3A_1781 = arith.cmpf oeq, %get3A_1778, %eq3A_1780 : vector<16xf32>
    %get3A_1782 = arith.constant 1 : i32
    %get3A_1783 = arith.index_cast %get3A_1782 : i32 to index
    %get3A_1784 = arith.constant 16 : index
    %get3A_1785 = tpu.vector_load %arg7[%get3A_1783, %get3A_1784] {strides = array<i32>} : memref<8x128xf32, #tpu.memory_space<vmem>>, vector<1x16xf32>,
    %get3A_1786 = vector.shape_cast %get3A_1785 : vector<1x16xf32> to vector<16xf32>
    %jit3A_1787 = arith.constant 0.000000e+00 : f32
    %broadcast_in_dim3A_1788 = vector.broadcast %jit3A_1787 : f32 to vector<16xf32>
    %select_n3A_1789 = arith.select %eq3A_1781, %broadcast_in_dim3A_1788, %get3A_1786 : vector<16xi1>, vector<16xf32>
    %get3A_1790 = arith.constant 656 : index
    %get3A_1791 = tpu.vector_load %arg5[%get3A_1790] {strides = array<i32>} : memref<1536xf32, #tpu.memory_space<vmem>>, vector<16xf32>,
    %get3A_1792 = vector.shape_cast %get3A_1791 : vector<16xf32> to vector<16xf32>
    %eq3A_1793 = arith.constant 0.000000e+00 : f32
    %eq3A_1794 = vector.broadcast %eq3A_1793 : f32 to vector<16xf32>
    %eq3A_1795 = arith.cmpf oeq, %get3A_1792, %eq3A_1794 : vector<16xf32>
    %get3A_1796 = arith.constant 5 : i32
    %get3A_1797 = arith.index_cast %get3A_1796 : i32 to index
    %get3A_1798 = arith.constant 16 : index
    %get3A_1799 = tpu.vector_load %arg7[%get3A_1797, %get3A_1798] {strides = array<i32>} : memref<8x128xf32, #tpu.memory_space<vmem>>, vector<1x16xf32>,
    %get3A_1800 = vector.shape_cast %get3A_1799 : vector<1x16xf32> to vector<16xf32>
    %jit3A_1801 = arith.constant 0.000000e+00 : f32
    %broadcast_in_dim3A_1802 = vector.broadcast %jit3A_1801 : f32 to vector<16xf32>
    %select_n3A_1803 = arith.select %eq3A_1795, %broadcast_in_dim3A_1802, %get3A_1800 : vector<16xi1>, vector<16xf32>
    %sub3A_1804 = arith.subf %select_n3A_1789, %select_n3A_1803 : vector<16xf32>
    %max3A_1805 = arith.constant 0.000000e+00 : f32
    %max3A_1806 = vector.broadcast %max3A_1805 : f32 to vector<16xf32>
    %max3A_1807 = arith.maximumf %sub3A_1804, %max3A_1806 : vector<16xf32>
    %abs3A_1808 = math.absf %sub3A_1804 : vector<16xf32>
    %neg3A_1809 = arith.constant 0.000000e+00 : f32
    %neg3A_1810 = vector.broadcast %neg3A_1809 : f32 to vector<16xf32>
    %neg3A_1811 = arith.subf %neg3A_1810, %abs3A_1808 : vector<16xf32>
    %exp3A_1812 = math.exp %neg3A_1811 : vector<16xf32>
    %add3A_1813 = arith.constant 2.000000e+00 : f32
    %add3A_1814 = vector.broadcast %add3A_1813 : f32 to vector<16xf32>
    %add3A_1815 = arith.addf %exp3A_1812, %add3A_1814 : vector<16xf32>
    %div3A_1816 = arith.divf %exp3A_1812, %add3A_1815 : vector<16xf32>
    %mul3A_1817 = arith.mulf %div3A_1816, %div3A_1816 : vector<16xf32>
    %mul3A_1818 = arith.constant 2.000000e+00 : f32
    %mul3A_1819 = vector.broadcast %mul3A_1818 : f32 to vector<16xf32>
    %mul3A_1820 = arith.mulf %mul3A_1819, %div3A_1816 : vector<16xf32>
    %mul3A_1821 = arith.constant 2.000000e-01 : f32
    %mul3A_1822 = vector.broadcast %mul3A_1821 : f32 to vector<16xf32>
    %mul3A_1823 = arith.mulf %mul3A_1817, %mul3A_1822 : vector<16xf32>
    %add3A_1824 = arith.constant 0.333333343 : f32
    %add3A_1825 = vector.broadcast %add3A_1824 : f32 to vector<16xf32>
    %add3A_1826 = arith.addf %add3A_1825, %mul3A_1823 : vector<16xf32>
    %mul3A_1827 = arith.mulf %mul3A_1817, %add3A_1826 : vector<16xf32>
    %add3A_1828 = arith.constant 1.000000e+00 : f32
    %add3A_1829 = vector.broadcast %add3A_1828 : f32 to vector<16xf32>
    %add3A_1830 = arith.addf %add3A_1829, %mul3A_1827 : vector<16xf32>
    %mul3A_1831 = arith.mulf %mul3A_1820, %add3A_1830 : vector<16xf32>
    %add3A_1832 = arith.addf %max3A_1807, %mul3A_1831 : vector<16xf32>
    %get3A_1833 = arith.constant 1168 : index
    %get3A_1834 = tpu.vector_load %arg5[%get3A_1833] {strides = array<i32>} : memref<1536xf32, #tpu.memory_space<vmem>>, vector<16xf32>,
    %get3A_1835 = vector.shape_cast %get3A_1834 : vector<16xf32> to vector<16xf32>
    %mul3A_1836 = arith.mulf %get3A_1835, %sub3A_1804 : vector<16xf32>
    %sub3A_1837 = arith.subf %add3A_1832, %mul3A_1836 : vector<16xf32>
    %swap3A_1838 = arith.constant 144 : index
    %swap3A_1839 = tpu.vector_load %arg8[%swap3A_1838] {strides = array<i32>} : memref<512xf32, #tpu.memory_space<vmem>>, vector<16xf32>,
    %swap3A_1840 = vector.shape_cast %swap3A_1839 : vector<16xf32> to vector<16xf32>
    %swap3A_1841 = vector.shape_cast %sub3A_1837 : vector<16xf32> to vector<16xf32>
    tpu.vector_store %arg8[%swap3A_1838], %swap3A_1841 {strides = array<i32>} : memref<512xf32, #tpu.memory_space<vmem>>, vector<16xf32>,
    %get3A_1842 = arith.constant 160 : index
    %get3A_1843 = tpu.vector_load %arg5[%get3A_1842] {strides = array<i32>} : memref<1536xf32, #tpu.memory_space<vmem>>, vector<16xf32>,
    %get3A_1844 = vector.shape_cast %get3A_1843 : vector<16xf32> to vector<16xf32>
    %eq3A_1845 = arith.constant 0.000000e+00 : f32
    %eq3A_1846 = vector.broadcast %eq3A_1845 : f32 to vector<16xf32>
    %eq3A_1847 = arith.cmpf oeq, %get3A_1844, %eq3A_1846 : vector<16xf32>
    %get3A_1848 = arith.constant 1 : i32
    %get3A_1849 = arith.index_cast %get3A_1848 : i32 to index
    %get3A_1850 = arith.constant 32 : index
    %get3A_1851 = tpu.vector_load %arg7[%get3A_1849, %get3A_1850] {strides = array<i32>} : memref<8x128xf32, #tpu.memory_space<vmem>>, vector<1x16xf32>,
    %get3A_1852 = vector.shape_cast %get3A_1851 : vector<1x16xf32> to vector<16xf32>
    %jit3A_1853 = arith.constant 0.000000e+00 : f32
    %broadcast_in_dim3A_1854 = vector.broadcast %jit3A_1853 : f32 to vector<16xf32>
    %select_n3A_1855 = arith.select %eq3A_1847, %broadcast_in_dim3A_1854, %get3A_1852 : vector<16xi1>, vector<16xf32>
    %get3A_1856 = arith.constant 672 : index
    %get3A_1857 = tpu.vector_load %arg5[%get3A_1856] {strides = array<i32>} : memref<1536xf32, #tpu.memory_space<vmem>>, vector<16xf32>,
    %get3A_1858 = vector.shape_cast %get3A_1857 : vector<16xf32> to vector<16xf32>
    %eq3A_1859 = arith.constant 0.000000e+00 : f32
    %eq3A_1860 = vector.broadcast %eq3A_1859 : f32 to vector<16xf32>
    %eq3A_1861 = arith.cmpf oeq, %get3A_1858, %eq3A_1860 : vector<16xf32>
    %get3A_1862 = arith.constant 5 : i32
    %get3A_1863 = arith.index_cast %get3A_1862 : i32 to index
    %get3A_1864 = arith.constant 32 : index
    %get3A_1865 = tpu.vector_load %arg7[%get3A_1863, %get3A_1864] {strides = array<i32>} : memref<8x128xf32, #tpu.memory_space<vmem>>, vector<1x16xf32>,
    %get3A_1866 = vector.shape_cast %get3A_1865 : vector<1x16xf32> to vector<16xf32>
    %jit3A_1867 = arith.constant 0.000000e+00 : f32
    %broadcast_in_dim3A_1868 = vector.broadcast %jit3A_1867 : f32 to vector<16xf32>
    %select_n3A_1869 = arith.select %eq3A_1861, %broadcast_in_dim3A_1868, %get3A_1866 : vector<16xi1>, vector<16xf32>
    %sub3A_1870 = arith.subf %select_n3A_1855, %select_n3A_1869 : vector<16xf32>
    %max3A_1871 = arith.constant 0.000000e+00 : f32
    %max3A_1872 = vector.broadcast %max3A_1871 : f32 to vector<16xf32>
    %max3A_1873 = arith.maximumf %sub3A_1870, %max3A_1872 : vector<16xf32>
    %abs3A_1874 = math.absf %sub3A_1870 : vector<16xf32>
    %neg3A_1875 = arith.constant 0.000000e+00 : f32
    %neg3A_1876 = vector.broadcast %neg3A_1875 : f32 to vector<16xf32>
    %neg3A_1877 = arith.subf %neg3A_1876, %abs3A_1874 : vector<16xf32>
    %exp3A_1878 = math.exp %neg3A_1877 : vector<16xf32>
    %add3A_1879 = arith.constant 2.000000e+00 : f32
    %add3A_1880 = vector.broadcast %add3A_1879 : f32 to vector<16xf32>
    %add3A_1881 = arith.addf %exp3A_1878, %add3A_1880 : vector<16xf32>
    %div3A_1882 = arith.divf %exp3A_1878, %add3A_1881 : vector<16xf32>
    %mul3A_1883 = arith.mulf %div3A_1882, %div3A_1882 : vector<16xf32>
    %mul3A_1884 = arith.constant 2.000000e+00 : f32
    %mul3A_1885 = vector.broadcast %mul3A_1884 : f32 to vector<16xf32>
    %mul3A_1886 = arith.mulf %mul3A_1885, %div3A_1882 : vector<16xf32>
    %mul3A_1887 = arith.constant 2.000000e-01 : f32
    %mul3A_1888 = vector.broadcast %mul3A_1887 : f32 to vector<16xf32>
    %mul3A_1889 = arith.mulf %mul3A_1883, %mul3A_1888 : vector<16xf32>
    %add3A_1890 = arith.constant 0.333333343 : f32
    %add3A_1891 = vector.broadcast %add3A_1890 : f32 to vector<16xf32>
    %add3A_1892 = arith.addf %add3A_1891, %mul3A_1889 : vector<16xf32>
    %mul3A_1893 = arith.mulf %mul3A_1883, %add3A_1892 : vector<16xf32>
    %add3A_1894 = arith.constant 1.000000e+00 : f32
    %add3A_1895 = vector.broadcast %add3A_1894 : f32 to vector<16xf32>
    %add3A_1896 = arith.addf %add3A_1895, %mul3A_1893 : vector<16xf32>
    %mul3A_1897 = arith.mulf %mul3A_1886, %add3A_1896 : vector<16xf32>
    %add3A_1898 = arith.addf %max3A_1873, %mul3A_1897 : vector<16xf32>
    %get3A_1899 = arith.constant 1184 : index
    %get3A_1900 = tpu.vector_load %arg5[%get3A_1899] {strides = array<i32>} : memref<1536xf32, #tpu.memory_space<vmem>>, vector<16xf32>,
    %get3A_1901 = vector.shape_cast %get3A_1900 : vector<16xf32> to vector<16xf32>
    %mul3A_1902 = arith.mulf %get3A_1901, %sub3A_1870 : vector<16xf32>
    %sub3A_1903 = arith.subf %add3A_1898, %mul3A_1902 : vector<16xf32>
    %swap3A_1904 = arith.constant 160 : index
    %swap3A_1905 = tpu.vector_load %arg8[%swap3A_1904] {strides = array<i32>} : memref<512xf32, #tpu.memory_space<vmem>>, vector<16xf32>,
    %swap3A_1906 = vector.shape_cast %swap3A_1905 : vector<16xf32> to vector<16xf32>
    %swap3A_1907 = vector.shape_cast %sub3A_1903 : vector<16xf32> to vector<16xf32>
    tpu.vector_store %arg8[%swap3A_1904], %swap3A_1907 {strides = array<i32>} : memref<512xf32, #tpu.memory_space<vmem>>, vector<16xf32>,
    %get3A_1908 = arith.constant 176 : index
    %get3A_1909 = tpu.vector_load %arg5[%get3A_1908] {strides = array<i32>} : memref<1536xf32, #tpu.memory_space<vmem>>, vector<16xf32>,
    %get3A_1910 = vector.shape_cast %get3A_1909 : vector<16xf32> to vector<16xf32>
    %eq3A_1911 = arith.constant 0.000000e+00 : f32
    %eq3A_1912 = vector.broadcast %eq3A_1911 : f32 to vector<16xf32>
    %eq3A_1913 = arith.cmpf oeq, %get3A_1910, %eq3A_1912 : vector<16xf32>
    %get3A_1914 = arith.constant 1 : i32
    %get3A_1915 = arith.index_cast %get3A_1914 : i32 to index
    %get3A_1916 = arith.constant 48 : index
    %get3A_1917 = tpu.vector_load %arg7[%get3A_1915, %get3A_1916] {strides = array<i32>} : memref<8x128xf32, #tpu.memory_space<vmem>>, vector<1x16xf32>,
    %get3A_1918 = vector.shape_cast %get3A_1917 : vector<1x16xf32> to vector<16xf32>
    %jit3A_1919 = arith.constant 0.000000e+00 : f32
    %broadcast_in_dim3A_1920 = vector.broadcast %jit3A_1919 : f32 to vector<16xf32>
    %select_n3A_1921 = arith.select %eq3A_1913, %broadcast_in_dim3A_1920, %get3A_1918 : vector<16xi1>, vector<16xf32>
    %get3A_1922 = arith.constant 688 : index
    %get3A_1923 = tpu.vector_load %arg5[%get3A_1922] {strides = array<i32>} : memref<1536xf32, #tpu.memory_space<vmem>>, vector<16xf32>,
    %get3A_1924 = vector.shape_cast %get3A_1923 : vector<16xf32> to vector<16xf32>
    %eq3A_1925 = arith.constant 0.000000e+00 : f32
    %eq3A_1926 = vector.broadcast %eq3A_1925 : f32 to vector<16xf32>
    %eq3A_1927 = arith.cmpf oeq, %get3A_1924, %eq3A_1926 : vector<16xf32>
    %get3A_1928 = arith.constant 5 : i32
    %get3A_1929 = arith.index_cast %get3A_1928 : i32 to index
    %get3A_1930 = arith.constant 48 : index
    %get3A_1931 = tpu.vector_load %arg7[%get3A_1929, %get3A_1930] {strides = array<i32>} : memref<8x128xf32, #tpu.memory_space<vmem>>, vector<1x16xf32>,
    %get3A_1932 = vector.shape_cast %get3A_1931 : vector<1x16xf32> to vector<16xf32>
    %jit3A_1933 = arith.constant 0.000000e+00 : f32
    %broadcast_in_dim3A_1934 = vector.broadcast %jit3A_1933 : f32 to vector<16xf32>
    %select_n3A_1935 = arith.select %eq3A_1927, %broadcast_in_dim3A_1934, %get3A_1932 : vector<16xi1>, vector<16xf32>
    %sub3A_1936 = arith.subf %select_n3A_1921, %select_n3A_1935 : vector<16xf32>
    %max3A_1937 = arith.constant 0.000000e+00 : f32
    %max3A_1938 = vector.broadcast %max3A_1937 : f32 to vector<16xf32>
    %max3A_1939 = arith.maximumf %sub3A_1936, %max3A_1938 : vector<16xf32>
    %abs3A_1940 = math.absf %sub3A_1936 : vector<16xf32>
    %neg3A_1941 = arith.constant 0.000000e+00 : f32
    %neg3A_1942 = vector.broadcast %neg3A_1941 : f32 to vector<16xf32>
    %neg3A_1943 = arith.subf %neg3A_1942, %abs3A_1940 : vector<16xf32>
    %exp3A_1944 = math.exp %neg3A_1943 : vector<16xf32>
    %add3A_1945 = arith.constant 2.000000e+00 : f32
    %add3A_1946 = vector.broadcast %add3A_1945 : f32 to vector<16xf32>
    %add3A_1947 = arith.addf %exp3A_1944, %add3A_1946 : vector<16xf32>
    %div3A_1948 = arith.divf %exp3A_1944, %add3A_1947 : vector<16xf32>
    %mul3A_1949 = arith.mulf %div3A_1948, %div3A_1948 : vector<16xf32>
    %mul3A_1950 = arith.constant 2.000000e+00 : f32
    %mul3A_1951 = vector.broadcast %mul3A_1950 : f32 to vector<16xf32>
    %mul3A_1952 = arith.mulf %mul3A_1951, %div3A_1948 : vector<16xf32>
    %mul3A_1953 = arith.constant 2.000000e-01 : f32
    %mul3A_1954 = vector.broadcast %mul3A_1953 : f32 to vector<16xf32>
    %mul3A_1955 = arith.mulf %mul3A_1949, %mul3A_1954 : vector<16xf32>
    %add3A_1956 = arith.constant 0.333333343 : f32
    %add3A_1957 = vector.broadcast %add3A_1956 : f32 to vector<16xf32>
    %add3A_1958 = arith.addf %add3A_1957, %mul3A_1955 : vector<16xf32>
    %mul3A_1959 = arith.mulf %mul3A_1949, %add3A_1958 : vector<16xf32>
    %add3A_1960 = arith.constant 1.000000e+00 : f32
    %add3A_1961 = vector.broadcast %add3A_1960 : f32 to vector<16xf32>
    %add3A_1962 = arith.addf %add3A_1961, %mul3A_1959 : vector<16xf32>
    %mul3A_1963 = arith.mulf %mul3A_1952, %add3A_1962 : vector<16xf32>
    %add3A_1964 = arith.addf %max3A_1939, %mul3A_1963 : vector<16xf32>
    %get3A_1965 = arith.constant 1200 : index
    %get3A_1966 = tpu.vector_load %arg5[%get3A_1965] {strides = array<i32>} : memref<1536xf32, #tpu.memory_space<vmem>>, vector<16xf32>,
    %get3A_1967 = vector.shape_cast %get3A_1966 : vector<16xf32> to vector<16xf32>
    %mul3A_1968 = arith.mulf %get3A_1967, %sub3A_1936 : vector<16xf32>
    %sub3A_1969 = arith.subf %add3A_1964, %mul3A_1968 : vector<16xf32>
    %swap3A_1970 = arith.constant 176 : index
    %swap3A_1971 = tpu.vector_load %arg8[%swap3A_1970] {strides = array<i32>} : memref<512xf32, #tpu.memory_space<vmem>>, vector<16xf32>,
    %swap3A_1972 = vector.shape_cast %swap3A_1971 : vector<16xf32> to vector<16xf32>
    %swap3A_1973 = vector.shape_cast %sub3A_1969 : vector<16xf32> to vector<16xf32>
    tpu.vector_store %arg8[%swap3A_1970], %swap3A_1973 {strides = array<i32>} : memref<512xf32, #tpu.memory_space<vmem>>, vector<16xf32>,
    %get3A_1974 = arith.constant 192 : index
    %get3A_1975 = tpu.vector_load %arg5[%get3A_1974] {strides = array<i32>} : memref<1536xf32, #tpu.memory_space<vmem>>, vector<16xf32>,
    %get3A_1976 = vector.shape_cast %get3A_1975 : vector<16xf32> to vector<16xf32>
    %eq3A_1977 = arith.constant 0.000000e+00 : f32
    %eq3A_1978 = vector.broadcast %eq3A_1977 : f32 to vector<16xf32>
    %eq3A_1979 = arith.cmpf oeq, %get3A_1976, %eq3A_1978 : vector<16xf32>
    %get3A_1980 = arith.constant 1 : i32
    %get3A_1981 = arith.index_cast %get3A_1980 : i32 to index
    %get3A_1982 = arith.constant 64 : index
    %get3A_1983 = tpu.vector_load %arg7[%get3A_1981, %get3A_1982] {strides = array<i32>} : memref<8x128xf32, #tpu.memory_space<vmem>>, vector<1x16xf32>,
    %get3A_1984 = vector.shape_cast %get3A_1983 : vector<1x16xf32> to vector<16xf32>
    %jit3A_1985 = arith.constant 0.000000e+00 : f32
    %broadcast_in_dim3A_1986 = vector.broadcast %jit3A_1985 : f32 to vector<16xf32>
    %select_n3A_1987 = arith.select %eq3A_1979, %broadcast_in_dim3A_1986, %get3A_1984 : vector<16xi1>, vector<16xf32>
    %get3A_1988 = arith.constant 704 : index
    %get3A_1989 = tpu.vector_load %arg5[%get3A_1988] {strides = array<i32>} : memref<1536xf32, #tpu.memory_space<vmem>>, vector<16xf32>,
    %get3A_1990 = vector.shape_cast %get3A_1989 : vector<16xf32> to vector<16xf32>
    %eq3A_1991 = arith.constant 0.000000e+00 : f32
    %eq3A_1992 = vector.broadcast %eq3A_1991 : f32 to vector<16xf32>
    %eq3A_1993 = arith.cmpf oeq, %get3A_1990, %eq3A_1992 : vector<16xf32>
    %get3A_1994 = arith.constant 5 : i32
    %get3A_1995 = arith.index_cast %get3A_1994 : i32 to index
    %get3A_1996 = arith.constant 64 : index
    %get3A_1997 = tpu.vector_load %arg7[%get3A_1995, %get3A_1996] {strides = array<i32>} : memref<8x128xf32, #tpu.memory_space<vmem>>, vector<1x16xf32>,
    %get3A_1998 = vector.shape_cast %get3A_1997 : vector<1x16xf32> to vector<16xf32>
    %jit3A_1999 = arith.constant 0.000000e+00 : f32
    %broadcast_in_dim3A_2000 = vector.broadcast %jit3A_1999 : f32 to vector<16xf32>
    %select_n3A_2001 = arith.select %eq3A_1993, %broadcast_in_dim3A_2000, %get3A_1998 : vector<16xi1>, vector<16xf32>
    %sub3A_2002 = arith.subf %select_n3A_1987, %select_n3A_2001 : vector<16xf32>
    %max3A_2003 = arith.constant 0.000000e+00 : f32
    %max3A_2004 = vector.broadcast %max3A_2003 : f32 to vector<16xf32>
    %max3A_2005 = arith.maximumf %sub3A_2002, %max3A_2004 : vector<16xf32>
    %abs3A_2006 = math.absf %sub3A_2002 : vector<16xf32>
    %neg3A_2007 = arith.constant 0.000000e+00 : f32
    %neg3A_2008 = vector.broadcast %neg3A_2007 : f32 to vector<16xf32>
    %neg3A_2009 = arith.subf %neg3A_2008, %abs3A_2006 : vector<16xf32>
    %exp3A_2010 = math.exp %neg3A_2009 : vector<16xf32>
    %add3A_2011 = arith.constant 2.000000e+00 : f32
    %add3A_2012 = vector.broadcast %add3A_2011 : f32 to vector<16xf32>
    %add3A_2013 = arith.addf %exp3A_2010, %add3A_2012 : vector<16xf32>
    %div3A_2014 = arith.divf %exp3A_2010, %add3A_2013 : vector<16xf32>
    %mul3A_2015 = arith.mulf %div3A_2014, %div3A_2014 : vector<16xf32>
    %mul3A_2016 = arith.constant 2.000000e+00 : f32
    %mul3A_2017 = vector.broadcast %mul3A_2016 : f32 to vector<16xf32>
    %mul3A_2018 = arith.mulf %mul3A_2017, %div3A_2014 : vector<16xf32>
    %mul3A_2019 = arith.constant 2.000000e-01 : f32
    %mul3A_2020 = vector.broadcast %mul3A_2019 : f32 to vector<16xf32>
    %mul3A_2021 = arith.mulf %mul3A_2015, %mul3A_2020 : vector<16xf32>
    %add3A_2022 = arith.constant 0.333333343 : f32
    %add3A_2023 = vector.broadcast %add3A_2022 : f32 to vector<16xf32>
    %add3A_2024 = arith.addf %add3A_2023, %mul3A_2021 : vector<16xf32>
    %mul3A_2025 = arith.mulf %mul3A_2015, %add3A_2024 : vector<16xf32>
    %add3A_2026 = arith.constant 1.000000e+00 : f32
    %add3A_2027 = vector.broadcast %add3A_2026 : f32 to vector<16xf32>
    %add3A_2028 = arith.addf %add3A_2027, %mul3A_2025 : vector<16xf32>
    %mul3A_2029 = arith.mulf %mul3A_2018, %add3A_2028 : vector<16xf32>
    %add3A_2030 = arith.addf %max3A_2005, %mul3A_2029 : vector<16xf32>
    %get3A_2031 = arith.constant 1216 : index
    %get3A_2032 = tpu.vector_load %arg5[%get3A_2031] {strides = array<i32>} : memref<1536xf32, #tpu.memory_space<vmem>>, vector<16xf32>,
    %get3A_2033 = vector.shape_cast %get3A_2032 : vector<16xf32> to vector<16xf32>
    %mul3A_2034 = arith.mulf %get3A_2033, %sub3A_2002 : vector<16xf32>
    %sub3A_2035 = arith.subf %add3A_2030, %mul3A_2034 : vector<16xf32>
    %swap3A_2036 = arith.constant 192 : index
    %swap3A_2037 = tpu.vector_load %arg8[%swap3A_2036] {strides = array<i32>} : memref<512xf32, #tpu.memory_space<vmem>>, vector<16xf32>,
    %swap3A_2038 = vector.shape_cast %swap3A_2037 : vector<16xf32> to vector<16xf32>
    %swap3A_2039 = vector.shape_cast %sub3A_2035 : vector<16xf32> to vector<16xf32>
    tpu.vector_store %arg8[%swap3A_2036], %swap3A_2039 {strides = array<i32>} : memref<512xf32, #tpu.memory_space<vmem>>, vector<16xf32>,
    %get3A_2040 = arith.constant 208 : index
    %get3A_2041 = tpu.vector_load %arg5[%get3A_2040] {strides = array<i32>} : memref<1536xf32, #tpu.memory_space<vmem>>, vector<16xf32>,
    %get3A_2042 = vector.shape_cast %get3A_2041 : vector<16xf32> to vector<16xf32>
    %eq3A_2043 = arith.constant 0.000000e+00 : f32
    %eq3A_2044 = vector.broadcast %eq3A_2043 : f32 to vector<16xf32>
    %eq3A_2045 = arith.cmpf oeq, %get3A_2042, %eq3A_2044 : vector<16xf32>
    %get3A_2046 = arith.constant 1 : i32
    %get3A_2047 = arith.index_cast %get3A_2046 : i32 to index
    %get3A_2048 = arith.constant 80 : index
    %get3A_2049 = tpu.vector_load %arg7[%get3A_2047, %get3A_2048] {strides = array<i32>} : memref<8x128xf32, #tpu.memory_space<vmem>>, vector<1x16xf32>,
    %get3A_2050 = vector.shape_cast %get3A_2049 : vector<1x16xf32> to vector<16xf32>
    %jit3A_2051 = arith.constant 0.000000e+00 : f32
    %broadcast_in_dim3A_2052 = vector.broadcast %jit3A_2051 : f32 to vector<16xf32>
    %select_n3A_2053 = arith.select %eq3A_2045, %broadcast_in_dim3A_2052, %get3A_2050 : vector<16xi1>, vector<16xf32>
    %get3A_2054 = arith.constant 720 : index
    %get3A_2055 = tpu.vector_load %arg5[%get3A_2054] {strides = array<i32>} : memref<1536xf32, #tpu.memory_space<vmem>>, vector<16xf32>,
    %get3A_2056 = vector.shape_cast %get3A_2055 : vector<16xf32> to vector<16xf32>
    %eq3A_2057 = arith.constant 0.000000e+00 : f32
    %eq3A_2058 = vector.broadcast %eq3A_2057 : f32 to vector<16xf32>
    %eq3A_2059 = arith.cmpf oeq, %get3A_2056, %eq3A_2058 : vector<16xf32>
    %get3A_2060 = arith.constant 5 : i32
    %get3A_2061 = arith.index_cast %get3A_2060 : i32 to index
    %get3A_2062 = arith.constant 80 : index
    %get3A_2063 = tpu.vector_load %arg7[%get3A_2061, %get3A_2062] {strides = array<i32>} : memref<8x128xf32, #tpu.memory_space<vmem>>, vector<1x16xf32>,
    %get3A_2064 = vector.shape_cast %get3A_2063 : vector<1x16xf32> to vector<16xf32>
    %jit3A_2065 = arith.constant 0.000000e+00 : f32
    %broadcast_in_dim3A_2066 = vector.broadcast %jit3A_2065 : f32 to vector<16xf32>
    %select_n3A_2067 = arith.select %eq3A_2059, %broadcast_in_dim3A_2066, %get3A_2064 : vector<16xi1>, vector<16xf32>
    %sub3A_2068 = arith.subf %select_n3A_2053, %select_n3A_2067 : vector<16xf32>
    %max3A_2069 = arith.constant 0.000000e+00 : f32
    %max3A_2070 = vector.broadcast %max3A_2069 : f32 to vector<16xf32>
    %max3A_2071 = arith.maximumf %sub3A_2068, %max3A_2070 : vector<16xf32>
    %abs3A_2072 = math.absf %sub3A_2068 : vector<16xf32>
    %neg3A_2073 = arith.constant 0.000000e+00 : f32
    %neg3A_2074 = vector.broadcast %neg3A_2073 : f32 to vector<16xf32>
    %neg3A_2075 = arith.subf %neg3A_2074, %abs3A_2072 : vector<16xf32>
    %exp3A_2076 = math.exp %neg3A_2075 : vector<16xf32>
    %add3A_2077 = arith.constant 2.000000e+00 : f32
    %add3A_2078 = vector.broadcast %add3A_2077 : f32 to vector<16xf32>
    %add3A_2079 = arith.addf %exp3A_2076, %add3A_2078 : vector<16xf32>
    %div3A_2080 = arith.divf %exp3A_2076, %add3A_2079 : vector<16xf32>
    %mul3A_2081 = arith.mulf %div3A_2080, %div3A_2080 : vector<16xf32>
    %mul3A_2082 = arith.constant 2.000000e+00 : f32
    %mul3A_2083 = vector.broadcast %mul3A_2082 : f32 to vector<16xf32>
    %mul3A_2084 = arith.mulf %mul3A_2083, %div3A_2080 : vector<16xf32>
    %mul3A_2085 = arith.constant 2.000000e-01 : f32
    %mul3A_2086 = vector.broadcast %mul3A_2085 : f32 to vector<16xf32>
    %mul3A_2087 = arith.mulf %mul3A_2081, %mul3A_2086 : vector<16xf32>
    %add3A_2088 = arith.constant 0.333333343 : f32
    %add3A_2089 = vector.broadcast %add3A_2088 : f32 to vector<16xf32>
    %add3A_2090 = arith.addf %add3A_2089, %mul3A_2087 : vector<16xf32>
    %mul3A_2091 = arith.mulf %mul3A_2081, %add3A_2090 : vector<16xf32>
    %add3A_2092 = arith.constant 1.000000e+00 : f32
    %add3A_2093 = vector.broadcast %add3A_2092 : f32 to vector<16xf32>
    %add3A_2094 = arith.addf %add3A_2093, %mul3A_2091 : vector<16xf32>
    %mul3A_2095 = arith.mulf %mul3A_2084, %add3A_2094 : vector<16xf32>
    %add3A_2096 = arith.addf %max3A_2071, %mul3A_2095 : vector<16xf32>
    %get3A_2097 = arith.constant 1232 : index
    %get3A_2098 = tpu.vector_load %arg5[%get3A_2097] {strides = array<i32>} : memref<1536xf32, #tpu.memory_space<vmem>>, vector<16xf32>,
    %get3A_2099 = vector.shape_cast %get3A_2098 : vector<16xf32> to vector<16xf32>
    %mul3A_2100 = arith.mulf %get3A_2099, %sub3A_2068 : vector<16xf32>
    %sub3A_2101 = arith.subf %add3A_2096, %mul3A_2100 : vector<16xf32>
    %swap3A_2102 = arith.constant 208 : index
    %swap3A_2103 = tpu.vector_load %arg8[%swap3A_2102] {strides = array<i32>} : memref<512xf32, #tpu.memory_space<vmem>>, vector<16xf32>,
    %swap3A_2104 = vector.shape_cast %swap3A_2103 : vector<16xf32> to vector<16xf32>
    %swap3A_2105 = vector.shape_cast %sub3A_2101 : vector<16xf32> to vector<16xf32>
    tpu.vector_store %arg8[%swap3A_2102], %swap3A_2105 {strides = array<i32>} : memref<512xf32, #tpu.memory_space<vmem>>, vector<16xf32>,
    %get3A_2106 = arith.constant 224 : index
    %get3A_2107 = tpu.vector_load %arg5[%get3A_2106] {strides = array<i32>} : memref<1536xf32, #tpu.memory_space<vmem>>, vector<16xf32>,
    %get3A_2108 = vector.shape_cast %get3A_2107 : vector<16xf32> to vector<16xf32>
    %eq3A_2109 = arith.constant 0.000000e+00 : f32
    %eq3A_2110 = vector.broadcast %eq3A_2109 : f32 to vector<16xf32>
    %eq3A_2111 = arith.cmpf oeq, %get3A_2108, %eq3A_2110 : vector<16xf32>
    %get3A_2112 = arith.constant 1 : i32
    %get3A_2113 = arith.index_cast %get3A_2112 : i32 to index
    %get3A_2114 = arith.constant 96 : index
    %get3A_2115 = tpu.vector_load %arg7[%get3A_2113, %get3A_2114] {strides = array<i32>} : memref<8x128xf32, #tpu.memory_space<vmem>>, vector<1x16xf32>,
    %get3A_2116 = vector.shape_cast %get3A_2115 : vector<1x16xf32> to vector<16xf32>
    %jit3A_2117 = arith.constant 0.000000e+00 : f32
    %broadcast_in_dim3A_2118 = vector.broadcast %jit3A_2117 : f32 to vector<16xf32>
    %select_n3A_2119 = arith.select %eq3A_2111, %broadcast_in_dim3A_2118, %get3A_2116 : vector<16xi1>, vector<16xf32>
    %get3A_2120 = arith.constant 736 : index
    %get3A_2121 = tpu.vector_load %arg5[%get3A_2120] {strides = array<i32>} : memref<1536xf32, #tpu.memory_space<vmem>>, vector<16xf32>,
    %get3A_2122 = vector.shape_cast %get3A_2121 : vector<16xf32> to vector<16xf32>
    %eq3A_2123 = arith.constant 0.000000e+00 : f32
    %eq3A_2124 = vector.broadcast %eq3A_2123 : f32 to vector<16xf32>
    %eq3A_2125 = arith.cmpf oeq, %get3A_2122, %eq3A_2124 : vector<16xf32>
    %get3A_2126 = arith.constant 5 : i32
    %get3A_2127 = arith.index_cast %get3A_2126 : i32 to index
    %get3A_2128 = arith.constant 96 : index
    %get3A_2129 = tpu.vector_load %arg7[%get3A_2127, %get3A_2128] {strides = array<i32>} : memref<8x128xf32, #tpu.memory_space<vmem>>, vector<1x16xf32>,
    %get3A_2130 = vector.shape_cast %get3A_2129 : vector<1x16xf32> to vector<16xf32>
    %jit3A_2131 = arith.constant 0.000000e+00 : f32
    %broadcast_in_dim3A_2132 = vector.broadcast %jit3A_2131 : f32 to vector<16xf32>
    %select_n3A_2133 = arith.select %eq3A_2125, %broadcast_in_dim3A_2132, %get3A_2130 : vector<16xi1>, vector<16xf32>
    %sub3A_2134 = arith.subf %select_n3A_2119, %select_n3A_2133 : vector<16xf32>
    %max3A_2135 = arith.constant 0.000000e+00 : f32
    %max3A_2136 = vector.broadcast %max3A_2135 : f32 to vector<16xf32>
    %max3A_2137 = arith.maximumf %sub3A_2134, %max3A_2136 : vector<16xf32>
    %abs3A_2138 = math.absf %sub3A_2134 : vector<16xf32>
    %neg3A_2139 = arith.constant 0.000000e+00 : f32
    %neg3A_2140 = vector.broadcast %neg3A_2139 : f32 to vector<16xf32>
    %neg3A_2141 = arith.subf %neg3A_2140, %abs3A_2138 : vector<16xf32>
    %exp3A_2142 = math.exp %neg3A_2141 : vector<16xf32>
    %add3A_2143 = arith.constant 2.000000e+00 : f32
    %add3A_2144 = vector.broadcast %add3A_2143 : f32 to vector<16xf32>
    %add3A_2145 = arith.addf %exp3A_2142, %add3A_2144 : vector<16xf32>
    %div3A_2146 = arith.divf %exp3A_2142, %add3A_2145 : vector<16xf32>
    %mul3A_2147 = arith.mulf %div3A_2146, %div3A_2146 : vector<16xf32>
    %mul3A_2148 = arith.constant 2.000000e+00 : f32
    %mul3A_2149 = vector.broadcast %mul3A_2148 : f32 to vector<16xf32>
    %mul3A_2150 = arith.mulf %mul3A_2149, %div3A_2146 : vector<16xf32>
    %mul3A_2151 = arith.constant 2.000000e-01 : f32
    %mul3A_2152 = vector.broadcast %mul3A_2151 : f32 to vector<16xf32>
    %mul3A_2153 = arith.mulf %mul3A_2147, %mul3A_2152 : vector<16xf32>
    %add3A_2154 = arith.constant 0.333333343 : f32
    %add3A_2155 = vector.broadcast %add3A_2154 : f32 to vector<16xf32>
    %add3A_2156 = arith.addf %add3A_2155, %mul3A_2153 : vector<16xf32>
    %mul3A_2157 = arith.mulf %mul3A_2147, %add3A_2156 : vector<16xf32>
    %add3A_2158 = arith.constant 1.000000e+00 : f32
    %add3A_2159 = vector.broadcast %add3A_2158 : f32 to vector<16xf32>
    %add3A_2160 = arith.addf %add3A_2159, %mul3A_2157 : vector<16xf32>
    %mul3A_2161 = arith.mulf %mul3A_2150, %add3A_2160 : vector<16xf32>
    %add3A_2162 = arith.addf %max3A_2137, %mul3A_2161 : vector<16xf32>
    %get3A_2163 = arith.constant 1248 : index
    %get3A_2164 = tpu.vector_load %arg5[%get3A_2163] {strides = array<i32>} : memref<1536xf32, #tpu.memory_space<vmem>>, vector<16xf32>,
    %get3A_2165 = vector.shape_cast %get3A_2164 : vector<16xf32> to vector<16xf32>
    %mul3A_2166 = arith.mulf %get3A_2165, %sub3A_2134 : vector<16xf32>
    %sub3A_2167 = arith.subf %add3A_2162, %mul3A_2166 : vector<16xf32>
    %swap3A_2168 = arith.constant 224 : index
    %swap3A_2169 = tpu.vector_load %arg8[%swap3A_2168] {strides = array<i32>} : memref<512xf32, #tpu.memory_space<vmem>>, vector<16xf32>,
    %swap3A_2170 = vector.shape_cast %swap3A_2169 : vector<16xf32> to vector<16xf32>
    %swap3A_2171 = vector.shape_cast %sub3A_2167 : vector<16xf32> to vector<16xf32>
    tpu.vector_store %arg8[%swap3A_2168], %swap3A_2171 {strides = array<i32>} : memref<512xf32, #tpu.memory_space<vmem>>, vector<16xf32>,
    %get3A_2172 = arith.constant 240 : index
    %get3A_2173 = tpu.vector_load %arg5[%get3A_2172] {strides = array<i32>} : memref<1536xf32, #tpu.memory_space<vmem>>, vector<16xf32>,
    %get3A_2174 = vector.shape_cast %get3A_2173 : vector<16xf32> to vector<16xf32>
    %eq3A_2175 = arith.constant 0.000000e+00 : f32
    %eq3A_2176 = vector.broadcast %eq3A_2175 : f32 to vector<16xf32>
    %eq3A_2177 = arith.cmpf oeq, %get3A_2174, %eq3A_2176 : vector<16xf32>
    %get3A_2178 = arith.constant 1 : i32
    %get3A_2179 = arith.index_cast %get3A_2178 : i32 to index
    %get3A_2180 = arith.constant 112 : index
    %get3A_2181 = tpu.vector_load %arg7[%get3A_2179, %get3A_2180] {strides = array<i32>} : memref<8x128xf32, #tpu.memory_space<vmem>>, vector<1x16xf32>,
    %get3A_2182 = vector.shape_cast %get3A_2181 : vector<1x16xf32> to vector<16xf32>
    %jit3A_2183 = arith.constant 0.000000e+00 : f32
    %broadcast_in_dim3A_2184 = vector.broadcast %jit3A_2183 : f32 to vector<16xf32>
    %select_n3A_2185 = arith.select %eq3A_2177, %broadcast_in_dim3A_2184, %get3A_2182 : vector<16xi1>, vector<16xf32>
    %get3A_2186 = arith.constant 752 : index
    %get3A_2187 = tpu.vector_load %arg5[%get3A_2186] {strides = array<i32>} : memref<1536xf32, #tpu.memory_space<vmem>>, vector<16xf32>,
    %get3A_2188 = vector.shape_cast %get3A_2187 : vector<16xf32> to vector<16xf32>
    %eq3A_2189 = arith.constant 0.000000e+00 : f32
    %eq3A_2190 = vector.broadcast %eq3A_2189 : f32 to vector<16xf32>
    %eq3A_2191 = arith.cmpf oeq, %get3A_2188, %eq3A_2190 : vector<16xf32>
    %get3A_2192 = arith.constant 5 : i32
    %get3A_2193 = arith.index_cast %get3A_2192 : i32 to index
    %get3A_2194 = arith.constant 112 : index
    %get3A_2195 = tpu.vector_load %arg7[%get3A_2193, %get3A_2194] {strides = array<i32>} : memref<8x128xf32, #tpu.memory_space<vmem>>, vector<1x16xf32>,
    %get3A_2196 = vector.shape_cast %get3A_2195 : vector<1x16xf32> to vector<16xf32>
    %jit3A_2197 = arith.constant 0.000000e+00 : f32
    %broadcast_in_dim3A_2198 = vector.broadcast %jit3A_2197 : f32 to vector<16xf32>
    %select_n3A_2199 = arith.select %eq3A_2191, %broadcast_in_dim3A_2198, %get3A_2196 : vector<16xi1>, vector<16xf32>
    %sub3A_2200 = arith.subf %select_n3A_2185, %select_n3A_2199 : vector<16xf32>
    %max3A_2201 = arith.constant 0.000000e+00 : f32
    %max3A_2202 = vector.broadcast %max3A_2201 : f32 to vector<16xf32>
    %max3A_2203 = arith.maximumf %sub3A_2200, %max3A_2202 : vector<16xf32>
    %abs3A_2204 = math.absf %sub3A_2200 : vector<16xf32>
    %neg3A_2205 = arith.constant 0.000000e+00 : f32
    %neg3A_2206 = vector.broadcast %neg3A_2205 : f32 to vector<16xf32>
    %neg3A_2207 = arith.subf %neg3A_2206, %abs3A_2204 : vector<16xf32>
    %exp3A_2208 = math.exp %neg3A_2207 : vector<16xf32>
    %add3A_2209 = arith.constant 2.000000e+00 : f32
    %add3A_2210 = vector.broadcast %add3A_2209 : f32 to vector<16xf32>
    %add3A_2211 = arith.addf %exp3A_2208, %add3A_2210 : vector<16xf32>
    %div3A_2212 = arith.divf %exp3A_2208, %add3A_2211 : vector<16xf32>
    %mul3A_2213 = arith.mulf %div3A_2212, %div3A_2212 : vector<16xf32>
    %mul3A_2214 = arith.constant 2.000000e+00 : f32
    %mul3A_2215 = vector.broadcast %mul3A_2214 : f32 to vector<16xf32>
    %mul3A_2216 = arith.mulf %mul3A_2215, %div3A_2212 : vector<16xf32>
    %mul3A_2217 = arith.constant 2.000000e-01 : f32
    %mul3A_2218 = vector.broadcast %mul3A_2217 : f32 to vector<16xf32>
    %mul3A_2219 = arith.mulf %mul3A_2213, %mul3A_2218 : vector<16xf32>
    %add3A_2220 = arith.constant 0.333333343 : f32
    %add3A_2221 = vector.broadcast %add3A_2220 : f32 to vector<16xf32>
    %add3A_2222 = arith.addf %add3A_2221, %mul3A_2219 : vector<16xf32>
    %mul3A_2223 = arith.mulf %mul3A_2213, %add3A_2222 : vector<16xf32>
    %add3A_2224 = arith.constant 1.000000e+00 : f32
    %add3A_2225 = vector.broadcast %add3A_2224 : f32 to vector<16xf32>
    %add3A_2226 = arith.addf %add3A_2225, %mul3A_2223 : vector<16xf32>
    %mul3A_2227 = arith.mulf %mul3A_2216, %add3A_2226 : vector<16xf32>
    %add3A_2228 = arith.addf %max3A_2203, %mul3A_2227 : vector<16xf32>
    %get3A_2229 = arith.constant 1264 : index
    %get3A_2230 = tpu.vector_load %arg5[%get3A_2229] {strides = array<i32>} : memref<1536xf32, #tpu.memory_space<vmem>>, vector<16xf32>,
    %get3A_2231 = vector.shape_cast %get3A_2230 : vector<16xf32> to vector<16xf32>
    %mul3A_2232 = arith.mulf %get3A_2231, %sub3A_2200 : vector<16xf32>
    %sub3A_2233 = arith.subf %add3A_2228, %mul3A_2232 : vector<16xf32>
    %swap3A_2234 = arith.constant 240 : index
    %swap3A_2235 = tpu.vector_load %arg8[%swap3A_2234] {strides = array<i32>} : memref<512xf32, #tpu.memory_space<vmem>>, vector<16xf32>,
    %swap3A_2236 = vector.shape_cast %swap3A_2235 : vector<16xf32> to vector<16xf32>
    %swap3A_2237 = vector.shape_cast %sub3A_2233 : vector<16xf32> to vector<16xf32>
    tpu.vector_store %arg8[%swap3A_2234], %swap3A_2237 {strides = array<i32>} : memref<512xf32, #tpu.memory_space<vmem>>, vector<16xf32>,
    %add3A_2238 = arith.constant 128 : i32
    %add3A_2239 = arith.addi %mul3A_2, %add3A_2238 : i32
    %dma_start3A_2240 = arith.constant 128 : i32
    %dma_start3A_2241 = tpu.memref_slice %arg8[%dma_start3A_2240] : memref<512xf32, #tpu.memory_space<vmem>> -> memref<128xf32, #tpu.memory_space<vmem>>
    %dma_start3A_2242 = tpu.memref_slice %arg4[%add3A_2239] : memref<16384xf32, #tpu.memory_space<hbm>> -> memref<128xf32, #tpu.memory_space<hbm>>
    %dma_start3A_2243 = tpu.memref_slice %arg4[%add3A_2239] : memref<16384xf32, #tpu.memory_space<hbm>> -> memref<128xf32, #tpu.memory_space<hbm>>
    %dma_start3A_2244 = arith.constant 128 : i32
    %dma_start3A_2245 = tpu.memref_slice %arg8[%dma_start3A_2244] : memref<512xf32, #tpu.memory_space<vmem>> -> memref<128xf32, #tpu.memory_space<vmem>>
    tpu.enqueue_dma source(%dma_start3A_2245 : memref<128xf32, #tpu.memory_space<vmem>>) target(%dma_start3A_2243 : memref<128xf32, #tpu.memory_space<hbm>>) target_semaphore(%arg9 : memref<!tpu.dma_semaphore, #tpu.memory_space<semaphore_mem>>)
    %dma_wait3A_2246 = arith.constant 2 : i32
    %dma_wait3A_2247 = arith.constant 2 : i32
    %dma_wait3A_2248 = arith.constant 2 : i32
    %dma_wait3A_2249 = arith.constant 0 : i32
    %dma_wait3A_2250 = tpu.memref_slice %arg7[%dma_wait3A_2247, %dma_wait3A_2249] : memref<8x128xf32, #tpu.memory_space<vmem>> -> memref<1x128xf32, #tpu.memory_space<vmem>>
    %dma_wait3A_2251 = tpu.memref_squeeze %dma_wait3A_2250 : memref<1x128xf32, #tpu.memory_space<vmem>> -> memref<128xf32, #tpu.memory_space<vmem>>
    %dma_wait3A_2252 = arith.constant 0 : i32
    %dma_wait3A_2253 = tpu.memref_slice %arg6[%dma_wait3A_2246, %dma_wait3A_2252] : memref<8x128xi32, #tpu.memory_space<vmem>> -> memref<1x128xi32, #tpu.memory_space<vmem>>
    %dma_wait3A_2254 = tpu.memref_squeeze %dma_wait3A_2253 : memref<1x128xi32, #tpu.memory_space<vmem>> -> memref<128xi32, #tpu.memory_space<vmem>>
    %dma_wait3A_2255 = arith.constant 0 : i32
    %dma_wait3A_2256 = tpu.memref_slice %arg3[%dma_wait3A_2255] : memref<999999xf32, #tpu.memory_space<hbm>> -> memref<999999xf32, #tpu.memory_space<hbm>>
    %dma_wait3A_2257 = tpu.memref_slice %arg10[%dma_wait3A_2248] : memref<4x!tpu.dma_semaphore, #tpu.memory_space<semaphore_mem>> -> memref<1x!tpu.dma_semaphore, #tpu.memory_space<semaphore_mem>>
    %dma_wait3A_2258 = tpu.memref_squeeze %dma_wait3A_2257 : memref<1x!tpu.dma_semaphore, #tpu.memory_space<semaphore_mem>> -> memref<!tpu.dma_semaphore, #tpu.memory_space<semaphore_mem>>
    tpu.wait_indirect_dma semaphore(%dma_wait3A_2258 : memref<!tpu.dma_semaphore, #tpu.memory_space<semaphore_mem>>) src(%dma_wait3A_2256 : memref<999999xf32, #tpu.memory_space<hbm>>) dst(%dma_wait3A_2251 : memref<128xf32, #tpu.memory_space<vmem>>)
    %dma_wait3A_2259 = arith.constant 6 : i32
    %dma_wait3A_2260 = arith.constant 6 : i32
    %dma_wait3A_2261 = arith.constant 2 : i32
    %dma_wait3A_2262 = arith.constant 0 : i32
    %dma_wait3A_2263 = tpu.memref_slice %arg7[%dma_wait3A_2260, %dma_wait3A_2262] : memref<8x128xf32, #tpu.memory_space<vmem>> -> memref<1x128xf32, #tpu.memory_space<vmem>>
    %dma_wait3A_2264 = tpu.memref_squeeze %dma_wait3A_2263 : memref<1x128xf32, #tpu.memory_space<vmem>> -> memref<128xf32, #tpu.memory_space<vmem>>
    %dma_wait3A_2265 = arith.constant 0 : i32
    %dma_wait3A_2266 = tpu.memref_slice %arg6[%dma_wait3A_2259, %dma_wait3A_2265] : memref<8x128xi32, #tpu.memory_space<vmem>> -> memref<1x128xi32, #tpu.memory_space<vmem>>
    %dma_wait3A_2267 = tpu.memref_squeeze %dma_wait3A_2266 : memref<1x128xi32, #tpu.memory_space<vmem>> -> memref<128xi32, #tpu.memory_space<vmem>>
    %dma_wait3A_2268 = arith.constant 0 : i32
    %dma_wait3A_2269 = tpu.memref_slice %arg3[%dma_wait3A_2268] : memref<999999xf32, #tpu.memory_space<hbm>> -> memref<999999xf32, #tpu.memory_space<hbm>>
    %dma_wait3A_2270 = tpu.memref_slice %arg10[%dma_wait3A_2261] : memref<4x!tpu.dma_semaphore, #tpu.memory_space<semaphore_mem>> -> memref<1x!tpu.dma_semaphore, #tpu.memory_space<semaphore_mem>>
    %dma_wait3A_2271 = tpu.memref_squeeze %dma_wait3A_2270 : memref<1x!tpu.dma_semaphore, #tpu.memory_space<semaphore_mem>> -> memref<!tpu.dma_semaphore, #tpu.memory_space<semaphore_mem>>
    tpu.wait_indirect_dma semaphore(%dma_wait3A_2271 : memref<!tpu.dma_semaphore, #tpu.memory_space<semaphore_mem>>) src(%dma_wait3A_2269 : memref<999999xf32, #tpu.memory_space<hbm>>) dst(%dma_wait3A_2264 : memref<128xf32, #tpu.memory_space<vmem>>)
    %get3A_2272 = arith.constant 256 : index
    %get3A_2273 = tpu.vector_load %arg5[%get3A_2272] {strides = array<i32>} : memref<1536xf32, #tpu.memory_space<vmem>>, vector<16xf32>,
    %get3A_2274 = vector.shape_cast %get3A_2273 : vector<16xf32> to vector<16xf32>
    %eq3A_2275 = arith.constant 0.000000e+00 : f32
    %eq3A_2276 = vector.broadcast %eq3A_2275 : f32 to vector<16xf32>
    %eq3A_2277 = arith.cmpf oeq, %get3A_2274, %eq3A_2276 : vector<16xf32>
    %get3A_2278 = arith.constant 2 : i32
    %get3A_2279 = arith.index_cast %get3A_2278 : i32 to index
    %get3A_2280 = arith.constant 0 : index
    %get3A_2281 = tpu.vector_load %arg7[%get3A_2279, %get3A_2280] {strides = array<i32>} : memref<8x128xf32, #tpu.memory_space<vmem>>, vector<1x16xf32>,
    %get3A_2282 = vector.shape_cast %get3A_2281 : vector<1x16xf32> to vector<16xf32>
    %jit3A_2283 = arith.constant 0.000000e+00 : f32
    %broadcast_in_dim3A_2284 = vector.broadcast %jit3A_2283 : f32 to vector<16xf32>
    %select_n3A_2285 = arith.select %eq3A_2277, %broadcast_in_dim3A_2284, %get3A_2282 : vector<16xi1>, vector<16xf32>
    %get3A_2286 = arith.constant 768 : index
    %get3A_2287 = tpu.vector_load %arg5[%get3A_2286] {strides = array<i32>} : memref<1536xf32, #tpu.memory_space<vmem>>, vector<16xf32>,
    %get3A_2288 = vector.shape_cast %get3A_2287 : vector<16xf32> to vector<16xf32>
    %eq3A_2289 = arith.constant 0.000000e+00 : f32
    %eq3A_2290 = vector.broadcast %eq3A_2289 : f32 to vector<16xf32>
    %eq3A_2291 = arith.cmpf oeq, %get3A_2288, %eq3A_2290 : vector<16xf32>
    %get3A_2292 = arith.constant 6 : i32
    %get3A_2293 = arith.index_cast %get3A_2292 : i32 to index
    %get3A_2294 = arith.constant 0 : index
    %get3A_2295 = tpu.vector_load %arg7[%get3A_2293, %get3A_2294] {strides = array<i32>} : memref<8x128xf32, #tpu.memory_space<vmem>>, vector<1x16xf32>,
    %get3A_2296 = vector.shape_cast %get3A_2295 : vector<1x16xf32> to vector<16xf32>
    %jit3A_2297 = arith.constant 0.000000e+00 : f32
    %broadcast_in_dim3A_2298 = vector.broadcast %jit3A_2297 : f32 to vector<16xf32>
    %select_n3A_2299 = arith.select %eq3A_2291, %broadcast_in_dim3A_2298, %get3A_2296 : vector<16xi1>, vector<16xf32>
    %sub3A_2300 = arith.subf %select_n3A_2285, %select_n3A_2299 : vector<16xf32>
    %max3A_2301 = arith.constant 0.000000e+00 : f32
    %max3A_2302 = vector.broadcast %max3A_2301 : f32 to vector<16xf32>
    %max3A_2303 = arith.maximumf %sub3A_2300, %max3A_2302 : vector<16xf32>
    %abs3A_2304 = math.absf %sub3A_2300 : vector<16xf32>
    %neg3A_2305 = arith.constant 0.000000e+00 : f32
    %neg3A_2306 = vector.broadcast %neg3A_2305 : f32 to vector<16xf32>
    %neg3A_2307 = arith.subf %neg3A_2306, %abs3A_2304 : vector<16xf32>
    %exp3A_2308 = math.exp %neg3A_2307 : vector<16xf32>
    %add3A_2309 = arith.constant 2.000000e+00 : f32
    %add3A_2310 = vector.broadcast %add3A_2309 : f32 to vector<16xf32>
    %add3A_2311 = arith.addf %exp3A_2308, %add3A_2310 : vector<16xf32>
    %div3A_2312 = arith.divf %exp3A_2308, %add3A_2311 : vector<16xf32>
    %mul3A_2313 = arith.mulf %div3A_2312, %div3A_2312 : vector<16xf32>
    %mul3A_2314 = arith.constant 2.000000e+00 : f32
    %mul3A_2315 = vector.broadcast %mul3A_2314 : f32 to vector<16xf32>
    %mul3A_2316 = arith.mulf %mul3A_2315, %div3A_2312 : vector<16xf32>
    %mul3A_2317 = arith.constant 2.000000e-01 : f32
    %mul3A_2318 = vector.broadcast %mul3A_2317 : f32 to vector<16xf32>
    %mul3A_2319 = arith.mulf %mul3A_2313, %mul3A_2318 : vector<16xf32>
    %add3A_2320 = arith.constant 0.333333343 : f32
    %add3A_2321 = vector.broadcast %add3A_2320 : f32 to vector<16xf32>
    %add3A_2322 = arith.addf %add3A_2321, %mul3A_2319 : vector<16xf32>
    %mul3A_2323 = arith.mulf %mul3A_2313, %add3A_2322 : vector<16xf32>
    %add3A_2324 = arith.constant 1.000000e+00 : f32
    %add3A_2325 = vector.broadcast %add3A_2324 : f32 to vector<16xf32>
    %add3A_2326 = arith.addf %add3A_2325, %mul3A_2323 : vector<16xf32>
    %mul3A_2327 = arith.mulf %mul3A_2316, %add3A_2326 : vector<16xf32>
    %add3A_2328 = arith.addf %max3A_2303, %mul3A_2327 : vector<16xf32>
    %get3A_2329 = arith.constant 1280 : index
    %get3A_2330 = tpu.vector_load %arg5[%get3A_2329] {strides = array<i32>} : memref<1536xf32, #tpu.memory_space<vmem>>, vector<16xf32>,
    %get3A_2331 = vector.shape_cast %get3A_2330 : vector<16xf32> to vector<16xf32>
    %mul3A_2332 = arith.mulf %get3A_2331, %sub3A_2300 : vector<16xf32>
    %sub3A_2333 = arith.subf %add3A_2328, %mul3A_2332 : vector<16xf32>
    %swap3A_2334 = arith.constant 256 : index
    %swap3A_2335 = tpu.vector_load %arg8[%swap3A_2334] {strides = array<i32>} : memref<512xf32, #tpu.memory_space<vmem>>, vector<16xf32>,
    %swap3A_2336 = vector.shape_cast %swap3A_2335 : vector<16xf32> to vector<16xf32>
    %swap3A_2337 = vector.shape_cast %sub3A_2333 : vector<16xf32> to vector<16xf32>
    tpu.vector_store %arg8[%swap3A_2334], %swap3A_2337 {strides = array<i32>} : memref<512xf32, #tpu.memory_space<vmem>>, vector<16xf32>,
    %get3A_2338 = arith.constant 272 : index
    %get3A_2339 = tpu.vector_load %arg5[%get3A_2338] {strides = array<i32>} : memref<1536xf32, #tpu.memory_space<vmem>>, vector<16xf32>,
    %get3A_2340 = vector.shape_cast %get3A_2339 : vector<16xf32> to vector<16xf32>
    %eq3A_2341 = arith.constant 0.000000e+00 : f32
    %eq3A_2342 = vector.broadcast %eq3A_2341 : f32 to vector<16xf32>
    %eq3A_2343 = arith.cmpf oeq, %get3A_2340, %eq3A_2342 : vector<16xf32>
    %get3A_2344 = arith.constant 2 : i32
    %get3A_2345 = arith.index_cast %get3A_2344 : i32 to index
    %get3A_2346 = arith.constant 16 : index
    %get3A_2347 = tpu.vector_load %arg7[%get3A_2345, %get3A_2346] {strides = array<i32>} : memref<8x128xf32, #tpu.memory_space<vmem>>, vector<1x16xf32>,
    %get3A_2348 = vector.shape_cast %get3A_2347 : vector<1x16xf32> to vector<16xf32>
    %jit3A_2349 = arith.constant 0.000000e+00 : f32
    %broadcast_in_dim3A_2350 = vector.broadcast %jit3A_2349 : f32 to vector<16xf32>
    %select_n3A_2351 = arith.select %eq3A_2343, %broadcast_in_dim3A_2350, %get3A_2348 : vector<16xi1>, vector<16xf32>
    %get3A_2352 = arith.constant 784 : index
    %get3A_2353 = tpu.vector_load %arg5[%get3A_2352] {strides = array<i32>} : memref<1536xf32, #tpu.memory_space<vmem>>, vector<16xf32>,
    %get3A_2354 = vector.shape_cast %get3A_2353 : vector<16xf32> to vector<16xf32>
    %eq3A_2355 = arith.constant 0.000000e+00 : f32
    %eq3A_2356 = vector.broadcast %eq3A_2355 : f32 to vector<16xf32>
    %eq3A_2357 = arith.cmpf oeq, %get3A_2354, %eq3A_2356 : vector<16xf32>
    %get3A_2358 = arith.constant 6 : i32
    %get3A_2359 = arith.index_cast %get3A_2358 : i32 to index
    %get3A_2360 = arith.constant 16 : index
    %get3A_2361 = tpu.vector_load %arg7[%get3A_2359, %get3A_2360] {strides = array<i32>} : memref<8x128xf32, #tpu.memory_space<vmem>>, vector<1x16xf32>,
    %get3A_2362 = vector.shape_cast %get3A_2361 : vector<1x16xf32> to vector<16xf32>
    %jit3A_2363 = arith.constant 0.000000e+00 : f32
    %broadcast_in_dim3A_2364 = vector.broadcast %jit3A_2363 : f32 to vector<16xf32>
    %select_n3A_2365 = arith.select %eq3A_2357, %broadcast_in_dim3A_2364, %get3A_2362 : vector<16xi1>, vector<16xf32>
    %sub3A_2366 = arith.subf %select_n3A_2351, %select_n3A_2365 : vector<16xf32>
    %max3A_2367 = arith.constant 0.000000e+00 : f32
    %max3A_2368 = vector.broadcast %max3A_2367 : f32 to vector<16xf32>
    %max3A_2369 = arith.maximumf %sub3A_2366, %max3A_2368 : vector<16xf32>
    %abs3A_2370 = math.absf %sub3A_2366 : vector<16xf32>
    %neg3A_2371 = arith.constant 0.000000e+00 : f32
    %neg3A_2372 = vector.broadcast %neg3A_2371 : f32 to vector<16xf32>
    %neg3A_2373 = arith.subf %neg3A_2372, %abs3A_2370 : vector<16xf32>
    %exp3A_2374 = math.exp %neg3A_2373 : vector<16xf32>
    %add3A_2375 = arith.constant 2.000000e+00 : f32
    %add3A_2376 = vector.broadcast %add3A_2375 : f32 to vector<16xf32>
    %add3A_2377 = arith.addf %exp3A_2374, %add3A_2376 : vector<16xf32>
    %div3A_2378 = arith.divf %exp3A_2374, %add3A_2377 : vector<16xf32>
    %mul3A_2379 = arith.mulf %div3A_2378, %div3A_2378 : vector<16xf32>
    %mul3A_2380 = arith.constant 2.000000e+00 : f32
    %mul3A_2381 = vector.broadcast %mul3A_2380 : f32 to vector<16xf32>
    %mul3A_2382 = arith.mulf %mul3A_2381, %div3A_2378 : vector<16xf32>
    %mul3A_2383 = arith.constant 2.000000e-01 : f32
    %mul3A_2384 = vector.broadcast %mul3A_2383 : f32 to vector<16xf32>
    %mul3A_2385 = arith.mulf %mul3A_2379, %mul3A_2384 : vector<16xf32>
    %add3A_2386 = arith.constant 0.333333343 : f32
    %add3A_2387 = vector.broadcast %add3A_2386 : f32 to vector<16xf32>
    %add3A_2388 = arith.addf %add3A_2387, %mul3A_2385 : vector<16xf32>
    %mul3A_2389 = arith.mulf %mul3A_2379, %add3A_2388 : vector<16xf32>
    %add3A_2390 = arith.constant 1.000000e+00 : f32
    %add3A_2391 = vector.broadcast %add3A_2390 : f32 to vector<16xf32>
    %add3A_2392 = arith.addf %add3A_2391, %mul3A_2389 : vector<16xf32>
    %mul3A_2393 = arith.mulf %mul3A_2382, %add3A_2392 : vector<16xf32>
    %add3A_2394 = arith.addf %max3A_2369, %mul3A_2393 : vector<16xf32>
    %get3A_2395 = arith.constant 1296 : index
    %get3A_2396 = tpu.vector_load %arg5[%get3A_2395] {strides = array<i32>} : memref<1536xf32, #tpu.memory_space<vmem>>, vector<16xf32>,
    %get3A_2397 = vector.shape_cast %get3A_2396 : vector<16xf32> to vector<16xf32>
    %mul3A_2398 = arith.mulf %get3A_2397, %sub3A_2366 : vector<16xf32>
    %sub3A_2399 = arith.subf %add3A_2394, %mul3A_2398 : vector<16xf32>
    %swap3A_2400 = arith.constant 272 : index
    %swap3A_2401 = tpu.vector_load %arg8[%swap3A_2400] {strides = array<i32>} : memref<512xf32, #tpu.memory_space<vmem>>, vector<16xf32>,
    %swap3A_2402 = vector.shape_cast %swap3A_2401 : vector<16xf32> to vector<16xf32>
    %swap3A_2403 = vector.shape_cast %sub3A_2399 : vector<16xf32> to vector<16xf32>
    tpu.vector_store %arg8[%swap3A_2400], %swap3A_2403 {strides = array<i32>} : memref<512xf32, #tpu.memory_space<vmem>>, vector<16xf32>,
    %get3A_2404 = arith.constant 288 : index
    %get3A_2405 = tpu.vector_load %arg5[%get3A_2404] {strides = array<i32>} : memref<1536xf32, #tpu.memory_space<vmem>>, vector<16xf32>,
    %get3A_2406 = vector.shape_cast %get3A_2405 : vector<16xf32> to vector<16xf32>
    %eq3A_2407 = arith.constant 0.000000e+00 : f32
    %eq3A_2408 = vector.broadcast %eq3A_2407 : f32 to vector<16xf32>
    %eq3A_2409 = arith.cmpf oeq, %get3A_2406, %eq3A_2408 : vector<16xf32>
    %get3A_2410 = arith.constant 2 : i32
    %get3A_2411 = arith.index_cast %get3A_2410 : i32 to index
    %get3A_2412 = arith.constant 32 : index
    %get3A_2413 = tpu.vector_load %arg7[%get3A_2411, %get3A_2412] {strides = array<i32>} : memref<8x128xf32, #tpu.memory_space<vmem>>, vector<1x16xf32>,
    %get3A_2414 = vector.shape_cast %get3A_2413 : vector<1x16xf32> to vector<16xf32>
    %jit3A_2415 = arith.constant 0.000000e+00 : f32
    %broadcast_in_dim3A_2416 = vector.broadcast %jit3A_2415 : f32 to vector<16xf32>
    %select_n3A_2417 = arith.select %eq3A_2409, %broadcast_in_dim3A_2416, %get3A_2414 : vector<16xi1>, vector<16xf32>
    %get3A_2418 = arith.constant 800 : index
    %get3A_2419 = tpu.vector_load %arg5[%get3A_2418] {strides = array<i32>} : memref<1536xf32, #tpu.memory_space<vmem>>, vector<16xf32>,
    %get3A_2420 = vector.shape_cast %get3A_2419 : vector<16xf32> to vector<16xf32>
    %eq3A_2421 = arith.constant 0.000000e+00 : f32
    %eq3A_2422 = vector.broadcast %eq3A_2421 : f32 to vector<16xf32>
    %eq3A_2423 = arith.cmpf oeq, %get3A_2420, %eq3A_2422 : vector<16xf32>
    %get3A_2424 = arith.constant 6 : i32
    %get3A_2425 = arith.index_cast %get3A_2424 : i32 to index
    %get3A_2426 = arith.constant 32 : index
    %get3A_2427 = tpu.vector_load %arg7[%get3A_2425, %get3A_2426] {strides = array<i32>} : memref<8x128xf32, #tpu.memory_space<vmem>>, vector<1x16xf32>,
    %get3A_2428 = vector.shape_cast %get3A_2427 : vector<1x16xf32> to vector<16xf32>
    %jit3A_2429 = arith.constant 0.000000e+00 : f32
    %broadcast_in_dim3A_2430 = vector.broadcast %jit3A_2429 : f32 to vector<16xf32>
    %select_n3A_2431 = arith.select %eq3A_2423, %broadcast_in_dim3A_2430, %get3A_2428 : vector<16xi1>, vector<16xf32>
    %sub3A_2432 = arith.subf %select_n3A_2417, %select_n3A_2431 : vector<16xf32>
    %max3A_2433 = arith.constant 0.000000e+00 : f32
    %max3A_2434 = vector.broadcast %max3A_2433 : f32 to vector<16xf32>
    %max3A_2435 = arith.maximumf %sub3A_2432, %max3A_2434 : vector<16xf32>
    %abs3A_2436 = math.absf %sub3A_2432 : vector<16xf32>
    %neg3A_2437 = arith.constant 0.000000e+00 : f32
    %neg3A_2438 = vector.broadcast %neg3A_2437 : f32 to vector<16xf32>
    %neg3A_2439 = arith.subf %neg3A_2438, %abs3A_2436 : vector<16xf32>
    %exp3A_2440 = math.exp %neg3A_2439 : vector<16xf32>
    %add3A_2441 = arith.constant 2.000000e+00 : f32
    %add3A_2442 = vector.broadcast %add3A_2441 : f32 to vector<16xf32>
    %add3A_2443 = arith.addf %exp3A_2440, %add3A_2442 : vector<16xf32>
    %div3A_2444 = arith.divf %exp3A_2440, %add3A_2443 : vector<16xf32>
    %mul3A_2445 = arith.mulf %div3A_2444, %div3A_2444 : vector<16xf32>
    %mul3A_2446 = arith.constant 2.000000e+00 : f32
    %mul3A_2447 = vector.broadcast %mul3A_2446 : f32 to vector<16xf32>
    %mul3A_2448 = arith.mulf %mul3A_2447, %div3A_2444 : vector<16xf32>
    %mul3A_2449 = arith.constant 2.000000e-01 : f32
    %mul3A_2450 = vector.broadcast %mul3A_2449 : f32 to vector<16xf32>
    %mul3A_2451 = arith.mulf %mul3A_2445, %mul3A_2450 : vector<16xf32>
    %add3A_2452 = arith.constant 0.333333343 : f32
    %add3A_2453 = vector.broadcast %add3A_2452 : f32 to vector<16xf32>
    %add3A_2454 = arith.addf %add3A_2453, %mul3A_2451 : vector<16xf32>
    %mul3A_2455 = arith.mulf %mul3A_2445, %add3A_2454 : vector<16xf32>
    %add3A_2456 = arith.constant 1.000000e+00 : f32
    %add3A_2457 = vector.broadcast %add3A_2456 : f32 to vector<16xf32>
    %add3A_2458 = arith.addf %add3A_2457, %mul3A_2455 : vector<16xf32>
    %mul3A_2459 = arith.mulf %mul3A_2448, %add3A_2458 : vector<16xf32>
    %add3A_2460 = arith.addf %max3A_2435, %mul3A_2459 : vector<16xf32>
    %get3A_2461 = arith.constant 1312 : index
    %get3A_2462 = tpu.vector_load %arg5[%get3A_2461] {strides = array<i32>} : memref<1536xf32, #tpu.memory_space<vmem>>, vector<16xf32>,
    %get3A_2463 = vector.shape_cast %get3A_2462 : vector<16xf32> to vector<16xf32>
    %mul3A_2464 = arith.mulf %get3A_2463, %sub3A_2432 : vector<16xf32>
    %sub3A_2465 = arith.subf %add3A_2460, %mul3A_2464 : vector<16xf32>
    %swap3A_2466 = arith.constant 288 : index
    %swap3A_2467 = tpu.vector_load %arg8[%swap3A_2466] {strides = array<i32>} : memref<512xf32, #tpu.memory_space<vmem>>, vector<16xf32>,
    %swap3A_2468 = vector.shape_cast %swap3A_2467 : vector<16xf32> to vector<16xf32>
    %swap3A_2469 = vector.shape_cast %sub3A_2465 : vector<16xf32> to vector<16xf32>
    tpu.vector_store %arg8[%swap3A_2466], %swap3A_2469 {strides = array<i32>} : memref<512xf32, #tpu.memory_space<vmem>>, vector<16xf32>,
    %get3A_2470 = arith.constant 304 : index
    %get3A_2471 = tpu.vector_load %arg5[%get3A_2470] {strides = array<i32>} : memref<1536xf32, #tpu.memory_space<vmem>>, vector<16xf32>,
    %get3A_2472 = vector.shape_cast %get3A_2471 : vector<16xf32> to vector<16xf32>
    %eq3A_2473 = arith.constant 0.000000e+00 : f32
    %eq3A_2474 = vector.broadcast %eq3A_2473 : f32 to vector<16xf32>
    %eq3A_2475 = arith.cmpf oeq, %get3A_2472, %eq3A_2474 : vector<16xf32>
    %get3A_2476 = arith.constant 2 : i32
    %get3A_2477 = arith.index_cast %get3A_2476 : i32 to index
    %get3A_2478 = arith.constant 48 : index
    %get3A_2479 = tpu.vector_load %arg7[%get3A_2477, %get3A_2478] {strides = array<i32>} : memref<8x128xf32, #tpu.memory_space<vmem>>, vector<1x16xf32>,
    %get3A_2480 = vector.shape_cast %get3A_2479 : vector<1x16xf32> to vector<16xf32>
    %jit3A_2481 = arith.constant 0.000000e+00 : f32
    %broadcast_in_dim3A_2482 = vector.broadcast %jit3A_2481 : f32 to vector<16xf32>
    %select_n3A_2483 = arith.select %eq3A_2475, %broadcast_in_dim3A_2482, %get3A_2480 : vector<16xi1>, vector<16xf32>
    %get3A_2484 = arith.constant 816 : index
    %get3A_2485 = tpu.vector_load %arg5[%get3A_2484] {strides = array<i32>} : memref<1536xf32, #tpu.memory_space<vmem>>, vector<16xf32>,
    %get3A_2486 = vector.shape_cast %get3A_2485 : vector<16xf32> to vector<16xf32>
    %eq3A_2487 = arith.constant 0.000000e+00 : f32
    %eq3A_2488 = vector.broadcast %eq3A_2487 : f32 to vector<16xf32>
    %eq3A_2489 = arith.cmpf oeq, %get3A_2486, %eq3A_2488 : vector<16xf32>
    %get3A_2490 = arith.constant 6 : i32
    %get3A_2491 = arith.index_cast %get3A_2490 : i32 to index
    %get3A_2492 = arith.constant 48 : index
    %get3A_2493 = tpu.vector_load %arg7[%get3A_2491, %get3A_2492] {strides = array<i32>} : memref<8x128xf32, #tpu.memory_space<vmem>>, vector<1x16xf32>,
    %get3A_2494 = vector.shape_cast %get3A_2493 : vector<1x16xf32> to vector<16xf32>
    %jit3A_2495 = arith.constant 0.000000e+00 : f32
    %broadcast_in_dim3A_2496 = vector.broadcast %jit3A_2495 : f32 to vector<16xf32>
    %select_n3A_2497 = arith.select %eq3A_2489, %broadcast_in_dim3A_2496, %get3A_2494 : vector<16xi1>, vector<16xf32>
    %sub3A_2498 = arith.subf %select_n3A_2483, %select_n3A_2497 : vector<16xf32>
    %max3A_2499 = arith.constant 0.000000e+00 : f32
    %max3A_2500 = vector.broadcast %max3A_2499 : f32 to vector<16xf32>
    %max3A_2501 = arith.maximumf %sub3A_2498, %max3A_2500 : vector<16xf32>
    %abs3A_2502 = math.absf %sub3A_2498 : vector<16xf32>
    %neg3A_2503 = arith.constant 0.000000e+00 : f32
    %neg3A_2504 = vector.broadcast %neg3A_2503 : f32 to vector<16xf32>
    %neg3A_2505 = arith.subf %neg3A_2504, %abs3A_2502 : vector<16xf32>
    %exp3A_2506 = math.exp %neg3A_2505 : vector<16xf32>
    %add3A_2507 = arith.constant 2.000000e+00 : f32
    %add3A_2508 = vector.broadcast %add3A_2507 : f32 to vector<16xf32>
    %add3A_2509 = arith.addf %exp3A_2506, %add3A_2508 : vector<16xf32>
    %div3A_2510 = arith.divf %exp3A_2506, %add3A_2509 : vector<16xf32>
    %mul3A_2511 = arith.mulf %div3A_2510, %div3A_2510 : vector<16xf32>
    %mul3A_2512 = arith.constant 2.000000e+00 : f32
    %mul3A_2513 = vector.broadcast %mul3A_2512 : f32 to vector<16xf32>
    %mul3A_2514 = arith.mulf %mul3A_2513, %div3A_2510 : vector<16xf32>
    %mul3A_2515 = arith.constant 2.000000e-01 : f32
    %mul3A_2516 = vector.broadcast %mul3A_2515 : f32 to vector<16xf32>
    %mul3A_2517 = arith.mulf %mul3A_2511, %mul3A_2516 : vector<16xf32>
    %add3A_2518 = arith.constant 0.333333343 : f32
    %add3A_2519 = vector.broadcast %add3A_2518 : f32 to vector<16xf32>
    %add3A_2520 = arith.addf %add3A_2519, %mul3A_2517 : vector<16xf32>
    %mul3A_2521 = arith.mulf %mul3A_2511, %add3A_2520 : vector<16xf32>
    %add3A_2522 = arith.constant 1.000000e+00 : f32
    %add3A_2523 = vector.broadcast %add3A_2522 : f32 to vector<16xf32>
    %add3A_2524 = arith.addf %add3A_2523, %mul3A_2521 : vector<16xf32>
    %mul3A_2525 = arith.mulf %mul3A_2514, %add3A_2524 : vector<16xf32>
    %add3A_2526 = arith.addf %max3A_2501, %mul3A_2525 : vector<16xf32>
    %get3A_2527 = arith.constant 1328 : index
    %get3A_2528 = tpu.vector_load %arg5[%get3A_2527] {strides = array<i32>} : memref<1536xf32, #tpu.memory_space<vmem>>, vector<16xf32>,
    %get3A_2529 = vector.shape_cast %get3A_2528 : vector<16xf32> to vector<16xf32>
    %mul3A_2530 = arith.mulf %get3A_2529, %sub3A_2498 : vector<16xf32>
    %sub3A_2531 = arith.subf %add3A_2526, %mul3A_2530 : vector<16xf32>
    %swap3A_2532 = arith.constant 304 : index
    %swap3A_2533 = tpu.vector_load %arg8[%swap3A_2532] {strides = array<i32>} : memref<512xf32, #tpu.memory_space<vmem>>, vector<16xf32>,
    %swap3A_2534 = vector.shape_cast %swap3A_2533 : vector<16xf32> to vector<16xf32>
    %swap3A_2535 = vector.shape_cast %sub3A_2531 : vector<16xf32> to vector<16xf32>
    tpu.vector_store %arg8[%swap3A_2532], %swap3A_2535 {strides = array<i32>} : memref<512xf32, #tpu.memory_space<vmem>>, vector<16xf32>,
    %get3A_2536 = arith.constant 320 : index
    %get3A_2537 = tpu.vector_load %arg5[%get3A_2536] {strides = array<i32>} : memref<1536xf32, #tpu.memory_space<vmem>>, vector<16xf32>,
    %get3A_2538 = vector.shape_cast %get3A_2537 : vector<16xf32> to vector<16xf32>
    %eq3A_2539 = arith.constant 0.000000e+00 : f32
    %eq3A_2540 = vector.broadcast %eq3A_2539 : f32 to vector<16xf32>
    %eq3A_2541 = arith.cmpf oeq, %get3A_2538, %eq3A_2540 : vector<16xf32>
    %get3A_2542 = arith.constant 2 : i32
    %get3A_2543 = arith.index_cast %get3A_2542 : i32 to index
    %get3A_2544 = arith.constant 64 : index
    %get3A_2545 = tpu.vector_load %arg7[%get3A_2543, %get3A_2544] {strides = array<i32>} : memref<8x128xf32, #tpu.memory_space<vmem>>, vector<1x16xf32>,
    %get3A_2546 = vector.shape_cast %get3A_2545 : vector<1x16xf32> to vector<16xf32>
    %jit3A_2547 = arith.constant 0.000000e+00 : f32
    %broadcast_in_dim3A_2548 = vector.broadcast %jit3A_2547 : f32 to vector<16xf32>
    %select_n3A_2549 = arith.select %eq3A_2541, %broadcast_in_dim3A_2548, %get3A_2546 : vector<16xi1>, vector<16xf32>
    %get3A_2550 = arith.constant 832 : index
    %get3A_2551 = tpu.vector_load %arg5[%get3A_2550] {strides = array<i32>} : memref<1536xf32, #tpu.memory_space<vmem>>, vector<16xf32>,
    %get3A_2552 = vector.shape_cast %get3A_2551 : vector<16xf32> to vector<16xf32>
    %eq3A_2553 = arith.constant 0.000000e+00 : f32
    %eq3A_2554 = vector.broadcast %eq3A_2553 : f32 to vector<16xf32>
    %eq3A_2555 = arith.cmpf oeq, %get3A_2552, %eq3A_2554 : vector<16xf32>
    %get3A_2556 = arith.constant 6 : i32
    %get3A_2557 = arith.index_cast %get3A_2556 : i32 to index
    %get3A_2558 = arith.constant 64 : index
    %get3A_2559 = tpu.vector_load %arg7[%get3A_2557, %get3A_2558] {strides = array<i32>} : memref<8x128xf32, #tpu.memory_space<vmem>>, vector<1x16xf32>,
    %get3A_2560 = vector.shape_cast %get3A_2559 : vector<1x16xf32> to vector<16xf32>
    %jit3A_2561 = arith.constant 0.000000e+00 : f32
    %broadcast_in_dim3A_2562 = vector.broadcast %jit3A_2561 : f32 to vector<16xf32>
    %select_n3A_2563 = arith.select %eq3A_2555, %broadcast_in_dim3A_2562, %get3A_2560 : vector<16xi1>, vector<16xf32>
    %sub3A_2564 = arith.subf %select_n3A_2549, %select_n3A_2563 : vector<16xf32>
    %max3A_2565 = arith.constant 0.000000e+00 : f32
    %max3A_2566 = vector.broadcast %max3A_2565 : f32 to vector<16xf32>
    %max3A_2567 = arith.maximumf %sub3A_2564, %max3A_2566 : vector<16xf32>
    %abs3A_2568 = math.absf %sub3A_2564 : vector<16xf32>
    %neg3A_2569 = arith.constant 0.000000e+00 : f32
    %neg3A_2570 = vector.broadcast %neg3A_2569 : f32 to vector<16xf32>
    %neg3A_2571 = arith.subf %neg3A_2570, %abs3A_2568 : vector<16xf32>
    %exp3A_2572 = math.exp %neg3A_2571 : vector<16xf32>
    %add3A_2573 = arith.constant 2.000000e+00 : f32
    %add3A_2574 = vector.broadcast %add3A_2573 : f32 to vector<16xf32>
    %add3A_2575 = arith.addf %exp3A_2572, %add3A_2574 : vector<16xf32>
    %div3A_2576 = arith.divf %exp3A_2572, %add3A_2575 : vector<16xf32>
    %mul3A_2577 = arith.mulf %div3A_2576, %div3A_2576 : vector<16xf32>
    %mul3A_2578 = arith.constant 2.000000e+00 : f32
    %mul3A_2579 = vector.broadcast %mul3A_2578 : f32 to vector<16xf32>
    %mul3A_2580 = arith.mulf %mul3A_2579, %div3A_2576 : vector<16xf32>
    %mul3A_2581 = arith.constant 2.000000e-01 : f32
    %mul3A_2582 = vector.broadcast %mul3A_2581 : f32 to vector<16xf32>
    %mul3A_2583 = arith.mulf %mul3A_2577, %mul3A_2582 : vector<16xf32>
    %add3A_2584 = arith.constant 0.333333343 : f32
    %add3A_2585 = vector.broadcast %add3A_2584 : f32 to vector<16xf32>
    %add3A_2586 = arith.addf %add3A_2585, %mul3A_2583 : vector<16xf32>
    %mul3A_2587 = arith.mulf %mul3A_2577, %add3A_2586 : vector<16xf32>
    %add3A_2588 = arith.constant 1.000000e+00 : f32
    %add3A_2589 = vector.broadcast %add3A_2588 : f32 to vector<16xf32>
    %add3A_2590 = arith.addf %add3A_2589, %mul3A_2587 : vector<16xf32>
    %mul3A_2591 = arith.mulf %mul3A_2580, %add3A_2590 : vector<16xf32>
    %add3A_2592 = arith.addf %max3A_2567, %mul3A_2591 : vector<16xf32>
    %get3A_2593 = arith.constant 1344 : index
    %get3A_2594 = tpu.vector_load %arg5[%get3A_2593] {strides = array<i32>} : memref<1536xf32, #tpu.memory_space<vmem>>, vector<16xf32>,
    %get3A_2595 = vector.shape_cast %get3A_2594 : vector<16xf32> to vector<16xf32>
    %mul3A_2596 = arith.mulf %get3A_2595, %sub3A_2564 : vector<16xf32>
    %sub3A_2597 = arith.subf %add3A_2592, %mul3A_2596 : vector<16xf32>
    %swap3A_2598 = arith.constant 320 : index
    %swap3A_2599 = tpu.vector_load %arg8[%swap3A_2598] {strides = array<i32>} : memref<512xf32, #tpu.memory_space<vmem>>, vector<16xf32>,
    %swap3A_2600 = vector.shape_cast %swap3A_2599 : vector<16xf32> to vector<16xf32>
    %swap3A_2601 = vector.shape_cast %sub3A_2597 : vector<16xf32> to vector<16xf32>
    tpu.vector_store %arg8[%swap3A_2598], %swap3A_2601 {strides = array<i32>} : memref<512xf32, #tpu.memory_space<vmem>>, vector<16xf32>,
    %get3A_2602 = arith.constant 336 : index
    %get3A_2603 = tpu.vector_load %arg5[%get3A_2602] {strides = array<i32>} : memref<1536xf32, #tpu.memory_space<vmem>>, vector<16xf32>,
    %get3A_2604 = vector.shape_cast %get3A_2603 : vector<16xf32> to vector<16xf32>
    %eq3A_2605 = arith.constant 0.000000e+00 : f32
    %eq3A_2606 = vector.broadcast %eq3A_2605 : f32 to vector<16xf32>
    %eq3A_2607 = arith.cmpf oeq, %get3A_2604, %eq3A_2606 : vector<16xf32>
    %get3A_2608 = arith.constant 2 : i32
    %get3A_2609 = arith.index_cast %get3A_2608 : i32 to index
    %get3A_2610 = arith.constant 80 : index
    %get3A_2611 = tpu.vector_load %arg7[%get3A_2609, %get3A_2610] {strides = array<i32>} : memref<8x128xf32, #tpu.memory_space<vmem>>, vector<1x16xf32>,
    %get3A_2612 = vector.shape_cast %get3A_2611 : vector<1x16xf32> to vector<16xf32>
    %jit3A_2613 = arith.constant 0.000000e+00 : f32
    %broadcast_in_dim3A_2614 = vector.broadcast %jit3A_2613 : f32 to vector<16xf32>
    %select_n3A_2615 = arith.select %eq3A_2607, %broadcast_in_dim3A_2614, %get3A_2612 : vector<16xi1>, vector<16xf32>
    %get3A_2616 = arith.constant 848 : index
    %get3A_2617 = tpu.vector_load %arg5[%get3A_2616] {strides = array<i32>} : memref<1536xf32, #tpu.memory_space<vmem>>, vector<16xf32>,
    %get3A_2618 = vector.shape_cast %get3A_2617 : vector<16xf32> to vector<16xf32>
    %eq3A_2619 = arith.constant 0.000000e+00 : f32
    %eq3A_2620 = vector.broadcast %eq3A_2619 : f32 to vector<16xf32>
    %eq3A_2621 = arith.cmpf oeq, %get3A_2618, %eq3A_2620 : vector<16xf32>
    %get3A_2622 = arith.constant 6 : i32
    %get3A_2623 = arith.index_cast %get3A_2622 : i32 to index
    %get3A_2624 = arith.constant 80 : index
    %get3A_2625 = tpu.vector_load %arg7[%get3A_2623, %get3A_2624] {strides = array<i32>} : memref<8x128xf32, #tpu.memory_space<vmem>>, vector<1x16xf32>,
    %get3A_2626 = vector.shape_cast %get3A_2625 : vector<1x16xf32> to vector<16xf32>
    %jit3A_2627 = arith.constant 0.000000e+00 : f32
    %broadcast_in_dim3A_2628 = vector.broadcast %jit3A_2627 : f32 to vector<16xf32>
    %select_n3A_2629 = arith.select %eq3A_2621, %broadcast_in_dim3A_2628, %get3A_2626 : vector<16xi1>, vector<16xf32>
    %sub3A_2630 = arith.subf %select_n3A_2615, %select_n3A_2629 : vector<16xf32>
    %max3A_2631 = arith.constant 0.000000e+00 : f32
    %max3A_2632 = vector.broadcast %max3A_2631 : f32 to vector<16xf32>
    %max3A_2633 = arith.maximumf %sub3A_2630, %max3A_2632 : vector<16xf32>
    %abs3A_2634 = math.absf %sub3A_2630 : vector<16xf32>
    %neg3A_2635 = arith.constant 0.000000e+00 : f32
    %neg3A_2636 = vector.broadcast %neg3A_2635 : f32 to vector<16xf32>
    %neg3A_2637 = arith.subf %neg3A_2636, %abs3A_2634 : vector<16xf32>
    %exp3A_2638 = math.exp %neg3A_2637 : vector<16xf32>
    %add3A_2639 = arith.constant 2.000000e+00 : f32
    %add3A_2640 = vector.broadcast %add3A_2639 : f32 to vector<16xf32>
    %add3A_2641 = arith.addf %exp3A_2638, %add3A_2640 : vector<16xf32>
    %div3A_2642 = arith.divf %exp3A_2638, %add3A_2641 : vector<16xf32>
    %mul3A_2643 = arith.mulf %div3A_2642, %div3A_2642 : vector<16xf32>
    %mul3A_2644 = arith.constant 2.000000e+00 : f32
    %mul3A_2645 = vector.broadcast %mul3A_2644 : f32 to vector<16xf32>
    %mul3A_2646 = arith.mulf %mul3A_2645, %div3A_2642 : vector<16xf32>
    %mul3A_2647 = arith.constant 2.000000e-01 : f32
    %mul3A_2648 = vector.broadcast %mul3A_2647 : f32 to vector<16xf32>
    %mul3A_2649 = arith.mulf %mul3A_2643, %mul3A_2648 : vector<16xf32>
    %add3A_2650 = arith.constant 0.333333343 : f32
    %add3A_2651 = vector.broadcast %add3A_2650 : f32 to vector<16xf32>
    %add3A_2652 = arith.addf %add3A_2651, %mul3A_2649 : vector<16xf32>
    %mul3A_2653 = arith.mulf %mul3A_2643, %add3A_2652 : vector<16xf32>
    %add3A_2654 = arith.constant 1.000000e+00 : f32
    %add3A_2655 = vector.broadcast %add3A_2654 : f32 to vector<16xf32>
    %add3A_2656 = arith.addf %add3A_2655, %mul3A_2653 : vector<16xf32>
    %mul3A_2657 = arith.mulf %mul3A_2646, %add3A_2656 : vector<16xf32>
    %add3A_2658 = arith.addf %max3A_2633, %mul3A_2657 : vector<16xf32>
    %get3A_2659 = arith.constant 1360 : index
    %get3A_2660 = tpu.vector_load %arg5[%get3A_2659] {strides = array<i32>} : memref<1536xf32, #tpu.memory_space<vmem>>, vector<16xf32>,
    %get3A_2661 = vector.shape_cast %get3A_2660 : vector<16xf32> to vector<16xf32>
    %mul3A_2662 = arith.mulf %get3A_2661, %sub3A_2630 : vector<16xf32>
    %sub3A_2663 = arith.subf %add3A_2658, %mul3A_2662 : vector<16xf32>
    %swap3A_2664 = arith.constant 336 : index
    %swap3A_2665 = tpu.vector_load %arg8[%swap3A_2664] {strides = array<i32>} : memref<512xf32, #tpu.memory_space<vmem>>, vector<16xf32>,
    %swap3A_2666 = vector.shape_cast %swap3A_2665 : vector<16xf32> to vector<16xf32>
    %swap3A_2667 = vector.shape_cast %sub3A_2663 : vector<16xf32> to vector<16xf32>
    tpu.vector_store %arg8[%swap3A_2664], %swap3A_2667 {strides = array<i32>} : memref<512xf32, #tpu.memory_space<vmem>>, vector<16xf32>,
    %get3A_2668 = arith.constant 352 : index
    %get3A_2669 = tpu.vector_load %arg5[%get3A_2668] {strides = array<i32>} : memref<1536xf32, #tpu.memory_space<vmem>>, vector<16xf32>,
    %get3A_2670 = vector.shape_cast %get3A_2669 : vector<16xf32> to vector<16xf32>
    %eq3A_2671 = arith.constant 0.000000e+00 : f32
    %eq3A_2672 = vector.broadcast %eq3A_2671 : f32 to vector<16xf32>
    %eq3A_2673 = arith.cmpf oeq, %get3A_2670, %eq3A_2672 : vector<16xf32>
    %get3A_2674 = arith.constant 2 : i32
    %get3A_2675 = arith.index_cast %get3A_2674 : i32 to index
    %get3A_2676 = arith.constant 96 : index
    %get3A_2677 = tpu.vector_load %arg7[%get3A_2675, %get3A_2676] {strides = array<i32>} : memref<8x128xf32, #tpu.memory_space<vmem>>, vector<1x16xf32>,
    %get3A_2678 = vector.shape_cast %get3A_2677 : vector<1x16xf32> to vector<16xf32>
    %jit3A_2679 = arith.constant 0.000000e+00 : f32
    %broadcast_in_dim3A_2680 = vector.broadcast %jit3A_2679 : f32 to vector<16xf32>
    %select_n3A_2681 = arith.select %eq3A_2673, %broadcast_in_dim3A_2680, %get3A_2678 : vector<16xi1>, vector<16xf32>
    %get3A_2682 = arith.constant 864 : index
    %get3A_2683 = tpu.vector_load %arg5[%get3A_2682] {strides = array<i32>} : memref<1536xf32, #tpu.memory_space<vmem>>, vector<16xf32>,
    %get3A_2684 = vector.shape_cast %get3A_2683 : vector<16xf32> to vector<16xf32>
    %eq3A_2685 = arith.constant 0.000000e+00 : f32
    %eq3A_2686 = vector.broadcast %eq3A_2685 : f32 to vector<16xf32>
    %eq3A_2687 = arith.cmpf oeq, %get3A_2684, %eq3A_2686 : vector<16xf32>
    %get3A_2688 = arith.constant 6 : i32
    %get3A_2689 = arith.index_cast %get3A_2688 : i32 to index
    %get3A_2690 = arith.constant 96 : index
    %get3A_2691 = tpu.vector_load %arg7[%get3A_2689, %get3A_2690] {strides = array<i32>} : memref<8x128xf32, #tpu.memory_space<vmem>>, vector<1x16xf32>,
    %get3A_2692 = vector.shape_cast %get3A_2691 : vector<1x16xf32> to vector<16xf32>
    %jit3A_2693 = arith.constant 0.000000e+00 : f32
    %broadcast_in_dim3A_2694 = vector.broadcast %jit3A_2693 : f32 to vector<16xf32>
    %select_n3A_2695 = arith.select %eq3A_2687, %broadcast_in_dim3A_2694, %get3A_2692 : vector<16xi1>, vector<16xf32>
    %sub3A_2696 = arith.subf %select_n3A_2681, %select_n3A_2695 : vector<16xf32>
    %max3A_2697 = arith.constant 0.000000e+00 : f32
    %max3A_2698 = vector.broadcast %max3A_2697 : f32 to vector<16xf32>
    %max3A_2699 = arith.maximumf %sub3A_2696, %max3A_2698 : vector<16xf32>
    %abs3A_2700 = math.absf %sub3A_2696 : vector<16xf32>
    %neg3A_2701 = arith.constant 0.000000e+00 : f32
    %neg3A_2702 = vector.broadcast %neg3A_2701 : f32 to vector<16xf32>
    %neg3A_2703 = arith.subf %neg3A_2702, %abs3A_2700 : vector<16xf32>
    %exp3A_2704 = math.exp %neg3A_2703 : vector<16xf32>
    %add3A_2705 = arith.constant 2.000000e+00 : f32
    %add3A_2706 = vector.broadcast %add3A_2705 : f32 to vector<16xf32>
    %add3A_2707 = arith.addf %exp3A_2704, %add3A_2706 : vector<16xf32>
    %div3A_2708 = arith.divf %exp3A_2704, %add3A_2707 : vector<16xf32>
    %mul3A_2709 = arith.mulf %div3A_2708, %div3A_2708 : vector<16xf32>
    %mul3A_2710 = arith.constant 2.000000e+00 : f32
    %mul3A_2711 = vector.broadcast %mul3A_2710 : f32 to vector<16xf32>
    %mul3A_2712 = arith.mulf %mul3A_2711, %div3A_2708 : vector<16xf32>
    %mul3A_2713 = arith.constant 2.000000e-01 : f32
    %mul3A_2714 = vector.broadcast %mul3A_2713 : f32 to vector<16xf32>
    %mul3A_2715 = arith.mulf %mul3A_2709, %mul3A_2714 : vector<16xf32>
    %add3A_2716 = arith.constant 0.333333343 : f32
    %add3A_2717 = vector.broadcast %add3A_2716 : f32 to vector<16xf32>
    %add3A_2718 = arith.addf %add3A_2717, %mul3A_2715 : vector<16xf32>
    %mul3A_2719 = arith.mulf %mul3A_2709, %add3A_2718 : vector<16xf32>
    %add3A_2720 = arith.constant 1.000000e+00 : f32
    %add3A_2721 = vector.broadcast %add3A_2720 : f32 to vector<16xf32>
    %add3A_2722 = arith.addf %add3A_2721, %mul3A_2719 : vector<16xf32>
    %mul3A_2723 = arith.mulf %mul3A_2712, %add3A_2722 : vector<16xf32>
    %add3A_2724 = arith.addf %max3A_2699, %mul3A_2723 : vector<16xf32>
    %get3A_2725 = arith.constant 1376 : index
    %get3A_2726 = tpu.vector_load %arg5[%get3A_2725] {strides = array<i32>} : memref<1536xf32, #tpu.memory_space<vmem>>, vector<16xf32>,
    %get3A_2727 = vector.shape_cast %get3A_2726 : vector<16xf32> to vector<16xf32>
    %mul3A_2728 = arith.mulf %get3A_2727, %sub3A_2696 : vector<16xf32>
    %sub3A_2729 = arith.subf %add3A_2724, %mul3A_2728 : vector<16xf32>
    %swap3A_2730 = arith.constant 352 : index
    %swap3A_2731 = tpu.vector_load %arg8[%swap3A_2730] {strides = array<i32>} : memref<512xf32, #tpu.memory_space<vmem>>, vector<16xf32>,
    %swap3A_2732 = vector.shape_cast %swap3A_2731 : vector<16xf32> to vector<16xf32>
    %swap3A_2733 = vector.shape_cast %sub3A_2729 : vector<16xf32> to vector<16xf32>
    tpu.vector_store %arg8[%swap3A_2730], %swap3A_2733 {strides = array<i32>} : memref<512xf32, #tpu.memory_space<vmem>>, vector<16xf32>,
    %get3A_2734 = arith.constant 368 : index
    %get3A_2735 = tpu.vector_load %arg5[%get3A_2734] {strides = array<i32>} : memref<1536xf32, #tpu.memory_space<vmem>>, vector<16xf32>,
    %get3A_2736 = vector.shape_cast %get3A_2735 : vector<16xf32> to vector<16xf32>
    %eq3A_2737 = arith.constant 0.000000e+00 : f32
    %eq3A_2738 = vector.broadcast %eq3A_2737 : f32 to vector<16xf32>
    %eq3A_2739 = arith.cmpf oeq, %get3A_2736, %eq3A_2738 : vector<16xf32>
    %get3A_2740 = arith.constant 2 : i32
    %get3A_2741 = arith.index_cast %get3A_2740 : i32 to index
    %get3A_2742 = arith.constant 112 : index
    %get3A_2743 = tpu.vector_load %arg7[%get3A_2741, %get3A_2742] {strides = array<i32>} : memref<8x128xf32, #tpu.memory_space<vmem>>, vector<1x16xf32>,
    %get3A_2744 = vector.shape_cast %get3A_2743 : vector<1x16xf32> to vector<16xf32>
    %jit3A_2745 = arith.constant 0.000000e+00 : f32
    %broadcast_in_dim3A_2746 = vector.broadcast %jit3A_2745 : f32 to vector<16xf32>
    %select_n3A_2747 = arith.select %eq3A_2739, %broadcast_in_dim3A_2746, %get3A_2744 : vector<16xi1>, vector<16xf32>
    %get3A_2748 = arith.constant 880 : index
    %get3A_2749 = tpu.vector_load %arg5[%get3A_2748] {strides = array<i32>} : memref<1536xf32, #tpu.memory_space<vmem>>, vector<16xf32>,
    %get3A_2750 = vector.shape_cast %get3A_2749 : vector<16xf32> to vector<16xf32>
    %eq3A_2751 = arith.constant 0.000000e+00 : f32
    %eq3A_2752 = vector.broadcast %eq3A_2751 : f32 to vector<16xf32>
    %eq3A_2753 = arith.cmpf oeq, %get3A_2750, %eq3A_2752 : vector<16xf32>
    %get3A_2754 = arith.constant 6 : i32
    %get3A_2755 = arith.index_cast %get3A_2754 : i32 to index
    %get3A_2756 = arith.constant 112 : index
    %get3A_2757 = tpu.vector_load %arg7[%get3A_2755, %get3A_2756] {strides = array<i32>} : memref<8x128xf32, #tpu.memory_space<vmem>>, vector<1x16xf32>,
    %get3A_2758 = vector.shape_cast %get3A_2757 : vector<1x16xf32> to vector<16xf32>
    %jit3A_2759 = arith.constant 0.000000e+00 : f32
    %broadcast_in_dim3A_2760 = vector.broadcast %jit3A_2759 : f32 to vector<16xf32>
    %select_n3A_2761 = arith.select %eq3A_2753, %broadcast_in_dim3A_2760, %get3A_2758 : vector<16xi1>, vector<16xf32>
    %sub3A_2762 = arith.subf %select_n3A_2747, %select_n3A_2761 : vector<16xf32>
    %max3A_2763 = arith.constant 0.000000e+00 : f32
    %max3A_2764 = vector.broadcast %max3A_2763 : f32 to vector<16xf32>
    %max3A_2765 = arith.maximumf %sub3A_2762, %max3A_2764 : vector<16xf32>
    %abs3A_2766 = math.absf %sub3A_2762 : vector<16xf32>
    %neg3A_2767 = arith.constant 0.000000e+00 : f32
    %neg3A_2768 = vector.broadcast %neg3A_2767 : f32 to vector<16xf32>
    %neg3A_2769 = arith.subf %neg3A_2768, %abs3A_2766 : vector<16xf32>
    %exp3A_2770 = math.exp %neg3A_2769 : vector<16xf32>
    %add3A_2771 = arith.constant 2.000000e+00 : f32
    %add3A_2772 = vector.broadcast %add3A_2771 : f32 to vector<16xf32>
    %add3A_2773 = arith.addf %exp3A_2770, %add3A_2772 : vector<16xf32>
    %div3A_2774 = arith.divf %exp3A_2770, %add3A_2773 : vector<16xf32>
    %mul3A_2775 = arith.mulf %div3A_2774, %div3A_2774 : vector<16xf32>
    %mul3A_2776 = arith.constant 2.000000e+00 : f32
    %mul3A_2777 = vector.broadcast %mul3A_2776 : f32 to vector<16xf32>
    %mul3A_2778 = arith.mulf %mul3A_2777, %div3A_2774 : vector<16xf32>
    %mul3A_2779 = arith.constant 2.000000e-01 : f32
    %mul3A_2780 = vector.broadcast %mul3A_2779 : f32 to vector<16xf32>
    %mul3A_2781 = arith.mulf %mul3A_2775, %mul3A_2780 : vector<16xf32>
    %add3A_2782 = arith.constant 0.333333343 : f32
    %add3A_2783 = vector.broadcast %add3A_2782 : f32 to vector<16xf32>
    %add3A_2784 = arith.addf %add3A_2783, %mul3A_2781 : vector<16xf32>
    %mul3A_2785 = arith.mulf %mul3A_2775, %add3A_2784 : vector<16xf32>
    %add3A_2786 = arith.constant 1.000000e+00 : f32
    %add3A_2787 = vector.broadcast %add3A_2786 : f32 to vector<16xf32>
    %add3A_2788 = arith.addf %add3A_2787, %mul3A_2785 : vector<16xf32>
    %mul3A_2789 = arith.mulf %mul3A_2778, %add3A_2788 : vector<16xf32>
    %add3A_2790 = arith.addf %max3A_2765, %mul3A_2789 : vector<16xf32>
    %get3A_2791 = arith.constant 1392 : index
    %get3A_2792 = tpu.vector_load %arg5[%get3A_2791] {strides = array<i32>} : memref<1536xf32, #tpu.memory_space<vmem>>, vector<16xf32>,
    %get3A_2793 = vector.shape_cast %get3A_2792 : vector<16xf32> to vector<16xf32>
    %mul3A_2794 = arith.mulf %get3A_2793, %sub3A_2762 : vector<16xf32>
    %sub3A_2795 = arith.subf %add3A_2790, %mul3A_2794 : vector<16xf32>
    %swap3A_2796 = arith.constant 368 : index
    %swap3A_2797 = tpu.vector_load %arg8[%swap3A_2796] {strides = array<i32>} : memref<512xf32, #tpu.memory_space<vmem>>, vector<16xf32>,
    %swap3A_2798 = vector.shape_cast %swap3A_2797 : vector<16xf32> to vector<16xf32>
    %swap3A_2799 = vector.shape_cast %sub3A_2795 : vector<16xf32> to vector<16xf32>
    tpu.vector_store %arg8[%swap3A_2796], %swap3A_2799 {strides = array<i32>} : memref<512xf32, #tpu.memory_space<vmem>>, vector<16xf32>,
    %add3A_2800 = arith.constant 256 : i32
    %add3A_2801 = arith.addi %mul3A_2, %add3A_2800 : i32
    %dma_start3A_2802 = arith.constant 256 : i32
    %dma_start3A_2803 = tpu.memref_slice %arg8[%dma_start3A_2802] : memref<512xf32, #tpu.memory_space<vmem>> -> memref<128xf32, #tpu.memory_space<vmem>>
    %dma_start3A_2804 = tpu.memref_slice %arg4[%add3A_2801] : memref<16384xf32, #tpu.memory_space<hbm>> -> memref<128xf32, #tpu.memory_space<hbm>>
    %dma_start3A_2805 = tpu.memref_slice %arg4[%add3A_2801] : memref<16384xf32, #tpu.memory_space<hbm>> -> memref<128xf32, #tpu.memory_space<hbm>>
    %dma_start3A_2806 = arith.constant 256 : i32
    %dma_start3A_2807 = tpu.memref_slice %arg8[%dma_start3A_2806] : memref<512xf32, #tpu.memory_space<vmem>> -> memref<128xf32, #tpu.memory_space<vmem>>
    tpu.enqueue_dma source(%dma_start3A_2807 : memref<128xf32, #tpu.memory_space<vmem>>) target(%dma_start3A_2805 : memref<128xf32, #tpu.memory_space<hbm>>) target_semaphore(%arg9 : memref<!tpu.dma_semaphore, #tpu.memory_space<semaphore_mem>>)
    %dma_wait3A_2808 = arith.constant 3 : i32
    %dma_wait3A_2809 = arith.constant 3 : i32
    %dma_wait3A_2810 = arith.constant 3 : i32
    %dma_wait3A_2811 = arith.constant 0 : i32
    %dma_wait3A_2812 = tpu.memref_slice %arg7[%dma_wait3A_2809, %dma_wait3A_2811] : memref<8x128xf32, #tpu.memory_space<vmem>> -> memref<1x128xf32, #tpu.memory_space<vmem>>
    %dma_wait3A_2813 = tpu.memref_squeeze %dma_wait3A_2812 : memref<1x128xf32, #tpu.memory_space<vmem>> -> memref<128xf32, #tpu.memory_space<vmem>>
    %dma_wait3A_2814 = arith.constant 0 : i32
    %dma_wait3A_2815 = tpu.memref_slice %arg6[%dma_wait3A_2808, %dma_wait3A_2814] : memref<8x128xi32, #tpu.memory_space<vmem>> -> memref<1x128xi32, #tpu.memory_space<vmem>>
    %dma_wait3A_2816 = tpu.memref_squeeze %dma_wait3A_2815 : memref<1x128xi32, #tpu.memory_space<vmem>> -> memref<128xi32, #tpu.memory_space<vmem>>
    %dma_wait3A_2817 = arith.constant 0 : i32
    %dma_wait3A_2818 = tpu.memref_slice %arg3[%dma_wait3A_2817] : memref<999999xf32, #tpu.memory_space<hbm>> -> memref<999999xf32, #tpu.memory_space<hbm>>
    %dma_wait3A_2819 = tpu.memref_slice %arg10[%dma_wait3A_2810] : memref<4x!tpu.dma_semaphore, #tpu.memory_space<semaphore_mem>> -> memref<1x!tpu.dma_semaphore, #tpu.memory_space<semaphore_mem>>
    %dma_wait3A_2820 = tpu.memref_squeeze %dma_wait3A_2819 : memref<1x!tpu.dma_semaphore, #tpu.memory_space<semaphore_mem>> -> memref<!tpu.dma_semaphore, #tpu.memory_space<semaphore_mem>>
    tpu.wait_indirect_dma semaphore(%dma_wait3A_2820 : memref<!tpu.dma_semaphore, #tpu.memory_space<semaphore_mem>>) src(%dma_wait3A_2818 : memref<999999xf32, #tpu.memory_space<hbm>>) dst(%dma_wait3A_2813 : memref<128xf32, #tpu.memory_space<vmem>>)
    %dma_wait3A_2821 = arith.constant 7 : i32
    %dma_wait3A_2822 = arith.constant 7 : i32
    %dma_wait3A_2823 = arith.constant 3 : i32
    %dma_wait3A_2824 = arith.constant 0 : i32
    %dma_wait3A_2825 = tpu.memref_slice %arg7[%dma_wait3A_2822, %dma_wait3A_2824] : memref<8x128xf32, #tpu.memory_space<vmem>> -> memref<1x128xf32, #tpu.memory_space<vmem>>
    %dma_wait3A_2826 = tpu.memref_squeeze %dma_wait3A_2825 : memref<1x128xf32, #tpu.memory_space<vmem>> -> memref<128xf32, #tpu.memory_space<vmem>>
    %dma_wait3A_2827 = arith.constant 0 : i32
    %dma_wait3A_2828 = tpu.memref_slice %arg6[%dma_wait3A_2821, %dma_wait3A_2827] : memref<8x128xi32, #tpu.memory_space<vmem>> -> memref<1x128xi32, #tpu.memory_space<vmem>>
    %dma_wait3A_2829 = tpu.memref_squeeze %dma_wait3A_2828 : memref<1x128xi32, #tpu.memory_space<vmem>> -> memref<128xi32, #tpu.memory_space<vmem>>
    %dma_wait3A_2830 = arith.constant 0 : i32
    %dma_wait3A_2831 = tpu.memref_slice %arg3[%dma_wait3A_2830] : memref<999999xf32, #tpu.memory_space<hbm>> -> memref<999999xf32, #tpu.memory_space<hbm>>
    %dma_wait3A_2832 = tpu.memref_slice %arg10[%dma_wait3A_2823] : memref<4x!tpu.dma_semaphore, #tpu.memory_space<semaphore_mem>> -> memref<1x!tpu.dma_semaphore, #tpu.memory_space<semaphore_mem>>
    %dma_wait3A_2833 = tpu.memref_squeeze %dma_wait3A_2832 : memref<1x!tpu.dma_semaphore, #tpu.memory_space<semaphore_mem>> -> memref<!tpu.dma_semaphore, #tpu.memory_space<semaphore_mem>>
    tpu.wait_indirect_dma semaphore(%dma_wait3A_2833 : memref<!tpu.dma_semaphore, #tpu.memory_space<semaphore_mem>>) src(%dma_wait3A_2831 : memref<999999xf32, #tpu.memory_space<hbm>>) dst(%dma_wait3A_2826 : memref<128xf32, #tpu.memory_space<vmem>>)
    %get3A_2834 = arith.constant 384 : index
    %get3A_2835 = tpu.vector_load %arg5[%get3A_2834] {strides = array<i32>} : memref<1536xf32, #tpu.memory_space<vmem>>, vector<16xf32>,
    %get3A_2836 = vector.shape_cast %get3A_2835 : vector<16xf32> to vector<16xf32>
    %eq3A_2837 = arith.constant 0.000000e+00 : f32
    %eq3A_2838 = vector.broadcast %eq3A_2837 : f32 to vector<16xf32>
    %eq3A_2839 = arith.cmpf oeq, %get3A_2836, %eq3A_2838 : vector<16xf32>
    %get3A_2840 = arith.constant 3 : i32
    %get3A_2841 = arith.index_cast %get3A_2840 : i32 to index
    %get3A_2842 = arith.constant 0 : index
    %get3A_2843 = tpu.vector_load %arg7[%get3A_2841, %get3A_2842] {strides = array<i32>} : memref<8x128xf32, #tpu.memory_space<vmem>>, vector<1x16xf32>,
    %get3A_2844 = vector.shape_cast %get3A_2843 : vector<1x16xf32> to vector<16xf32>
    %jit3A_2845 = arith.constant 0.000000e+00 : f32
    %broadcast_in_dim3A_2846 = vector.broadcast %jit3A_2845 : f32 to vector<16xf32>
    %select_n3A_2847 = arith.select %eq3A_2839, %broadcast_in_dim3A_2846, %get3A_2844 : vector<16xi1>, vector<16xf32>
    %get3A_2848 = arith.constant 896 : index
    %get3A_2849 = tpu.vector_load %arg5[%get3A_2848] {strides = array<i32>} : memref<1536xf32, #tpu.memory_space<vmem>>, vector<16xf32>,
    %get3A_2850 = vector.shape_cast %get3A_2849 : vector<16xf32> to vector<16xf32>
    %eq3A_2851 = arith.constant 0.000000e+00 : f32
    %eq3A_2852 = vector.broadcast %eq3A_2851 : f32 to vector<16xf32>
    %eq3A_2853 = arith.cmpf oeq, %get3A_2850, %eq3A_2852 : vector<16xf32>
    %get3A_2854 = arith.constant 7 : i32
    %get3A_2855 = arith.index_cast %get3A_2854 : i32 to index
    %get3A_2856 = arith.constant 0 : index
    %get3A_2857 = tpu.vector_load %arg7[%get3A_2855, %get3A_2856] {strides = array<i32>} : memref<8x128xf32, #tpu.memory_space<vmem>>, vector<1x16xf32>,
    %get3A_2858 = vector.shape_cast %get3A_2857 : vector<1x16xf32> to vector<16xf32>
    %jit3A_2859 = arith.constant 0.000000e+00 : f32
    %broadcast_in_dim3A_2860 = vector.broadcast %jit3A_2859 : f32 to vector<16xf32>
    %select_n3A_2861 = arith.select %eq3A_2853, %broadcast_in_dim3A_2860, %get3A_2858 : vector<16xi1>, vector<16xf32>
    %sub3A_2862 = arith.subf %select_n3A_2847, %select_n3A_2861 : vector<16xf32>
    %max3A_2863 = arith.constant 0.000000e+00 : f32
    %max3A_2864 = vector.broadcast %max3A_2863 : f32 to vector<16xf32>
    %max3A_2865 = arith.maximumf %sub3A_2862, %max3A_2864 : vector<16xf32>
    %abs3A_2866 = math.absf %sub3A_2862 : vector<16xf32>
    %neg3A_2867 = arith.constant 0.000000e+00 : f32
    %neg3A_2868 = vector.broadcast %neg3A_2867 : f32 to vector<16xf32>
    %neg3A_2869 = arith.subf %neg3A_2868, %abs3A_2866 : vector<16xf32>
    %exp3A_2870 = math.exp %neg3A_2869 : vector<16xf32>
    %add3A_2871 = arith.constant 2.000000e+00 : f32
    %add3A_2872 = vector.broadcast %add3A_2871 : f32 to vector<16xf32>
    %add3A_2873 = arith.addf %exp3A_2870, %add3A_2872 : vector<16xf32>
    %div3A_2874 = arith.divf %exp3A_2870, %add3A_2873 : vector<16xf32>
    %mul3A_2875 = arith.mulf %div3A_2874, %div3A_2874 : vector<16xf32>
    %mul3A_2876 = arith.constant 2.000000e+00 : f32
    %mul3A_2877 = vector.broadcast %mul3A_2876 : f32 to vector<16xf32>
    %mul3A_2878 = arith.mulf %mul3A_2877, %div3A_2874 : vector<16xf32>
    %mul3A_2879 = arith.constant 2.000000e-01 : f32
    %mul3A_2880 = vector.broadcast %mul3A_2879 : f32 to vector<16xf32>
    %mul3A_2881 = arith.mulf %mul3A_2875, %mul3A_2880 : vector<16xf32>
    %add3A_2882 = arith.constant 0.333333343 : f32
    %add3A_2883 = vector.broadcast %add3A_2882 : f32 to vector<16xf32>
    %add3A_2884 = arith.addf %add3A_2883, %mul3A_2881 : vector<16xf32>
    %mul3A_2885 = arith.mulf %mul3A_2875, %add3A_2884 : vector<16xf32>
    %add3A_2886 = arith.constant 1.000000e+00 : f32
    %add3A_2887 = vector.broadcast %add3A_2886 : f32 to vector<16xf32>
    %add3A_2888 = arith.addf %add3A_2887, %mul3A_2885 : vector<16xf32>
    %mul3A_2889 = arith.mulf %mul3A_2878, %add3A_2888 : vector<16xf32>
    %add3A_2890 = arith.addf %max3A_2865, %mul3A_2889 : vector<16xf32>
    %get3A_2891 = arith.constant 1408 : index
    %get3A_2892 = tpu.vector_load %arg5[%get3A_2891] {strides = array<i32>} : memref<1536xf32, #tpu.memory_space<vmem>>, vector<16xf32>,
    %get3A_2893 = vector.shape_cast %get3A_2892 : vector<16xf32> to vector<16xf32>
    %mul3A_2894 = arith.mulf %get3A_2893, %sub3A_2862 : vector<16xf32>
    %sub3A_2895 = arith.subf %add3A_2890, %mul3A_2894 : vector<16xf32>
    %swap3A_2896 = arith.constant 384 : index
    %swap3A_2897 = tpu.vector_load %arg8[%swap3A_2896] {strides = array<i32>} : memref<512xf32, #tpu.memory_space<vmem>>, vector<16xf32>,
    %swap3A_2898 = vector.shape_cast %swap3A_2897 : vector<16xf32> to vector<16xf32>
    %swap3A_2899 = vector.shape_cast %sub3A_2895 : vector<16xf32> to vector<16xf32>
    tpu.vector_store %arg8[%swap3A_2896], %swap3A_2899 {strides = array<i32>} : memref<512xf32, #tpu.memory_space<vmem>>, vector<16xf32>,
    %get3A_2900 = arith.constant 400 : index
    %get3A_2901 = tpu.vector_load %arg5[%get3A_2900] {strides = array<i32>} : memref<1536xf32, #tpu.memory_space<vmem>>, vector<16xf32>,
    %get3A_2902 = vector.shape_cast %get3A_2901 : vector<16xf32> to vector<16xf32>
    %eq3A_2903 = arith.constant 0.000000e+00 : f32
    %eq3A_2904 = vector.broadcast %eq3A_2903 : f32 to vector<16xf32>
    %eq3A_2905 = arith.cmpf oeq, %get3A_2902, %eq3A_2904 : vector<16xf32>
    %get3A_2906 = arith.constant 3 : i32
    %get3A_2907 = arith.index_cast %get3A_2906 : i32 to index
    %get3A_2908 = arith.constant 16 : index
    %get3A_2909 = tpu.vector_load %arg7[%get3A_2907, %get3A_2908] {strides = array<i32>} : memref<8x128xf32, #tpu.memory_space<vmem>>, vector<1x16xf32>,
    %get3A_2910 = vector.shape_cast %get3A_2909 : vector<1x16xf32> to vector<16xf32>
    %jit3A_2911 = arith.constant 0.000000e+00 : f32
    %broadcast_in_dim3A_2912 = vector.broadcast %jit3A_2911 : f32 to vector<16xf32>
    %select_n3A_2913 = arith.select %eq3A_2905, %broadcast_in_dim3A_2912, %get3A_2910 : vector<16xi1>, vector<16xf32>
    %get3A_2914 = arith.constant 912 : index
    %get3A_2915 = tpu.vector_load %arg5[%get3A_2914] {strides = array<i32>} : memref<1536xf32, #tpu.memory_space<vmem>>, vector<16xf32>,
    %get3A_2916 = vector.shape_cast %get3A_2915 : vector<16xf32> to vector<16xf32>
    %eq3A_2917 = arith.constant 0.000000e+00 : f32
    %eq3A_2918 = vector.broadcast %eq3A_2917 : f32 to vector<16xf32>
    %eq3A_2919 = arith.cmpf oeq, %get3A_2916, %eq3A_2918 : vector<16xf32>
    %get3A_2920 = arith.constant 7 : i32
    %get3A_2921 = arith.index_cast %get3A_2920 : i32 to index
    %get3A_2922 = arith.constant 16 : index
    %get3A_2923 = tpu.vector_load %arg7[%get3A_2921, %get3A_2922] {strides = array<i32>} : memref<8x128xf32, #tpu.memory_space<vmem>>, vector<1x16xf32>,
    %get3A_2924 = vector.shape_cast %get3A_2923 : vector<1x16xf32> to vector<16xf32>
    %jit3A_2925 = arith.constant 0.000000e+00 : f32
    %broadcast_in_dim3A_2926 = vector.broadcast %jit3A_2925 : f32 to vector<16xf32>
    %select_n3A_2927 = arith.select %eq3A_2919, %broadcast_in_dim3A_2926, %get3A_2924 : vector<16xi1>, vector<16xf32>
    %sub3A_2928 = arith.subf %select_n3A_2913, %select_n3A_2927 : vector<16xf32>
    %max3A_2929 = arith.constant 0.000000e+00 : f32
    %max3A_2930 = vector.broadcast %max3A_2929 : f32 to vector<16xf32>
    %max3A_2931 = arith.maximumf %sub3A_2928, %max3A_2930 : vector<16xf32>
    %abs3A_2932 = math.absf %sub3A_2928 : vector<16xf32>
    %neg3A_2933 = arith.constant 0.000000e+00 : f32
    %neg3A_2934 = vector.broadcast %neg3A_2933 : f32 to vector<16xf32>
    %neg3A_2935 = arith.subf %neg3A_2934, %abs3A_2932 : vector<16xf32>
    %exp3A_2936 = math.exp %neg3A_2935 : vector<16xf32>
    %add3A_2937 = arith.constant 2.000000e+00 : f32
    %add3A_2938 = vector.broadcast %add3A_2937 : f32 to vector<16xf32>
    %add3A_2939 = arith.addf %exp3A_2936, %add3A_2938 : vector<16xf32>
    %div3A_2940 = arith.divf %exp3A_2936, %add3A_2939 : vector<16xf32>
    %mul3A_2941 = arith.mulf %div3A_2940, %div3A_2940 : vector<16xf32>
    %mul3A_2942 = arith.constant 2.000000e+00 : f32
    %mul3A_2943 = vector.broadcast %mul3A_2942 : f32 to vector<16xf32>
    %mul3A_2944 = arith.mulf %mul3A_2943, %div3A_2940 : vector<16xf32>
    %mul3A_2945 = arith.constant 2.000000e-01 : f32
    %mul3A_2946 = vector.broadcast %mul3A_2945 : f32 to vector<16xf32>
    %mul3A_2947 = arith.mulf %mul3A_2941, %mul3A_2946 : vector<16xf32>
    %add3A_2948 = arith.constant 0.333333343 : f32
    %add3A_2949 = vector.broadcast %add3A_2948 : f32 to vector<16xf32>
    %add3A_2950 = arith.addf %add3A_2949, %mul3A_2947 : vector<16xf32>
    %mul3A_2951 = arith.mulf %mul3A_2941, %add3A_2950 : vector<16xf32>
    %add3A_2952 = arith.constant 1.000000e+00 : f32
    %add3A_2953 = vector.broadcast %add3A_2952 : f32 to vector<16xf32>
    %add3A_2954 = arith.addf %add3A_2953, %mul3A_2951 : vector<16xf32>
    %mul3A_2955 = arith.mulf %mul3A_2944, %add3A_2954 : vector<16xf32>
    %add3A_2956 = arith.addf %max3A_2931, %mul3A_2955 : vector<16xf32>
    %get3A_2957 = arith.constant 1424 : index
    %get3A_2958 = tpu.vector_load %arg5[%get3A_2957] {strides = array<i32>} : memref<1536xf32, #tpu.memory_space<vmem>>, vector<16xf32>,
    %get3A_2959 = vector.shape_cast %get3A_2958 : vector<16xf32> to vector<16xf32>
    %mul3A_2960 = arith.mulf %get3A_2959, %sub3A_2928 : vector<16xf32>
    %sub3A_2961 = arith.subf %add3A_2956, %mul3A_2960 : vector<16xf32>
    %swap3A_2962 = arith.constant 400 : index
    %swap3A_2963 = tpu.vector_load %arg8[%swap3A_2962] {strides = array<i32>} : memref<512xf32, #tpu.memory_space<vmem>>, vector<16xf32>,
    %swap3A_2964 = vector.shape_cast %swap3A_2963 : vector<16xf32> to vector<16xf32>
    %swap3A_2965 = vector.shape_cast %sub3A_2961 : vector<16xf32> to vector<16xf32>
    tpu.vector_store %arg8[%swap3A_2962], %swap3A_2965 {strides = array<i32>} : memref<512xf32, #tpu.memory_space<vmem>>, vector<16xf32>,
    %get3A_2966 = arith.constant 416 : index
    %get3A_2967 = tpu.vector_load %arg5[%get3A_2966] {strides = array<i32>} : memref<1536xf32, #tpu.memory_space<vmem>>, vector<16xf32>,
    %get3A_2968 = vector.shape_cast %get3A_2967 : vector<16xf32> to vector<16xf32>
    %eq3A_2969 = arith.constant 0.000000e+00 : f32
    %eq3A_2970 = vector.broadcast %eq3A_2969 : f32 to vector<16xf32>
    %eq3A_2971 = arith.cmpf oeq, %get3A_2968, %eq3A_2970 : vector<16xf32>
    %get3A_2972 = arith.constant 3 : i32
    %get3A_2973 = arith.index_cast %get3A_2972 : i32 to index
    %get3A_2974 = arith.constant 32 : index
    %get3A_2975 = tpu.vector_load %arg7[%get3A_2973, %get3A_2974] {strides = array<i32>} : memref<8x128xf32, #tpu.memory_space<vmem>>, vector<1x16xf32>,
    %get3A_2976 = vector.shape_cast %get3A_2975 : vector<1x16xf32> to vector<16xf32>
    %jit3A_2977 = arith.constant 0.000000e+00 : f32
    %broadcast_in_dim3A_2978 = vector.broadcast %jit3A_2977 : f32 to vector<16xf32>
    %select_n3A_2979 = arith.select %eq3A_2971, %broadcast_in_dim3A_2978, %get3A_2976 : vector<16xi1>, vector<16xf32>
    %get3A_2980 = arith.constant 928 : index
    %get3A_2981 = tpu.vector_load %arg5[%get3A_2980] {strides = array<i32>} : memref<1536xf32, #tpu.memory_space<vmem>>, vector<16xf32>,
    %get3A_2982 = vector.shape_cast %get3A_2981 : vector<16xf32> to vector<16xf32>
    %eq3A_2983 = arith.constant 0.000000e+00 : f32
    %eq3A_2984 = vector.broadcast %eq3A_2983 : f32 to vector<16xf32>
    %eq3A_2985 = arith.cmpf oeq, %get3A_2982, %eq3A_2984 : vector<16xf32>
    %get3A_2986 = arith.constant 7 : i32
    %get3A_2987 = arith.index_cast %get3A_2986 : i32 to index
    %get3A_2988 = arith.constant 32 : index
    %get3A_2989 = tpu.vector_load %arg7[%get3A_2987, %get3A_2988] {strides = array<i32>} : memref<8x128xf32, #tpu.memory_space<vmem>>, vector<1x16xf32>,
    %get3A_2990 = vector.shape_cast %get3A_2989 : vector<1x16xf32> to vector<16xf32>
    %jit3A_2991 = arith.constant 0.000000e+00 : f32
    %broadcast_in_dim3A_2992 = vector.broadcast %jit3A_2991 : f32 to vector<16xf32>
    %select_n3A_2993 = arith.select %eq3A_2985, %broadcast_in_dim3A_2992, %get3A_2990 : vector<16xi1>, vector<16xf32>
    %sub3A_2994 = arith.subf %select_n3A_2979, %select_n3A_2993 : vector<16xf32>
    %max3A_2995 = arith.constant 0.000000e+00 : f32
    %max3A_2996 = vector.broadcast %max3A_2995 : f32 to vector<16xf32>
    %max3A_2997 = arith.maximumf %sub3A_2994, %max3A_2996 : vector<16xf32>
    %abs3A_2998 = math.absf %sub3A_2994 : vector<16xf32>
    %neg3A_2999 = arith.constant 0.000000e+00 : f32
    %neg3A_3000 = vector.broadcast %neg3A_2999 : f32 to vector<16xf32>
    %neg3A_3001 = arith.subf %neg3A_3000, %abs3A_2998 : vector<16xf32>
    %exp3A_3002 = math.exp %neg3A_3001 : vector<16xf32>
    %add3A_3003 = arith.constant 2.000000e+00 : f32
    %add3A_3004 = vector.broadcast %add3A_3003 : f32 to vector<16xf32>
    %add3A_3005 = arith.addf %exp3A_3002, %add3A_3004 : vector<16xf32>
    %div3A_3006 = arith.divf %exp3A_3002, %add3A_3005 : vector<16xf32>
    %mul3A_3007 = arith.mulf %div3A_3006, %div3A_3006 : vector<16xf32>
    %mul3A_3008 = arith.constant 2.000000e+00 : f32
    %mul3A_3009 = vector.broadcast %mul3A_3008 : f32 to vector<16xf32>
    %mul3A_3010 = arith.mulf %mul3A_3009, %div3A_3006 : vector<16xf32>
    %mul3A_3011 = arith.constant 2.000000e-01 : f32
    %mul3A_3012 = vector.broadcast %mul3A_3011 : f32 to vector<16xf32>
    %mul3A_3013 = arith.mulf %mul3A_3007, %mul3A_3012 : vector<16xf32>
    %add3A_3014 = arith.constant 0.333333343 : f32
    %add3A_3015 = vector.broadcast %add3A_3014 : f32 to vector<16xf32>
    %add3A_3016 = arith.addf %add3A_3015, %mul3A_3013 : vector<16xf32>
    %mul3A_3017 = arith.mulf %mul3A_3007, %add3A_3016 : vector<16xf32>
    %add3A_3018 = arith.constant 1.000000e+00 : f32
    %add3A_3019 = vector.broadcast %add3A_3018 : f32 to vector<16xf32>
    %add3A_3020 = arith.addf %add3A_3019, %mul3A_3017 : vector<16xf32>
    %mul3A_3021 = arith.mulf %mul3A_3010, %add3A_3020 : vector<16xf32>
    %add3A_3022 = arith.addf %max3A_2997, %mul3A_3021 : vector<16xf32>
    %get3A_3023 = arith.constant 1440 : index
    %get3A_3024 = tpu.vector_load %arg5[%get3A_3023] {strides = array<i32>} : memref<1536xf32, #tpu.memory_space<vmem>>, vector<16xf32>,
    %get3A_3025 = vector.shape_cast %get3A_3024 : vector<16xf32> to vector<16xf32>
    %mul3A_3026 = arith.mulf %get3A_3025, %sub3A_2994 : vector<16xf32>
    %sub3A_3027 = arith.subf %add3A_3022, %mul3A_3026 : vector<16xf32>
    %swap3A_3028 = arith.constant 416 : index
    %swap3A_3029 = tpu.vector_load %arg8[%swap3A_3028] {strides = array<i32>} : memref<512xf32, #tpu.memory_space<vmem>>, vector<16xf32>,
    %swap3A_3030 = vector.shape_cast %swap3A_3029 : vector<16xf32> to vector<16xf32>
    %swap3A_3031 = vector.shape_cast %sub3A_3027 : vector<16xf32> to vector<16xf32>
    tpu.vector_store %arg8[%swap3A_3028], %swap3A_3031 {strides = array<i32>} : memref<512xf32, #tpu.memory_space<vmem>>, vector<16xf32>,
    %get3A_3032 = arith.constant 432 : index
    %get3A_3033 = tpu.vector_load %arg5[%get3A_3032] {strides = array<i32>} : memref<1536xf32, #tpu.memory_space<vmem>>, vector<16xf32>,
    %get3A_3034 = vector.shape_cast %get3A_3033 : vector<16xf32> to vector<16xf32>
    %eq3A_3035 = arith.constant 0.000000e+00 : f32
    %eq3A_3036 = vector.broadcast %eq3A_3035 : f32 to vector<16xf32>
    %eq3A_3037 = arith.cmpf oeq, %get3A_3034, %eq3A_3036 : vector<16xf32>
    %get3A_3038 = arith.constant 3 : i32
    %get3A_3039 = arith.index_cast %get3A_3038 : i32 to index
    %get3A_3040 = arith.constant 48 : index
    %get3A_3041 = tpu.vector_load %arg7[%get3A_3039, %get3A_3040] {strides = array<i32>} : memref<8x128xf32, #tpu.memory_space<vmem>>, vector<1x16xf32>,
    %get3A_3042 = vector.shape_cast %get3A_3041 : vector<1x16xf32> to vector<16xf32>
    %jit3A_3043 = arith.constant 0.000000e+00 : f32
    %broadcast_in_dim3A_3044 = vector.broadcast %jit3A_3043 : f32 to vector<16xf32>
    %select_n3A_3045 = arith.select %eq3A_3037, %broadcast_in_dim3A_3044, %get3A_3042 : vector<16xi1>, vector<16xf32>
    %get3A_3046 = arith.constant 944 : index
    %get3A_3047 = tpu.vector_load %arg5[%get3A_3046] {strides = array<i32>} : memref<1536xf32, #tpu.memory_space<vmem>>, vector<16xf32>,
    %get3A_3048 = vector.shape_cast %get3A_3047 : vector<16xf32> to vector<16xf32>
    %eq3A_3049 = arith.constant 0.000000e+00 : f32
    %eq3A_3050 = vector.broadcast %eq3A_3049 : f32 to vector<16xf32>
    %eq3A_3051 = arith.cmpf oeq, %get3A_3048, %eq3A_3050 : vector<16xf32>
    %get3A_3052 = arith.constant 7 : i32
    %get3A_3053 = arith.index_cast %get3A_3052 : i32 to index
    %get3A_3054 = arith.constant 48 : index
    %get3A_3055 = tpu.vector_load %arg7[%get3A_3053, %get3A_3054] {strides = array<i32>} : memref<8x128xf32, #tpu.memory_space<vmem>>, vector<1x16xf32>,
    %get3A_3056 = vector.shape_cast %get3A_3055 : vector<1x16xf32> to vector<16xf32>
    %jit3A_3057 = arith.constant 0.000000e+00 : f32
    %broadcast_in_dim3A_3058 = vector.broadcast %jit3A_3057 : f32 to vector<16xf32>
    %select_n3A_3059 = arith.select %eq3A_3051, %broadcast_in_dim3A_3058, %get3A_3056 : vector<16xi1>, vector<16xf32>
    %sub3A_3060 = arith.subf %select_n3A_3045, %select_n3A_3059 : vector<16xf32>
    %max3A_3061 = arith.constant 0.000000e+00 : f32
    %max3A_3062 = vector.broadcast %max3A_3061 : f32 to vector<16xf32>
    %max3A_3063 = arith.maximumf %sub3A_3060, %max3A_3062 : vector<16xf32>
    %abs3A_3064 = math.absf %sub3A_3060 : vector<16xf32>
    %neg3A_3065 = arith.constant 0.000000e+00 : f32
    %neg3A_3066 = vector.broadcast %neg3A_3065 : f32 to vector<16xf32>
    %neg3A_3067 = arith.subf %neg3A_3066, %abs3A_3064 : vector<16xf32>
    %exp3A_3068 = math.exp %neg3A_3067 : vector<16xf32>
    %add3A_3069 = arith.constant 2.000000e+00 : f32
    %add3A_3070 = vector.broadcast %add3A_3069 : f32 to vector<16xf32>
    %add3A_3071 = arith.addf %exp3A_3068, %add3A_3070 : vector<16xf32>
    %div3A_3072 = arith.divf %exp3A_3068, %add3A_3071 : vector<16xf32>
    %mul3A_3073 = arith.mulf %div3A_3072, %div3A_3072 : vector<16xf32>
    %mul3A_3074 = arith.constant 2.000000e+00 : f32
    %mul3A_3075 = vector.broadcast %mul3A_3074 : f32 to vector<16xf32>
    %mul3A_3076 = arith.mulf %mul3A_3075, %div3A_3072 : vector<16xf32>
    %mul3A_3077 = arith.constant 2.000000e-01 : f32
    %mul3A_3078 = vector.broadcast %mul3A_3077 : f32 to vector<16xf32>
    %mul3A_3079 = arith.mulf %mul3A_3073, %mul3A_3078 : vector<16xf32>
    %add3A_3080 = arith.constant 0.333333343 : f32
    %add3A_3081 = vector.broadcast %add3A_3080 : f32 to vector<16xf32>
    %add3A_3082 = arith.addf %add3A_3081, %mul3A_3079 : vector<16xf32>
    %mul3A_3083 = arith.mulf %mul3A_3073, %add3A_3082 : vector<16xf32>
    %add3A_3084 = arith.constant 1.000000e+00 : f32
    %add3A_3085 = vector.broadcast %add3A_3084 : f32 to vector<16xf32>
    %add3A_3086 = arith.addf %add3A_3085, %mul3A_3083 : vector<16xf32>
    %mul3A_3087 = arith.mulf %mul3A_3076, %add3A_3086 : vector<16xf32>
    %add3A_3088 = arith.addf %max3A_3063, %mul3A_3087 : vector<16xf32>
    %get3A_3089 = arith.constant 1456 : index
    %get3A_3090 = tpu.vector_load %arg5[%get3A_3089] {strides = array<i32>} : memref<1536xf32, #tpu.memory_space<vmem>>, vector<16xf32>,
    %get3A_3091 = vector.shape_cast %get3A_3090 : vector<16xf32> to vector<16xf32>
    %mul3A_3092 = arith.mulf %get3A_3091, %sub3A_3060 : vector<16xf32>
    %sub3A_3093 = arith.subf %add3A_3088, %mul3A_3092 : vector<16xf32>
    %swap3A_3094 = arith.constant 432 : index
    %swap3A_3095 = tpu.vector_load %arg8[%swap3A_3094] {strides = array<i32>} : memref<512xf32, #tpu.memory_space<vmem>>, vector<16xf32>,
    %swap3A_3096 = vector.shape_cast %swap3A_3095 : vector<16xf32> to vector<16xf32>
    %swap3A_3097 = vector.shape_cast %sub3A_3093 : vector<16xf32> to vector<16xf32>
    tpu.vector_store %arg8[%swap3A_3094], %swap3A_3097 {strides = array<i32>} : memref<512xf32, #tpu.memory_space<vmem>>, vector<16xf32>,
    %get3A_3098 = arith.constant 448 : index
    %get3A_3099 = tpu.vector_load %arg5[%get3A_3098] {strides = array<i32>} : memref<1536xf32, #tpu.memory_space<vmem>>, vector<16xf32>,
    %get3A_3100 = vector.shape_cast %get3A_3099 : vector<16xf32> to vector<16xf32>
    %eq3A_3101 = arith.constant 0.000000e+00 : f32
    %eq3A_3102 = vector.broadcast %eq3A_3101 : f32 to vector<16xf32>
    %eq3A_3103 = arith.cmpf oeq, %get3A_3100, %eq3A_3102 : vector<16xf32>
    %get3A_3104 = arith.constant 3 : i32
    %get3A_3105 = arith.index_cast %get3A_3104 : i32 to index
    %get3A_3106 = arith.constant 64 : index
    %get3A_3107 = tpu.vector_load %arg7[%get3A_3105, %get3A_3106] {strides = array<i32>} : memref<8x128xf32, #tpu.memory_space<vmem>>, vector<1x16xf32>,
    %get3A_3108 = vector.shape_cast %get3A_3107 : vector<1x16xf32> to vector<16xf32>
    %jit3A_3109 = arith.constant 0.000000e+00 : f32
    %broadcast_in_dim3A_3110 = vector.broadcast %jit3A_3109 : f32 to vector<16xf32>
    %select_n3A_3111 = arith.select %eq3A_3103, %broadcast_in_dim3A_3110, %get3A_3108 : vector<16xi1>, vector<16xf32>
    %get3A_3112 = arith.constant 960 : index
    %get3A_3113 = tpu.vector_load %arg5[%get3A_3112] {strides = array<i32>} : memref<1536xf32, #tpu.memory_space<vmem>>, vector<16xf32>,
    %get3A_3114 = vector.shape_cast %get3A_3113 : vector<16xf32> to vector<16xf32>
    %eq3A_3115 = arith.constant 0.000000e+00 : f32
    %eq3A_3116 = vector.broadcast %eq3A_3115 : f32 to vector<16xf32>
    %eq3A_3117 = arith.cmpf oeq, %get3A_3114, %eq3A_3116 : vector<16xf32>
    %get3A_3118 = arith.constant 7 : i32
    %get3A_3119 = arith.index_cast %get3A_3118 : i32 to index
    %get3A_3120 = arith.constant 64 : index
    %get3A_3121 = tpu.vector_load %arg7[%get3A_3119, %get3A_3120] {strides = array<i32>} : memref<8x128xf32, #tpu.memory_space<vmem>>, vector<1x16xf32>,
    %get3A_3122 = vector.shape_cast %get3A_3121 : vector<1x16xf32> to vector<16xf32>
    %jit3A_3123 = arith.constant 0.000000e+00 : f32
    %broadcast_in_dim3A_3124 = vector.broadcast %jit3A_3123 : f32 to vector<16xf32>
    %select_n3A_3125 = arith.select %eq3A_3117, %broadcast_in_dim3A_3124, %get3A_3122 : vector<16xi1>, vector<16xf32>
    %sub3A_3126 = arith.subf %select_n3A_3111, %select_n3A_3125 : vector<16xf32>
    %max3A_3127 = arith.constant 0.000000e+00 : f32
    %max3A_3128 = vector.broadcast %max3A_3127 : f32 to vector<16xf32>
    %max3A_3129 = arith.maximumf %sub3A_3126, %max3A_3128 : vector<16xf32>
    %abs3A_3130 = math.absf %sub3A_3126 : vector<16xf32>
    %neg3A_3131 = arith.constant 0.000000e+00 : f32
    %neg3A_3132 = vector.broadcast %neg3A_3131 : f32 to vector<16xf32>
    %neg3A_3133 = arith.subf %neg3A_3132, %abs3A_3130 : vector<16xf32>
    %exp3A_3134 = math.exp %neg3A_3133 : vector<16xf32>
    %add3A_3135 = arith.constant 2.000000e+00 : f32
    %add3A_3136 = vector.broadcast %add3A_3135 : f32 to vector<16xf32>
    %add3A_3137 = arith.addf %exp3A_3134, %add3A_3136 : vector<16xf32>
    %div3A_3138 = arith.divf %exp3A_3134, %add3A_3137 : vector<16xf32>
    %mul3A_3139 = arith.mulf %div3A_3138, %div3A_3138 : vector<16xf32>
    %mul3A_3140 = arith.constant 2.000000e+00 : f32
    %mul3A_3141 = vector.broadcast %mul3A_3140 : f32 to vector<16xf32>
    %mul3A_3142 = arith.mulf %mul3A_3141, %div3A_3138 : vector<16xf32>
    %mul3A_3143 = arith.constant 2.000000e-01 : f32
    %mul3A_3144 = vector.broadcast %mul3A_3143 : f32 to vector<16xf32>
    %mul3A_3145 = arith.mulf %mul3A_3139, %mul3A_3144 : vector<16xf32>
    %add3A_3146 = arith.constant 0.333333343 : f32
    %add3A_3147 = vector.broadcast %add3A_3146 : f32 to vector<16xf32>
    %add3A_3148 = arith.addf %add3A_3147, %mul3A_3145 : vector<16xf32>
    %mul3A_3149 = arith.mulf %mul3A_3139, %add3A_3148 : vector<16xf32>
    %add3A_3150 = arith.constant 1.000000e+00 : f32
    %add3A_3151 = vector.broadcast %add3A_3150 : f32 to vector<16xf32>
    %add3A_3152 = arith.addf %add3A_3151, %mul3A_3149 : vector<16xf32>
    %mul3A_3153 = arith.mulf %mul3A_3142, %add3A_3152 : vector<16xf32>
    %add3A_3154 = arith.addf %max3A_3129, %mul3A_3153 : vector<16xf32>
    %get3A_3155 = arith.constant 1472 : index
    %get3A_3156 = tpu.vector_load %arg5[%get3A_3155] {strides = array<i32>} : memref<1536xf32, #tpu.memory_space<vmem>>, vector<16xf32>,
    %get3A_3157 = vector.shape_cast %get3A_3156 : vector<16xf32> to vector<16xf32>
    %mul3A_3158 = arith.mulf %get3A_3157, %sub3A_3126 : vector<16xf32>
    %sub3A_3159 = arith.subf %add3A_3154, %mul3A_3158 : vector<16xf32>
    %swap3A_3160 = arith.constant 448 : index
    %swap3A_3161 = tpu.vector_load %arg8[%swap3A_3160] {strides = array<i32>} : memref<512xf32, #tpu.memory_space<vmem>>, vector<16xf32>,
    %swap3A_3162 = vector.shape_cast %swap3A_3161 : vector<16xf32> to vector<16xf32>
    %swap3A_3163 = vector.shape_cast %sub3A_3159 : vector<16xf32> to vector<16xf32>
    tpu.vector_store %arg8[%swap3A_3160], %swap3A_3163 {strides = array<i32>} : memref<512xf32, #tpu.memory_space<vmem>>, vector<16xf32>,
    %get3A_3164 = arith.constant 464 : index
    %get3A_3165 = tpu.vector_load %arg5[%get3A_3164] {strides = array<i32>} : memref<1536xf32, #tpu.memory_space<vmem>>, vector<16xf32>,
    %get3A_3166 = vector.shape_cast %get3A_3165 : vector<16xf32> to vector<16xf32>
    %eq3A_3167 = arith.constant 0.000000e+00 : f32
    %eq3A_3168 = vector.broadcast %eq3A_3167 : f32 to vector<16xf32>
    %eq3A_3169 = arith.cmpf oeq, %get3A_3166, %eq3A_3168 : vector<16xf32>
    %get3A_3170 = arith.constant 3 : i32
    %get3A_3171 = arith.index_cast %get3A_3170 : i32 to index
    %get3A_3172 = arith.constant 80 : index
    %get3A_3173 = tpu.vector_load %arg7[%get3A_3171, %get3A_3172] {strides = array<i32>} : memref<8x128xf32, #tpu.memory_space<vmem>>, vector<1x16xf32>,
    %get3A_3174 = vector.shape_cast %get3A_3173 : vector<1x16xf32> to vector<16xf32>
    %jit3A_3175 = arith.constant 0.000000e+00 : f32
    %broadcast_in_dim3A_3176 = vector.broadcast %jit3A_3175 : f32 to vector<16xf32>
    %select_n3A_3177 = arith.select %eq3A_3169, %broadcast_in_dim3A_3176, %get3A_3174 : vector<16xi1>, vector<16xf32>
    %get3A_3178 = arith.constant 976 : index
    %get3A_3179 = tpu.vector_load %arg5[%get3A_3178] {strides = array<i32>} : memref<1536xf32, #tpu.memory_space<vmem>>, vector<16xf32>,
    %get3A_3180 = vector.shape_cast %get3A_3179 : vector<16xf32> to vector<16xf32>
    %eq3A_3181 = arith.constant 0.000000e+00 : f32
    %eq3A_3182 = vector.broadcast %eq3A_3181 : f32 to vector<16xf32>
    %eq3A_3183 = arith.cmpf oeq, %get3A_3180, %eq3A_3182 : vector<16xf32>
    %get3A_3184 = arith.constant 7 : i32
    %get3A_3185 = arith.index_cast %get3A_3184 : i32 to index
    %get3A_3186 = arith.constant 80 : index
    %get3A_3187 = tpu.vector_load %arg7[%get3A_3185, %get3A_3186] {strides = array<i32>} : memref<8x128xf32, #tpu.memory_space<vmem>>, vector<1x16xf32>,
    %get3A_3188 = vector.shape_cast %get3A_3187 : vector<1x16xf32> to vector<16xf32>
    %jit3A_3189 = arith.constant 0.000000e+00 : f32
    %broadcast_in_dim3A_3190 = vector.broadcast %jit3A_3189 : f32 to vector<16xf32>
    %select_n3A_3191 = arith.select %eq3A_3183, %broadcast_in_dim3A_3190, %get3A_3188 : vector<16xi1>, vector<16xf32>
    %sub3A_3192 = arith.subf %select_n3A_3177, %select_n3A_3191 : vector<16xf32>
    %max3A_3193 = arith.constant 0.000000e+00 : f32
    %max3A_3194 = vector.broadcast %max3A_3193 : f32 to vector<16xf32>
    %max3A_3195 = arith.maximumf %sub3A_3192, %max3A_3194 : vector<16xf32>
    %abs3A_3196 = math.absf %sub3A_3192 : vector<16xf32>
    %neg3A_3197 = arith.constant 0.000000e+00 : f32
    %neg3A_3198 = vector.broadcast %neg3A_3197 : f32 to vector<16xf32>
    %neg3A_3199 = arith.subf %neg3A_3198, %abs3A_3196 : vector<16xf32>
    %exp3A_3200 = math.exp %neg3A_3199 : vector<16xf32>
    %add3A_3201 = arith.constant 2.000000e+00 : f32
    %add3A_3202 = vector.broadcast %add3A_3201 : f32 to vector<16xf32>
    %add3A_3203 = arith.addf %exp3A_3200, %add3A_3202 : vector<16xf32>
    %div3A_3204 = arith.divf %exp3A_3200, %add3A_3203 : vector<16xf32>
    %mul3A_3205 = arith.mulf %div3A_3204, %div3A_3204 : vector<16xf32>
    %mul3A_3206 = arith.constant 2.000000e+00 : f32
    %mul3A_3207 = vector.broadcast %mul3A_3206 : f32 to vector<16xf32>
    %mul3A_3208 = arith.mulf %mul3A_3207, %div3A_3204 : vector<16xf32>
    %mul3A_3209 = arith.constant 2.000000e-01 : f32
    %mul3A_3210 = vector.broadcast %mul3A_3209 : f32 to vector<16xf32>
    %mul3A_3211 = arith.mulf %mul3A_3205, %mul3A_3210 : vector<16xf32>
    %add3A_3212 = arith.constant 0.333333343 : f32
    %add3A_3213 = vector.broadcast %add3A_3212 : f32 to vector<16xf32>
    %add3A_3214 = arith.addf %add3A_3213, %mul3A_3211 : vector<16xf32>
    %mul3A_3215 = arith.mulf %mul3A_3205, %add3A_3214 : vector<16xf32>
    %add3A_3216 = arith.constant 1.000000e+00 : f32
    %add3A_3217 = vector.broadcast %add3A_3216 : f32 to vector<16xf32>
    %add3A_3218 = arith.addf %add3A_3217, %mul3A_3215 : vector<16xf32>
    %mul3A_3219 = arith.mulf %mul3A_3208, %add3A_3218 : vector<16xf32>
    %add3A_3220 = arith.addf %max3A_3195, %mul3A_3219 : vector<16xf32>
    %get3A_3221 = arith.constant 1488 : index
    %get3A_3222 = tpu.vector_load %arg5[%get3A_3221] {strides = array<i32>} : memref<1536xf32, #tpu.memory_space<vmem>>, vector<16xf32>,
    %get3A_3223 = vector.shape_cast %get3A_3222 : vector<16xf32> to vector<16xf32>
    %mul3A_3224 = arith.mulf %get3A_3223, %sub3A_3192 : vector<16xf32>
    %sub3A_3225 = arith.subf %add3A_3220, %mul3A_3224 : vector<16xf32>
    %swap3A_3226 = arith.constant 464 : index
    %swap3A_3227 = tpu.vector_load %arg8[%swap3A_3226] {strides = array<i32>} : memref<512xf32, #tpu.memory_space<vmem>>, vector<16xf32>,
    %swap3A_3228 = vector.shape_cast %swap3A_3227 : vector<16xf32> to vector<16xf32>
    %swap3A_3229 = vector.shape_cast %sub3A_3225 : vector<16xf32> to vector<16xf32>
    tpu.vector_store %arg8[%swap3A_3226], %swap3A_3229 {strides = array<i32>} : memref<512xf32, #tpu.memory_space<vmem>>, vector<16xf32>,
    %get3A_3230 = arith.constant 480 : index
    %get3A_3231 = tpu.vector_load %arg5[%get3A_3230] {strides = array<i32>} : memref<1536xf32, #tpu.memory_space<vmem>>, vector<16xf32>,
    %get3A_3232 = vector.shape_cast %get3A_3231 : vector<16xf32> to vector<16xf32>
    %eq3A_3233 = arith.constant 0.000000e+00 : f32
    %eq3A_3234 = vector.broadcast %eq3A_3233 : f32 to vector<16xf32>
    %eq3A_3235 = arith.cmpf oeq, %get3A_3232, %eq3A_3234 : vector<16xf32>
    %get3A_3236 = arith.constant 3 : i32
    %get3A_3237 = arith.index_cast %get3A_3236 : i32 to index
    %get3A_3238 = arith.constant 96 : index
    %get3A_3239 = tpu.vector_load %arg7[%get3A_3237, %get3A_3238] {strides = array<i32>} : memref<8x128xf32, #tpu.memory_space<vmem>>, vector<1x16xf32>,
    %get3A_3240 = vector.shape_cast %get3A_3239 : vector<1x16xf32> to vector<16xf32>
    %jit3A_3241 = arith.constant 0.000000e+00 : f32
    %broadcast_in_dim3A_3242 = vector.broadcast %jit3A_3241 : f32 to vector<16xf32>
    %select_n3A_3243 = arith.select %eq3A_3235, %broadcast_in_dim3A_3242, %get3A_3240 : vector<16xi1>, vector<16xf32>
    %get3A_3244 = arith.constant 992 : index
    %get3A_3245 = tpu.vector_load %arg5[%get3A_3244] {strides = array<i32>} : memref<1536xf32, #tpu.memory_space<vmem>>, vector<16xf32>,
    %get3A_3246 = vector.shape_cast %get3A_3245 : vector<16xf32> to vector<16xf32>
    %eq3A_3247 = arith.constant 0.000000e+00 : f32
    %eq3A_3248 = vector.broadcast %eq3A_3247 : f32 to vector<16xf32>
    %eq3A_3249 = arith.cmpf oeq, %get3A_3246, %eq3A_3248 : vector<16xf32>
    %get3A_3250 = arith.constant 7 : i32
    %get3A_3251 = arith.index_cast %get3A_3250 : i32 to index
    %get3A_3252 = arith.constant 96 : index
    %get3A_3253 = tpu.vector_load %arg7[%get3A_3251, %get3A_3252] {strides = array<i32>} : memref<8x128xf32, #tpu.memory_space<vmem>>, vector<1x16xf32>,
    %get3A_3254 = vector.shape_cast %get3A_3253 : vector<1x16xf32> to vector<16xf32>
    %jit3A_3255 = arith.constant 0.000000e+00 : f32
    %broadcast_in_dim3A_3256 = vector.broadcast %jit3A_3255 : f32 to vector<16xf32>
    %select_n3A_3257 = arith.select %eq3A_3249, %broadcast_in_dim3A_3256, %get3A_3254 : vector<16xi1>, vector<16xf32>
    %sub3A_3258 = arith.subf %select_n3A_3243, %select_n3A_3257 : vector<16xf32>
    %max3A_3259 = arith.constant 0.000000e+00 : f32
    %max3A_3260 = vector.broadcast %max3A_3259 : f32 to vector<16xf32>
    %max3A_3261 = arith.maximumf %sub3A_3258, %max3A_3260 : vector<16xf32>
    %abs3A_3262 = math.absf %sub3A_3258 : vector<16xf32>
    %neg3A_3263 = arith.constant 0.000000e+00 : f32
    %neg3A_3264 = vector.broadcast %neg3A_3263 : f32 to vector<16xf32>
    %neg3A_3265 = arith.subf %neg3A_3264, %abs3A_3262 : vector<16xf32>
    %exp3A_3266 = math.exp %neg3A_3265 : vector<16xf32>
    %add3A_3267 = arith.constant 2.000000e+00 : f32
    %add3A_3268 = vector.broadcast %add3A_3267 : f32 to vector<16xf32>
    %add3A_3269 = arith.addf %exp3A_3266, %add3A_3268 : vector<16xf32>
    %div3A_3270 = arith.divf %exp3A_3266, %add3A_3269 : vector<16xf32>
    %mul3A_3271 = arith.mulf %div3A_3270, %div3A_3270 : vector<16xf32>
    %mul3A_3272 = arith.constant 2.000000e+00 : f32
    %mul3A_3273 = vector.broadcast %mul3A_3272 : f32 to vector<16xf32>
    %mul3A_3274 = arith.mulf %mul3A_3273, %div3A_3270 : vector<16xf32>
    %mul3A_3275 = arith.constant 2.000000e-01 : f32
    %mul3A_3276 = vector.broadcast %mul3A_3275 : f32 to vector<16xf32>
    %mul3A_3277 = arith.mulf %mul3A_3271, %mul3A_3276 : vector<16xf32>
    %add3A_3278 = arith.constant 0.333333343 : f32
    %add3A_3279 = vector.broadcast %add3A_3278 : f32 to vector<16xf32>
    %add3A_3280 = arith.addf %add3A_3279, %mul3A_3277 : vector<16xf32>
    %mul3A_3281 = arith.mulf %mul3A_3271, %add3A_3280 : vector<16xf32>
    %add3A_3282 = arith.constant 1.000000e+00 : f32
    %add3A_3283 = vector.broadcast %add3A_3282 : f32 to vector<16xf32>
    %add3A_3284 = arith.addf %add3A_3283, %mul3A_3281 : vector<16xf32>
    %mul3A_3285 = arith.mulf %mul3A_3274, %add3A_3284 : vector<16xf32>
    %add3A_3286 = arith.addf %max3A_3261, %mul3A_3285 : vector<16xf32>
    %get3A_3287 = arith.constant 1504 : index
    %get3A_3288 = tpu.vector_load %arg5[%get3A_3287] {strides = array<i32>} : memref<1536xf32, #tpu.memory_space<vmem>>, vector<16xf32>,
    %get3A_3289 = vector.shape_cast %get3A_3288 : vector<16xf32> to vector<16xf32>
    %mul3A_3290 = arith.mulf %get3A_3289, %sub3A_3258 : vector<16xf32>
    %sub3A_3291 = arith.subf %add3A_3286, %mul3A_3290 : vector<16xf32>
    %swap3A_3292 = arith.constant 480 : index
    %swap3A_3293 = tpu.vector_load %arg8[%swap3A_3292] {strides = array<i32>} : memref<512xf32, #tpu.memory_space<vmem>>, vector<16xf32>,
    %swap3A_3294 = vector.shape_cast %swap3A_3293 : vector<16xf32> to vector<16xf32>
    %swap3A_3295 = vector.shape_cast %sub3A_3291 : vector<16xf32> to vector<16xf32>
    tpu.vector_store %arg8[%swap3A_3292], %swap3A_3295 {strides = array<i32>} : memref<512xf32, #tpu.memory_space<vmem>>, vector<16xf32>,
    %get3A_3296 = arith.constant 496 : index
    %get3A_3297 = tpu.vector_load %arg5[%get3A_3296] {strides = array<i32>} : memref<1536xf32, #tpu.memory_space<vmem>>, vector<16xf32>,
    %get3A_3298 = vector.shape_cast %get3A_3297 : vector<16xf32> to vector<16xf32>
    %eq3A_3299 = arith.constant 0.000000e+00 : f32
    %eq3A_3300 = vector.broadcast %eq3A_3299 : f32 to vector<16xf32>
    %eq3A_3301 = arith.cmpf oeq, %get3A_3298, %eq3A_3300 : vector<16xf32>
    %get3A_3302 = arith.constant 3 : i32
    %get3A_3303 = arith.index_cast %get3A_3302 : i32 to index
    %get3A_3304 = arith.constant 112 : index
    %get3A_3305 = tpu.vector_load %arg7[%get3A_3303, %get3A_3304] {strides = array<i32>} : memref<8x128xf32, #tpu.memory_space<vmem>>, vector<1x16xf32>,
    %get3A_3306 = vector.shape_cast %get3A_3305 : vector<1x16xf32> to vector<16xf32>
    %jit3A_3307 = arith.constant 0.000000e+00 : f32
    %broadcast_in_dim3A_3308 = vector.broadcast %jit3A_3307 : f32 to vector<16xf32>
    %select_n3A_3309 = arith.select %eq3A_3301, %broadcast_in_dim3A_3308, %get3A_3306 : vector<16xi1>, vector<16xf32>
    %get3A_3310 = arith.constant 1008 : index
    %get3A_3311 = tpu.vector_load %arg5[%get3A_3310] {strides = array<i32>} : memref<1536xf32, #tpu.memory_space<vmem>>, vector<16xf32>,
    %get3A_3312 = vector.shape_cast %get3A_3311 : vector<16xf32> to vector<16xf32>
    %eq3A_3313 = arith.constant 0.000000e+00 : f32
    %eq3A_3314 = vector.broadcast %eq3A_3313 : f32 to vector<16xf32>
    %eq3A_3315 = arith.cmpf oeq, %get3A_3312, %eq3A_3314 : vector<16xf32>
    %get3A_3316 = arith.constant 7 : i32
    %get3A_3317 = arith.index_cast %get3A_3316 : i32 to index
    %get3A_3318 = arith.constant 112 : index
    %get3A_3319 = tpu.vector_load %arg7[%get3A_3317, %get3A_3318] {strides = array<i32>} : memref<8x128xf32, #tpu.memory_space<vmem>>, vector<1x16xf32>,
    %get3A_3320 = vector.shape_cast %get3A_3319 : vector<1x16xf32> to vector<16xf32>
    %jit3A_3321 = arith.constant 0.000000e+00 : f32
    %broadcast_in_dim3A_3322 = vector.broadcast %jit3A_3321 : f32 to vector<16xf32>
    %select_n3A_3323 = arith.select %eq3A_3315, %broadcast_in_dim3A_3322, %get3A_3320 : vector<16xi1>, vector<16xf32>
    %sub3A_3324 = arith.subf %select_n3A_3309, %select_n3A_3323 : vector<16xf32>
    %max3A_3325 = arith.constant 0.000000e+00 : f32
    %max3A_3326 = vector.broadcast %max3A_3325 : f32 to vector<16xf32>
    %max3A_3327 = arith.maximumf %sub3A_3324, %max3A_3326 : vector<16xf32>
    %abs3A_3328 = math.absf %sub3A_3324 : vector<16xf32>
    %neg3A_3329 = arith.constant 0.000000e+00 : f32
    %neg3A_3330 = vector.broadcast %neg3A_3329 : f32 to vector<16xf32>
    %neg3A_3331 = arith.subf %neg3A_3330, %abs3A_3328 : vector<16xf32>
    %exp3A_3332 = math.exp %neg3A_3331 : vector<16xf32>
    %add3A_3333 = arith.constant 2.000000e+00 : f32
    %add3A_3334 = vector.broadcast %add3A_3333 : f32 to vector<16xf32>
    %add3A_3335 = arith.addf %exp3A_3332, %add3A_3334 : vector<16xf32>
    %div3A_3336 = arith.divf %exp3A_3332, %add3A_3335 : vector<16xf32>
    %mul3A_3337 = arith.mulf %div3A_3336, %div3A_3336 : vector<16xf32>
    %mul3A_3338 = arith.constant 2.000000e+00 : f32
    %mul3A_3339 = vector.broadcast %mul3A_3338 : f32 to vector<16xf32>
    %mul3A_3340 = arith.mulf %mul3A_3339, %div3A_3336 : vector<16xf32>
    %mul3A_3341 = arith.constant 2.000000e-01 : f32
    %mul3A_3342 = vector.broadcast %mul3A_3341 : f32 to vector<16xf32>
    %mul3A_3343 = arith.mulf %mul3A_3337, %mul3A_3342 : vector<16xf32>
    %add3A_3344 = arith.constant 0.333333343 : f32
    %add3A_3345 = vector.broadcast %add3A_3344 : f32 to vector<16xf32>
    %add3A_3346 = arith.addf %add3A_3345, %mul3A_3343 : vector<16xf32>
    %mul3A_3347 = arith.mulf %mul3A_3337, %add3A_3346 : vector<16xf32>
    %add3A_3348 = arith.constant 1.000000e+00 : f32
    %add3A_3349 = vector.broadcast %add3A_3348 : f32 to vector<16xf32>
    %add3A_3350 = arith.addf %add3A_3349, %mul3A_3347 : vector<16xf32>
    %mul3A_3351 = arith.mulf %mul3A_3340, %add3A_3350 : vector<16xf32>
    %add3A_3352 = arith.addf %max3A_3327, %mul3A_3351 : vector<16xf32>
    %get3A_3353 = arith.constant 1520 : index
    %get3A_3354 = tpu.vector_load %arg5[%get3A_3353] {strides = array<i32>} : memref<1536xf32, #tpu.memory_space<vmem>>, vector<16xf32>,
    %get3A_3355 = vector.shape_cast %get3A_3354 : vector<16xf32> to vector<16xf32>
    %mul3A_3356 = arith.mulf %get3A_3355, %sub3A_3324 : vector<16xf32>
    %sub3A_3357 = arith.subf %add3A_3352, %mul3A_3356 : vector<16xf32>
    %swap3A_3358 = arith.constant 496 : index
    %swap3A_3359 = tpu.vector_load %arg8[%swap3A_3358] {strides = array<i32>} : memref<512xf32, #tpu.memory_space<vmem>>, vector<16xf32>,
    %swap3A_3360 = vector.shape_cast %swap3A_3359 : vector<16xf32> to vector<16xf32>
    %swap3A_3361 = vector.shape_cast %sub3A_3357 : vector<16xf32> to vector<16xf32>
    tpu.vector_store %arg8[%swap3A_3358], %swap3A_3361 {strides = array<i32>} : memref<512xf32, #tpu.memory_space<vmem>>, vector<16xf32>,
    %add3A_3362 = arith.constant 384 : i32
    %add3A_3363 = arith.addi %mul3A_2, %add3A_3362 : i32
    %dma_start3A_3364 = arith.constant 384 : i32
    %dma_start3A_3365 = tpu.memref_slice %arg8[%dma_start3A_3364] : memref<512xf32, #tpu.memory_space<vmem>> -> memref<128xf32, #tpu.memory_space<vmem>>
    %dma_start3A_3366 = tpu.memref_slice %arg4[%add3A_3363] : memref<16384xf32, #tpu.memory_space<hbm>> -> memref<128xf32, #tpu.memory_space<hbm>>
    %dma_start3A_3367 = tpu.memref_slice %arg4[%add3A_3363] : memref<16384xf32, #tpu.memory_space<hbm>> -> memref<128xf32, #tpu.memory_space<hbm>>
    %dma_start3A_3368 = arith.constant 384 : i32
    %dma_start3A_3369 = tpu.memref_slice %arg8[%dma_start3A_3368] : memref<512xf32, #tpu.memory_space<vmem>> -> memref<128xf32, #tpu.memory_space<vmem>>
    tpu.enqueue_dma source(%dma_start3A_3369 : memref<128xf32, #tpu.memory_space<vmem>>) target(%dma_start3A_3367 : memref<128xf32, #tpu.memory_space<hbm>>) target_semaphore(%arg9 : memref<!tpu.dma_semaphore, #tpu.memory_space<semaphore_mem>>)
    %dma_wait3A_3370 = arith.constant 0 : i32
    %dma_wait3A_3371 = tpu.memref_slice %arg8[%dma_wait3A_3370] : memref<512xf32, #tpu.memory_space<vmem>> -> memref<128xf32, #tpu.memory_space<vmem>>
    %dma_wait3A_3372 = tpu.memref_slice %arg4[%add3A_1677] : memref<16384xf32, #tpu.memory_space<hbm>> -> memref<128xf32, #tpu.memory_space<hbm>>
    %dma_wait3A_3373 = tpu.memref_slice %arg4[%add3A_1677] : memref<16384xf32, #tpu.memory_space<hbm>> -> memref<128xf32, #tpu.memory_space<hbm>>
    %dma_wait3A_3374 = arith.constant 0 : i32
    %dma_wait3A_3375 = tpu.memref_slice %arg8[%dma_wait3A_3374] : memref<512xf32, #tpu.memory_space<vmem>> -> memref<128xf32, #tpu.memory_space<vmem>>
    tpu.wait_dma2 semaphore(%arg9 : memref<!tpu.dma_semaphore, #tpu.memory_space<semaphore_mem>>) src(%dma_wait3A_3375 : memref<128xf32, #tpu.memory_space<vmem>>) dst(%dma_wait3A_3373 : memref<128xf32, #tpu.memory_space<hbm>>)
    %dma_wait3A_3376 = arith.constant 128 : i32
    %dma_wait3A_3377 = tpu.memref_slice %arg8[%dma_wait3A_3376] : memref<512xf32, #tpu.memory_space<vmem>> -> memref<128xf32, #tpu.memory_space<vmem>>
    %dma_wait3A_3378 = tpu.memref_slice %arg4[%add3A_2239] : memref<16384xf32, #tpu.memory_space<hbm>> -> memref<128xf32, #tpu.memory_space<hbm>>
    %dma_wait3A_3379 = tpu.memref_slice %arg4[%add3A_2239] : memref<16384xf32, #tpu.memory_space<hbm>> -> memref<128xf32, #tpu.memory_space<hbm>>
    %dma_wait3A_3380 = arith.constant 128 : i32
    %dma_wait3A_3381 = tpu.memref_slice %arg8[%dma_wait3A_3380] : memref<512xf32, #tpu.memory_space<vmem>> -> memref<128xf32, #tpu.memory_space<vmem>>
    tpu.wait_dma2 semaphore(%arg9 : memref<!tpu.dma_semaphore, #tpu.memory_space<semaphore_mem>>) src(%dma_wait3A_3381 : memref<128xf32, #tpu.memory_space<vmem>>) dst(%dma_wait3A_3379 : memref<128xf32, #tpu.memory_space<hbm>>)
    %dma_wait3A_3382 = arith.constant 256 : i32
    %dma_wait3A_3383 = tpu.memref_slice %arg8[%dma_wait3A_3382] : memref<512xf32, #tpu.memory_space<vmem>> -> memref<128xf32, #tpu.memory_space<vmem>>
    %dma_wait3A_3384 = tpu.memref_slice %arg4[%add3A_2801] : memref<16384xf32, #tpu.memory_space<hbm>> -> memref<128xf32, #tpu.memory_space<hbm>>
    %dma_wait3A_3385 = tpu.memref_slice %arg4[%add3A_2801] : memref<16384xf32, #tpu.memory_space<hbm>> -> memref<128xf32, #tpu.memory_space<hbm>>
    %dma_wait3A_3386 = arith.constant 256 : i32
    %dma_wait3A_3387 = tpu.memref_slice %arg8[%dma_wait3A_3386] : memref<512xf32, #tpu.memory_space<vmem>> -> memref<128xf32, #tpu.memory_space<vmem>>
    tpu.wait_dma2 semaphore(%arg9 : memref<!tpu.dma_semaphore, #tpu.memory_space<semaphore_mem>>) src(%dma_wait3A_3387 : memref<128xf32, #tpu.memory_space<vmem>>) dst(%dma_wait3A_3385 : memref<128xf32, #tpu.memory_space<hbm>>)
    %dma_wait3A_3388 = arith.constant 384 : i32
    %dma_wait3A_3389 = tpu.memref_slice %arg8[%dma_wait3A_3388] : memref<512xf32, #tpu.memory_space<vmem>> -> memref<128xf32, #tpu.memory_space<vmem>>
    %dma_wait3A_3390 = tpu.memref_slice %arg4[%add3A_3363] : memref<16384xf32, #tpu.memory_space<hbm>> -> memref<128xf32, #tpu.memory_space<hbm>>
    %dma_wait3A_3391 = tpu.memref_slice %arg4[%add3A_3363] : memref<16384xf32, #tpu.memory_space<hbm>> -> memref<128xf32, #tpu.memory_space<hbm>>
    %dma_wait3A_3392 = arith.constant 384 : i32
    %dma_wait3A_3393 = tpu.memref_slice %arg8[%dma_wait3A_3392] : memref<512xf32, #tpu.memory_space<vmem>> -> memref<128xf32, #tpu.memory_space<vmem>>
    tpu.wait_dma2 semaphore(%arg9 : memref<!tpu.dma_semaphore, #tpu.memory_space<semaphore_mem>>) src(%dma_wait3A_3393 : memref<128xf32, #tpu.memory_space<vmem>>) dst(%dma_wait3A_3391 : memref<128xf32, #tpu.memory_space<hbm>>)
    return
  }
}

</mosaic_0001>

<sc_bundles>
// kernel: kernel.3.cloned.1.call-start
scs
__scs_entry_jumppad:
0x0: {  	(pc) =	sbr.rel $0x88, $3  }
0x1: {  	(tag) =	ssettag $0x0;
	lr =	simm.s32 $0x1  }
0x2: {  	[smem:$0x3F9E] =	sst lr;
	_ =	strace $0xD0000000  }
0x3: {  	_ = 	snop  }
0x4: {  	_ = 	snop  }
0x5: {  	_ = 	snop  }
0x6: {  	_ = 	snop  }
0x7: {  	_ = 	snop  }
__scs_overlays_trampoline_lowered:
0x8: {  	[smem:$0x3FAD] =	sst s0  }
0x9: {  	[smem:$0x3FAE] =	sst s1  }
0xa: {  	[smem:$0x3FAF] =	sst s2  }
0xb: {  	[smem:$0x3FB0] =	sst s3  }
0xc: {  	[smem:$0x3FB1] =	sst s4  }
0xd: {  	[smem:$0x3FB2] =	sst s5  }
0xe: {  	[smem:$0x3FB3] =	sst s6  }
0xf: {  	[smem:$0x3FB4] =	sst s7  }
0x10: {  	[smem:$0x3FB5] =	sst s8  }
0x11: {  	[smem:$0x3FB6] =	sst s9;
	s0 =	simm.s32 @!p0 $0x0  }
0x12: {  	s1 =	sld [smem:$0x3F9C];
	s0 =	simm.s32 @p0 $0x1  }
0x13: {  	[smem:$0x3FB7] =	sst s0;
	s0 =	simm.s32 @!p1 $0x0  }
0x14: {  	s2 =	sld [smem:$0x3F9B];
	s0 =	simm.s32 @p1 $0x1  }
0x15: {  	[smem:$0x3FB8] =	sst s0;
	s0 =	simm.s32 @!p2 $0x0  }
0x16: {  	s3 =	sld [smem:$0x3FDB];
	s0 =	simm.s32 @p2 $0x1  }
0x17: {  	s4 =	simm.s32 $0x1BF5;
	[smem:$0x3FBA] =	sst s0  }
0x18: {  	s0 =	sld [smem:$0x3F9D];
	_ =	swait.ge [sflag:s4], $0x0  }
0x19: {  	s7 =	sld [smem:$0x3F9E]  }
0x1a: {  	s8 =	sadd.s32 $0xFFFFE003, lr  }
0x1b: {  	s9 =	sadd.s32 $0xFFFFFEF7, lr;
	s5 =	simm.s32 $0xFFFFFFFF;
	p2 =	slt.u32 s8, $0xFFFFF086  }
0x1c: {  	p1 =	slt.u32 s9, $0xF7A;
	s5 =	simm.s32 @!p2 $0x0  }
0x1d: {  	s5 =	simm.s32 @p1 $0x1;
	p0 =	seq.s32 s7, s2  }
0x1e: {  	s7 =	smul.u32 @!p0 $0xF7A, s2;
	p2 =	seq.s32 @!p0 s5, $0x0  }
0x1f: {  	s9 =	smul.u32 $0xF7A, s1;
	s8 =	simm.s32 @!p0 $0x1BF5;
	p2 =	por !p2, p0  }
0x20: {  	[sflag:s8] =	ssyncset.s32 @!p0 $0xFFFFF086;
	s6 =	sadd.s32 @!p0 s3, s7;
	s7 =	simm.s32 @!p0 $0x108  }
0x21: {  	s3 =	sadd.s32 s3, s9;
	s6 =	sadd.s32 @!p0 $0x88, s6;
	s7 =	simm.s32 @p2 $0x1082  }
0x22: {  	[simem:s7], [sflag:s8] =	dma.local @!p0 [hbm:s6], $0xF7A  }
0x23: {  	s9 =	sor.u32 $0xD0000000, s2;
	s6 =	simm.s32 $0x108;
	_ =	swait.ge @!p0 [sflag:s8], $0x0  }
0x24: {  	s3 =	sadd.s32 $0x88, s3;
	s6 =	simm.s32 @!p1 $0x1082;
	[sflag:s4] =	ssyncset.s32 $0xFFFFF086  }
0x25: {  	[simem:s6], [sflag:s4] =	dma.local [hbm:s3], $0xF7A  }
0x26: {  	[smem:$0x3F9E] =	sst s1;
	(tag) =	ssettag s2;
	_ =	strace s9  }
0x27: {  	s1 =	sld [smem:$0x3FAE]  }
0x28: {  	s2 =	sld [smem:$0x3FAF]  }
0x29: {  	s4 =	sld [smem:$0x3FB1]  }
0x2a: {  	p0 =	seq.s32 s5, $0x0;
	s5 =	sld [smem:$0x3FB2]  }
0x2b: {  	s6 =	sld [smem:$0x3FB3]  }
0x2c: {  	s7 =	sld [smem:$0x3FB4]  }
0x2d: {  	s3 =	simm.s32 $0x108;
	s8 =	sld [smem:$0x3FB5]  }
0x2e: {  	s3 =	simm.s32 @!p0 $0x1082;
	s9 =	sld [smem:$0x3FB6]  }
0x2f: {  	lr =	sadd.s32 s0, s3;
	s0 =	sld [smem:$0x3FAD]  }
0x30: {  	s3 =	sld [smem:$0x3FB0]  }
0x31: {  	[smem:$0x3FB9] =	sst s10  }
0x32: {  	s10 =	sld [smem:$0x3FB7];
	_ =	sdelay $0x3  }
0x33: {  	p0 =	seq.s32 s10, $0x1;
	s10 =	sld [smem:$0x3FB9];
	_ =	sdelay $0x3  }
0x34: {  	[smem:$0x3FB9] =	sst s10  }
0x35: {  	s10 =	sld [smem:$0x3FB8];
	_ =	sdelay $0x3  }
0x36: {  	p1 =	seq.s32 s10, $0x1;
	s10 =	sld [smem:$0x3FB9];
	_ =	sdelay $0x3  }
0x37: {  	[smem:$0x3FB9] =	sst s10  }
0x38: {  	s10 =	sld [smem:$0x3FBA]  }
0x39: {  	_ = 	snop;
	(pc) =	sbr.ind lr, $3  }
0x3a: {  	_ = 	snop  }
0x3b: {  	_ = 	snop  }
0x3c: {  	p2 =	seq.s32 s10, $0x1;
	s10 =	sld [smem:$0x3FB9]  }
0x3d: {  	_ =	shalt  }
0x3e: {  	_ =	shalt  }
0x3f: {  	_ =	shalt  }
0x40: {  	_ =	shalt  }
0x41: {  	_ =	shalt  }
0x42: {  	_ =	shalt  }
0x43: {  	_ =	shalt  }
0x44: {  	_ =	shalt  }
0x45: {  	_ =	shalt  }
0x46: {  	_ =	shalt  }
0x47: {  	_ =	shalt  }
0x48: {  	_ =	shalt  }
0x49: {  	_ =	shalt  }
0x4a: {  	_ =	shalt  }
0x4b: {  	_ =	shalt  }
0x4c: {  	_ =	shalt  }
0x4d: {  	_ =	shalt  }
0x4e: {  	_ =	shalt  }
0x4f: {  	_ =	shalt  }
0x50: {  	_ =	shalt  }
0x51: {  	_ =	shalt  }
0x52: {  	_ =	shalt  }
0x53: {  	_ =	shalt  }
0x54: {  	_ =	shalt  }
0x55: {  	_ =	shalt  }
0x56: {  	_ =	shalt  }
0x57: {  	_ =	shalt  }
0x58: {  	_ =	shalt  }
0x59: {  	_ =	shalt  }
0x5a: {  	_ =	shalt  }
0x5b: {  	_ =	shalt  }
0x5c: {  	_ =	shalt  }
0x5d: {  	_ =	shalt  }
0x5e: {  	_ =	shalt  }
0x5f: {  	_ =	shalt  }
0x60: {  	_ =	shalt  }
0x61: {  	_ =	shalt  }
0x62: {  	_ =	shalt  }
0x63: {  	_ =	shalt  }
0x64: {  	_ =	shalt  }
0x65: {  	_ =	shalt  }
0x66: {  	_ =	shalt  }
0x67: {  	_ =	shalt  }
0x68: {  	_ =	shalt  }
0x69: {  	_ =	shalt  }
0x6a: {  	_ =	shalt  }
0x6b: {  	_ =	shalt  }
0x6c: {  	_ =	shalt  }
0x6d: {  	_ =	shalt  }
0x6e: {  	_ =	shalt  }
0x6f: {  	_ =	shalt  }
0x70: {  	_ =	shalt  }
0x71: {  	_ =	shalt  }
0x72: {  	_ =	shalt  }
0x73: {  	_ =	shalt  }
0x74: {  	_ =	shalt  }
0x75: {  	_ =	shalt  }
0x76: {  	_ =	shalt  }
0x77: {  	_ =	shalt  }
0x78: {  	_ =	shalt  }
0x79: {  	_ =	shalt  }
0x7a: {  	_ =	shalt  }
0x7b: {  	_ =	shalt  }
0x7c: {  	_ =	shalt  }
0x7d: {  	_ =	shalt  }
0x7e: {  	_ =	shalt  }
0x7f: {  	_ =	shalt  }
0x80: {  	_ =	shalt  }
0x81: {  	_ =	shalt  }
0x82: {  	_ =	shalt  }
0x83: {  	_ =	shalt  }
0x84: {  	_ =	shalt  }
0x85: {  	_ =	shalt  }
0x86: {  	_ =	shalt  }
0x87: {  	_ =	shalt  }
.Lfunc_end0:
.L_simem_size_0:
called_computation_lowered:
.L_overlay_start_0:
0x88: {  	s2 =	sld [smem:$0x3FD9]  }
0x89: {  	s3 =	sld [smem:$0x3FFE];
	_ =	sdelay $0x1  }
0x8a: {  	s1 =	srdreg.scid  }
0x8b: {  	s0 =	sand.u32 $0x1, s1  }
0x8c: {  	s17 =	sshll.u32 s0, $0xA;
	s2 =	sadd.s32 s3, s2  }
0x8d: {  	s2 =	sadd.s32 s2, s17  }
0x8e: {  	[smem:$0x3FC5] =	sst s2  }
0x8f: {  	_ = 	snop  }
0x90: {  	s2 =	sld [smem:$0x3FC7]  }
0x91: {  	s18 =	sld [smem:$0x3FD0];
	(tm) =	ssettm $0x1  }
0x92: {  	s4 =	sld [smem:$0x3FFB];
	_ =	sdelay $0x3  }
0x93: {  	_ =	strace s4  }
0x94: {  	s4 =	sld [smem:$0x3FFC];
	_ =	sdelay $0x3  }
0x95: {  	_ =	strace s4  }
0x96: {  	s4 =	sld [smem:$0x3FFD];
	_ =	sdelay $0x3  }
0x97: {  	_ =	strace s4  }
0x98: {  	_ =	strace $0x8FFFFFFF  }
0x99: {  	s19 =	sld [smem:$0x3FDB];
	_ =	sdelay $0x1  }
0x9a: {  	s5 =	simm.s32 $_scs_section_size  }
0x9b: {  	s6 =	simm.s32 $_size__tile_overlayer_lowered;
	s7 =	simm.s32 $_tile_overlayer_lowered  }
0x9c: {  	s22 =	simm.s32 $0x1BFF;
	s21 =	sshll.u32 s7, $0x1;
	s4 =	sadd.s32 s5, s19  }
0x9d: {  	s8 =	simm.s32 $0x0;
	s20 =	sshll.u32 s6, $0x1;
	s6 =	sadd.s32 s21, s4  }
0x9e: {  	[timem:s8], [sflag:s22] =	dma.local [hbm:s6], s20  }
0x9f: {  	_ =	swait.ge [sflag:s22], s20  }
0xa0: {  	s5 =	ssub.s32 $0x0, s20;
	[sflag:s22] =	ssyncset.done $0x0  }
0xa1: {  	[sflag:s22] =	ssyncadd.s32 s5;
	_ =	sdelay $0x1  }
0xa2: {  	s23 =	simm.s32 $0x1B8B  }
0xa3: {  	_ =	swait.ge [sflag:s23], $0x1  }
0xa4: {  	[sflag:s23] =	ssyncset.done $0x0  }
0xa5: {  	s25 =	simm.s32 $0x1B8E;
	s24 =	sld [smem:$0x3FFE];
	[sflag:s23] =	ssyncadd.s32 $0xFFFFFFFF  }
0xa6: {  	s26 =	simm.s32 $execute0_lowered;
	[smem:$0x3FD2] =	sst s25  }
0xa7: {  	s6 =	sshll.u32 s26, $0x1;
	_ =	strace $0x80000046;
	[dreg:$0x1] =	wrdreg $0xFFFFFFFF  }
0xa8: {  	s28 =	simm.s32 $_size_execute0_lowered;
	s4 =	sadd.s32 s4, s6;
	[dreg:$0x0] =	wrdreg $0x0  }
0xa9: {  	s6 =	sshll.u32 s28, $0x1;
	[dreg:$0x2] =	wrdreg s4  }
0xaa: {  	[dreg:$0x3] =	wrdreg s6  }
0xab: {  	[dreg:$0x4] =	wrdreg $0xC0  }
0xac: {  	_ =	task [dreg:s8], $0x5FFFF  }
0xad: {  	[dreg:$0x1] =	wrdreg $0xFFFFFFFF  }
0xae: {  	[dreg:$0x0] =	wrdreg $0x60  }
0xaf: {  	[dreg:$0x2] =	wrdreg s24  }
0xb0: {  	[dreg:$0x3] =	wrdreg s2  }
0xb1: {  	[dreg:$0x4] =	wrdreg s18  }
0xb2: {  	[dreg:$0x5] =	wrdreg $0x9  }
0xb3: {  	_ =	task.clear_ibuf [dreg:s8], $0x6FFFF;
	_ =	strace $0x90000046  }
0xb4: {  	s29 =	simm.s32 $0x9;
	_ =	strace $0x80000048  }
0xb5: {  	_ =	swait.ge [sflag:s29], $0x1  }
0xb6: {  	[sflag:s29] =	ssyncadd.s32 $0xFFFFFFFF  }
0xb7: {  	_ =	strace $0x90000048  }
0xb8: {  	_ =	sfence  }
0xb9: {  	s30 =	sld [smem:$0x0];
	_ =	sdelay $0x2  }
0xba: {  	s31 =	sshll.u32 s1, $0xD;
	s1 =	sshrl.u32 s1, $0x2  }
0xbb: {  	s3 =	sand.u32 $0x4000, s31;
	s1 =	sadd.s32 s1, s30  }
0xbc: {  	s0 =	sor.u32 s3, s0;
	s1 =	sshll.u32 s1, $0x11  }
0xbd: {  	s0 =	sor.u32 s1, s0  }
0xbe: {  	s0 =	sadd.s32 $0x8F2B, s0  }
0xbf: {  	[sflag:s0] =	ssyncadd.remote.s32 $0x1  }
0xc0: {  	_ =	sfence.sel $0xFFFF  }
0xc1: {  	[dreg:$0x0] =	wrdreg $0xFFFFFFFF;
	(pc) =	sbr.abs _section_cstart, $3  }
0xc2: {  	[dreg:$0x1] =	wrdreg $0xFFFFFFFF  }
0xc3: {  	_ =	task.clear_ibuf [dreg:s8], $0x2FFFF;
	_ =	strace $0x9FFFFFFF  }
0xc4: {  	(tm) =	ssettm $0x7FFFFFFF  }
0xc5: {  	_ =	shalt  }
tec
execute0_lowered:
.L_overlay_start_1:
0x0: {  	(tag) =	ssettag $0x1  }
0x1: {  	s1 =	rddreg [dreg:$0x0];
	s3 =	srdreg.scid  }
0x2: {  	s0 =	stileid.u32;
	s2 =	rddreg [dreg:$0x1]  }
0x3: {  	s4 =	rddreg [dreg:$0x2];
	s8 =	simm.s32 $0x600;
	s9 =	simm.s32 $0xA00  }
0x4: {  	s10 =	simm.s32 $0x800;
	s11 =	simm.s32 $0xC00;
	s12 =	simm.s32 $0x680  }
0x5: {  	s13 =	simm.s32 $0xA80;
	s14 =	simm.s32 $0x880;
	s15 =	simm.s32 $0xC80  }
0x6: {  	s16 =	simm.s32 $0x700;
	s17 =	simm.s32 $0xB00;
	s18 =	simm.s32 $0x900  }
0x7: {  	s19 =	simm.s32 $0xD00;
	s20 =	simm.s32 $0x780;
	s21 =	simm.s32 $0xB80  }
0x8: {  	s28 =	simm.s32 $0xE80;
	s29 =	simm.s32 $0x4;
	s30 =	simm.s32 $0xF00  }
0x9: {  	s5 =	sand.u32 $0x1, s3;
	s22 =	sshll.u32 s0, $0x1;
	s3 =	simm.s32 $0x0  }
0xa: {  	s31 =	simm.s32 $0x5;
	s6 =	sor.u32 s5, s22;
	[smem:$0x7FF] =	sst s3  }
0xb: {  	s5 =	ssub.s32 $0x2, s5;
	s22 =	simm.s32 $0x980;
	s7 =	smul.u32 $0xC0, s6  }
0xc: {  	s6 =	sshll.u32 s6, $0x6;
	_ =	strace $0x80000047;
	s25 =	sshrl.u32 s5, $0x1  }
0xd: {  	s4 =	sadd.s32 s4, s6;
	s5 =	ssub.s32 s5, s25;
	s1 =	sadd.s32 s1, s7  }
0xe: {  	s6 =	simm.s32 $0x1;
	s23 =	sadd.s32 $0x10, s4;
	[dreg:$0x4] =	wrdreg s1  }
0xf: {  	s25 =	simm.s32 $0xE00;
	s24 =	sadd.s32 $0x20, s4;
	[dreg:$0x5] =	wrdreg s23  }
0x10: {  	s26 =	sadd.s32 $0x30, s4;
	s5 =	smax.u32 s5, $0x1;
	[dreg:$0x6] =	wrdreg s24  }
0x11: {  	s7 =	simm.s32 $0x80;
	[dreg:$0x7] =	wrdreg s26;
	s23 =	simm.s32 $0xD80  }
0x12: {  	s24 =	simm.s32 $0x2;
	s26 =	simm.s32 $0x3;
	s1 =	simm.s32 $0xF80  }
.LBB2_1:
0x13: {  	s0 =	rddreg [dreg:$0x4]  }
0x14: {  	[tilespmem:s3], [sflag:$0x1] =	stream.linear.gather [hbm4b:s0+s3], $0x600, $0x38;
	[tilespmem:$0x1000] =	vst v63  }
0x15: {  	_ =	swait.ge [sflag:s6], $0x600  }
0x16: {  	[sflag:s6] =	ssyncset.done $0x0  }
0x17: {  	[sflag:s6] =	ssyncadd.s32 $0xFFFFFA00  }
0x18: {  	v0 =	vld [tilespmem:$0x0]  }
0x19: {  	v1 =	vld [tilespmem:$0x200]  }
0x1a: {  	v2 =	vld [tilespmem:$0x10]  }
0x1b: {  	v3 =	vld [tilespmem:$0x210]  }
0x1c: {  	v4 =	vld [tilespmem:$0x20]  }
0x1d: {  	v5 =	vld [tilespmem:$0x220]  }
0x1e: {  	v6 =	vld [tilespmem:$0x30]  }
0x1f: {  	v7 =	vld [tilespmem:$0x230]  }
0x20: {  	v8 =	vld [tilespmem:$0x40]  }
0x21: {  	v9 =	vld [tilespmem:$0x240]  }
0x22: {  	v10 =	vld [tilespmem:$0x50]  }
0x23: {  	v11 =	vld [tilespmem:$0x250]  }
0x24: {  	v41 =	vld [tilespmem:$0x60];
	v0 =	vadd.f32 $-1.000000000e+00, v0  }
0x25: {  	v43 =	vld [tilespmem:$0x260];
	v1 =	vadd.f32 $-1.000000000e+00, v1;
	v2 =	vadd.f32 $-1.000000000e+00, v2  }
0x26: {  	v47 =	vld [tilespmem:$0x70];
	v3 =	vadd.f32 $-1.000000000e+00, v3;
	v4 =	vadd.f32 $-1.000000000e+00, v4  }
0x27: {  	v50 =	vld [tilespmem:$0x270];
	v5 =	vadd.f32 $-1.000000000e+00, v5;
	v6 =	vadd.f32 $-1.000000000e+00, v6  }
0x28: {  	v7 =	vadd.f32 $-1.000000000e+00, v7;
	v39 =	vadd.f32 $-1.000000000e+00, v8  }
0x29: {  	v40 =	vadd.f32 $-1.000000000e+00, v9;
	v46 =	vadd.f32 $-1.000000000e+00, v10  }
0x2a: {  	v49 =	vadd.f32 $-1.000000000e+00, v11;
	v55 =	vadd.f32 $-1.000000000e+00, v41  }
0x2b: {  	v57 =	vadd.f32 $-1.000000000e+00, v43;
	v60 =	vadd.f32 $-1.000000000e+00, v47;
	v0 =	vmax.f32 v0, $0.0e+00  }
0x2c: {  	v62 =	vadd.f32 $-1.000000000e+00, v50;
	v1 =	vmax.f32 v1, $0.0e+00;
	v0 =	vtrunc.f32 v0  }
0x2d: {  	v2 =	vmax.f32 v2, $0.0e+00;
	v1 =	vtrunc.f32 v1;
	v0 =	vcvt.f32.s32 v0  }
0x2e: {  	v3 =	vmax.f32 v3, $0.0e+00;
	v2 =	vtrunc.f32 v2;
	v1 =	vcvt.f32.s32 v1  }
0x2f: {  	v4 =	vmax.f32 v4, $0.0e+00;
	v3 =	vtrunc.f32 v3;
	v2 =	vcvt.f32.s32 v2;
	[tilespmem:$0x600] =	vst v0  }
0x30: {  	v5 =	vmax.f32 v5, $0.0e+00;
	v4 =	vtrunc.f32 v4;
	v3 =	vcvt.f32.s32 v3;
	[tilespmem:$0x800] =	vst v1  }
0x31: {  	v6 =	vmax.f32 v6, $0.0e+00;
	v5 =	vtrunc.f32 v5;
	v4 =	vcvt.f32.s32 v4;
	[tilespmem:$0x610] =	vst v2  }
0x32: {  	v45 =	vmax.f32 v40, $0.0e+00;
	v6 =	vtrunc.f32 v6;
	v36 =	vcvt.f32.s32 v5;
	[tilespmem:$0x810] =	vst v3  }
0x33: {  	v61 =	vmax.f32 v57, $0.0e+00;
	v48 =	vtrunc.f32 v45;
	v42 =	vcvt.f32.s32 v6;
	[tilespmem:$0x620] =	vst v4  }
0x34: {  	v37 =	vmax.f32 v7, $0.0e+00;
	v52 =	vcvt.f32.s32 v48;
	v6 =	vtrunc.f32 v61;
	[tilespmem:$0x820] =	vst v36  }
0x35: {  	v44 =	vmax.f32 v39, $0.0e+00;
	v38 =	vtrunc.f32 v37;
	v8 =	vcvt.f32.s32 v6;
	[tilespmem:$0x630] =	vst v42  }
0x36: {  	v53 =	vmax.f32 v46, $0.0e+00;
	v1 =	vcvt.f32.s32 v38;
	v3 =	vtrunc.f32 v44;
	[tilespmem:$0x840] =	vst v52  }
0x37: {  	v54 =	vmax.f32 v49, $0.0e+00;
	v4 =	vtrunc.f32 v53;
	v51 =	vcvt.f32.s32 v3;
	[tilespmem:$0x860] =	vst v8  }
0x38: {  	v59 =	vmax.f32 v55, $0.0e+00;
	v2 =	vtrunc.f32 v54;
	v56 =	vcvt.f32.s32 v4;
	[tilespmem:$0x830] =	vst v1  }
0x39: {  	v7 =	vmax.f32 v60, $0.0e+00;
	v58 =	vcvt.f32.s32 v2;
	v2 =	vtrunc.f32 v59;
	[tilespmem:$0x640] =	vst v51  }
0x3a: {  	v9 =	vmax.f32 v62, $0.0e+00;
	v3 =	vtrunc.f32 v7;
	v63 =	vcvt.f32.s32 v2;
	[tilespmem:$0x650] =	vst v56  }
0x3b: {  	v10 =	vcvt.f32.s32 v3;
	v2 =	vtrunc.f32 v9;
	[tilespmem:$0x850] =	vst v58  }
0x3c: {  	v11 =	vcvt.f32.s32 v2;
	[tilespmem:$0x660] =	vst v63  }
0x3d: {  	[tilespmem:$0x670] =	vst v10  }
0x3e: {  	[tilespmem:$0x870] =	vst v11  }
0x3f: {  	[tilespmem:s9], [sflag:$0x2] =	stream.indirect.gather [hbm4b:s2+s7], $0x1, s8, s7, $0xb8;
	[tilespmem:$0x1000] =	vst v63  }
0x40: {  	_ = 	snop  }
0x41: {  	[tilespmem:s11], [sflag:$0x2] =	stream.indirect.gather [hbm4b:s2+s7], $0x1, s10, s7, $0xb8;
	[tilespmem:$0x1000] =	vst v63  }
0x42: {  	v12 =	vld [tilespmem:$0x80]  }
0x43: {  	v13 =	vld [tilespmem:$0x280]  }
0x44: {  	v14 =	vld [tilespmem:$0x90]  }
0x45: {  	v15 =	vld [tilespmem:$0x290]  }
0x46: {  	v16 =	vld [tilespmem:$0xA0]  }
0x47: {  	v17 =	vld [tilespmem:$0x2A0]  }
0x48: {  	v18 =	vld [tilespmem:$0xB0]  }
0x49: {  	v19 =	vld [tilespmem:$0x2B0]  }
0x4a: {  	v20 =	vld [tilespmem:$0xC0]  }
0x4b: {  	v21 =	vld [tilespmem:$0x2C0]  }
0x4c: {  	v22 =	vld [tilespmem:$0xD0]  }
0x4d: {  	v23 =	vld [tilespmem:$0x2D0]  }
0x4e: {  	v29 =	vld [tilespmem:$0xE0];
	v0 =	vadd.f32 $-1.000000000e+00, v12  }
0x4f: {  	v31 =	vld [tilespmem:$0x2E0];
	v1 =	vadd.f32 $-1.000000000e+00, v13;
	v2 =	vadd.f32 $-1.000000000e+00, v14  }
0x50: {  	v35 =	vld [tilespmem:$0xF0];
	v3 =	vadd.f32 $-1.000000000e+00, v15;
	v4 =	vadd.f32 $-1.000000000e+00, v16  }
0x51: {  	v38 =	vld [tilespmem:$0x2F0];
	v5 =	vadd.f32 $-1.000000000e+00, v17;
	v6 =	vadd.f32 $-1.000000000e+00, v18  }
0x52: {  	v7 =	vadd.f32 $-1.000000000e+00, v19;
	v27 =	vadd.f32 $-1.000000000e+00, v20  }
0x53: {  	v28 =	vadd.f32 $-1.000000000e+00, v21;
	v34 =	vadd.f32 $-1.000000000e+00, v22  }
0x54: {  	v37 =	vadd.f32 $-1.000000000e+00, v23;
	v43 =	vadd.f32 $-1.000000000e+00, v29  }
0x55: {  	v45 =	vadd.f32 $-1.000000000e+00, v31;
	v48 =	vadd.f32 $-1.000000000e+00, v35;
	v0 =	vmax.f32 v0, $0.0e+00  }
0x56: {  	v50 =	vadd.f32 $-1.000000000e+00, v38;
	v1 =	vmax.f32 v1, $0.0e+00;
	v0 =	vtrunc.f32 v0  }
0x57: {  	v2 =	vmax.f32 v2, $0.0e+00;
	v1 =	vtrunc.f32 v1;
	v0 =	vcvt.f32.s32 v0  }
0x58: {  	v3 =	vmax.f32 v3, $0.0e+00;
	v2 =	vtrunc.f32 v2;
	v1 =	vcvt.f32.s32 v1  }
0x59: {  	v4 =	vmax.f32 v4, $0.0e+00;
	v3 =	vtrunc.f32 v3;
	v2 =	vcvt.f32.s32 v2;
	[tilespmem:$0x680] =	vst v0  }
0x5a: {  	v5 =	vmax.f32 v5, $0.0e+00;
	v4 =	vtrunc.f32 v4;
	v3 =	vcvt.f32.s32 v3;
	[tilespmem:$0x880] =	vst v1  }
0x5b: {  	v6 =	vmax.f32 v6, $0.0e+00;
	v5 =	vtrunc.f32 v5;
	v4 =	vcvt.f32.s32 v4;
	[tilespmem:$0x690] =	vst v2  }
0x5c: {  	v33 =	vmax.f32 v28, $0.0e+00;
	v6 =	vtrunc.f32 v6;
	v24 =	vcvt.f32.s32 v5;
	[tilespmem:$0x890] =	vst v3  }
0x5d: {  	v49 =	vmax.f32 v45, $0.0e+00;
	v36 =	vtrunc.f32 v33;
	v30 =	vcvt.f32.s32 v6;
	[tilespmem:$0x6A0] =	vst v4  }
0x5e: {  	v25 =	vmax.f32 v7, $0.0e+00;
	v52 =	vtrunc.f32 v49;
	v40 =	vcvt.f32.s32 v36;
	[tilespmem:$0x8A0] =	vst v24  }
0x5f: {  	v32 =	vmax.f32 v27, $0.0e+00;
	v26 =	vtrunc.f32 v25;
	v54 =	vcvt.f32.s32 v52;
	[tilespmem:$0x6B0] =	vst v30  }
0x60: {  	v41 =	vmax.f32 v34, $0.0e+00;
	v1 =	vcvt.f32.s32 v26;
	v3 =	vtrunc.f32 v32;
	[tilespmem:$0x8C0] =	vst v40  }
0x61: {  	v42 =	vmax.f32 v37, $0.0e+00;
	v4 =	vtrunc.f32 v41;
	[tilespmem:$0x8E0] =	vst v54;
	v39 =	vcvt.f32.s32 v3  }
0x62: {  	v47 =	vmax.f32 v43, $0.0e+00;
	v2 =	vtrunc.f32 v42;
	v44 =	vcvt.f32.s32 v4;
	[tilespmem:$0x8B0] =	vst v1  }
0x63: {  	v53 =	vmax.f32 v48, $0.0e+00;
	v46 =	vcvt.f32.s32 v2;
	v2 =	vtrunc.f32 v47;
	[tilespmem:$0x6C0] =	vst v39  }
0x64: {  	v55 =	vmax.f32 v50, $0.0e+00;
	v3 =	vtrunc.f32 v53;
	v51 =	vcvt.f32.s32 v2;
	[tilespmem:$0x6D0] =	vst v44  }
0x65: {  	v56 =	vcvt.f32.s32 v3;
	v2 =	vtrunc.f32 v55;
	[tilespmem:$0x8D0] =	vst v46  }
0x66: {  	v57 =	vcvt.f32.s32 v2;
	[tilespmem:$0x6E0] =	vst v51  }
0x67: {  	[tilespmem:$0x6F0] =	vst v56  }
0x68: {  	[tilespmem:$0x8F0] =	vst v57  }
0x69: {  	[tilespmem:s13], [sflag:$0x3] =	stream.indirect.gather [hbm4b:s2+s7], $0x1, s12, s7, $0xb8;
	[tilespmem:$0x1000] =	vst v63  }
0x6a: {  	_ = 	snop  }
0x6b: {  	[tilespmem:s15], [sflag:$0x3] =	stream.indirect.gather [hbm4b:s2+s7], $0x1, s14, s7, $0xb8;
	[tilespmem:$0x1000] =	vst v63  }
0x6c: {  	v58 =	vld [tilespmem:$0x100]  }
0x6d: {  	v59 =	vld [tilespmem:$0x300]  }
0x6e: {  	v60 =	vld [tilespmem:$0x110]  }
0x6f: {  	v61 =	vld [tilespmem:$0x310]  }
0x70: {  	v62 =	vld [tilespmem:$0x120]  }
0x71: {  	v63 =	vld [tilespmem:$0x320]  }
0x72: {  	v12 =	vld [tilespmem:$0x130]  }
0x73: {  	v13 =	vld [tilespmem:$0x330]  }
0x74: {  	v14 =	vld [tilespmem:$0x140]  }
0x75: {  	v15 =	vld [tilespmem:$0x340]  }
0x76: {  	v16 =	vld [tilespmem:$0x150]  }
0x77: {  	v17 =	vld [tilespmem:$0x350]  }
0x78: {  	v23 =	vld [tilespmem:$0x160];
	v0 =	vadd.f32 $-1.000000000e+00, v58  }
0x79: {  	v25 =	vld [tilespmem:$0x360];
	v1 =	vadd.f32 $-1.000000000e+00, v59;
	v2 =	vadd.f32 $-1.000000000e+00, v60  }
0x7a: {  	v29 =	vld [tilespmem:$0x170];
	v3 =	vadd.f32 $-1.000000000e+00, v61;
	v4 =	vadd.f32 $-1.000000000e+00, v62  }
0x7b: {  	v32 =	vld [tilespmem:$0x370];
	v5 =	vadd.f32 $-1.000000000e+00, v63;
	v6 =	vadd.f32 $-1.000000000e+00, v12  }
0x7c: {  	v7 =	vadd.f32 $-1.000000000e+00, v13;
	v21 =	vadd.f32 $-1.000000000e+00, v14  }
0x7d: {  	v22 =	vadd.f32 $-1.000000000e+00, v15;
	v28 =	vadd.f32 $-1.000000000e+00, v16  }
0x7e: {  	v31 =	vadd.f32 $-1.000000000e+00, v17;
	v37 =	vadd.f32 $-1.000000000e+00, v23  }
0x7f: {  	v39 =	vadd.f32 $-1.000000000e+00, v25;
	v42 =	vadd.f32 $-1.000000000e+00, v29;
	v0 =	vmax.f32 v0, $0.0e+00  }
0x80: {  	v44 =	vadd.f32 $-1.000000000e+00, v32;
	v1 =	vmax.f32 v1, $0.0e+00;
	v0 =	vtrunc.f32 v0  }
0x81: {  	v2 =	vmax.f32 v2, $0.0e+00;
	v1 =	vtrunc.f32 v1;
	v0 =	vcvt.f32.s32 v0  }
0x82: {  	v3 =	vmax.f32 v3, $0.0e+00;
	v2 =	vtrunc.f32 v2;
	v1 =	vcvt.f32.s32 v1  }
0x83: {  	v4 =	vmax.f32 v4, $0.0e+00;
	v3 =	vtrunc.f32 v3;
	v2 =	vcvt.f32.s32 v2;
	[tilespmem:$0x700] =	vst v0  }
0x84: {  	v5 =	vmax.f32 v5, $0.0e+00;
	v4 =	vtrunc.f32 v4;
	v3 =	vcvt.f32.s32 v3;
	[tilespmem:$0x900] =	vst v1  }
0x85: {  	v6 =	vmax.f32 v6, $0.0e+00;
	v5 =	vtrunc.f32 v5;
	v4 =	vcvt.f32.s32 v4;
	[tilespmem:$0x710] =	vst v2  }
0x86: {  	v27 =	vmax.f32 v22, $0.0e+00;
	v6 =	vtrunc.f32 v6;
	v18 =	vcvt.f32.s32 v5;
	[tilespmem:$0x910] =	vst v3  }
0x87: {  	v43 =	vmax.f32 v39, $0.0e+00;
	v30 =	vtrunc.f32 v27;
	v24 =	vcvt.f32.s32 v6;
	[tilespmem:$0x720] =	vst v4  }
0x88: {  	v19 =	vmax.f32 v7, $0.0e+00;
	v46 =	vtrunc.f32 v43;
	v34 =	vcvt.f32.s32 v30;
	[tilespmem:$0x920] =	vst v18  }
0x89: {  	v26 =	vmax.f32 v21, $0.0e+00;
	v20 =	vtrunc.f32 v19;
	v48 =	vcvt.f32.s32 v46;
	[tilespmem:$0x730] =	vst v24  }
0x8a: {  	v35 =	vmax.f32 v28, $0.0e+00;
	v1 =	vcvt.f32.s32 v20;
	v3 =	vtrunc.f32 v26;
	[tilespmem:$0x940] =	vst v34  }
0x8b: {  	v36 =	vmax.f32 v31, $0.0e+00;
	v4 =	vtrunc.f32 v35;
	[tilespmem:$0x960] =	vst v48;
	v33 =	vcvt.f32.s32 v3  }
0x8c: {  	v41 =	vmax.f32 v37, $0.0e+00;
	v2 =	vtrunc.f32 v36;
	v38 =	vcvt.f32.s32 v4;
	[tilespmem:$0x930] =	vst v1  }
0x8d: {  	v47 =	vmax.f32 v42, $0.0e+00;
	v40 =	vcvt.f32.s32 v2;
	v2 =	vtrunc.f32 v41;
	[tilespmem:$0x740] =	vst v33  }
0x8e: {  	v49 =	vmax.f32 v44, $0.0e+00;
	v3 =	vtrunc.f32 v47;
	v45 =	vcvt.f32.s32 v2;
	[tilespmem:$0x750] =	vst v38  }
0x8f: {  	v50 =	vcvt.f32.s32 v3;
	v2 =	vtrunc.f32 v49;
	[tilespmem:$0x950] =	vst v40  }
0x90: {  	v51 =	vcvt.f32.s32 v2;
	[tilespmem:$0x760] =	vst v45  }
0x91: {  	[tilespmem:$0x770] =	vst v50  }
0x92: {  	[tilespmem:$0x970] =	vst v51  }
0x93: {  	[tilespmem:s17], [sflag:$0x4] =	stream.indirect.gather [hbm4b:s2+s7], $0x1, s16, s7, $0xb8;
	[tilespmem:$0x1000] =	vst v63  }
0x94: {  	_ = 	snop  }
0x95: {  	[tilespmem:s19], [sflag:$0x4] =	stream.indirect.gather [hbm4b:s2+s7], $0x1, s18, s7, $0xb8;
	[tilespmem:$0x1000] =	vst v63  }
0x96: {  	v52 =	vld [tilespmem:$0x180]  }
0x97: {  	v53 =	vld [tilespmem:$0x380]  }
0x98: {  	v54 =	vld [tilespmem:$0x190]  }
0x99: {  	v55 =	vld [tilespmem:$0x390]  }
0x9a: {  	v56 =	vld [tilespmem:$0x1A0]  }
0x9b: {  	v57 =	vld [tilespmem:$0x3A0]  }
0x9c: {  	v58 =	vld [tilespmem:$0x1B0]  }
0x9d: {  	v59 =	vld [tilespmem:$0x3B0]  }
0x9e: {  	v60 =	vld [tilespmem:$0x1C0]  }
0x9f: {  	v61 =	vld [tilespmem:$0x3C0]  }
0xa0: {  	v62 =	vld [tilespmem:$0x1D0]  }
0xa1: {  	v63 =	vld [tilespmem:$0x3D0]  }
0xa2: {  	v17 =	vld [tilespmem:$0x1E0];
	v0 =	vadd.f32 $-1.000000000e+00, v52  }
0xa3: {  	v19 =	vld [tilespmem:$0x3E0];
	v1 =	vadd.f32 $-1.000000000e+00, v53;
	v2 =	vadd.f32 $-1.000000000e+00, v54  }
0xa4: {  	v23 =	vld [tilespmem:$0x1F0];
	v3 =	vadd.f32 $-1.000000000e+00, v55;
	v4 =	vadd.f32 $-1.000000000e+00, v56  }
0xa5: {  	v26 =	vld [tilespmem:$0x3F0];
	v5 =	vadd.f32 $-1.000000000e+00, v57;
	v6 =	vadd.f32 $-1.000000000e+00, v58  }
0xa6: {  	v7 =	vadd.f32 $-1.000000000e+00, v59;
	v15 =	vadd.f32 $-1.000000000e+00, v60  }
0xa7: {  	v16 =	vadd.f32 $-1.000000000e+00, v61;
	v22 =	vadd.f32 $-1.000000000e+00, v62  }
0xa8: {  	v25 =	vadd.f32 $-1.000000000e+00, v63;
	v31 =	vadd.f32 $-1.000000000e+00, v17  }
0xa9: {  	v33 =	vadd.f32 $-1.000000000e+00, v19;
	v36 =	vadd.f32 $-1.000000000e+00, v23;
	v0 =	vmax.f32 v0, $0.0e+00  }
0xaa: {  	v38 =	vadd.f32 $-1.000000000e+00, v26;
	v1 =	vmax.f32 v1, $0.0e+00;
	v0 =	vtrunc.f32 v0  }
0xab: {  	v2 =	vmax.f32 v2, $0.0e+00;
	v1 =	vtrunc.f32 v1;
	v0 =	vcvt.f32.s32 v0  }
0xac: {  	v3 =	vmax.f32 v3, $0.0e+00;
	v2 =	vtrunc.f32 v2;
	v1 =	vcvt.f32.s32 v1  }
0xad: {  	v4 =	vmax.f32 v4, $0.0e+00;
	v3 =	vtrunc.f32 v3;
	v2 =	vcvt.f32.s32 v2;
	[tilespmem:$0x780] =	vst v0  }
0xae: {  	v5 =	vmax.f32 v5, $0.0e+00;
	v4 =	vtrunc.f32 v4;
	v3 =	vcvt.f32.s32 v3;
	[tilespmem:$0x980] =	vst v1  }
0xaf: {  	v6 =	vmax.f32 v6, $0.0e+00;
	v5 =	vtrunc.f32 v5;
	v4 =	vcvt.f32.s32 v4;
	[tilespmem:$0x790] =	vst v2  }
0xb0: {  	v21 =	vmax.f32 v16, $0.0e+00;
	v6 =	vtrunc.f32 v6;
	v12 =	vcvt.f32.s32 v5;
	[tilespmem:$0x990] =	vst v3  }
0xb1: {  	v37 =	vmax.f32 v33, $0.0e+00;
	v24 =	vtrunc.f32 v21;
	v18 =	vcvt.f32.s32 v6;
	[tilespmem:$0x7A0] =	vst v4  }
0xb2: {  	v13 =	vmax.f32 v7, $0.0e+00;
	v40 =	vtrunc.f32 v37;
	v28 =	vcvt.f32.s32 v24;
	[tilespmem:$0x9A0] =	vst v12  }
0xb3: {  	v20 =	vmax.f32 v15, $0.0e+00;
	v14 =	vtrunc.f32 v13;
	v42 =	vcvt.f32.s32 v40;
	[tilespmem:$0x7B0] =	vst v18  }
0xb4: {  	v29 =	vmax.f32 v22, $0.0e+00;
	v1 =	vcvt.f32.s32 v14;
	v3 =	vtrunc.f32 v20;
	[tilespmem:$0x9C0] =	vst v28  }
0xb5: {  	v30 =	vmax.f32 v25, $0.0e+00;
	v4 =	vtrunc.f32 v29;
	[tilespmem:$0x9E0] =	vst v42;
	v27 =	vcvt.f32.s32 v3  }
0xb6: {  	v35 =	vmax.f32 v31, $0.0e+00;
	v2 =	vtrunc.f32 v30;
	v32 =	vcvt.f32.s32 v4;
	[tilespmem:$0x9B0] =	vst v1  }
0xb7: {  	v41 =	vmax.f32 v36, $0.0e+00;
	v34 =	vcvt.f32.s32 v2;
	v2 =	vtrunc.f32 v35;
	[tilespmem:$0x7C0] =	vst v27  }
0xb8: {  	v43 =	vmax.f32 v38, $0.0e+00;
	v3 =	vtrunc.f32 v41;
	v39 =	vcvt.f32.s32 v2;
	[tilespmem:$0x7D0] =	vst v32  }
0xb9: {  	v44 =	vcvt.f32.s32 v3;
	v2 =	vtrunc.f32 v43;
	[tilespmem:$0x9D0] =	vst v34  }
0xba: {  	v45 =	vcvt.f32.s32 v2;
	[tilespmem:$0x7E0] =	vst v39  }
0xbb: {  	[tilespmem:$0x7F0] =	vst v44  }
0xbc: {  	[tilespmem:$0x9F0] =	vst v45  }
0xbd: {  	[tilespmem:s21], [sflag:$0x5] =	stream.indirect.gather [hbm4b:s2+s7], $0x1, s20, s7, $0xb8;
	[tilespmem:$0x1000] =	vst v63  }
0xbe: {  	_ = 	snop  }
0xbf: {  	[tilespmem:s23], [sflag:$0x5] =	stream.indirect.gather [hbm4b:s2+s7], $0x1, s22, s7, $0xb8;
	[tilespmem:$0x1000] =	vst v63  }
0xc0: {  	_ =	swait.ge [sflag:s24], $0x80  }
0xc1: {  	[sflag:s24] =	ssyncset.done $0x0  }
0xc2: {  	[sflag:s24] =	ssyncadd.s32 $0xFFFFFF80  }
0xc3: {  	_ =	swait.ge [sflag:s24], $0x80  }
0xc4: {  	[sflag:s24] =	ssyncset.done $0x0  }
0xc5: {  	[sflag:s24] =	ssyncadd.s32 $0xFFFFFF80  }
0xc6: {  	v46 =	vld [tilespmem:$0x0]  }
0xc7: {  	v47 =	vld [tilespmem:$0xA00]  }
0xc8: {  	v48 =	vld [tilespmem:$0x200]  }
0xc9: {  	v49 =	vld [tilespmem:$0xC00];
	_ =	sdelay $0x3  }
0xca: {  	vm0 =	veq.f32 v46, $0.0e+00;
	vm1 =	veq.f32 v48, $0.0e+00  }
0xcb: {  	v0 =	vsel vm0, $0x0, v47;
	v50 =	vsel vm1, $0x0, v49  }
0xcc: {  	v0 =	vsub.f32 v0, v50;
	_ =	sdelay $0x1  }
0xcd: {  	v1 =	vand.u32 $0x7FFFFFFF, v0  }
0xce: {  	v1 =	vsub.f32 $0.0e+00, v1  }
0xcf: {  	v51 =	vld [tilespmem:$0x10]  }
0xd0: {  	v52 =	vld [tilespmem:$0xA10];
	v1 =	vmul.f32 $1.442695020e+00, v1  }
0xd1: {  	v53 =	vld [tilespmem:$0x210]  }
0xd2: {  	v54 =	vld [tilespmem:$0xC10];
	(erf) = vpow2.f32 v1;
	_ =	sdelay $0x3  }
0xd3: {  	vm14 =	veq.f32 v51, $0.0e+00;
	vm15 =	veq.f32 v53, $0.0e+00  }
0xd4: {  	v2 =	vsel vm14, $0x0, v52;
	v1 =	vsel vm15, $0x0, v54  }
0xd5: {  	v1 =	vsub.f32 v2, v1;
	_ =	sdelay $0x1  }
0xd6: {  	v2 =	vand.u32 $0x7FFFFFFF, v1  }
0xd7: {  	v2 =	vsub.f32 $0.0e+00, v2;
	v55 =	vpop (erf)  }
0xd8: {  	v57 =	vld [tilespmem:$0x20];
	v56 =	vadd.f32 $2.000000000e+00, v55  }
0xd9: {  	v58 =	vld [tilespmem:$0xA20];
	v2 =	vmul.f32 $1.442695020e+00, v2  }
0xda: {  	v59 =	vld [tilespmem:$0x220];
	(erf) = vrcp.f32 v56  }
0xdb: {  	v60 =	vld [tilespmem:$0xC20];
	(erf) = vpow2.f32 v2;
	_ =	sdelay $0x3  }
0xdc: {  	vm4 =	veq.f32 v57, $0.0e+00;
	vm5 =	veq.f32 v59, $0.0e+00  }
0xdd: {  	v61 =	vsel vm4, $0x0, v58;
	v2 =	vsel vm5, $0x0, v60  }
0xde: {  	v5 =	vsub.f32 v61, v2;
	_ =	sdelay $0x1  }
0xdf: {  	v2 =	vand.u32 $0x7FFFFFFF, v5;
	v62 =	vpop (erf)  }
0xe0: {  	v2 =	vsub.f32 $0.0e+00, v2;
	v63 =	vpop (erf)  }
0xe1: {  	v19 =	vld [tilespmem:$0x30];
	v18 =	vadd.f32 $2.000000000e+00, v63  }
0xe2: {  	v20 =	vld [tilespmem:$0xA30];
	v2 =	vmul.f32 $1.442695020e+00, v2  }
0xe3: {  	v21 =	vld [tilespmem:$0x230];
	(erf) = vrcp.f32 v18  }
0xe4: {  	v22 =	vld [tilespmem:$0xC30];
	(erf) = vpow2.f32 v2;
	_ =	sdelay $0x3  }
0xe5: {  	vm6 =	veq.f32 v19, $0.0e+00;
	vm7 =	veq.f32 v21, $0.0e+00  }
0xe6: {  	v23 =	vsel vm6, $0x0, v20;
	v2 =	vsel vm7, $0x0, v22  }
0xe7: {  	v3 =	vsub.f32 v23, v2;
	_ =	sdelay $0x1  }
0xe8: {  	v2 =	vand.u32 $0x7FFFFFFF, v3;
	v24 =	vpop (erf)  }
0xe9: {  	v2 =	vsub.f32 $0.0e+00, v2;
	v25 =	vpop (erf)  }
0xea: {  	v27 =	vld [tilespmem:$0x40];
	v26 =	vadd.f32 $2.000000000e+00, v25  }
0xeb: {  	v12 =	vld [tilespmem:$0xA40];
	v2 =	vmul.f32 $1.442695020e+00, v2  }
0xec: {  	v28 =	vld [tilespmem:$0x240];
	(erf) = vrcp.f32 v26  }
0xed: {  	v29 =	vld [tilespmem:$0xC40];
	(erf) = vpow2.f32 v2;
	_ =	sdelay $0x3  }
0xee: {  	vm8 =	veq.f32 v27, $0.0e+00;
	vm9 =	veq.f32 v28, $0.0e+00  }
0xef: {  	v30 =	vsel vm8, $0x0, v12;
	v2 =	vsel vm9, $0x0, v29  }
0xf0: {  	v2 =	vsub.f32 v30, v2;
	_ =	sdelay $0x1  }
0xf1: {  	v4 =	vand.u32 $0x7FFFFFFF, v2;
	v31 =	vpop (erf)  }
0xf2: {  	v4 =	vsub.f32 $0.0e+00, v4;
	v13 =	vpop (erf)  }
0xf3: {  	v14 =	vld [tilespmem:$0x50];
	v32 =	vadd.f32 $2.000000000e+00, v13  }
0xf4: {  	v15 =	vld [tilespmem:$0xA50];
	v4 =	vmul.f32 $1.442695020e+00, v4  }
0xf5: {  	v33 =	vld [tilespmem:$0x250];
	(erf) = vrcp.f32 v32  }
0xf6: {  	v34 =	vld [tilespmem:$0xC50];
	(erf) = vpow2.f32 v4;
	_ =	sdelay $0x3  }
0xf7: {  	vm10 =	veq.f32 v14, $0.0e+00;
	vm11 =	veq.f32 v33, $0.0e+00  }
0xf8: {  	v35 =	vsel vm10, $0x0, v15;
	v4 =	vsel vm11, $0x0, v34  }
0xf9: {  	v4 =	vsub.f32 v35, v4;
	_ =	sdelay $0x1  }
0xfa: {  	v6 =	vand.u32 $0x7FFFFFFF, v4;
	v36 =	vpop (erf)  }
0xfb: {  	v6 =	vsub.f32 $0.0e+00, v6;
	v37 =	vpop (erf)  }
0xfc: {  	v17 =	vld [tilespmem:$0x60];
	v16 =	vadd.f32 $2.000000000e+00, v37  }
0xfd: {  	v38 =	vld [tilespmem:$0x260];
	v6 =	vmul.f32 $1.442695020e+00, v6  }
0xfe: {  	v39 =	vld [tilespmem:$0xC60];
	(erf) = vrcp.f32 v16  }
0xff: {  	v18 =	vld [tilespmem:$0xA60];
	(erf) = vpow2.f32 v6;
	_ =	sdelay $0x3  }
0x100: {  	vm12 =	veq.f32 v17, $0.0e+00;
	vm13 =	veq.f32 v38, $0.0e+00  }
0x101: {  	v40 =	vsel vm12, $0x0, v18;
	v6 =	vsel vm13, $0x0, v39  }
0x102: {  	v6 =	vsub.f32 v40, v6;
	_ =	sdelay $0x1  }
0x103: {  	v42 =	vand.u32 $0x7FFFFFFF, v6;
	v41 =	vpop (erf)  }
0x104: {  	v17 =	vsub.f32 $0.0e+00, v42;
	v43 =	vpop (erf)  }
0x105: {  	v44 =	vld [tilespmem:$0x270];
	v19 =	vadd.f32 $2.000000000e+00, v43  }
0x106: {  	v45 =	vld [tilespmem:$0xC70];
	v17 =	vmul.f32 $1.442695020e+00, v17  }
0x107: {  	v20 =	vld [tilespmem:$0x70];
	(erf) = vrcp.f32 v19  }
0x108: {  	v21 =	vld [tilespmem:$0xA70];
	(erf) = vpow2.f32 v17;
	_ =	sdelay $0x3  }
0x109: {  	vm14 =	veq.f32 v20, $0.0e+00;
	vm15 =	veq.f32 v44, $0.0e+00  }
0x10a: {  	v46 =	vsel vm14, $0x0, v21;
	v17 =	vsel vm15, $0x0, v45  }
0x10b: {  	v17 =	vsub.f32 v46, v17;
	_ =	sdelay $0x1  }
0x10c: {  	v48 =	vand.u32 $0x7FFFFFFF, v17;
	v47 =	vpop (erf)  }
0x10d: {  	v20 =	vsub.f32 $0.0e+00, v48;
	v49 =	vpop (erf)  }
0x10e: {  	v22 =	vadd.f32 $2.000000000e+00, v49  }
0x10f: {  	v50 =	vmul.f32 $1.442695020e+00, v20  }
0x110: {  	(erf) = vrcp.f32 v22  }
0x111: {  	(erf) = vpow2.f32 v50;
	_ =	sdelay $0x1  }
0x112: {  	v56 =	vld [tilespmem:$0x400];
	_ =	sdelay $0x1  }
0x113: {  	v7 =	vmul.f32 v62, v55;
	v62 =	vld [tilespmem:$0x420]  }
0x114: {  	v59 =	vmax.f32 v0, $0.0e+00;
	v9 =	vmul.f32 v24, v63  }
0x115: {  	v61 =	vmax.f32 v1, $0.0e+00;
	v51 =	vmul.f32 v7, v7;
	v11 =	vmul.f32 v31, v25;
	v25 =	vld [tilespmem:$0x410]  }
0x116: {  	v0 =	vmul.f32 v0, v56;
	v7 =	vadd.f32 v7, v7;
	v52 =	vmul.f32 v9, v9  }
0x117: {  	v53 =	vmul.f32 $2.000000030e-01, v51;
	v38 =	vmax.f32 v3, $0.0e+00;
	v31 =	vld [tilespmem:$0x430];
	v12 =	vmul.f32 v11, v11;
	v55 =	vpop (erf)  }
0x118: {  	v26 =	vmax.f32 v5, $0.0e+00;
	v5 =	vmul.f32 v5, v62;
	v54 =	vmul.f32 $2.000000030e-01, v52;
	v24 =	vpop (erf)  }
0x119: {  	v23 =	vmul.f32 $2.000000030e-01, v12;
	v20 =	vadd.f32 $3.333333430e-01, v53;
	v57 =	vadd.f32 $2.000000000e+00, v24  }
0x11a: {  	v9 =	vadd.f32 v9, v9;
	v1 =	vmul.f32 v1, v25;
	v13 =	vmul.f32 v36, v13  }
0x11b: {  	v11 =	vadd.f32 v11, v11;
	v42 =	vld [tilespmem:$0x440];
	v10 =	vmul.f32 v20, v51;
	(erf) = vrcp.f32 v57  }
0x11c: {  	v3 =	vmul.f32 v3, v31;
	v60 =	vmul.f32 v13, v13;
	v22 =	vadd.f32 $3.333333430e-01, v54  }
0x11d: {  	v58 =	vadd.f32 $3.333333430e-01, v23;
	v29 =	vmul.f32 v47, v43;
	v10 =	vadd.f32 $1.000000000e+00, v10  }
0x11e: {  	v30 =	vadd.f32 v13, v13;
	v63 =	vmul.f32 $2.000000030e-01, v60;
	v8 =	vmul.f32 v22, v52  }
0x11f: {  	v53 =	vmax.f32 v4, $0.0e+00;
	v33 =	vmul.f32 v29, v29;
	v7 =	vmul.f32 v10, v7  }
0x120: {  	v47 =	vmax.f32 v2, $0.0e+00;
	v2 =	vmul.f32 v2, v42;
	v8 =	vadd.f32 $1.000000000e+00, v8  }
0x121: {  	v39 =	vmul.f32 $2.000000030e-01, v33;
	v7 =	vadd.f32 v7, v59;
	v22 =	vmul.f32 v41, v37  }
0x122: {  	v8 =	vmul.f32 v8, v9;
	v9 =	vmul.f32 v58, v12;
	v12 =	vadd.f32 $3.333333430e-01, v63  }
0x123: {  	v43 =	vadd.f32 $3.333333430e-01, v39;
	v0 =	vsub.f32 v7, v0;
	v28 =	vmul.f32 v22, v22  }
0x124: {  	v9 =	vadd.f32 $1.000000000e+00, v9;
	v27 =	vmul.f32 v12, v60;
	v34 =	vmul.f32 v55, v49;
	v35 =	vpop (erf)  }
0x125: {  	v14 =	vadd.f32 v22, v22;
	v32 =	vmul.f32 $2.000000030e-01, v28;
	v37 =	vmul.f32 v35, v24  }
0x126: {  	v25 =	vmul.f32 v9, v11;
	v9 =	vadd.f32 $1.000000000e+00, v27;
	v40 =	vmul.f32 v34, v34  }
0x127: {  	v58 =	vmax.f32 v6, $0.0e+00;
	v8 =	vadd.f32 v8, v61;
	v41 =	vmul.f32 v37, v37  }
0x128: {  	v36 =	vadd.f32 $3.333333430e-01, v32;
	v9 =	vmul.f32 v9, v30;
	v44 =	vmul.f32 $2.000000030e-01, v40  }
0x129: {  	v1 =	vsub.f32 v8, v1;
	v7 =	vadd.f32 v25, v26;
	v45 =	vmul.f32 $2.000000030e-01, v41  }
0x12a: {  	v10 =	vmul.f32 v36, v28;
	v9 =	vadd.f32 v9, v38;
	v46 =	vadd.f32 $3.333333430e-01, v44  }
0x12b: {  	v50 =	vld [tilespmem:$0x460];
	v5 =	vsub.f32 v7, v5;
	v7 =	vmul.f32 v43, v33;
	v48 =	vadd.f32 $3.333333430e-01, v45  }
0x12c: {  	v49 =	vld [tilespmem:$0x450];
	v10 =	vadd.f32 $1.000000000e+00, v10;
	v3 =	vsub.f32 v9, v3;
	v9 =	vmul.f32 v46, v40  }
0x12d: {  	v8 =	vadd.f32 v29, v29;
	v7 =	vadd.f32 $1.000000000e+00, v7;
	v11 =	vmul.f32 v48, v41  }
0x12e: {  	v52 =	vld [tilespmem:$0x470];
	v51 =	vadd.f32 v34, v34;
	v10 =	vmul.f32 v10, v14;
	v9 =	vadd.f32 $1.000000000e+00, v9  }
0x12f: {  	v7 =	vmul.f32 v7, v8;
	v13 =	vadd.f32 v37, v37;
	v11 =	vadd.f32 $1.000000000e+00, v11  }
0x130: {  	[tilespmem:$0xE00] =	vst v0;
	v60 =	vmul.f32 v6, v50;
	v10 =	vadd.f32 v10, v47;
	v56 =	vmul.f32 v9, v51  }
0x131: {  	[tilespmem:$0xE10] =	vst v1;
	v57 =	vmul.f32 v4, v49;
	v55 =	vadd.f32 v7, v53;
	v59 =	vmul.f32 v11, v13  }
0x132: {  	v61 =	vmax.f32 v17, $0.0e+00;
	[tilespmem:$0xE20] =	vst v5;
	v54 =	vsub.f32 v10, v2;
	v4 =	vadd.f32 v56, v58  }
0x133: {  	v63 =	vmul.f32 v17, v52;
	[tilespmem:$0xE30] =	vst v3;
	v1 =	vsub.f32 v55, v57;
	v62 =	vadd.f32 v59, v61  }
0x134: {  	[tilespmem:$0xE40] =	vst v54;
	v5 =	vsub.f32 v4, v60  }
0x135: {  	[tilespmem:$0xE50] =	vst v1;
	v6 =	vsub.f32 v62, v63  }
0x136: {  	[tilespmem:$0xE60] =	vst v5  }
0x137: {  	[tilespmem:$0xE70] =	vst v6  }
0x138: {  	[hbm4b:s4+s3] =	stream.linear.scatter [tilespmem:s25], [sflag:$0x1], $0x80, $0x38;
	[tilespmem:$0x1000] =	vst v63  }
0x139: {  	_ =	swait.ge [sflag:s26], $0x80  }
0x13a: {  	[sflag:s26] =	ssyncset.done $0x0  }
0x13b: {  	[sflag:s26] =	ssyncadd.s32 $0xFFFFFF80  }
0x13c: {  	_ =	swait.ge [sflag:s26], $0x80  }
0x13d: {  	[sflag:s26] =	ssyncset.done $0x0  }
0x13e: {  	[sflag:s26] =	ssyncadd.s32 $0xFFFFFF80  }
0x13f: {  	v7 =	vld [tilespmem:$0x80]  }
0x140: {  	v8 =	vld [tilespmem:$0xA80]  }
0x141: {  	v9 =	vld [tilespmem:$0x280]  }
0x142: {  	v10 =	vld [tilespmem:$0xC80];
	_ =	sdelay $0x3  }
0x143: {  	vm4 =	veq.f32 v7, $0.0e+00;
	vm5 =	veq.f32 v9, $0.0e+00  }
0x144: {  	v0 =	vsel vm4, $0x0, v8;
	v11 =	vsel vm5, $0x0, v10  }
0x145: {  	v0 =	vsub.f32 v0, v11;
	_ =	sdelay $0x1  }
0x146: {  	v1 =	vand.u32 $0x7FFFFFFF, v0  }
0x147: {  	v1 =	vsub.f32 $0.0e+00, v1  }
0x148: {  	v12 =	vld [tilespmem:$0x90]  }
0x149: {  	v13 =	vld [tilespmem:$0xA90];
	v1 =	vmul.f32 $1.442695020e+00, v1  }
0x14a: {  	v14 =	vld [tilespmem:$0x290]  }
0x14b: {  	v15 =	vld [tilespmem:$0xC90];
	(erf) = vpow2.f32 v1;
	_ =	sdelay $0x3  }
0x14c: {  	vm6 =	veq.f32 v12, $0.0e+00;
	vm7 =	veq.f32 v14, $0.0e+00  }
0x14d: {  	v2 =	vsel vm6, $0x0, v13;
	v1 =	vsel vm7, $0x0, v15  }
0x14e: {  	v1 =	vsub.f32 v2, v1;
	_ =	sdelay $0x1  }
0x14f: {  	v2 =	vand.u32 $0x7FFFFFFF, v1  }
0x150: {  	v2 =	vsub.f32 $0.0e+00, v2;
	v7 =	vpop (erf)  }
0x151: {  	v17 =	vld [tilespmem:$0xA0];
	v16 =	vadd.f32 $2.000000000e+00, v7  }
0x152: {  	v18 =	vld [tilespmem:$0xAA0];
	v2 =	vmul.f32 $1.442695020e+00, v2  }
0x153: {  	v19 =	vld [tilespmem:$0x2A0];
	(erf) = vrcp.f32 v16  }
0x154: {  	v20 =	vld [tilespmem:$0xCA0];
	(erf) = vpow2.f32 v2;
	_ =	sdelay $0x3  }
0x155: {  	vm8 =	veq.f32 v17, $0.0e+00;
	vm9 =	veq.f32 v19, $0.0e+00  }
0x156: {  	v21 =	vsel vm8, $0x0, v18;
	v2 =	vsel vm9, $0x0, v20  }
0x157: {  	v5 =	vsub.f32 v21, v2;
	_ =	sdelay $0x1  }
0x158: {  	v2 =	vand.u32 $0x7FFFFFFF, v5;
	v8 =	vpop (erf)  }
0x159: {  	v2 =	vsub.f32 $0.0e+00, v2;
	v9 =	vpop (erf)  }
0x15a: {  	v23 =	vld [tilespmem:$0xB0];
	v22 =	vadd.f32 $2.000000000e+00, v9  }
0x15b: {  	v24 =	vld [tilespmem:$0xAB0];
	v2 =	vmul.f32 $1.442695020e+00, v2  }
0x15c: {  	v25 =	vld [tilespmem:$0x2B0];
	(erf) = vrcp.f32 v22  }
0x15d: {  	v26 =	vld [tilespmem:$0xCB0];
	(erf) = vpow2.f32 v2;
	_ =	sdelay $0x3  }
0x15e: {  	vm10 =	veq.f32 v23, $0.0e+00;
	vm11 =	veq.f32 v25, $0.0e+00  }
0x15f: {  	v27 =	vsel vm10, $0x0, v24;
	v2 =	vsel vm11, $0x0, v26  }
0x160: {  	v3 =	vsub.f32 v27, v2;
	_ =	sdelay $0x1  }
0x161: {  	v2 =	vand.u32 $0x7FFFFFFF, v3;
	v28 =	vpop (erf)  }
0x162: {  	v2 =	vsub.f32 $0.0e+00, v2;
	v11 =	vpop (erf)  }
0x163: {  	v30 =	vld [tilespmem:$0xC0];
	v29 =	vadd.f32 $2.000000000e+00, v11  }
0x164: {  	v31 =	vld [tilespmem:$0xAC0];
	v2 =	vmul.f32 $1.442695020e+00, v2  }
0x165: {  	v32 =	vld [tilespmem:$0x2C0];
	(erf) = vrcp.f32 v29  }
0x166: {  	v33 =	vld [tilespmem:$0xCC0];
	(erf) = vpow2.f32 v2;
	_ =	sdelay $0x3  }
0x167: {  	vm12 =	veq.f32 v30, $0.0e+00;
	vm13 =	veq.f32 v32, $0.0e+00  }
0x168: {  	v34 =	vsel vm12, $0x0, v31;
	v2 =	vsel vm13, $0x0, v33  }
0x169: {  	v2 =	vsub.f32 v34, v2;
	_ =	sdelay $0x1  }
0x16a: {  	v4 =	vand.u32 $0x7FFFFFFF, v2;
	v35 =	vpop (erf)  }
0x16b: {  	v4 =	vsub.f32 $0.0e+00, v4;
	v36 =	vpop (erf)  }
0x16c: {  	v38 =	vld [tilespmem:$0xD0];
	v37 =	vadd.f32 $2.000000000e+00, v36  }
0x16d: {  	v39 =	vld [tilespmem:$0xAD0];
	v4 =	vmul.f32 $1.442695020e+00, v4  }
0x16e: {  	v40 =	vld [tilespmem:$0x2D0];
	(erf) = vrcp.f32 v37  }
0x16f: {  	v41 =	vld [tilespmem:$0xCD0];
	(erf) = vpow2.f32 v4;
	_ =	sdelay $0x3  }
0x170: {  	vm14 =	veq.f32 v38, $0.0e+00;
	vm15 =	veq.f32 v40, $0.0e+00  }
0x171: {  	v42 =	vsel vm14, $0x0, v39;
	v4 =	vsel vm15, $0x0, v41  }
0x172: {  	v4 =	vsub.f32 v42, v4;
	_ =	sdelay $0x1  }
0x173: {  	v6 =	vand.u32 $0x7FFFFFFF, v4;
	v43 =	vpop (erf)  }
0x174: {  	v6 =	vsub.f32 $0.0e+00, v6;
	v44 =	vpop (erf)  }
0x175: {  	v46 =	vld [tilespmem:$0xE0];
	v45 =	vadd.f32 $2.000000000e+00, v44  }
0x176: {  	v47 =	vld [tilespmem:$0xAE0];
	v6 =	vmul.f32 $1.442695020e+00, v6  }
0x177: {  	v48 =	vld [tilespmem:$0x2E0];
	(erf) = vrcp.f32 v45  }
0x178: {  	v49 =	vld [tilespmem:$0xCE0];
	(erf) = vpow2.f32 v6;
	_ =	sdelay $0x3  }
0x179: {  	vm4 =	veq.f32 v46, $0.0e+00;
	vm5 =	veq.f32 v48, $0.0e+00  }
0x17a: {  	v50 =	vsel vm4, $0x0, v47;
	v6 =	vsel vm5, $0x0, v49  }
0x17b: {  	v6 =	vsub.f32 v50, v6;
	_ =	sdelay $0x1  }
0x17c: {  	v52 =	vand.u32 $0x7FFFFFFF, v6;
	v51 =	vpop (erf)  }
0x17d: {  	v17 =	vsub.f32 $0.0e+00, v52;
	v53 =	vpop (erf)  }
0x17e: {  	v55 =	vld [tilespmem:$0xF0];
	v54 =	vadd.f32 $2.000000000e+00, v53  }
0x17f: {  	v56 =	vld [tilespmem:$0xAF0];
	v17 =	vmul.f32 $1.442695020e+00, v17  }
0x180: {  	v57 =	vld [tilespmem:$0x2F0];
	(erf) = vrcp.f32 v54  }
0x181: {  	v58 =	vld [tilespmem:$0xCF0];
	(erf) = vpow2.f32 v17;
	_ =	sdelay $0x3  }
0x182: {  	vm6 =	veq.f32 v55, $0.0e+00;
	vm7 =	veq.f32 v57, $0.0e+00  }
0x183: {  	v59 =	vsel vm6, $0x0, v56;
	v17 =	vsel vm7, $0x0, v58  }
0x184: {  	v17 =	vsub.f32 v59, v17;
	_ =	sdelay $0x1  }
0x185: {  	v61 =	vand.u32 $0x7FFFFFFF, v17;
	v60 =	vpop (erf)  }
0x186: {  	v20 =	vsub.f32 $0.0e+00, v61;
	v62 =	vpop (erf)  }
0x187: {  	v63 =	vadd.f32 $2.000000000e+00, v62  }
0x188: {  	v24 =	vmul.f32 $1.442695020e+00, v20  }
0x189: {  	v9 =	vmul.f32 v28, v9;
	(erf) = vrcp.f32 v63  }
0x18a: {  	(erf) = vpow2.f32 v24  }
0x18b: {  	v26 =	vmul.f32 v9, v9;
	_ =	sdelay $0x1  }
0x18c: {  	v28 =	vmul.f32 $2.000000030e-01, v26;
	v11 =	vmul.f32 v35, v11;
	_ =	sdelay $0x1  }
0x18d: {  	v22 =	vadd.f32 $3.333333430e-01, v28;
	v12 =	vmul.f32 v11, v11  }
0x18e: {  	v7 =	vmul.f32 v8, v7  }
0x18f: {  	v8 =	vmul.f32 v22, v26;
	v31 =	vmul.f32 $2.000000030e-01, v12  }
0x190: {  	v48 =	vld [tilespmem:$0x4B0];
	v25 =	vmul.f32 v7, v7;
	v9 =	vadd.f32 v9, v9;
	v13 =	vmul.f32 v43, v36;
	v29 =	vpop (erf)  }
0x191: {  	v38 =	vmax.f32 v1, $0.0e+00;
	v33 =	vld [tilespmem:$0x490];
	v8 =	vadd.f32 $1.000000000e+00, v8;
	v35 =	vadd.f32 $3.333333430e-01, v31;
	v32 =	vpop (erf)  }
0x192: {  	v23 =	vld [tilespmem:$0x4D0];
	v27 =	vmul.f32 $2.000000030e-01, v25;
	v37 =	vmul.f32 v13, v13;
	v34 =	vadd.f32 $2.000000000e+00, v32  }
0x193: {  	v7 =	vadd.f32 v7, v7;
	v8 =	vmul.f32 v8, v9;
	v9 =	vmul.f32 v35, v12  }
0x194: {  	v30 =	vld [tilespmem:$0x480];
	v55 =	vmax.f32 v3, $0.0e+00;
	v40 =	vmul.f32 $2.000000030e-01, v37;
	(erf) = vrcp.f32 v34  }
0x195: {  	v3 =	vmul.f32 v3, v48;
	v11 =	vadd.f32 v11, v11;
	v9 =	vadd.f32 $1.000000000e+00, v9  }
0x196: {  	v39 =	vld [tilespmem:$0x4A0];
	v21 =	vmax.f32 v2, $0.0e+00;
	v1 =	vmul.f32 v1, v33;
	v12 =	vadd.f32 $3.333333430e-01, v40  }
0x197: {  	v8 =	vadd.f32 v8, v38;
	v31 =	vmul.f32 v4, v23;
	v42 =	vmul.f32 v9, v11  }
0x198: {  	v41 =	vmul.f32 v51, v44;
	v44 =	vmul.f32 v12, v37;
	v20 =	vadd.f32 $3.333333430e-01, v27  }
0x199: {  	v36 =	vmax.f32 v0, $0.0e+00;
	v0 =	vmul.f32 v0, v30;
	v47 =	vadd.f32 v13, v13  }
0x19a: {  	v45 =	vmul.f32 v41, v41;
	v9 =	vadd.f32 $1.000000000e+00, v44;
	v10 =	vmul.f32 v20, v25  }
0x19b: {  	v43 =	vmax.f32 v5, $0.0e+00;
	v5 =	vmul.f32 v5, v39;
	v46 =	vmul.f32 v60, v53  }
0x19c: {  	v49 =	vmul.f32 $2.000000030e-01, v45;
	v9 =	vmul.f32 v9, v47;
	v10 =	vadd.f32 $1.000000000e+00, v10  }
0x19d: {  	v1 =	vsub.f32 v8, v1;
	v50 =	vmul.f32 v46, v46;
	v51 =	vmul.f32 v29, v62;
	v52 =	vpop (erf)  }
0x19e: {  	v14 =	vadd.f32 v41, v41;
	v7 =	vmul.f32 v10, v7;
	v54 =	vmul.f32 v52, v32  }
0x19f: {  	v9 =	vadd.f32 v9, v55;
	v56 =	vmul.f32 $2.000000030e-01, v50;
	v57 =	vmul.f32 v51, v51  }
0x1a0: {  	v59 =	vld [tilespmem:$0x4C0];
	v35 =	vmax.f32 v17, $0.0e+00;
	v7 =	vadd.f32 v7, v36;
	v58 =	vmul.f32 v54, v54  }
0x1a1: {  	v53 =	vadd.f32 $3.333333430e-01, v49;
	v60 =	vadd.f32 $3.333333430e-01, v56;
	v61 =	vmul.f32 $2.000000030e-01, v57  }
0x1a2: {  	v0 =	vsub.f32 v7, v0;
	v7 =	vadd.f32 v42, v43;
	v62 =	vmul.f32 $2.000000030e-01, v58  }
0x1a3: {  	v3 =	vsub.f32 v9, v3;
	v10 =	vmul.f32 v53, v45;
	v63 =	vadd.f32 $3.333333430e-01, v61  }
0x1a4: {  	v5 =	vsub.f32 v7, v5;
	v7 =	vmul.f32 v60, v50;
	v22 =	vadd.f32 $3.333333430e-01, v62  }
0x1a5: {  	v2 =	vmul.f32 v2, v59;
	v10 =	vadd.f32 $1.000000000e+00, v10;
	v9 =	vmul.f32 v63, v57  }
0x1a6: {  	v8 =	vadd.f32 v46, v46;
	v24 =	vld [tilespmem:$0x4E0];
	v7 =	vadd.f32 $1.000000000e+00, v7;
	v11 =	vmul.f32 v22, v58  }
0x1a7: {  	v26 =	vld [tilespmem:$0x4F0];
	v10 =	vmul.f32 v10, v14;
	v25 =	vadd.f32 v51, v51;
	v9 =	vadd.f32 $1.000000000e+00, v9  }
0x1a8: {  	v7 =	vmul.f32 v7, v8;
	v13 =	vadd.f32 v54, v54;
	v11 =	vadd.f32 $1.000000000e+00, v11  }
0x1a9: {  	[tilespmem:$0xE90] =	vst v1;
	v27 =	vmax.f32 v4, $0.0e+00;
	v10 =	vadd.f32 v10, v21;
	v30 =	vmul.f32 v9, v25  }
0x1aa: {  	[tilespmem:$0xEB0] =	vst v3;
	v29 =	vadd.f32 v7, v27;
	v32 =	vmax.f32 v6, $0.0e+00;
	v33 =	vmul.f32 v11, v13  }
0x1ab: {  	[tilespmem:$0xE80] =	vst v0;
	v28 =	vsub.f32 v10, v2;
	v34 =	vmul.f32 v6, v24;
	v4 =	vadd.f32 v30, v32  }
0x1ac: {  	v37 =	vmul.f32 v17, v26;
	[tilespmem:$0xEA0] =	vst v5;
	v1 =	vsub.f32 v29, v31;
	v36 =	vadd.f32 v33, v35  }
0x1ad: {  	[tilespmem:$0xEC0] =	vst v28;
	v38 =	vsub.f32 v4, v34  }
0x1ae: {  	[tilespmem:$0xED0] =	vst v1;
	v39 =	vsub.f32 v36, v37  }
0x1af: {  	[tilespmem:$0xEE0] =	vst v38  }
0x1b0: {  	s0 =	rddreg [dreg:$0x5];
	[tilespmem:$0xEF0] =	vst v39  }
0x1b1: {  	[hbm4b:s0+s3] =	stream.linear.scatter [tilespmem:s28], [sflag:$0x1], $0x80, $0x38;
	[tilespmem:$0x1000] =	vst v63  }
0x1b2: {  	_ =	swait.ge [sflag:s29], $0x80  }
0x1b3: {  	[sflag:s29] =	ssyncset.done $0x0  }
0x1b4: {  	[sflag:s29] =	ssyncadd.s32 $0xFFFFFF80  }
0x1b5: {  	_ =	swait.ge [sflag:s29], $0x80  }
0x1b6: {  	[sflag:s29] =	ssyncset.done $0x0  }
0x1b7: {  	[sflag:s29] =	ssyncadd.s32 $0xFFFFFF80  }
0x1b8: {  	v40 =	vld [tilespmem:$0x100]  }
0x1b9: {  	v41 =	vld [tilespmem:$0xB00]  }
0x1ba: {  	v42 =	vld [tilespmem:$0x300]  }
0x1bb: {  	v43 =	vld [tilespmem:$0xD00];
	_ =	sdelay $0x3  }
0x1bc: {  	vm8 =	veq.f32 v40, $0.0e+00;
	vm9 =	veq.f32 v42, $0.0e+00  }
0x1bd: {  	v0 =	vsel vm8, $0x0, v41;
	v44 =	vsel vm9, $0x0, v43  }
0x1be: {  	v0 =	vsub.f32 v0, v44;
	_ =	sdelay $0x1  }
0x1bf: {  	v1 =	vand.u32 $0x7FFFFFFF, v0  }
0x1c0: {  	v1 =	vsub.f32 $0.0e+00, v1  }
0x1c1: {  	v45 =	vld [tilespmem:$0x110]  }
0x1c2: {  	v46 =	vld [tilespmem:$0xB10];
	v1 =	vmul.f32 $1.442695020e+00, v1  }
0x1c3: {  	v47 =	vld [tilespmem:$0x310]  }
0x1c4: {  	v48 =	vld [tilespmem:$0xD10];
	(erf) = vpow2.f32 v1;
	_ =	sdelay $0x3  }
0x1c5: {  	vm10 =	veq.f32 v45, $0.0e+00;
	vm11 =	veq.f32 v47, $0.0e+00  }
0x1c6: {  	v2 =	vsel vm10, $0x0, v46;
	v1 =	vsel vm11, $0x0, v48  }
0x1c7: {  	v1 =	vsub.f32 v2, v1;
	_ =	sdelay $0x1  }
0x1c8: {  	v2 =	vand.u32 $0x7FFFFFFF, v1  }
0x1c9: {  	v2 =	vsub.f32 $0.0e+00, v2;
	v7 =	vpop (erf)  }
0x1ca: {  	v50 =	vld [tilespmem:$0x120];
	v49 =	vadd.f32 $2.000000000e+00, v7  }
0x1cb: {  	v51 =	vld [tilespmem:$0xB20];
	v2 =	vmul.f32 $1.442695020e+00, v2  }
0x1cc: {  	v52 =	vld [tilespmem:$0x320];
	(erf) = vrcp.f32 v49  }
0x1cd: {  	v53 =	vld [tilespmem:$0xD20];
	(erf) = vpow2.f32 v2;
	_ =	sdelay $0x3  }
0x1ce: {  	vm12 =	veq.f32 v50, $0.0e+00;
	vm13 =	veq.f32 v52, $0.0e+00  }
0x1cf: {  	v54 =	vsel vm12, $0x0, v51;
	v2 =	vsel vm13, $0x0, v53  }
0x1d0: {  	v5 =	vsub.f32 v54, v2;
	_ =	sdelay $0x1  }
0x1d1: {  	v2 =	vand.u32 $0x7FFFFFFF, v5;
	v55 =	vpop (erf)  }
0x1d2: {  	v2 =	vsub.f32 $0.0e+00, v2;
	v9 =	vpop (erf)  }
0x1d3: {  	v57 =	vld [tilespmem:$0x130];
	v56 =	vadd.f32 $2.000000000e+00, v9  }
0x1d4: {  	v58 =	vld [tilespmem:$0xB30];
	v2 =	vmul.f32 $1.442695020e+00, v2  }
0x1d5: {  	v59 =	vld [tilespmem:$0x330];
	(erf) = vrcp.f32 v56  }
0x1d6: {  	v60 =	vld [tilespmem:$0xD30];
	(erf) = vpow2.f32 v2;
	_ =	sdelay $0x3  }
0x1d7: {  	vm14 =	veq.f32 v57, $0.0e+00;
	vm15 =	veq.f32 v59, $0.0e+00  }
0x1d8: {  	v61 =	vsel vm14, $0x0, v58;
	v2 =	vsel vm15, $0x0, v60  }
0x1d9: {  	v3 =	vsub.f32 v61, v2;
	_ =	sdelay $0x1  }
0x1da: {  	v2 =	vand.u32 $0x7FFFFFFF, v3;
	v62 =	vpop (erf)  }
0x1db: {  	v2 =	vsub.f32 $0.0e+00, v2;
	v63 =	vpop (erf)  }
0x1dc: {  	v23 =	vld [tilespmem:$0x140];
	v22 =	vadd.f32 $2.000000000e+00, v63  }
0x1dd: {  	v24 =	vld [tilespmem:$0xB40];
	v2 =	vmul.f32 $1.442695020e+00, v2  }
0x1de: {  	v25 =	vld [tilespmem:$0x340];
	(erf) = vrcp.f32 v22  }
0x1df: {  	v26 =	vld [tilespmem:$0xD40];
	(erf) = vpow2.f32 v2;
	_ =	sdelay $0x3  }
0x1e0: {  	vm4 =	veq.f32 v23, $0.0e+00;
	vm5 =	veq.f32 v25, $0.0e+00  }
0x1e1: {  	v27 =	vsel vm4, $0x0, v24;
	v2 =	vsel vm5, $0x0, v26  }
0x1e2: {  	v2 =	vsub.f32 v27, v2;
	_ =	sdelay $0x1  }
0x1e3: {  	v4 =	vand.u32 $0x7FFFFFFF, v2;
	v28 =	vpop (erf)  }
0x1e4: {  	v4 =	vsub.f32 $0.0e+00, v4;
	v13 =	vpop (erf)  }
0x1e5: {  	v30 =	vld [tilespmem:$0x150];
	v29 =	vadd.f32 $2.000000000e+00, v13  }
0x1e6: {  	v31 =	vld [tilespmem:$0xB50];
	v4 =	vmul.f32 $1.442695020e+00, v4  }
0x1e7: {  	v32 =	vld [tilespmem:$0x350];
	(erf) = vrcp.f32 v29  }
0x1e8: {  	v33 =	vld [tilespmem:$0xD50];
	(erf) = vpow2.f32 v4;
	_ =	sdelay $0x3  }
0x1e9: {  	vm6 =	veq.f32 v30, $0.0e+00;
	vm7 =	veq.f32 v32, $0.0e+00  }
0x1ea: {  	v34 =	vsel vm6, $0x0, v31;
	v4 =	vsel vm7, $0x0, v33  }
0x1eb: {  	v4 =	vsub.f32 v34, v4;
	_ =	sdelay $0x1  }
0x1ec: {  	v6 =	vand.u32 $0x7FFFFFFF, v4;
	v35 =	vpop (erf)  }
0x1ed: {  	v6 =	vsub.f32 $0.0e+00, v6;
	v15 =	vpop (erf)  }
0x1ee: {  	v37 =	vld [tilespmem:$0x160];
	v36 =	vadd.f32 $2.000000000e+00, v15  }
0x1ef: {  	v38 =	vld [tilespmem:$0xB60];
	v6 =	vmul.f32 $1.442695020e+00, v6  }
0x1f0: {  	v39 =	vld [tilespmem:$0x360];
	(erf) = vrcp.f32 v36  }
0x1f1: {  	v40 =	vld [tilespmem:$0xD60];
	(erf) = vpow2.f32 v6;
	_ =	sdelay $0x3  }
0x1f2: {  	vm8 =	veq.f32 v37, $0.0e+00;
	vm9 =	veq.f32 v39, $0.0e+00  }
0x1f3: {  	v41 =	vsel vm8, $0x0, v38;
	v6 =	vsel vm9, $0x0, v40  }
0x1f4: {  	v6 =	vsub.f32 v41, v6;
	_ =	sdelay $0x1  }
0x1f5: {  	v43 =	vand.u32 $0x7FFFFFFF, v6;
	v42 =	vpop (erf)  }
0x1f6: {  	v17 =	vsub.f32 $0.0e+00, v43;
	v44 =	vpop (erf)  }
0x1f7: {  	v47 =	vld [tilespmem:$0xB70];
	v45 =	vadd.f32 $2.000000000e+00, v44  }
0x1f8: {  	v46 =	vld [tilespmem:$0x170];
	v17 =	vmul.f32 $1.442695020e+00, v17  }
0x1f9: {  	v48 =	vld [tilespmem:$0x370];
	(erf) = vrcp.f32 v45  }
0x1fa: {  	v49 =	vld [tilespmem:$0xD70];
	(erf) = vpow2.f32 v17;
	_ =	sdelay $0x3  }
0x1fb: {  	vm10 =	veq.f32 v46, $0.0e+00;
	vm11 =	veq.f32 v48, $0.0e+00  }
0x1fc: {  	v50 =	vsel vm10, $0x0, v47;
	v17 =	vsel vm11, $0x0, v49  }
0x1fd: {  	v17 =	vsub.f32 v50, v17;
	_ =	sdelay $0x1  }
0x1fe: {  	v52 =	vand.u32 $0x7FFFFFFF, v17;
	v51 =	vpop (erf)  }
0x1ff: {  	v20 =	vsub.f32 $0.0e+00, v52;
	v53 =	vpop (erf)  }
0x200: {  	v54 =	vadd.f32 $2.000000000e+00, v53  }
0x201: {  	v7 =	vmul.f32 v55, v7;
	v55 =	vmul.f32 $1.442695020e+00, v20  }
0x202: {  	(erf) = vrcp.f32 v54  }
0x203: {  	v9 =	vmul.f32 v62, v9;
	(erf) = vpow2.f32 v55;
	_ =	sdelay $0x1  }
0x204: {  	v57 =	vmul.f32 v9, v9;
	_ =	sdelay $0x1  }
0x205: {  	v59 =	vmul.f32 $2.000000030e-01, v57  }
0x206: {  	v61 =	vld [tilespmem:$0x500];
	v11 =	vmul.f32 v28, v63  }
0x207: {  	v22 =	vadd.f32 $3.333333430e-01, v59  }
0x208: {  	v31 =	vmax.f32 v0, $0.0e+00;
	v12 =	vmul.f32 v11, v11;
	v13 =	vmul.f32 v35, v13  }
0x209: {  	v38 =	vmax.f32 v5, $0.0e+00;
	v56 =	vmul.f32 v7, v7;
	v8 =	vmul.f32 v22, v57;
	v60 =	vpop (erf)  }
0x20a: {  	v7 =	vadd.f32 v7, v7;
	v28 =	vld [tilespmem:$0x510];
	v62 =	vmul.f32 $2.000000030e-01, v12;
	v32 =	vmul.f32 v13, v13;
	v63 =	vpop (erf)  }
0x20b: {  	v0 =	vmul.f32 v0, v61;
	v61 =	vld [tilespmem:$0x550];
	v9 =	vadd.f32 v9, v9;
	v29 =	vadd.f32 $2.000000000e+00, v63  }
0x20c: {  	v8 =	vadd.f32 $1.000000000e+00, v8;
	v34 =	vld [tilespmem:$0x520];
	v30 =	vadd.f32 $3.333333430e-01, v62;
	v35 =	vmul.f32 $2.000000030e-01, v32  }
0x20d: {  	v58 =	vmul.f32 $2.000000030e-01, v56;
	v59 =	vmax.f32 v2, $0.0e+00;
	(erf) = vrcp.f32 v29  }
0x20e: {  	v8 =	vmul.f32 v8, v9;
	v9 =	vmul.f32 v30, v12;
	v12 =	vadd.f32 $3.333333430e-01, v35  }
0x20f: {  	v11 =	vadd.f32 v11, v11;
	v33 =	vmax.f32 v1, $0.0e+00;
	v1 =	vmul.f32 v1, v28  }
0x210: {  	v24 =	vmul.f32 v4, v61;
	v9 =	vadd.f32 $1.000000000e+00, v9;
	v39 =	vmul.f32 v12, v32;
	v43 =	vld [tilespmem:$0x530]  }
0x211: {  	v5 =	vmul.f32 v5, v34;
	v36 =	vmul.f32 v42, v15;
	v20 =	vadd.f32 $3.333333430e-01, v58  }
0x212: {  	v37 =	vmul.f32 v9, v11;
	v9 =	vadd.f32 $1.000000000e+00, v39;
	v42 =	vadd.f32 v13, v13  }
0x213: {  	v8 =	vadd.f32 v8, v33;
	v40 =	vmul.f32 v36, v36;
	v10 =	vmul.f32 v20, v56  }
0x214: {  	v9 =	vmul.f32 v9, v42;
	v50 =	vmax.f32 v3, $0.0e+00;
	v41 =	vmul.f32 v51, v44  }
0x215: {  	v3 =	vmul.f32 v3, v43;
	v44 =	vmul.f32 $2.000000030e-01, v40;
	v10 =	vadd.f32 $1.000000000e+00, v10  }
0x216: {  	v1 =	vsub.f32 v8, v1;
	v45 =	vmul.f32 v41, v41;
	v46 =	vmul.f32 v60, v53;
	v47 =	vpop (erf)  }
0x217: {  	v25 =	vmax.f32 v6, $0.0e+00;
	v7 =	vmul.f32 v10, v7;
	v49 =	vmul.f32 v47, v63  }
0x218: {  	v14 =	vadd.f32 v36, v36;
	v51 =	vmul.f32 $2.000000030e-01, v45;
	v52 =	vmul.f32 v46, v46  }
0x219: {  	v9 =	vadd.f32 v9, v50;
	v7 =	vadd.f32 v7, v31;
	v53 =	vmul.f32 v49, v49  }
0x21a: {  	v48 =	vadd.f32 $3.333333430e-01, v44;
	v55 =	vadd.f32 $3.333333430e-01, v51;
	v56 =	vmul.f32 $2.000000030e-01, v52  }
0x21b: {  	v0 =	vsub.f32 v7, v0;
	v7 =	vadd.f32 v37, v38;
	v57 =	vmul.f32 $2.000000030e-01, v53  }
0x21c: {  	v3 =	vsub.f32 v9, v3;
	v10 =	vmul.f32 v48, v40;
	v58 =	vadd.f32 $3.333333430e-01, v56  }
0x21d: {  	v54 =	vld [tilespmem:$0x540];
	v5 =	vsub.f32 v7, v5;
	v7 =	vmul.f32 v55, v45;
	v60 =	vadd.f32 $3.333333430e-01, v57  }
0x21e: {  	v62 =	vld [tilespmem:$0x560];
	v20 =	vmax.f32 v4, $0.0e+00;
	v10 =	vadd.f32 $1.000000000e+00, v10;
	v9 =	vmul.f32 v58, v52  }
0x21f: {  	v8 =	vadd.f32 v41, v41;
	v7 =	vadd.f32 $1.000000000e+00, v7;
	v11 =	vmul.f32 v60, v53  }
0x220: {  	v19 =	vld [tilespmem:$0x570];
	v10 =	vmul.f32 v10, v14;
	v9 =	vadd.f32 $1.000000000e+00, v9;
	v63 =	vadd.f32 v46, v46  }
0x221: {  	v7 =	vmul.f32 v7, v8;
	v13 =	vadd.f32 v49, v49;
	v11 =	vadd.f32 $1.000000000e+00, v11  }
0x222: {  	[tilespmem:$0xF10] =	vst v1;
	v2 =	vmul.f32 v2, v54;
	v10 =	vadd.f32 v10, v59;
	v23 =	vmul.f32 v9, v63  }
0x223: {  	v27 =	vmul.f32 v6, v62;
	[tilespmem:$0xF30] =	vst v3;
	v22 =	vadd.f32 v7, v20;
	v26 =	vmul.f32 v11, v13  }
0x224: {  	v28 =	vmax.f32 v17, $0.0e+00;
	[tilespmem:$0xF00] =	vst v0;
	v21 =	vsub.f32 v10, v2;
	v4 =	vadd.f32 v23, v25  }
0x225: {  	v30 =	vmul.f32 v17, v19;
	[tilespmem:$0xF20] =	vst v5;
	v1 =	vsub.f32 v22, v24;
	v29 =	vadd.f32 v26, v28  }
0x226: {  	[tilespmem:$0xF40] =	vst v21;
	v31 =	vsub.f32 v4, v27  }
0x227: {  	[tilespmem:$0xF50] =	vst v1;
	v32 =	vsub.f32 v29, v30  }
0x228: {  	[tilespmem:$0xF60] =	vst v31  }
0x229: {  	s0 =	rddreg [dreg:$0x6];
	[tilespmem:$0xF70] =	vst v32  }
0x22a: {  	[hbm4b:s0+s3] =	stream.linear.scatter [tilespmem:s30], [sflag:$0x1], $0x80, $0x38;
	[tilespmem:$0x1000] =	vst v63  }
0x22b: {  	_ =	swait.ge [sflag:s31], $0x80  }
0x22c: {  	[sflag:s31] =	ssyncset.done $0x0  }
0x22d: {  	[sflag:s31] =	ssyncadd.s32 $0xFFFFFF80  }
0x22e: {  	_ =	swait.ge [sflag:s31], $0x80  }
0x22f: {  	[sflag:s31] =	ssyncset.done $0x0  }
0x230: {  	[sflag:s31] =	ssyncadd.s32 $0xFFFFFF80  }
0x231: {  	v33 =	vld [tilespmem:$0x180]  }
0x232: {  	v34 =	vld [tilespmem:$0xB80]  }
0x233: {  	v35 =	vld [tilespmem:$0x380]  }
0x234: {  	v36 =	vld [tilespmem:$0xD80];
	_ =	sdelay $0x3  }
0x235: {  	vm12 =	veq.f32 v33, $0.0e+00;
	vm13 =	veq.f32 v35, $0.0e+00  }
0x236: {  	v0 =	vsel vm12, $0x0, v34;
	v37 =	vsel vm13, $0x0, v36  }
0x237: {  	v0 =	vsub.f32 v0, v37;
	_ =	sdelay $0x1  }
0x238: {  	v1 =	vand.u32 $0x7FFFFFFF, v0  }
0x239: {  	v1 =	vsub.f32 $0.0e+00, v1  }
0x23a: {  	v38 =	vld [tilespmem:$0x190]  }
0x23b: {  	v39 =	vld [tilespmem:$0xB90];
	v1 =	vmul.f32 $1.442695020e+00, v1  }
0x23c: {  	v40 =	vld [tilespmem:$0x390]  }
0x23d: {  	v41 =	vld [tilespmem:$0xD90];
	(erf) = vpow2.f32 v1;
	_ =	sdelay $0x3  }
0x23e: {  	vm14 =	veq.f32 v38, $0.0e+00;
	vm15 =	veq.f32 v40, $0.0e+00  }
0x23f: {  	v2 =	vsel vm14, $0x0, v39;
	v1 =	vsel vm15, $0x0, v41  }
0x240: {  	v1 =	vsub.f32 v2, v1;
	_ =	sdelay $0x1  }
0x241: {  	v2 =	vand.u32 $0x7FFFFFFF, v1  }
0x242: {  	v2 =	vsub.f32 $0.0e+00, v2;
	v7 =	vpop (erf)  }
0x243: {  	v43 =	vld [tilespmem:$0x1A0];
	v42 =	vadd.f32 $2.000000000e+00, v7  }
0x244: {  	v44 =	vld [tilespmem:$0xBA0];
	v2 =	vmul.f32 $1.442695020e+00, v2  }
0x245: {  	v45 =	vld [tilespmem:$0x3A0];
	(erf) = vrcp.f32 v42  }
0x246: {  	v46 =	vld [tilespmem:$0xDA0];
	(erf) = vpow2.f32 v2;
	_ =	sdelay $0x3  }
0x247: {  	vm4 =	veq.f32 v43, $0.0e+00;
	vm5 =	veq.f32 v45, $0.0e+00  }
0x248: {  	v47 =	vsel vm4, $0x0, v44;
	v2 =	vsel vm5, $0x0, v46  }
0x249: {  	v5 =	vsub.f32 v47, v2;
	_ =	sdelay $0x1  }
0x24a: {  	v2 =	vand.u32 $0x7FFFFFFF, v5;
	v48 =	vpop (erf)  }
0x24b: {  	v2 =	vsub.f32 $0.0e+00, v2;
	v49 =	vpop (erf)  }
0x24c: {  	v21 =	vld [tilespmem:$0x1B0];
	v20 =	vadd.f32 $2.000000000e+00, v49  }
0x24d: {  	v22 =	vld [tilespmem:$0xBB0];
	v2 =	vmul.f32 $1.442695020e+00, v2  }
0x24e: {  	v23 =	vld [tilespmem:$0x3B0];
	(erf) = vrcp.f32 v20  }
0x24f: {  	v24 =	vld [tilespmem:$0xDB0];
	(erf) = vpow2.f32 v2;
	_ =	sdelay $0x3  }
0x250: {  	vm6 =	veq.f32 v21, $0.0e+00;
	vm7 =	veq.f32 v23, $0.0e+00  }
0x251: {  	v25 =	vsel vm6, $0x0, v22;
	v2 =	vsel vm7, $0x0, v24  }
0x252: {  	v3 =	vsub.f32 v25, v2;
	_ =	sdelay $0x1  }
0x253: {  	v2 =	vand.u32 $0x7FFFFFFF, v3;
	v26 =	vpop (erf)  }
0x254: {  	v2 =	vsub.f32 $0.0e+00, v2;
	v27 =	vpop (erf)  }
0x255: {  	v51 =	vld [tilespmem:$0x1C0];
	v50 =	vadd.f32 $2.000000000e+00, v27  }
0x256: {  	v52 =	vld [tilespmem:$0xBC0];
	v2 =	vmul.f32 $1.442695020e+00, v2  }
0x257: {  	v53 =	vld [tilespmem:$0x3C0];
	(erf) = vrcp.f32 v50  }
0x258: {  	v54 =	vld [tilespmem:$0xDC0];
	(erf) = vpow2.f32 v2;
	_ =	sdelay $0x3  }
0x259: {  	vm8 =	veq.f32 v51, $0.0e+00;
	vm9 =	veq.f32 v53, $0.0e+00  }
0x25a: {  	v55 =	vsel vm8, $0x0, v52;
	v2 =	vsel vm9, $0x0, v54  }
0x25b: {  	v2 =	vsub.f32 v55, v2;
	_ =	sdelay $0x1  }
0x25c: {  	v4 =	vand.u32 $0x7FFFFFFF, v2;
	v56 =	vpop (erf)  }
0x25d: {  	v4 =	vsub.f32 $0.0e+00, v4;
	v13 =	vpop (erf)  }
0x25e: {  	v58 =	vld [tilespmem:$0x1D0];
	v57 =	vadd.f32 $2.000000000e+00, v13  }
0x25f: {  	v59 =	vld [tilespmem:$0xBD0];
	v4 =	vmul.f32 $1.442695020e+00, v4  }
0x260: {  	v60 =	vld [tilespmem:$0x3D0];
	(erf) = vrcp.f32 v57  }
0x261: {  	v61 =	vld [tilespmem:$0xDD0];
	(erf) = vpow2.f32 v4;
	_ =	sdelay $0x3  }
0x262: {  	vm10 =	veq.f32 v58, $0.0e+00;
	vm11 =	veq.f32 v60, $0.0e+00  }
0x263: {  	v62 =	vsel vm10, $0x0, v59;
	v4 =	vsel vm11, $0x0, v61  }
0x264: {  	v4 =	vsub.f32 v62, v4;
	_ =	sdelay $0x1  }
0x265: {  	v6 =	vand.u32 $0x7FFFFFFF, v4;
	v63 =	vpop (erf)  }
0x266: {  	v6 =	vsub.f32 $0.0e+00, v6;
	v15 =	vpop (erf)  }
0x267: {  	v29 =	vld [tilespmem:$0x1E0];
	v28 =	vadd.f32 $2.000000000e+00, v15  }
0x268: {  	v30 =	vld [tilespmem:$0xBE0];
	v6 =	vmul.f32 $1.442695020e+00, v6  }
0x269: {  	v31 =	vld [tilespmem:$0x3E0];
	(erf) = vrcp.f32 v28  }
0x26a: {  	v32 =	vld [tilespmem:$0xDE0];
	(erf) = vpow2.f32 v6;
	_ =	sdelay $0x3  }
0x26b: {  	vm12 =	veq.f32 v29, $0.0e+00;
	vm13 =	veq.f32 v31, $0.0e+00  }
0x26c: {  	v33 =	vsel vm12, $0x0, v30;
	v6 =	vsel vm13, $0x0, v32  }
0x26d: {  	v6 =	vsub.f32 v33, v6;
	_ =	sdelay $0x1  }
0x26e: {  	v35 =	vand.u32 $0x7FFFFFFF, v6;
	v34 =	vpop (erf)  }
0x26f: {  	v17 =	vsub.f32 $0.0e+00, v35;
	v36 =	vpop (erf)  }
0x270: {  	v38 =	vld [tilespmem:$0x1F0];
	v37 =	vadd.f32 $2.000000000e+00, v36  }
0x271: {  	v40 =	vld [tilespmem:$0x3F0];
	v17 =	vmul.f32 $1.442695020e+00, v17  }
0x272: {  	v39 =	vld [tilespmem:$0xBF0];
	(erf) = vrcp.f32 v37  }
0x273: {  	v41 =	vld [tilespmem:$0xDF0];
	(erf) = vpow2.f32 v17;
	_ =	sdelay $0x3  }
0x274: {  	vm14 =	veq.f32 v38, $0.0e+00;
	vm15 =	veq.f32 v40, $0.0e+00  }
0x275: {  	v42 =	vsel vm14, $0x0, v39;
	v17 =	vsel vm15, $0x0, v41  }
0x276: {  	v17 =	vsub.f32 v42, v17;
	_ =	sdelay $0x1  }
0x277: {  	v44 =	vand.u32 $0x7FFFFFFF, v17;
	v43 =	vpop (erf)  }
0x278: {  	v20 =	vsub.f32 $0.0e+00, v44;
	v45 =	vpop (erf)  }
0x279: {  	v46 =	vadd.f32 $2.000000000e+00, v45  }
0x27a: {  	v47 =	vmul.f32 $1.442695020e+00, v20  }
0x27b: {  	v9 =	vmul.f32 v26, v49;
	(erf) = vrcp.f32 v46  }
0x27c: {  	v53 =	vld [tilespmem:$0x580];
	(erf) = vpow2.f32 v47  }
0x27d: {  	v49 =	vmul.f32 v9, v9;
	_ =	sdelay $0x1  }
0x27e: {  	v51 =	vmul.f32 $2.000000030e-01, v49  }
0x27f: {  	v11 =	vmul.f32 v56, v27  }
0x280: {  	v59 =	vmax.f32 v0, $0.0e+00;
	v0 =	vmul.f32 v0, v53;
	v22 =	vadd.f32 $3.333333430e-01, v51  }
0x281: {  	v7 =	vmul.f32 v48, v7;
	v12 =	vmul.f32 v11, v11  }
0x282: {  	v8 =	vmul.f32 v22, v49;
	v13 =	vmul.f32 v63, v13  }
0x283: {  	v48 =	vmul.f32 v7, v7;
	v54 =	vmul.f32 $2.000000030e-01, v12;
	v52 =	vpop (erf)  }
0x284: {  	v9 =	vadd.f32 v9, v9;
	v8 =	vadd.f32 $1.000000000e+00, v8;
	v60 =	vmul.f32 v13, v13;
	v55 =	vpop (erf)  }
0x285: {  	v50 =	vmul.f32 $2.000000030e-01, v48;
	v58 =	vadd.f32 $3.333333430e-01, v54;
	v57 =	vadd.f32 $2.000000000e+00, v55  }
0x286: {  	v8 =	vmul.f32 v8, v9;
	v56 =	vld [tilespmem:$0x590];
	v63 =	vmul.f32 $2.000000030e-01, v60  }
0x287: {  	v7 =	vadd.f32 v7, v7;
	v9 =	vmul.f32 v58, v12;
	(erf) = vrcp.f32 v57  }
0x288: {  	v11 =	vadd.f32 v11, v11;
	v61 =	vmax.f32 v1, $0.0e+00;
	v62 =	vld [tilespmem:$0x5A0];
	v12 =	vadd.f32 $3.333333430e-01, v63  }
0x289: {  	v23 =	vmax.f32 v5, $0.0e+00;
	v8 =	vadd.f32 v8, v61;
	v9 =	vadd.f32 $1.000000000e+00, v9  }
0x28a: {  	v29 =	vld [tilespmem:$0x5B0];
	v25 =	vmul.f32 v12, v60;
	v15 =	vmul.f32 v34, v15;
	v20 =	vadd.f32 $3.333333430e-01, v50  }
0x28b: {  	v1 =	vmul.f32 v1, v56;
	v22 =	vmul.f32 v9, v11;
	v28 =	vadd.f32 v13, v13  }
0x28c: {  	v9 =	vadd.f32 $1.000000000e+00, v25;
	v26 =	vmul.f32 v15, v15;
	v10 =	vmul.f32 v20, v48  }
0x28d: {  	v1 =	vsub.f32 v8, v1;
	v5 =	vmul.f32 v5, v62;
	v27 =	vmul.f32 v43, v36  }
0x28e: {  	v9 =	vmul.f32 v9, v28;
	v30 =	vmul.f32 $2.000000030e-01, v26;
	v10 =	vadd.f32 $1.000000000e+00, v10  }
0x28f: {  	v36 =	vmax.f32 v3, $0.0e+00;
	v3 =	vmul.f32 v3, v29;
	v31 =	vmul.f32 v27, v27  }
0x290: {  	v15 =	vadd.f32 v15, v15;
	v7 =	vmul.f32 v10, v7;
	v32 =	vmul.f32 v52, v45;
	v33 =	vpop (erf)  }
0x291: {  	v34 =	vadd.f32 $3.333333430e-01, v30;
	v37 =	vmul.f32 $2.000000030e-01, v31;
	v35 =	vmul.f32 v33, v55  }
0x292: {  	v9 =	vadd.f32 v9, v36;
	v7 =	vadd.f32 v7, v59;
	v38 =	vmul.f32 v32, v32  }
0x293: {  	v8 =	vadd.f32 v27, v27;
	v41 =	vadd.f32 $3.333333430e-01, v37;
	v39 =	vmul.f32 v35, v35  }
0x294: {  	v0 =	vsub.f32 v7, v0;
	v7 =	vadd.f32 v22, v23;
	v42 =	vmul.f32 $2.000000030e-01, v38  }
0x295: {  	v10 =	vmul.f32 v34, v26;
	v3 =	vsub.f32 v9, v3;
	v43 =	vmul.f32 $2.000000030e-01, v39  }
0x296: {  	v40 =	vld [tilespmem:$0x5C0];
	v5 =	vsub.f32 v7, v5;
	v7 =	vmul.f32 v41, v31;
	v44 =	vadd.f32 $3.333333430e-01, v42  }
0x297: {  	v51 =	vmax.f32 v4, $0.0e+00;
	v10 =	vadd.f32 $1.000000000e+00, v10;
	v46 =	vadd.f32 $3.333333430e-01, v43  }
0x298: {  	v47 =	vld [tilespmem:$0x5D0];
	v59 =	vmax.f32 v17, $0.0e+00;
	v7 =	vadd.f32 $1.000000000e+00, v7;
	v9 =	vmul.f32 v44, v38  }
0x299: {  	v48 =	vld [tilespmem:$0x5E0];
	v10 =	vmul.f32 v10, v15;
	v45 =	vmax.f32 v2, $0.0e+00;
	v11 =	vmul.f32 v46, v39  }
0x29a: {  	v50 =	vld [tilespmem:$0x5F0];
	v7 =	vmul.f32 v7, v8;
	v49 =	vadd.f32 v32, v32;
	v9 =	vadd.f32 $1.000000000e+00, v9  }
0x29b: {  	v2 =	vmul.f32 v2, v40;
	v13 =	vadd.f32 v35, v35;
	v11 =	vadd.f32 $1.000000000e+00, v11  }
0x29c: {  	[tilespmem:$0xF90] =	vst v1;
	v10 =	vadd.f32 v10, v45;
	v53 =	vadd.f32 v7, v51;
	v54 =	vmul.f32 v9, v49  }
0x29d: {  	[tilespmem:$0xFB0] =	vst v3;
	v57 =	vmax.f32 v6, $0.0e+00;
	v55 =	vmul.f32 v4, v47;
	v56 =	vmul.f32 v11, v13  }
0x29e: {  	[tilespmem:$0xF80] =	vst v0;
	v52 =	vsub.f32 v10, v2;
	v6 =	vmul.f32 v6, v48;
	v58 =	vadd.f32 v54, v57  }
0x29f: {  	v61 =	vmul.f32 v17, v50;
	[tilespmem:$0xFA0] =	vst v5;
	v1 =	vsub.f32 v53, v55;
	v60 =	vadd.f32 v56, v59  }
0x2a0: {  	[tilespmem:$0xFC0] =	vst v52;
	v62 =	vsub.f32 v58, v6  }
0x2a1: {  	[tilespmem:$0xFD0] =	vst v1;
	v63 =	vsub.f32 v60, v61  }
0x2a2: {  	[tilespmem:$0xFE0] =	vst v62  }
0x2a3: {  	s0 =	rddreg [dreg:$0x7];
	[tilespmem:$0xFF0] =	vst v63  }
0x2a4: {  	[hbm4b:s0+s3] =	stream.linear.scatter [tilespmem:s1], [sflag:$0x1], $0x80, $0x38;
	[tilespmem:$0x1000] =	vst v63  }
0x2a5: {  	_ =	swait.ge [sflag:s6], $0x80  }
0x2a6: {  	[sflag:s6] =	ssyncset.done $0x0  }
0x2a7: {  	[sflag:s6] =	ssyncadd.s32 $0xFFFFFF80  }
0x2a8: {  	_ =	swait.ge [sflag:s6], $0x80  }
0x2a9: {  	[sflag:s6] =	ssyncset.done $0x0  }
0x2aa: {  	[sflag:s6] =	ssyncadd.s32 $0xFFFFFF80  }
0x2ab: {  	p0 =	sne.s32 s5, $0x1;
	_ =	swait.ge [sflag:s6], $0x80  }
.Ltmp0:
0x2ac: {  	[sflag:s6] =	ssyncset.done $0x0;
	(pc) =	sbr.rel @p0 .LBB2_1-.Ltmp0, $4  }
0x2ad: {  	[sflag:s6] =	ssyncadd.s32 $0xFFFFFF80  }
0x2ae: {  	_ =	swait.ge [sflag:s6], $0x80  }
0x2af: {  	[sflag:s6] =	ssyncset.done $0x0  }
0x2b0: {  	s5 =	sadd.s32 $0xFFFFFFFF, s5;
	[sflag:s6] =	ssyncadd.s32 $0xFFFFFF80  }
0x2b1: {  	_ =	sfence.sel $0x180000  }
0x2b2: {  	[bflag:$0x0] =	sbarrier.arrive $0xFFFF  }
0x2b3: {  	_ =	strace $0x90000047  }
0x2b4: {  	s0 =	stileid.u32;
	[bflag:$0x2] =	sbarrier.arrive $0xFFFF  }
0x2b5: {  	p0 =	sne.s32 s0, $0x0;
	s0 =	rddreg [dreg:$0x3]  }
0x2b6: {  	s0 =	sadd.s32 @!p0 $0x100000, s0  }
0x2b7: {  	[sflag:s0] =	ssyncadd.tile.s32 @!p0 $0x1;
	_ =	shalt  }
.Lfunc_end2:
_tile_overlayer_lowered:
.L_overlay_start_2:
0x2b8: {  	(tag) =	ssettag $0x2  }
0x2b9: {  	s0 =	rddreg [dreg:$0x0];
	s2 =	stileid.u32  }
0x2ba: {  	s1 =	rddreg [dreg:$0x1];
	p0 =	sne.s32 s2, $0x0  }
0x2bb: {  	s3 =	rddreg [dreg:$0x2];
	[bflag:$0x3] =	sbarrier.arrive $0xFFFF;
	s2 =	simm.s32 @!p0 $0x1C06  }
0x2bc: {  	[timem:s3], [sflag:s2] =	dma.local @!p0 [hbm:s0], s1  }
0x2bd: {  	s0 =	simm.s32 @!p0 $0x6  }
0x2be: {  	_ =	swait.ge @!p0 [sflag:s0], s1  }
0x2bf: {  	s1 =	ssub.s32 @!p0 $0x0, s1;
	[sflag:s0] =	ssyncset.done @!p0 $0x0  }
0x2c0: {  	[sflag:s0] =	ssyncadd.s32 @!p0 s1  }
0x2c1: {  	[bflag:$0x3] =	sbarrier.arrive $0xFFFF  }
0x2c2: {  	_ =	shalt  }

</sc_bundles>
